<compile_context>
chip_gen: v7x
topology: tpu7x:2x2x1
jax: 0.10.2.dev20260603
libtpu: 0.0.44.dev20260713+nightly
codegen_flags: <defaults>
</compile_context>

<pallas_src>
import functools

import jax
import jax.numpy as jnp
from jax import lax
from jax.experimental import pallas as pl
from jax.experimental.pallas import tpu as pltpu
from jax.experimental.pallas import tpu_sc as plsc

N = 10000
E = 320000
H = 128
NIN = 256
SCALE = 30.0


BE = 6400


def _edge_mlp_body(x_ref, w1_ref, b1_ref, w2_ref, b2_ref, w3_ref, b3_ref, o_ref):
    x = x_ref[...].astype(jnp.bfloat16)
    m = jnp.dot(x, w1_ref[...], preferred_element_type=jnp.float32) + b1_ref[...]
    m = jnp.maximum(m, 0.0).astype(jnp.bfloat16)
    m = jnp.dot(m, w2_ref[...], preferred_element_type=jnp.float32) + b2_ref[...]
    m = jnp.maximum(m, 0.0).astype(jnp.bfloat16)
    o_ref[...] = jnp.dot(m, w3_ref[...], preferred_element_type=jnp.float32) + b3_ref[...]


def _edge_mlp(h_E, w1t, b1, w2t, b2, w3t, b3, seg, eseg):
    D = H + NIN
    grid = (eseg // BE,)
    blk0 = seg * (eseg // BE)
    return pl.pallas_call(
        _edge_mlp_body,
        grid=grid,
        in_specs=[
            pl.BlockSpec((BE, D), lambda i: (i + blk0, 0)),
            pl.BlockSpec((D, H), lambda i: (0, 0)),
            pl.BlockSpec((1, H), lambda i: (0, 0)),
            pl.BlockSpec((H, H), lambda i: (0, 0)),
            pl.BlockSpec((1, H), lambda i: (0, 0)),
            pl.BlockSpec((H, H), lambda i: (0, 0)),
            pl.BlockSpec((1, H), lambda i: (0, 0)),
        ],
        out_specs=pl.BlockSpec((BE, H), lambda i: (i, 0)),
        out_shape=jax.ShapeDtypeStruct((eseg, H), jnp.float32),
    )(h_E, w1t, b1, w2t, b2, w3t, b3)



NC = 2
NS = 16
NW = NC * NS
CH = 128
NCHUNK = E // CH
CPT = NCHUNK // NW
NREM = NCHUNK - CPT * NW
RTAIL = NW * CPT
NP = 10240
RPT = NP // NS


NSEG = 5
ESEG = E // NSEG
EPW = ESEG // NW
NFULL = EPW // CH
REM = EPW - NFULL * CH


def _make_scatter_body(seg):
    sbase0 = seg * ESEG

    def _scatter_body(m_hbm, src_hbm, out_hbm,
                      acc, idx_a, rows_a, idx_b, rows_b, idx_r, rows_r,
                      sem_ia, sem_ma, sem_ib, sem_mb):
        c = lax.axis_index("c")
        s = lax.axis_index("s")
        wid = c * NS + s
        base = wid * EPW
        r0 = s * RPT

        def issue(i, idx_buf, rows_buf, sem_i, sem_m):
            off = base + i * CH
            pltpu.async_copy(src_hbm.at[pl.ds(sbase0 + off, CH)],
                             idx_buf, sem_i)
            pltpu.async_copy(m_hbm.at[pl.ds(off, CH)], rows_buf, sem_m)

        def wait_and_scatter(idx_buf, rows_buf, sem_i, sem_m):
            pltpu.make_async_copy(src_hbm.at[pl.ds(0, CH)], idx_buf,
                                  sem_i).wait()
            pltpu.make_async_copy(m_hbm.at[pl.ds(0, CH)], rows_buf,
                                  sem_m).wait()
            pltpu.sync_copy(rows_buf, acc.at[idx_buf], add=True)

        issue(0, idx_a, rows_a, sem_ia, sem_ma)

        zv = jnp.zeros((16,), jnp.float32)

        @pl.loop(0, CH)
        def _(r):
            for q in range(H // 16):
                rows_b[r, pl.ds(q * 16, 16)] = zv

        for t in range(RPT // CH):
            pltpu.sync_copy(rows_b, acc.at[pl.ds(r0 + t * CH, CH)])
        plsc.subcore_barrier()

        @pl.loop(0, NFULL - 1, step=2)
        def _(i):
            issue(i + 1, idx_b, rows_b, sem_ib, sem_mb)
            wait_and_scatter(idx_a, rows_a, sem_ia, sem_ma)
            issue(i + 2, idx_a, rows_a, sem_ia, sem_ma)
            wait_and_scatter(idx_b, rows_b, sem_ib, sem_mb)

        wait_and_scatter(idx_a, rows_a, sem_ia, sem_ma)

        off = base + NFULL * CH
        cp_i = pltpu.async_copy(src_hbm.at[pl.ds(sbase0 + off, REM)],
                                idx_r, sem_ib)
        cp_m = pltpu.async_copy(m_hbm.at[pl.ds(off, REM)], rows_r, sem_mb)
        cp_i.wait()
        cp_m.wait()
        pltpu.sync_copy(rows_r, acc.at[idx_r], add=True)

        plsc.subcore_barrier()
        pltpu.sync_copy(acc.at[pl.ds(r0, RPT)], out_hbm.at[c, pl.ds(r0, RPT)])

    return _scatter_body


def _scatter(m_seg, src, seg):
    mesh = plsc.VectorSubcoreMesh(core_axis_name="c", subcore_axis_name="s")
    fn = pl.kernel(
        _make_scatter_body(seg),
        out_type=jax.ShapeDtypeStruct((NC, NP, H), jnp.float32),
        mesh=mesh,
        scratch_types=[
            pltpu.VMEM_SHARED((NP, H), jnp.float32),
            pltpu.VMEM((CH,), jnp.int32),
            pltpu.VMEM((CH, H), jnp.float32),
            pltpu.VMEM((CH,), jnp.int32),
            pltpu.VMEM((CH, H), jnp.float32),
            pltpu.VMEM((REM,), jnp.int32),
            pltpu.VMEM((REM, H), jnp.float32),
            pltpu.SemaphoreType.DMA,
            pltpu.SemaphoreType.DMA,
            pltpu.SemaphoreType.DMA,
            pltpu.SemaphoreType.DMA,
        ],
    )
    return fn(m_seg, src)



BN = 2000
EPS = 1e-5


def _node_body(hv_ref, p0_ref, p1_ref, p2_ref, p3_ref, p4_ref,
               d1_ref, bd1_ref, d2_ref, bd2_ref,
               g1_ref, be1_ref, g2_ref, be2_ref, o_ref):
    f32 = jnp.float32
    dh = jnp.zeros_like(hv_ref[...])
    for p_ref in (p0_ref, p1_ref, p2_ref, p3_ref, p4_ref):
        dh = dh + (p_ref[0].astype(f32) + p_ref[1].astype(f32))
    dh = dh * (1.0 / SCALE)
    h0 = hv_ref[...] + dh
    mu = jnp.mean(h0, axis=1, keepdims=True)
    d = h0 - mu
    var = jnp.mean(d * d, axis=1, keepdims=True)
    h = g1_ref[...] * d * lax.rsqrt(var + EPS) + be1_ref[...]
    t = jnp.dot(h, d1_ref[...], preferred_element_type=jnp.float32) + bd1_ref[...]
    t = jnp.maximum(t, 0.0)
    h2 = h + jnp.dot(t, d2_ref[...], preferred_element_type=jnp.float32) + bd2_ref[...]
    mu2 = jnp.mean(h2, axis=1, keepdims=True)
    d2 = h2 - mu2
    var2 = jnp.mean(d2 * d2, axis=1, keepdims=True)
    o_ref[...] = g2_ref[...] * d2 * lax.rsqrt(var2 + EPS) + be2_ref[...]


def _node_update(h_V, partials, d1t, bd1, d2t, bd2, g1, be1, g2, be2):
    H4 = 4 * H
    grid = (N // BN,)
    return pl.pallas_call(
        _node_body,
        grid=grid,
        in_specs=[
            pl.BlockSpec((BN, H), lambda i: (i, 0)),
        ] + [
            pl.BlockSpec((NC, BN, H), lambda i: (0, i, 0))
            for _ in range(NSEG)
        ] + [
            pl.BlockSpec((H, H4), lambda i: (0, 0)),
            pl.BlockSpec((1, H4), lambda i: (0, 0)),
            pl.BlockSpec((H4, H), lambda i: (0, 0)),
            pl.BlockSpec((1, H), lambda i: (0, 0)),
            pl.BlockSpec((1, H), lambda i: (0, 0)),
            pl.BlockSpec((1, H), lambda i: (0, 0)),
            pl.BlockSpec((1, H), lambda i: (0, 0)),
            pl.BlockSpec((1, H), lambda i: (0, 0)),
        ],
        out_specs=pl.BlockSpec((BN, H), lambda i: (i, 0)),
        out_shape=jax.ShapeDtypeStruct((N, H), jnp.float32),
    )(h_V, *partials, d1t, bd1, d2t, bd2, g1, be1, g2, be2)


def kernel(h_V, h_E, edge_idx, W1, b1, W2, b2, W3, b3, D1, bd1, D2, bd2,
           g1, be1, g2, be2):
    src = edge_idx[0]
    w1t, w2t, w3t = (W1.T.astype(jnp.bfloat16), W2.T.astype(jnp.bfloat16),
                     W3.T.astype(jnp.bfloat16))
    partials = []
    for seg in range(NSEG):
        m_seg = _edge_mlp(h_E, w1t, b1[None, :], w2t, b2[None, :],
                          w3t, b3[None, :], seg, ESEG)
        partials.append(_scatter(m_seg, src, seg))
    return _node_update(h_V, partials,
                        D1.T, bd1[None, :], D2.T, bd2[None, :],
                        g1[None, :], be1[None, :], g2[None, :], be2[None, :])

# --- scband reference (transcript-rebuilt; emitter-appended) ---
"""Pipeline reference for scband-rnamodel-88579405512902 (READ-ONLY COPY).

The authoritative reference and input builder live on the scoring server;
editing this copy changes nothing except your own understanding.
"""

import jax, jax.numpy as jnp
import numpy as np

N = 10000
E = 320000
H = 128
NIN = 256
SCALE = 30.0


def _ln(x, g, b, eps=1e-5):
    mu = jnp.mean(x, axis=-1, keepdims=True)
    var = jnp.mean((x - mu) ** 2, axis=-1, keepdims=True)
    return g * (x - mu) / jnp.sqrt(var + eps) + b


def setup_inputs(seed: int = 0) -> dict:
    key = jax.random.key(seed)
    ks = jax.random.split(key, 16)

    def lin(k, fin, fout):
        kw, kb = jax.random.split(k)
        lim = 1.0 / np.sqrt(fin)
        W = jax.random.uniform(kw, (fout, fin), jnp.float32, -lim, lim)
        b = jax.random.uniform(kb, (fout,), jnp.float32, -lim, lim)
        return W, b

    W1, b1 = lin(ks[3], H + NIN, H)
    W2, b2 = lin(ks[4], H, H)
    W3, b3 = lin(ks[5], H, H)
    D1, bd1 = lin(ks[6], H, 4 * H)
    D2, bd2 = lin(ks[7], 4 * H, H)
    return {
        "h_V": jax.random.normal(ks[0], (N, H), jnp.float32),
        "h_E": jax.random.normal(ks[1], (E, H + NIN), jnp.float32),
        "edge_idx": jax.random.randint(ks[2], (2, E), 0, N, jnp.int32),
        "W1": W1, "b1": b1, "W2": W2, "b2": b2, "W3": W3, "b3": b3,
        "D1": D1, "bd1": bd1, "D2": D2, "bd2": bd2,
        "g1": jnp.ones((H,), jnp.float32), "be1": jnp.zeros((H,), jnp.float32),
        "g2": jnp.ones((H,), jnp.float32), "be2": jnp.zeros((H,), jnp.float32),
    }


def reference(h_V, h_E, edge_idx, W1, b1, W2, b2, W3, b3, D1, bd1, D2, bd2, g1, be1, g2, be2):
    # MPNNLayer.forward (eval mode: dropout = identity)
    src = edge_idx[0]
    m = jax.nn.relu(h_E @ W1.T + b1)
    m = jax.nn.relu(m @ W2.T + b2)
    m = m @ W3.T + b3
    dh = jax.ops.segment_sum(m, src, num_segments=h_V.shape[0]) / SCALE
    h = _ln(h_V + dh, g1, be1)
    dh2 = jax.nn.relu(h @ D1.T + bd1) @ D2.T + bd2
    h = _ln(h + dh2, g2, be2)
    return h

if __name__ == "__main__":
    import jax
    _d = setup_inputs()
    print(jax.jit(kernel)(*tuple(_d.values())))

</pallas_src>

<mosaic_0001>
#map = affine_map<(d0, d1) -> (0, 0)>
#map1 = affine_map<(d0, d1) -> (0)>
#map2 = affine_map<(d0, d1) -> (0, 0, 0)>
module attributes {stable_mosaic.version = 14 : i64} {
  func.func @_scatter_body(%arg0: i32, %arg1: i32, %arg2: memref<64000x128xf32, #tpu.memory_space<hbm>>, %arg3: memref<320000xi32, #tpu.memory_space<hbm>>, %arg4: memref<2x10240x128xf32, #tpu.memory_space<hbm>>, %arg5: memref<10240x128xf32, #tpu.memory_space<vmem_shared>>, %arg6: memref<128xi32, #tpu.memory_space<vmem>>, %arg7: memref<128x128xf32, #tpu.memory_space<vmem>>, %arg8: memref<128xi32, #tpu.memory_space<vmem>>, %arg9: memref<128x128xf32, #tpu.memory_space<vmem>>, %arg10: memref<80xi32, #tpu.memory_space<vmem>>, %arg11: memref<80x128xf32, #tpu.memory_space<vmem>>, %arg12: memref<!tpu.dma_semaphore, #tpu.memory_space<semaphore_mem>>, %arg13: memref<!tpu.dma_semaphore, #tpu.memory_space<semaphore_mem>>, %arg14: memref<!tpu.dma_semaphore, #tpu.memory_space<semaphore_mem>>, %arg15: memref<!tpu.dma_semaphore, #tpu.memory_space<semaphore_mem>>) attributes {dimension_semantics = [#tpu.dimension_semantics<core_parallel>, #tpu.dimension_semantics<subcore_parallel>], iteration_bounds = array<i64: 2, 16>, scalar_prefetch = 0 : i64, scratch_operands = 11 : i64, tpu.core_type = #tpu.core_type<sc_vector_subcore>, window_params = [{transform_indices = #map}, {transform_indices = #map1}, {transform_indices = #map2}]} {
    %mul3A = arith.constant 16 : i32
    %mul3A_0 = arith.muli %arg0, %mul3A : i32
    %add3A = arith.addi %mul3A_0, %arg1 : i32
    %mul3A_1 = arith.constant 2000 : i32
    %mul3A_2 = arith.muli %add3A, %mul3A_1 : i32
    %mul3A_3 = arith.constant 640 : i32
    %mul3A_4 = arith.muli %arg1, %mul3A_3 : i32
    %add3A_5 = arith.constant 0 : i32
    %add3A_6 = arith.addi %mul3A_2, %add3A_5 : i32
    %add3A_7 = arith.constant 128000 : i32
    %add3A_8 = arith.addi %add3A_7, %add3A_6 : i32
    %dma_start3A = tpu.memref_slice %arg3[%add3A_8] : memref<320000xi32, #tpu.memory_space<hbm>> -> memref<128xi32, #tpu.memory_space<hbm>>
    %dma_start3A_9 = tpu.memref_slice %arg3[%add3A_8] : memref<320000xi32, #tpu.memory_space<hbm>> -> memref<128xi32, #tpu.memory_space<hbm>>
    tpu.enqueue_dma source(%dma_start3A_9 : memref<128xi32, #tpu.memory_space<hbm>>) target(%arg6 : memref<128xi32, #tpu.memory_space<vmem>>) target_semaphore(%arg12 : memref<!tpu.dma_semaphore, #tpu.memory_space<semaphore_mem>>)
    %dma_start3A_10 = arith.constant 0 : i32
    %dma_start3A_11 = tpu.memref_slice %arg2[%add3A_6, %dma_start3A_10] : memref<64000x128xf32, #tpu.memory_space<hbm>> -> memref<128x128xf32, #tpu.memory_space<hbm>>
    %dma_start3A_12 = arith.constant 0 : i32
    %dma_start3A_13 = tpu.memref_slice %arg2[%add3A_6, %dma_start3A_12] : memref<64000x128xf32, #tpu.memory_space<hbm>> -> memref<128x128xf32, #tpu.memory_space<hbm>>
    tpu.enqueue_dma source(%dma_start3A_13 : memref<128x128xf32, #tpu.memory_space<hbm>>) target(%arg7 : memref<128x128xf32, #tpu.memory_space<vmem>>) target_semaphore(%arg13 : memref<!tpu.dma_semaphore, #tpu.memory_space<semaphore_mem>>)
    %broadcast_in_dim3A = arith.constant 0.000000e+00 : f32
    %broadcast_in_dim3A_14 = vector.broadcast %broadcast_in_dim3A : f32 to vector<16xf32>
    %scan3A = arith.constant 0 : i32
    %scan3A_15 = arith.constant 128 : i32
    %scan3A_16 = arith.addi %scan3A, %scan3A_15 : i32
    %scan3A_17 = arith.constant 1 : i32
    scf.for %scan3A_60 = %scan3A to %scan3A_16 step %scan3A_17  : i32 {
      %mul3A_61 = arith.constant 1 : i32
      %mul3A_62 = arith.muli %scan3A_60, %mul3A_61 : i32
      %add3A_63 = arith.constant 0 : i32
      %add3A_64 = arith.addi %add3A_63, %mul3A_62 : i32
      %swap3A = arith.index_cast %add3A_64 : i32 to index
      %swap3A_65 = arith.constant 0 : index
      %swap3A_66 = tpu.vector_load %arg9[%swap3A, %swap3A_65] {strides = array<i32>} : memref<128x128xf32, #tpu.memory_space<vmem>>, vector<1x16xf32>,
      %swap3A_67 = vector.shape_cast %swap3A_66 : vector<1x16xf32> to vector<16xf32>
      %swap3A_68 = vector.shape_cast %broadcast_in_dim3A_14 : vector<16xf32> to vector<1x16xf32>
      tpu.vector_store %arg9[%swap3A, %swap3A_65], %swap3A_68 {strides = array<i32>} : memref<128x128xf32, #tpu.memory_space<vmem>>, vector<1x16xf32>,
      %swap3A_69 = arith.index_cast %add3A_64 : i32 to index
      %swap3A_70 = arith.constant 16 : index
      %swap3A_71 = tpu.vector_load %arg9[%swap3A_69, %swap3A_70] {strides = array<i32>} : memref<128x128xf32, #tpu.memory_space<vmem>>, vector<1x16xf32>,
      %swap3A_72 = vector.shape_cast %swap3A_71 : vector<1x16xf32> to vector<16xf32>
      %swap3A_73 = vector.shape_cast %broadcast_in_dim3A_14 : vector<16xf32> to vector<1x16xf32>
      tpu.vector_store %arg9[%swap3A_69, %swap3A_70], %swap3A_73 {strides = array<i32>} : memref<128x128xf32, #tpu.memory_space<vmem>>, vector<1x16xf32>,
      %swap3A_74 = arith.index_cast %add3A_64 : i32 to index
      %swap3A_75 = arith.constant 32 : index
      %swap3A_76 = tpu.vector_load %arg9[%swap3A_74, %swap3A_75] {strides = array<i32>} : memref<128x128xf32, #tpu.memory_space<vmem>>, vector<1x16xf32>,
      %swap3A_77 = vector.shape_cast %swap3A_76 : vector<1x16xf32> to vector<16xf32>
      %swap3A_78 = vector.shape_cast %broadcast_in_dim3A_14 : vector<16xf32> to vector<1x16xf32>
      tpu.vector_store %arg9[%swap3A_74, %swap3A_75], %swap3A_78 {strides = array<i32>} : memref<128x128xf32, #tpu.memory_space<vmem>>, vector<1x16xf32>,
      %swap3A_79 = arith.index_cast %add3A_64 : i32 to index
      %swap3A_80 = arith.constant 48 : index
      %swap3A_81 = tpu.vector_load %arg9[%swap3A_79, %swap3A_80] {strides = array<i32>} : memref<128x128xf32, #tpu.memory_space<vmem>>, vector<1x16xf32>,
      %swap3A_82 = vector.shape_cast %swap3A_81 : vector<1x16xf32> to vector<16xf32>
      %swap3A_83 = vector.shape_cast %broadcast_in_dim3A_14 : vector<16xf32> to vector<1x16xf32>
      tpu.vector_store %arg9[%swap3A_79, %swap3A_80], %swap3A_83 {strides = array<i32>} : memref<128x128xf32, #tpu.memory_space<vmem>>, vector<1x16xf32>,
      %swap3A_84 = arith.index_cast %add3A_64 : i32 to index
      %swap3A_85 = arith.constant 64 : index
      %swap3A_86 = tpu.vector_load %arg9[%swap3A_84, %swap3A_85] {strides = array<i32>} : memref<128x128xf32, #tpu.memory_space<vmem>>, vector<1x16xf32>,
      %swap3A_87 = vector.shape_cast %swap3A_86 : vector<1x16xf32> to vector<16xf32>
      %swap3A_88 = vector.shape_cast %broadcast_in_dim3A_14 : vector<16xf32> to vector<1x16xf32>
      tpu.vector_store %arg9[%swap3A_84, %swap3A_85], %swap3A_88 {strides = array<i32>} : memref<128x128xf32, #tpu.memory_space<vmem>>, vector<1x16xf32>,
      %swap3A_89 = arith.index_cast %add3A_64 : i32 to index
      %swap3A_90 = arith.constant 80 : index
      %swap3A_91 = tpu.vector_load %arg9[%swap3A_89, %swap3A_90] {strides = array<i32>} : memref<128x128xf32, #tpu.memory_space<vmem>>, vector<1x16xf32>,
      %swap3A_92 = vector.shape_cast %swap3A_91 : vector<1x16xf32> to vector<16xf32>
      %swap3A_93 = vector.shape_cast %broadcast_in_dim3A_14 : vector<16xf32> to vector<1x16xf32>
      tpu.vector_store %arg9[%swap3A_89, %swap3A_90], %swap3A_93 {strides = array<i32>} : memref<128x128xf32, #tpu.memory_space<vmem>>, vector<1x16xf32>,
      %swap3A_94 = arith.index_cast %add3A_64 : i32 to index
      %swap3A_95 = arith.constant 96 : index
      %swap3A_96 = tpu.vector_load %arg9[%swap3A_94, %swap3A_95] {strides = array<i32>} : memref<128x128xf32, #tpu.memory_space<vmem>>, vector<1x16xf32>,
      %swap3A_97 = vector.shape_cast %swap3A_96 : vector<1x16xf32> to vector<16xf32>
      %swap3A_98 = vector.shape_cast %broadcast_in_dim3A_14 : vector<16xf32> to vector<1x16xf32>
      tpu.vector_store %arg9[%swap3A_94, %swap3A_95], %swap3A_98 {strides = array<i32>} : memref<128x128xf32, #tpu.memory_space<vmem>>, vector<1x16xf32>,
      %swap3A_99 = arith.index_cast %add3A_64 : i32 to index
      %swap3A_100 = arith.constant 112 : index
      %swap3A_101 = tpu.vector_load %arg9[%swap3A_99, %swap3A_100] {strides = array<i32>} : memref<128x128xf32, #tpu.memory_space<vmem>>, vector<1x16xf32>,
      %swap3A_102 = vector.shape_cast %swap3A_101 : vector<1x16xf32> to vector<16xf32>
      %swap3A_103 = vector.shape_cast %broadcast_in_dim3A_14 : vector<16xf32> to vector<1x16xf32>
      tpu.vector_store %arg9[%swap3A_99, %swap3A_100], %swap3A_103 {strides = array<i32>} : memref<128x128xf32, #tpu.memory_space<vmem>>, vector<1x16xf32>,
    }
    %scan3A_18 = arith.constant 128 : i32
    %add3A_19 = arith.constant 0 : i32
    %add3A_20 = arith.addi %mul3A_4, %add3A_19 : i32
    "tpu.region"() ({
      %run_scoped3A = tpu.sem_alloc : memref<!tpu.dma_semaphore, #tpu.memory_space<semaphore_mem>>
      %dma_start3A_60 = arith.constant 0 : i32
      %dma_start3A_61 = tpu.memref_slice %arg5[%add3A_20, %dma_start3A_60] : memref<10240x128xf32, #tpu.memory_space<vmem_shared>> -> memref<128x128xf32, #tpu.memory_space<vmem_shared>>
      %dma_start3A_62 = arith.constant 0 : i32
      %dma_start3A_63 = tpu.memref_slice %arg5[%add3A_20, %dma_start3A_62] : memref<10240x128xf32, #tpu.memory_space<vmem_shared>> -> memref<128x128xf32, #tpu.memory_space<vmem_shared>>
      tpu.enqueue_dma source(%arg9 : memref<128x128xf32, #tpu.memory_space<vmem>>) target(%dma_start3A_63 : memref<128x128xf32, #tpu.memory_space<vmem_shared>>) target_semaphore(%run_scoped3A : memref<!tpu.dma_semaphore, #tpu.memory_space<semaphore_mem>>)
      %dma_wait3A_64 = arith.constant 0 : i32
      %dma_wait3A_65 = tpu.memref_slice %arg5[%add3A_20, %dma_wait3A_64] : memref<10240x128xf32, #tpu.memory_space<vmem_shared>> -> memref<128x128xf32, #tpu.memory_space<vmem_shared>>
      %dma_wait3A_66 = arith.constant 0 : i32
      %dma_wait3A_67 = tpu.memref_slice %arg5[%add3A_20, %dma_wait3A_66] : memref<10240x128xf32, #tpu.memory_space<vmem_shared>> -> memref<128x128xf32, #tpu.memory_space<vmem_shared>>
      tpu.wait_dma2 semaphore(%run_scoped3A : memref<!tpu.dma_semaphore, #tpu.memory_space<semaphore_mem>>) src(%arg9 : memref<128x128xf32, #tpu.memory_space<vmem>>) dst(%dma_wait3A_67 : memref<128x128xf32, #tpu.memory_space<vmem_shared>>)
      tpu.yield
    }) : () -> ()
    %add3A_21 = arith.constant 128 : i32
    %add3A_22 = arith.addi %mul3A_4, %add3A_21 : i32
    "tpu.region"() ({
      %run_scoped3A = tpu.sem_alloc : memref<!tpu.dma_semaphore, #tpu.memory_space<semaphore_mem>>
      %dma_start3A_60 = arith.constant 0 : i32
      %dma_start3A_61 = tpu.memref_slice %arg5[%add3A_22, %dma_start3A_60] : memref<10240x128xf32, #tpu.memory_space<vmem_shared>> -> memref<128x128xf32, #tpu.memory_space<vmem_shared>>
      %dma_start3A_62 = arith.constant 0 : i32
      %dma_start3A_63 = tpu.memref_slice %arg5[%add3A_22, %dma_start3A_62] : memref<10240x128xf32, #tpu.memory_space<vmem_shared>> -> memref<128x128xf32, #tpu.memory_space<vmem_shared>>
      tpu.enqueue_dma source(%arg9 : memref<128x128xf32, #tpu.memory_space<vmem>>) target(%dma_start3A_63 : memref<128x128xf32, #tpu.memory_space<vmem_shared>>) target_semaphore(%run_scoped3A : memref<!tpu.dma_semaphore, #tpu.memory_space<semaphore_mem>>)
      %dma_wait3A_64 = arith.constant 0 : i32
      %dma_wait3A_65 = tpu.memref_slice %arg5[%add3A_22, %dma_wait3A_64] : memref<10240x128xf32, #tpu.memory_space<vmem_shared>> -> memref<128x128xf32, #tpu.memory_space<vmem_shared>>
      %dma_wait3A_66 = arith.constant 0 : i32
      %dma_wait3A_67 = tpu.memref_slice %arg5[%add3A_22, %dma_wait3A_66] : memref<10240x128xf32, #tpu.memory_space<vmem_shared>> -> memref<128x128xf32, #tpu.memory_space<vmem_shared>>
      tpu.wait_dma2 semaphore(%run_scoped3A : memref<!tpu.dma_semaphore, #tpu.memory_space<semaphore_mem>>) src(%arg9 : memref<128x128xf32, #tpu.memory_space<vmem>>) dst(%dma_wait3A_67 : memref<128x128xf32, #tpu.memory_space<vmem_shared>>)
      tpu.yield
    }) : () -> ()
    %add3A_23 = arith.constant 256 : i32
    %add3A_24 = arith.addi %mul3A_4, %add3A_23 : i32
    "tpu.region"() ({
      %run_scoped3A = tpu.sem_alloc : memref<!tpu.dma_semaphore, #tpu.memory_space<semaphore_mem>>
      %dma_start3A_60 = arith.constant 0 : i32
      %dma_start3A_61 = tpu.memref_slice %arg5[%add3A_24, %dma_start3A_60] : memref<10240x128xf32, #tpu.memory_space<vmem_shared>> -> memref<128x128xf32, #tpu.memory_space<vmem_shared>>
      %dma_start3A_62 = arith.constant 0 : i32
      %dma_start3A_63 = tpu.memref_slice %arg5[%add3A_24, %dma_start3A_62] : memref<10240x128xf32, #tpu.memory_space<vmem_shared>> -> memref<128x128xf32, #tpu.memory_space<vmem_shared>>
      tpu.enqueue_dma source(%arg9 : memref<128x128xf32, #tpu.memory_space<vmem>>) target(%dma_start3A_63 : memref<128x128xf32, #tpu.memory_space<vmem_shared>>) target_semaphore(%run_scoped3A : memref<!tpu.dma_semaphore, #tpu.memory_space<semaphore_mem>>)
      %dma_wait3A_64 = arith.constant 0 : i32
      %dma_wait3A_65 = tpu.memref_slice %arg5[%add3A_24, %dma_wait3A_64] : memref<10240x128xf32, #tpu.memory_space<vmem_shared>> -> memref<128x128xf32, #tpu.memory_space<vmem_shared>>
      %dma_wait3A_66 = arith.constant 0 : i32
      %dma_wait3A_67 = tpu.memref_slice %arg5[%add3A_24, %dma_wait3A_66] : memref<10240x128xf32, #tpu.memory_space<vmem_shared>> -> memref<128x128xf32, #tpu.memory_space<vmem_shared>>
      tpu.wait_dma2 semaphore(%run_scoped3A : memref<!tpu.dma_semaphore, #tpu.memory_space<semaphore_mem>>) src(%arg9 : memref<128x128xf32, #tpu.memory_space<vmem>>) dst(%dma_wait3A_67 : memref<128x128xf32, #tpu.memory_space<vmem_shared>>)
      tpu.yield
    }) : () -> ()
    %add3A_25 = arith.constant 384 : i32
    %add3A_26 = arith.addi %mul3A_4, %add3A_25 : i32
    "tpu.region"() ({
      %run_scoped3A = tpu.sem_alloc : memref<!tpu.dma_semaphore, #tpu.memory_space<semaphore_mem>>
      %dma_start3A_60 = arith.constant 0 : i32
      %dma_start3A_61 = tpu.memref_slice %arg5[%add3A_26, %dma_start3A_60] : memref<10240x128xf32, #tpu.memory_space<vmem_shared>> -> memref<128x128xf32, #tpu.memory_space<vmem_shared>>
      %dma_start3A_62 = arith.constant 0 : i32
      %dma_start3A_63 = tpu.memref_slice %arg5[%add3A_26, %dma_start3A_62] : memref<10240x128xf32, #tpu.memory_space<vmem_shared>> -> memref<128x128xf32, #tpu.memory_space<vmem_shared>>
      tpu.enqueue_dma source(%arg9 : memref<128x128xf32, #tpu.memory_space<vmem>>) target(%dma_start3A_63 : memref<128x128xf32, #tpu.memory_space<vmem_shared>>) target_semaphore(%run_scoped3A : memref<!tpu.dma_semaphore, #tpu.memory_space<semaphore_mem>>)
      %dma_wait3A_64 = arith.constant 0 : i32
      %dma_wait3A_65 = tpu.memref_slice %arg5[%add3A_26, %dma_wait3A_64] : memref<10240x128xf32, #tpu.memory_space<vmem_shared>> -> memref<128x128xf32, #tpu.memory_space<vmem_shared>>
      %dma_wait3A_66 = arith.constant 0 : i32
      %dma_wait3A_67 = tpu.memref_slice %arg5[%add3A_26, %dma_wait3A_66] : memref<10240x128xf32, #tpu.memory_space<vmem_shared>> -> memref<128x128xf32, #tpu.memory_space<vmem_shared>>
      tpu.wait_dma2 semaphore(%run_scoped3A : memref<!tpu.dma_semaphore, #tpu.memory_space<semaphore_mem>>) src(%arg9 : memref<128x128xf32, #tpu.memory_space<vmem>>) dst(%dma_wait3A_67 : memref<128x128xf32, #tpu.memory_space<vmem_shared>>)
      tpu.yield
    }) : () -> ()
    %add3A_27 = arith.constant 512 : i32
    %add3A_28 = arith.addi %mul3A_4, %add3A_27 : i32
    "tpu.region"() ({
      %run_scoped3A = tpu.sem_alloc : memref<!tpu.dma_semaphore, #tpu.memory_space<semaphore_mem>>
      %dma_start3A_60 = arith.constant 0 : i32
      %dma_start3A_61 = tpu.memref_slice %arg5[%add3A_28, %dma_start3A_60] : memref<10240x128xf32, #tpu.memory_space<vmem_shared>> -> memref<128x128xf32, #tpu.memory_space<vmem_shared>>
      %dma_start3A_62 = arith.constant 0 : i32
      %dma_start3A_63 = tpu.memref_slice %arg5[%add3A_28, %dma_start3A_62] : memref<10240x128xf32, #tpu.memory_space<vmem_shared>> -> memref<128x128xf32, #tpu.memory_space<vmem_shared>>
      tpu.enqueue_dma source(%arg9 : memref<128x128xf32, #tpu.memory_space<vmem>>) target(%dma_start3A_63 : memref<128x128xf32, #tpu.memory_space<vmem_shared>>) target_semaphore(%run_scoped3A : memref<!tpu.dma_semaphore, #tpu.memory_space<semaphore_mem>>)
      %dma_wait3A_64 = arith.constant 0 : i32
      %dma_wait3A_65 = tpu.memref_slice %arg5[%add3A_28, %dma_wait3A_64] : memref<10240x128xf32, #tpu.memory_space<vmem_shared>> -> memref<128x128xf32, #tpu.memory_space<vmem_shared>>
      %dma_wait3A_66 = arith.constant 0 : i32
      %dma_wait3A_67 = tpu.memref_slice %arg5[%add3A_28, %dma_wait3A_66] : memref<10240x128xf32, #tpu.memory_space<vmem_shared>> -> memref<128x128xf32, #tpu.memory_space<vmem_shared>>
      tpu.wait_dma2 semaphore(%run_scoped3A : memref<!tpu.dma_semaphore, #tpu.memory_space<semaphore_mem>>) src(%arg9 : memref<128x128xf32, #tpu.memory_space<vmem>>) dst(%dma_wait3A_67 : memref<128x128xf32, #tpu.memory_space<vmem_shared>>)
      tpu.yield
    }) : () -> ()
    %barrier3A = arith.constant 0 : index
    tpu.barrier barrier_id(%barrier3A)
    %scan3A_29 = arith.constant 0 : i32
    %scan3A_30 = arith.constant 7 : i32
    %scan3A_31 = arith.addi %scan3A_29, %scan3A_30 : i32
    %scan3A_32 = arith.constant 1 : i32
    scf.for %scan3A_60 = %scan3A_29 to %scan3A_31 step %scan3A_32  : i32 {
      %mul3A_61 = arith.constant 2 : i32
      %mul3A_62 = arith.muli %scan3A_60, %mul3A_61 : i32
      %add3A_63 = arith.constant 0 : i32
      %add3A_64 = arith.addi %add3A_63, %mul3A_62 : i32
      %add3A_65 = arith.constant 1 : i32
      %add3A_66 = arith.addi %add3A_64, %add3A_65 : i32
      %mul3A_67 = arith.constant 128 : i32
      %mul3A_68 = arith.muli %add3A_66, %mul3A_67 : i32
      %add3A_69 = arith.addi %mul3A_2, %mul3A_68 : i32
      %add3A_70 = arith.constant 128000 : i32
      %add3A_71 = arith.addi %add3A_70, %add3A_69 : i32
      %dma_start3A_72 = tpu.memref_slice %arg3[%add3A_71] : memref<320000xi32, #tpu.memory_space<hbm>> -> memref<128xi32, #tpu.memory_space<hbm>>
      %dma_start3A_73 = tpu.memref_slice %arg3[%add3A_71] : memref<320000xi32, #tpu.memory_space<hbm>> -> memref<128xi32, #tpu.memory_space<hbm>>
      tpu.enqueue_dma source(%dma_start3A_73 : memref<128xi32, #tpu.memory_space<hbm>>) target(%arg8 : memref<128xi32, #tpu.memory_space<vmem>>) target_semaphore(%arg14 : memref<!tpu.dma_semaphore, #tpu.memory_space<semaphore_mem>>)
      %dma_start3A_74 = arith.constant 0 : i32
      %dma_start3A_75 = tpu.memref_slice %arg2[%add3A_69, %dma_start3A_74] : memref<64000x128xf32, #tpu.memory_space<hbm>> -> memref<128x128xf32, #tpu.memory_space<hbm>>
      %dma_start3A_76 = arith.constant 0 : i32
      %dma_start3A_77 = tpu.memref_slice %arg2[%add3A_69, %dma_start3A_76] : memref<64000x128xf32, #tpu.memory_space<hbm>> -> memref<128x128xf32, #tpu.memory_space<hbm>>
      tpu.enqueue_dma source(%dma_start3A_77 : memref<128x128xf32, #tpu.memory_space<hbm>>) target(%arg9 : memref<128x128xf32, #tpu.memory_space<vmem>>) target_semaphore(%arg15 : memref<!tpu.dma_semaphore, #tpu.memory_space<semaphore_mem>>)
      %dma_wait3A_78 = arith.constant 0 : i32
      %dma_wait3A_79 = tpu.memref_slice %arg3[%dma_wait3A_78] : memref<320000xi32, #tpu.memory_space<hbm>> -> memref<128xi32, #tpu.memory_space<hbm>>
      %dma_wait3A_80 = arith.constant 0 : i32
      %dma_wait3A_81 = tpu.memref_slice %arg3[%dma_wait3A_80] : memref<320000xi32, #tpu.memory_space<hbm>> -> memref<128xi32, #tpu.memory_space<hbm>>
      tpu.wait_dma2 semaphore(%arg12 : memref<!tpu.dma_semaphore, #tpu.memory_space<semaphore_mem>>) src(%dma_wait3A_81 : memref<128xi32, #tpu.memory_space<hbm>>) dst(%arg6 : memref<128xi32, #tpu.memory_space<vmem>>)
      %dma_wait3A_82 = arith.constant 0 : i32
      %dma_wait3A_83 = arith.constant 0 : i32
      %dma_wait3A_84 = tpu.memref_slice %arg2[%dma_wait3A_82, %dma_wait3A_83] : memref<64000x128xf32, #tpu.memory_space<hbm>> -> memref<128x128xf32, #tpu.memory_space<hbm>>
      %dma_wait3A_85 = arith.constant 0 : i32
      %dma_wait3A_86 = arith.constant 0 : i32
      %dma_wait3A_87 = tpu.memref_slice %arg2[%dma_wait3A_85, %dma_wait3A_86] : memref<64000x128xf32, #tpu.memory_space<hbm>> -> memref<128x128xf32, #tpu.memory_space<hbm>>
      tpu.wait_dma2 semaphore(%arg13 : memref<!tpu.dma_semaphore, #tpu.memory_space<semaphore_mem>>) src(%dma_wait3A_87 : memref<128x128xf32, #tpu.memory_space<hbm>>) dst(%arg7 : memref<128x128xf32, #tpu.memory_space<vmem>>)
      "tpu.region"() ({
        %run_scoped3A = tpu.sem_alloc : memref<!tpu.dma_semaphore, #tpu.memory_space<semaphore_mem>>
        %dma_start3A_111 = arith.constant 0 : i32
        %dma_start3A_112 = arith.constant 0 : i32
        %dma_start3A_113 = tpu.memref_slice %arg5[%dma_start3A_111, %dma_start3A_112] : memref<10240x128xf32, #tpu.memory_space<vmem_shared>> -> memref<10240x128xf32, #tpu.memory_space<vmem_shared>>
        tpu.enqueue_indirect_dma source(%arg7 : memref<128x128xf32, #tpu.memory_space<vmem>>) target(%dma_start3A_113 : memref<10240x128xf32, #tpu.memory_space<vmem_shared>>) offsets(%arg6 : memref<128xi32, #tpu.memory_space<vmem>>) semaphore(%run_scoped3A : memref<!tpu.dma_semaphore, #tpu.memory_space<semaphore_mem>>) {add = true}
        %dma_wait3A_114 = arith.constant 0 : i32
        %dma_wait3A_115 = arith.constant 0 : i32
        %dma_wait3A_116 = tpu.memref_slice %arg5[%dma_wait3A_114, %dma_wait3A_115] : memref<10240x128xf32, #tpu.memory_space<vmem_shared>> -> memref<10240x128xf32, #tpu.memory_space<vmem_shared>>
        tpu.wait_indirect_dma semaphore(%run_scoped3A : memref<!tpu.dma_semaphore, #tpu.memory_space<semaphore_mem>>) src(%arg7 : memref<128x128xf32, #tpu.memory_space<vmem>>) dst(%dma_wait3A_116 : memref<10240x128xf32, #tpu.memory_space<vmem_shared>>)
        tpu.yield
      }) : () -> ()
      %add3A_88 = arith.constant 2 : i32
      %add3A_89 = arith.addi %add3A_64, %add3A_88 : i32
      %mul3A_90 = arith.constant 128 : i32
      %mul3A_91 = arith.muli %add3A_89, %mul3A_90 : i32
      %add3A_92 = arith.addi %mul3A_2, %mul3A_91 : i32
      %add3A_93 = arith.constant 128000 : i32
      %add3A_94 = arith.addi %add3A_93, %add3A_92 : i32
      %dma_start3A_95 = tpu.memref_slice %arg3[%add3A_94] : memref<320000xi32, #tpu.memory_space<hbm>> -> memref<128xi32, #tpu.memory_space<hbm>>
      %dma_start3A_96 = tpu.memref_slice %arg3[%add3A_94] : memref<320000xi32, #tpu.memory_space<hbm>> -> memref<128xi32, #tpu.memory_space<hbm>>
      tpu.enqueue_dma source(%dma_start3A_96 : memref<128xi32, #tpu.memory_space<hbm>>) target(%arg6 : memref<128xi32, #tpu.memory_space<vmem>>) target_semaphore(%arg12 : memref<!tpu.dma_semaphore, #tpu.memory_space<semaphore_mem>>)
      %dma_start3A_97 = arith.constant 0 : i32
      %dma_start3A_98 = tpu.memref_slice %arg2[%add3A_92, %dma_start3A_97] : memref<64000x128xf32, #tpu.memory_space<hbm>> -> memref<128x128xf32, #tpu.memory_space<hbm>>
      %dma_start3A_99 = arith.constant 0 : i32
      %dma_start3A_100 = tpu.memref_slice %arg2[%add3A_92, %dma_start3A_99] : memref<64000x128xf32, #tpu.memory_space<hbm>> -> memref<128x128xf32, #tpu.memory_space<hbm>>
      tpu.enqueue_dma source(%dma_start3A_100 : memref<128x128xf32, #tpu.memory_space<hbm>>) target(%arg7 : memref<128x128xf32, #tpu.memory_space<vmem>>) target_semaphore(%arg13 : memref<!tpu.dma_semaphore, #tpu.memory_space<semaphore_mem>>)
      %dma_wait3A_101 = arith.constant 0 : i32
      %dma_wait3A_102 = tpu.memref_slice %arg3[%dma_wait3A_101] : memref<320000xi32, #tpu.memory_space<hbm>> -> memref<128xi32, #tpu.memory_space<hbm>>
      %dma_wait3A_103 = arith.constant 0 : i32
      %dma_wait3A_104 = tpu.memref_slice %arg3[%dma_wait3A_103] : memref<320000xi32, #tpu.memory_space<hbm>> -> memref<128xi32, #tpu.memory_space<hbm>>
      tpu.wait_dma2 semaphore(%arg14 : memref<!tpu.dma_semaphore, #tpu.memory_space<semaphore_mem>>) src(%dma_wait3A_104 : memref<128xi32, #tpu.memory_space<hbm>>) dst(%arg8 : memref<128xi32, #tpu.memory_space<vmem>>)
      %dma_wait3A_105 = arith.constant 0 : i32
      %dma_wait3A_106 = arith.constant 0 : i32
      %dma_wait3A_107 = tpu.memref_slice %arg2[%dma_wait3A_105, %dma_wait3A_106] : memref<64000x128xf32, #tpu.memory_space<hbm>> -> memref<128x128xf32, #tpu.memory_space<hbm>>
      %dma_wait3A_108 = arith.constant 0 : i32
      %dma_wait3A_109 = arith.constant 0 : i32
      %dma_wait3A_110 = tpu.memref_slice %arg2[%dma_wait3A_108, %dma_wait3A_109] : memref<64000x128xf32, #tpu.memory_space<hbm>> -> memref<128x128xf32, #tpu.memory_space<hbm>>
      tpu.wait_dma2 semaphore(%arg15 : memref<!tpu.dma_semaphore, #tpu.memory_space<semaphore_mem>>) src(%dma_wait3A_110 : memref<128x128xf32, #tpu.memory_space<hbm>>) dst(%arg9 : memref<128x128xf32, #tpu.memory_space<vmem>>)
      "tpu.region"() ({
        %run_scoped3A = tpu.sem_alloc : memref<!tpu.dma_semaphore, #tpu.memory_space<semaphore_mem>>
        %dma_start3A_111 = arith.constant 0 : i32
        %dma_start3A_112 = arith.constant 0 : i32
        %dma_start3A_113 = tpu.memref_slice %arg5[%dma_start3A_111, %dma_start3A_112] : memref<10240x128xf32, #tpu.memory_space<vmem_shared>> -> memref<10240x128xf32, #tpu.memory_space<vmem_shared>>
        tpu.enqueue_indirect_dma source(%arg9 : memref<128x128xf32, #tpu.memory_space<vmem>>) target(%dma_start3A_113 : memref<10240x128xf32, #tpu.memory_space<vmem_shared>>) offsets(%arg8 : memref<128xi32, #tpu.memory_space<vmem>>) semaphore(%run_scoped3A : memref<!tpu.dma_semaphore, #tpu.memory_space<semaphore_mem>>) {add = true}
        %dma_wait3A_114 = arith.constant 0 : i32
        %dma_wait3A_115 = arith.constant 0 : i32
        %dma_wait3A_116 = tpu.memref_slice %arg5[%dma_wait3A_114, %dma_wait3A_115] : memref<10240x128xf32, #tpu.memory_space<vmem_shared>> -> memref<10240x128xf32, #tpu.memory_space<vmem_shared>>
        tpu.wait_indirect_dma semaphore(%run_scoped3A : memref<!tpu.dma_semaphore, #tpu.memory_space<semaphore_mem>>) src(%arg9 : memref<128x128xf32, #tpu.memory_space<vmem>>) dst(%dma_wait3A_116 : memref<10240x128xf32, #tpu.memory_space<vmem_shared>>)
        tpu.yield
      }) : () -> ()
    }
    %scan3A_33 = arith.constant 7 : i32
    %dma_wait3A = arith.constant 0 : i32
    %dma_wait3A_34 = tpu.memref_slice %arg3[%dma_wait3A] : memref<320000xi32, #tpu.memory_space<hbm>> -> memref<128xi32, #tpu.memory_space<hbm>>
    %dma_wait3A_35 = arith.constant 0 : i32
    %dma_wait3A_36 = tpu.memref_slice %arg3[%dma_wait3A_35] : memref<320000xi32, #tpu.memory_space<hbm>> -> memref<128xi32, #tpu.memory_space<hbm>>
    tpu.wait_dma2 semaphore(%arg12 : memref<!tpu.dma_semaphore, #tpu.memory_space<semaphore_mem>>) src(%dma_wait3A_36 : memref<128xi32, #tpu.memory_space<hbm>>) dst(%arg6 : memref<128xi32, #tpu.memory_space<vmem>>)
    %dma_wait3A_37 = arith.constant 0 : i32
    %dma_wait3A_38 = arith.constant 0 : i32
    %dma_wait3A_39 = tpu.memref_slice %arg2[%dma_wait3A_37, %dma_wait3A_38] : memref<64000x128xf32, #tpu.memory_space<hbm>> -> memref<128x128xf32, #tpu.memory_space<hbm>>
    %dma_wait3A_40 = arith.constant 0 : i32
    %dma_wait3A_41 = arith.constant 0 : i32
    %dma_wait3A_42 = tpu.memref_slice %arg2[%dma_wait3A_40, %dma_wait3A_41] : memref<64000x128xf32, #tpu.memory_space<hbm>> -> memref<128x128xf32, #tpu.memory_space<hbm>>
    tpu.wait_dma2 semaphore(%arg13 : memref<!tpu.dma_semaphore, #tpu.memory_space<semaphore_mem>>) src(%dma_wait3A_42 : memref<128x128xf32, #tpu.memory_space<hbm>>) dst(%arg7 : memref<128x128xf32, #tpu.memory_space<vmem>>)
    "tpu.region"() ({
      %run_scoped3A = tpu.sem_alloc : memref<!tpu.dma_semaphore, #tpu.memory_space<semaphore_mem>>
      %dma_start3A_60 = arith.constant 0 : i32
      %dma_start3A_61 = arith.constant 0 : i32
      %dma_start3A_62 = tpu.memref_slice %arg5[%dma_start3A_60, %dma_start3A_61] : memref<10240x128xf32, #tpu.memory_space<vmem_shared>> -> memref<10240x128xf32, #tpu.memory_space<vmem_shared>>
      tpu.enqueue_indirect_dma source(%arg7 : memref<128x128xf32, #tpu.memory_space<vmem>>) target(%dma_start3A_62 : memref<10240x128xf32, #tpu.memory_space<vmem_shared>>) offsets(%arg6 : memref<128xi32, #tpu.memory_space<vmem>>) semaphore(%run_scoped3A : memref<!tpu.dma_semaphore, #tpu.memory_space<semaphore_mem>>) {add = true}
      %dma_wait3A_63 = arith.constant 0 : i32
      %dma_wait3A_64 = arith.constant 0 : i32
      %dma_wait3A_65 = tpu.memref_slice %arg5[%dma_wait3A_63, %dma_wait3A_64] : memref<10240x128xf32, #tpu.memory_space<vmem_shared>> -> memref<10240x128xf32, #tpu.memory_space<vmem_shared>>
      tpu.wait_indirect_dma semaphore(%run_scoped3A : memref<!tpu.dma_semaphore, #tpu.memory_space<semaphore_mem>>) src(%arg7 : memref<128x128xf32, #tpu.memory_space<vmem>>) dst(%dma_wait3A_65 : memref<10240x128xf32, #tpu.memory_space<vmem_shared>>)
      tpu.yield
    }) : () -> ()
    %add3A_43 = arith.constant 1920 : i32
    %add3A_44 = arith.addi %mul3A_2, %add3A_43 : i32
    %add3A_45 = arith.constant 128000 : i32
    %add3A_46 = arith.addi %add3A_45, %add3A_44 : i32
    %dma_start3A_47 = tpu.memref_slice %arg3[%add3A_46] : memref<320000xi32, #tpu.memory_space<hbm>> -> memref<80xi32, #tpu.memory_space<hbm>>
    %dma_start3A_48 = tpu.memref_slice %arg3[%add3A_46] : memref<320000xi32, #tpu.memory_space<hbm>> -> memref<80xi32, #tpu.memory_space<hbm>>
    tpu.enqueue_dma source(%dma_start3A_48 : memref<80xi32, #tpu.memory_space<hbm>>) target(%arg10 : memref<80xi32, #tpu.memory_space<vmem>>) target_semaphore(%arg14 : memref<!tpu.dma_semaphore, #tpu.memory_space<semaphore_mem>>)
    %dma_start3A_49 = arith.constant 0 : i32
    %dma_start3A_50 = tpu.memref_slice %arg2[%add3A_44, %dma_start3A_49] : memref<64000x128xf32, #tpu.memory_space<hbm>> -> memref<80x128xf32, #tpu.memory_space<hbm>>
    %dma_start3A_51 = arith.constant 0 : i32
    %dma_start3A_52 = tpu.memref_slice %arg2[%add3A_44, %dma_start3A_51] : memref<64000x128xf32, #tpu.memory_space<hbm>> -> memref<80x128xf32, #tpu.memory_space<hbm>>
    tpu.enqueue_dma source(%dma_start3A_52 : memref<80x128xf32, #tpu.memory_space<hbm>>) target(%arg11 : memref<80x128xf32, #tpu.memory_space<vmem>>) target_semaphore(%arg15 : memref<!tpu.dma_semaphore, #tpu.memory_space<semaphore_mem>>)
    %dma_wait3A_53 = tpu.memref_slice %arg3[%add3A_46] : memref<320000xi32, #tpu.memory_space<hbm>> -> memref<80xi32, #tpu.memory_space<hbm>>
    %dma_wait3A_54 = tpu.memref_slice %arg3[%add3A_46] : memref<320000xi32, #tpu.memory_space<hbm>> -> memref<80xi32, #tpu.memory_space<hbm>>
    tpu.wait_dma2 semaphore(%arg14 : memref<!tpu.dma_semaphore, #tpu.memory_space<semaphore_mem>>) src(%dma_wait3A_54 : memref<80xi32, #tpu.memory_space<hbm>>) dst(%arg10 : memref<80xi32, #tpu.memory_space<vmem>>)
    %dma_wait3A_55 = arith.constant 0 : i32
    %dma_wait3A_56 = tpu.memref_slice %arg2[%add3A_44, %dma_wait3A_55] : memref<64000x128xf32, #tpu.memory_space<hbm>> -> memref<80x128xf32, #tpu.memory_space<hbm>>
    %dma_wait3A_57 = arith.constant 0 : i32
    %dma_wait3A_58 = tpu.memref_slice %arg2[%add3A_44, %dma_wait3A_57] : memref<64000x128xf32, #tpu.memory_space<hbm>> -> memref<80x128xf32, #tpu.memory_space<hbm>>
    tpu.wait_dma2 semaphore(%arg15 : memref<!tpu.dma_semaphore, #tpu.memory_space<semaphore_mem>>) src(%dma_wait3A_58 : memref<80x128xf32, #tpu.memory_space<hbm>>) dst(%arg11 : memref<80x128xf32, #tpu.memory_space<vmem>>)
    "tpu.region"() ({
      %run_scoped3A = tpu.sem_alloc : memref<!tpu.dma_semaphore, #tpu.memory_space<semaphore_mem>>
      %dma_start3A_60 = arith.constant 0 : i32
      %dma_start3A_61 = arith.constant 0 : i32
      %dma_start3A_62 = tpu.memref_slice %arg5[%dma_start3A_60, %dma_start3A_61] : memref<10240x128xf32, #tpu.memory_space<vmem_shared>> -> memref<10240x128xf32, #tpu.memory_space<vmem_shared>>
      tpu.enqueue_indirect_dma source(%arg11 : memref<80x128xf32, #tpu.memory_space<vmem>>) target(%dma_start3A_62 : memref<10240x128xf32, #tpu.memory_space<vmem_shared>>) offsets(%arg10 : memref<80xi32, #tpu.memory_space<vmem>>) semaphore(%run_scoped3A : memref<!tpu.dma_semaphore, #tpu.memory_space<semaphore_mem>>) {add = true}
      %dma_wait3A_63 = arith.constant 0 : i32
      %dma_wait3A_64 = arith.constant 0 : i32
      %dma_wait3A_65 = tpu.memref_slice %arg5[%dma_wait3A_63, %dma_wait3A_64] : memref<10240x128xf32, #tpu.memory_space<vmem_shared>> -> memref<10240x128xf32, #tpu.memory_space<vmem_shared>>
      tpu.wait_indirect_dma semaphore(%run_scoped3A : memref<!tpu.dma_semaphore, #tpu.memory_space<semaphore_mem>>) src(%arg11 : memref<80x128xf32, #tpu.memory_space<vmem>>) dst(%dma_wait3A_65 : memref<10240x128xf32, #tpu.memory_space<vmem_shared>>)
      tpu.yield
    }) : () -> ()
    %barrier3A_59 = arith.constant 0 : index
    tpu.barrier barrier_id(%barrier3A_59)
    "tpu.region"() ({
      %run_scoped3A = tpu.sem_alloc : memref<!tpu.dma_semaphore, #tpu.memory_space<semaphore_mem>>
      %dma_start3A_60 = arith.constant 0 : i32
      %dma_start3A_61 = tpu.memref_slice %arg4[%arg0, %mul3A_4, %dma_start3A_60] : memref<2x10240x128xf32, #tpu.memory_space<hbm>> -> memref<1x640x128xf32, #tpu.memory_space<hbm>>
      %dma_start3A_62 = tpu.memref_squeeze %dma_start3A_61 : memref<1x640x128xf32, #tpu.memory_space<hbm>> -> memref<640x128xf32, #tpu.memory_space<hbm>>
      %dma_start3A_63 = arith.constant 0 : i32
      %dma_start3A_64 = tpu.memref_slice %arg5[%mul3A_4, %dma_start3A_63] : memref<10240x128xf32, #tpu.memory_space<vmem_shared>> -> memref<640x128xf32, #tpu.memory_space<vmem_shared>>
      tpu.enqueue_dma source(%dma_start3A_64 : memref<640x128xf32, #tpu.memory_space<vmem_shared>>) target(%dma_start3A_62 : memref<640x128xf32, #tpu.memory_space<hbm>>) target_semaphore(%run_scoped3A : memref<!tpu.dma_semaphore, #tpu.memory_space<semaphore_mem>>)
      %dma_wait3A_65 = arith.constant 0 : i32
      %dma_wait3A_66 = tpu.memref_slice %arg4[%arg0, %mul3A_4, %dma_wait3A_65] : memref<2x10240x128xf32, #tpu.memory_space<hbm>> -> memref<1x640x128xf32, #tpu.memory_space<hbm>>
      %dma_wait3A_67 = tpu.memref_squeeze %dma_wait3A_66 : memref<1x640x128xf32, #tpu.memory_space<hbm>> -> memref<640x128xf32, #tpu.memory_space<hbm>>
      %dma_wait3A_68 = arith.constant 0 : i32
      %dma_wait3A_69 = tpu.memref_slice %arg5[%mul3A_4, %dma_wait3A_68] : memref<10240x128xf32, #tpu.memory_space<vmem_shared>> -> memref<640x128xf32, #tpu.memory_space<vmem_shared>>
      tpu.wait_dma2 semaphore(%run_scoped3A : memref<!tpu.dma_semaphore, #tpu.memory_space<semaphore_mem>>) src(%dma_wait3A_69 : memref<640x128xf32, #tpu.memory_space<vmem_shared>>) dst(%dma_wait3A_67 : memref<640x128xf32, #tpu.memory_space<hbm>>)
      tpu.yield
    }) : () -> ()
    return
  }
}

#map = affine_map<(d0, d1) -> (0, 0)>
#map1 = affine_map<(d0, d1) -> (0)>
#map2 = affine_map<(d0, d1) -> (0, 0, 0)>
module attributes {stable_mosaic.version = 14 : i64} {
  func.func @_scatter_body(%arg0: i32, %arg1: i32, %arg2: memref<64000x128xf32, #tpu.memory_space<hbm>>, %arg3: memref<320000xi32, #tpu.memory_space<hbm>>, %arg4: memref<2x10240x128xf32, #tpu.memory_space<hbm>>, %arg5: memref<10240x128xf32, #tpu.memory_space<vmem_shared>>, %arg6: memref<128xi32, #tpu.memory_space<vmem>>, %arg7: memref<128x128xf32, #tpu.memory_space<vmem>>, %arg8: memref<128xi32, #tpu.memory_space<vmem>>, %arg9: memref<128x128xf32, #tpu.memory_space<vmem>>, %arg10: memref<80xi32, #tpu.memory_space<vmem>>, %arg11: memref<80x128xf32, #tpu.memory_space<vmem>>, %arg12: memref<!tpu.dma_semaphore, #tpu.memory_space<semaphore_mem>>, %arg13: memref<!tpu.dma_semaphore, #tpu.memory_space<semaphore_mem>>, %arg14: memref<!tpu.dma_semaphore, #tpu.memory_space<semaphore_mem>>, %arg15: memref<!tpu.dma_semaphore, #tpu.memory_space<semaphore_mem>>) attributes {dimension_semantics = [#tpu.dimension_semantics<core_parallel>, #tpu.dimension_semantics<subcore_parallel>], iteration_bounds = array<i64: 2, 16>, scalar_prefetch = 0 : i64, scratch_operands = 11 : i64, tpu.core_type = #tpu.core_type<sc_vector_subcore>, window_params = [{transform_indices = #map}, {transform_indices = #map1}, {transform_indices = #map2}]} {
    %mul3A = arith.constant 16 : i32
    %mul3A_0 = arith.muli %arg0, %mul3A : i32
    %add3A = arith.addi %mul3A_0, %arg1 : i32
    %mul3A_1 = arith.constant 2000 : i32
    %mul3A_2 = arith.muli %add3A, %mul3A_1 : i32
    %mul3A_3 = arith.constant 640 : i32
    %mul3A_4 = arith.muli %arg1, %mul3A_3 : i32
    %add3A_5 = arith.constant 0 : i32
    %add3A_6 = arith.addi %mul3A_2, %add3A_5 : i32
    %add3A_7 = arith.constant 0 : i32
    %add3A_8 = arith.addi %add3A_7, %add3A_6 : i32
    %dma_start3A = tpu.memref_slice %arg3[%add3A_8] : memref<320000xi32, #tpu.memory_space<hbm>> -> memref<128xi32, #tpu.memory_space<hbm>>
    %dma_start3A_9 = tpu.memref_slice %arg3[%add3A_8] : memref<320000xi32, #tpu.memory_space<hbm>> -> memref<128xi32, #tpu.memory_space<hbm>>
    tpu.enqueue_dma source(%dma_start3A_9 : memref<128xi32, #tpu.memory_space<hbm>>) target(%arg6 : memref<128xi32, #tpu.memory_space<vmem>>) target_semaphore(%arg12 : memref<!tpu.dma_semaphore, #tpu.memory_space<semaphore_mem>>)
    %dma_start3A_10 = arith.constant 0 : i32
    %dma_start3A_11 = tpu.memref_slice %arg2[%add3A_6, %dma_start3A_10] : memref<64000x128xf32, #tpu.memory_space<hbm>> -> memref<128x128xf32, #tpu.memory_space<hbm>>
    %dma_start3A_12 = arith.constant 0 : i32
    %dma_start3A_13 = tpu.memref_slice %arg2[%add3A_6, %dma_start3A_12] : memref<64000x128xf32, #tpu.memory_space<hbm>> -> memref<128x128xf32, #tpu.memory_space<hbm>>
    tpu.enqueue_dma source(%dma_start3A_13 : memref<128x128xf32, #tpu.memory_space<hbm>>) target(%arg7 : memref<128x128xf32, #tpu.memory_space<vmem>>) target_semaphore(%arg13 : memref<!tpu.dma_semaphore, #tpu.memory_space<semaphore_mem>>)
    %broadcast_in_dim3A = arith.constant 0.000000e+00 : f32
    %broadcast_in_dim3A_14 = vector.broadcast %broadcast_in_dim3A : f32 to vector<16xf32>
    %scan3A = arith.constant 0 : i32
    %scan3A_15 = arith.constant 128 : i32
    %scan3A_16 = arith.addi %scan3A, %scan3A_15 : i32
    %scan3A_17 = arith.constant 1 : i32
    scf.for %scan3A_60 = %scan3A to %scan3A_16 step %scan3A_17  : i32 {
      %mul3A_61 = arith.constant 1 : i32
      %mul3A_62 = arith.muli %scan3A_60, %mul3A_61 : i32
      %add3A_63 = arith.constant 0 : i32
      %add3A_64 = arith.addi %add3A_63, %mul3A_62 : i32
      %swap3A = arith.index_cast %add3A_64 : i32 to index
      %swap3A_65 = arith.constant 0 : index
      %swap3A_66 = tpu.vector_load %arg9[%swap3A, %swap3A_65] {strides = array<i32>} : memref<128x128xf32, #tpu.memory_space<vmem>>, vector<1x16xf32>,
      %swap3A_67 = vector.shape_cast %swap3A_66 : vector<1x16xf32> to vector<16xf32>
      %swap3A_68 = vector.shape_cast %broadcast_in_dim3A_14 : vector<16xf32> to vector<1x16xf32>
      tpu.vector_store %arg9[%swap3A, %swap3A_65], %swap3A_68 {strides = array<i32>} : memref<128x128xf32, #tpu.memory_space<vmem>>, vector<1x16xf32>,
      %swap3A_69 = arith.index_cast %add3A_64 : i32 to index
      %swap3A_70 = arith.constant 16 : index
      %swap3A_71 = tpu.vector_load %arg9[%swap3A_69, %swap3A_70] {strides = array<i32>} : memref<128x128xf32, #tpu.memory_space<vmem>>, vector<1x16xf32>,
      %swap3A_72 = vector.shape_cast %swap3A_71 : vector<1x16xf32> to vector<16xf32>
      %swap3A_73 = vector.shape_cast %broadcast_in_dim3A_14 : vector<16xf32> to vector<1x16xf32>
      tpu.vector_store %arg9[%swap3A_69, %swap3A_70], %swap3A_73 {strides = array<i32>} : memref<128x128xf32, #tpu.memory_space<vmem>>, vector<1x16xf32>,
      %swap3A_74 = arith.index_cast %add3A_64 : i32 to index
      %swap3A_75 = arith.constant 32 : index
      %swap3A_76 = tpu.vector_load %arg9[%swap3A_74, %swap3A_75] {strides = array<i32>} : memref<128x128xf32, #tpu.memory_space<vmem>>, vector<1x16xf32>,
      %swap3A_77 = vector.shape_cast %swap3A_76 : vector<1x16xf32> to vector<16xf32>
      %swap3A_78 = vector.shape_cast %broadcast_in_dim3A_14 : vector<16xf32> to vector<1x16xf32>
      tpu.vector_store %arg9[%swap3A_74, %swap3A_75], %swap3A_78 {strides = array<i32>} : memref<128x128xf32, #tpu.memory_space<vmem>>, vector<1x16xf32>,
      %swap3A_79 = arith.index_cast %add3A_64 : i32 to index
      %swap3A_80 = arith.constant 48 : index
      %swap3A_81 = tpu.vector_load %arg9[%swap3A_79, %swap3A_80] {strides = array<i32>} : memref<128x128xf32, #tpu.memory_space<vmem>>, vector<1x16xf32>,
      %swap3A_82 = vector.shape_cast %swap3A_81 : vector<1x16xf32> to vector<16xf32>
      %swap3A_83 = vector.shape_cast %broadcast_in_dim3A_14 : vector<16xf32> to vector<1x16xf32>
      tpu.vector_store %arg9[%swap3A_79, %swap3A_80], %swap3A_83 {strides = array<i32>} : memref<128x128xf32, #tpu.memory_space<vmem>>, vector<1x16xf32>,
      %swap3A_84 = arith.index_cast %add3A_64 : i32 to index
      %swap3A_85 = arith.constant 64 : index
      %swap3A_86 = tpu.vector_load %arg9[%swap3A_84, %swap3A_85] {strides = array<i32>} : memref<128x128xf32, #tpu.memory_space<vmem>>, vector<1x16xf32>,
      %swap3A_87 = vector.shape_cast %swap3A_86 : vector<1x16xf32> to vector<16xf32>
      %swap3A_88 = vector.shape_cast %broadcast_in_dim3A_14 : vector<16xf32> to vector<1x16xf32>
      tpu.vector_store %arg9[%swap3A_84, %swap3A_85], %swap3A_88 {strides = array<i32>} : memref<128x128xf32, #tpu.memory_space<vmem>>, vector<1x16xf32>,
      %swap3A_89 = arith.index_cast %add3A_64 : i32 to index
      %swap3A_90 = arith.constant 80 : index
      %swap3A_91 = tpu.vector_load %arg9[%swap3A_89, %swap3A_90] {strides = array<i32>} : memref<128x128xf32, #tpu.memory_space<vmem>>, vector<1x16xf32>,
      %swap3A_92 = vector.shape_cast %swap3A_91 : vector<1x16xf32> to vector<16xf32>
      %swap3A_93 = vector.shape_cast %broadcast_in_dim3A_14 : vector<16xf32> to vector<1x16xf32>
      tpu.vector_store %arg9[%swap3A_89, %swap3A_90], %swap3A_93 {strides = array<i32>} : memref<128x128xf32, #tpu.memory_space<vmem>>, vector<1x16xf32>,
      %swap3A_94 = arith.index_cast %add3A_64 : i32 to index
      %swap3A_95 = arith.constant 96 : index
      %swap3A_96 = tpu.vector_load %arg9[%swap3A_94, %swap3A_95] {strides = array<i32>} : memref<128x128xf32, #tpu.memory_space<vmem>>, vector<1x16xf32>,
      %swap3A_97 = vector.shape_cast %swap3A_96 : vector<1x16xf32> to vector<16xf32>
      %swap3A_98 = vector.shape_cast %broadcast_in_dim3A_14 : vector<16xf32> to vector<1x16xf32>
      tpu.vector_store %arg9[%swap3A_94, %swap3A_95], %swap3A_98 {strides = array<i32>} : memref<128x128xf32, #tpu.memory_space<vmem>>, vector<1x16xf32>,
      %swap3A_99 = arith.index_cast %add3A_64 : i32 to index
      %swap3A_100 = arith.constant 112 : index
      %swap3A_101 = tpu.vector_load %arg9[%swap3A_99, %swap3A_100] {strides = array<i32>} : memref<128x128xf32, #tpu.memory_space<vmem>>, vector<1x16xf32>,
      %swap3A_102 = vector.shape_cast %swap3A_101 : vector<1x16xf32> to vector<16xf32>
      %swap3A_103 = vector.shape_cast %broadcast_in_dim3A_14 : vector<16xf32> to vector<1x16xf32>
      tpu.vector_store %arg9[%swap3A_99, %swap3A_100], %swap3A_103 {strides = array<i32>} : memref<128x128xf32, #tpu.memory_space<vmem>>, vector<1x16xf32>,
    }
    %scan3A_18 = arith.constant 128 : i32
    %add3A_19 = arith.constant 0 : i32
    %add3A_20 = arith.addi %mul3A_4, %add3A_19 : i32
    "tpu.region"() ({
      %run_scoped3A = tpu.sem_alloc : memref<!tpu.dma_semaphore, #tpu.memory_space<semaphore_mem>>
      %dma_start3A_60 = arith.constant 0 : i32
      %dma_start3A_61 = tpu.memref_slice %arg5[%add3A_20, %dma_start3A_60] : memref<10240x128xf32, #tpu.memory_space<vmem_shared>> -> memref<128x128xf32, #tpu.memory_space<vmem_shared>>
      %dma_start3A_62 = arith.constant 0 : i32
      %dma_start3A_63 = tpu.memref_slice %arg5[%add3A_20, %dma_start3A_62] : memref<10240x128xf32, #tpu.memory_space<vmem_shared>> -> memref<128x128xf32, #tpu.memory_space<vmem_shared>>
      tpu.enqueue_dma source(%arg9 : memref<128x128xf32, #tpu.memory_space<vmem>>) target(%dma_start3A_63 : memref<128x128xf32, #tpu.memory_space<vmem_shared>>) target_semaphore(%run_scoped3A : memref<!tpu.dma_semaphore, #tpu.memory_space<semaphore_mem>>)
      %dma_wait3A_64 = arith.constant 0 : i32
      %dma_wait3A_65 = tpu.memref_slice %arg5[%add3A_20, %dma_wait3A_64] : memref<10240x128xf32, #tpu.memory_space<vmem_shared>> -> memref<128x128xf32, #tpu.memory_space<vmem_shared>>
      %dma_wait3A_66 = arith.constant 0 : i32
      %dma_wait3A_67 = tpu.memref_slice %arg5[%add3A_20, %dma_wait3A_66] : memref<10240x128xf32, #tpu.memory_space<vmem_shared>> -> memref<128x128xf32, #tpu.memory_space<vmem_shared>>
      tpu.wait_dma2 semaphore(%run_scoped3A : memref<!tpu.dma_semaphore, #tpu.memory_space<semaphore_mem>>) src(%arg9 : memref<128x128xf32, #tpu.memory_space<vmem>>) dst(%dma_wait3A_67 : memref<128x128xf32, #tpu.memory_space<vmem_shared>>)
      tpu.yield
    }) : () -> ()
    %add3A_21 = arith.constant 128 : i32
    %add3A_22 = arith.addi %mul3A_4, %add3A_21 : i32
    "tpu.region"() ({
      %run_scoped3A = tpu.sem_alloc : memref<!tpu.dma_semaphore, #tpu.memory_space<semaphore_mem>>
      %dma_start3A_60 = arith.constant 0 : i32
      %dma_start3A_61 = tpu.memref_slice %arg5[%add3A_22, %dma_start3A_60] : memref<10240x128xf32, #tpu.memory_space<vmem_shared>> -> memref<128x128xf32, #tpu.memory_space<vmem_shared>>
      %dma_start3A_62 = arith.constant 0 : i32
      %dma_start3A_63 = tpu.memref_slice %arg5[%add3A_22, %dma_start3A_62] : memref<10240x128xf32, #tpu.memory_space<vmem_shared>> -> memref<128x128xf32, #tpu.memory_space<vmem_shared>>
      tpu.enqueue_dma source(%arg9 : memref<128x128xf32, #tpu.memory_space<vmem>>) target(%dma_start3A_63 : memref<128x128xf32, #tpu.memory_space<vmem_shared>>) target_semaphore(%run_scoped3A : memref<!tpu.dma_semaphore, #tpu.memory_space<semaphore_mem>>)
      %dma_wait3A_64 = arith.constant 0 : i32
      %dma_wait3A_65 = tpu.memref_slice %arg5[%add3A_22, %dma_wait3A_64] : memref<10240x128xf32, #tpu.memory_space<vmem_shared>> -> memref<128x128xf32, #tpu.memory_space<vmem_shared>>
      %dma_wait3A_66 = arith.constant 0 : i32
      %dma_wait3A_67 = tpu.memref_slice %arg5[%add3A_22, %dma_wait3A_66] : memref<10240x128xf32, #tpu.memory_space<vmem_shared>> -> memref<128x128xf32, #tpu.memory_space<vmem_shared>>
      tpu.wait_dma2 semaphore(%run_scoped3A : memref<!tpu.dma_semaphore, #tpu.memory_space<semaphore_mem>>) src(%arg9 : memref<128x128xf32, #tpu.memory_space<vmem>>) dst(%dma_wait3A_67 : memref<128x128xf32, #tpu.memory_space<vmem_shared>>)
      tpu.yield
    }) : () -> ()
    %add3A_23 = arith.constant 256 : i32
    %add3A_24 = arith.addi %mul3A_4, %add3A_23 : i32
    "tpu.region"() ({
      %run_scoped3A = tpu.sem_alloc : memref<!tpu.dma_semaphore, #tpu.memory_space<semaphore_mem>>
      %dma_start3A_60 = arith.constant 0 : i32
      %dma_start3A_61 = tpu.memref_slice %arg5[%add3A_24, %dma_start3A_60] : memref<10240x128xf32, #tpu.memory_space<vmem_shared>> -> memref<128x128xf32, #tpu.memory_space<vmem_shared>>
      %dma_start3A_62 = arith.constant 0 : i32
      %dma_start3A_63 = tpu.memref_slice %arg5[%add3A_24, %dma_start3A_62] : memref<10240x128xf32, #tpu.memory_space<vmem_shared>> -> memref<128x128xf32, #tpu.memory_space<vmem_shared>>
      tpu.enqueue_dma source(%arg9 : memref<128x128xf32, #tpu.memory_space<vmem>>) target(%dma_start3A_63 : memref<128x128xf32, #tpu.memory_space<vmem_shared>>) target_semaphore(%run_scoped3A : memref<!tpu.dma_semaphore, #tpu.memory_space<semaphore_mem>>)
      %dma_wait3A_64 = arith.constant 0 : i32
      %dma_wait3A_65 = tpu.memref_slice %arg5[%add3A_24, %dma_wait3A_64] : memref<10240x128xf32, #tpu.memory_space<vmem_shared>> -> memref<128x128xf32, #tpu.memory_space<vmem_shared>>
      %dma_wait3A_66 = arith.constant 0 : i32
      %dma_wait3A_67 = tpu.memref_slice %arg5[%add3A_24, %dma_wait3A_66] : memref<10240x128xf32, #tpu.memory_space<vmem_shared>> -> memref<128x128xf32, #tpu.memory_space<vmem_shared>>
      tpu.wait_dma2 semaphore(%run_scoped3A : memref<!tpu.dma_semaphore, #tpu.memory_space<semaphore_mem>>) src(%arg9 : memref<128x128xf32, #tpu.memory_space<vmem>>) dst(%dma_wait3A_67 : memref<128x128xf32, #tpu.memory_space<vmem_shared>>)
      tpu.yield
    }) : () -> ()
    %add3A_25 = arith.constant 384 : i32
    %add3A_26 = arith.addi %mul3A_4, %add3A_25 : i32
    "tpu.region"() ({
      %run_scoped3A = tpu.sem_alloc : memref<!tpu.dma_semaphore, #tpu.memory_space<semaphore_mem>>
      %dma_start3A_60 = arith.constant 0 : i32
      %dma_start3A_61 = tpu.memref_slice %arg5[%add3A_26, %dma_start3A_60] : memref<10240x128xf32, #tpu.memory_space<vmem_shared>> -> memref<128x128xf32, #tpu.memory_space<vmem_shared>>
      %dma_start3A_62 = arith.constant 0 : i32
      %dma_start3A_63 = tpu.memref_slice %arg5[%add3A_26, %dma_start3A_62] : memref<10240x128xf32, #tpu.memory_space<vmem_shared>> -> memref<128x128xf32, #tpu.memory_space<vmem_shared>>
      tpu.enqueue_dma source(%arg9 : memref<128x128xf32, #tpu.memory_space<vmem>>) target(%dma_start3A_63 : memref<128x128xf32, #tpu.memory_space<vmem_shared>>) target_semaphore(%run_scoped3A : memref<!tpu.dma_semaphore, #tpu.memory_space<semaphore_mem>>)
      %dma_wait3A_64 = arith.constant 0 : i32
      %dma_wait3A_65 = tpu.memref_slice %arg5[%add3A_26, %dma_wait3A_64] : memref<10240x128xf32, #tpu.memory_space<vmem_shared>> -> memref<128x128xf32, #tpu.memory_space<vmem_shared>>
      %dma_wait3A_66 = arith.constant 0 : i32
      %dma_wait3A_67 = tpu.memref_slice %arg5[%add3A_26, %dma_wait3A_66] : memref<10240x128xf32, #tpu.memory_space<vmem_shared>> -> memref<128x128xf32, #tpu.memory_space<vmem_shared>>
      tpu.wait_dma2 semaphore(%run_scoped3A : memref<!tpu.dma_semaphore, #tpu.memory_space<semaphore_mem>>) src(%arg9 : memref<128x128xf32, #tpu.memory_space<vmem>>) dst(%dma_wait3A_67 : memref<128x128xf32, #tpu.memory_space<vmem_shared>>)
      tpu.yield
    }) : () -> ()
    %add3A_27 = arith.constant 512 : i32
    %add3A_28 = arith.addi %mul3A_4, %add3A_27 : i32
    "tpu.region"() ({
      %run_scoped3A = tpu.sem_alloc : memref<!tpu.dma_semaphore, #tpu.memory_space<semaphore_mem>>
      %dma_start3A_60 = arith.constant 0 : i32
      %dma_start3A_61 = tpu.memref_slice %arg5[%add3A_28, %dma_start3A_60] : memref<10240x128xf32, #tpu.memory_space<vmem_shared>> -> memref<128x128xf32, #tpu.memory_space<vmem_shared>>
      %dma_start3A_62 = arith.constant 0 : i32
      %dma_start3A_63 = tpu.memref_slice %arg5[%add3A_28, %dma_start3A_62] : memref<10240x128xf32, #tpu.memory_space<vmem_shared>> -> memref<128x128xf32, #tpu.memory_space<vmem_shared>>
      tpu.enqueue_dma source(%arg9 : memref<128x128xf32, #tpu.memory_space<vmem>>) target(%dma_start3A_63 : memref<128x128xf32, #tpu.memory_space<vmem_shared>>) target_semaphore(%run_scoped3A : memref<!tpu.dma_semaphore, #tpu.memory_space<semaphore_mem>>)
      %dma_wait3A_64 = arith.constant 0 : i32
      %dma_wait3A_65 = tpu.memref_slice %arg5[%add3A_28, %dma_wait3A_64] : memref<10240x128xf32, #tpu.memory_space<vmem_shared>> -> memref<128x128xf32, #tpu.memory_space<vmem_shared>>
      %dma_wait3A_66 = arith.constant 0 : i32
      %dma_wait3A_67 = tpu.memref_slice %arg5[%add3A_28, %dma_wait3A_66] : memref<10240x128xf32, #tpu.memory_space<vmem_shared>> -> memref<128x128xf32, #tpu.memory_space<vmem_shared>>
      tpu.wait_dma2 semaphore(%run_scoped3A : memref<!tpu.dma_semaphore, #tpu.memory_space<semaphore_mem>>) src(%arg9 : memref<128x128xf32, #tpu.memory_space<vmem>>) dst(%dma_wait3A_67 : memref<128x128xf32, #tpu.memory_space<vmem_shared>>)
      tpu.yield
    }) : () -> ()
    %barrier3A = arith.constant 0 : index
    tpu.barrier barrier_id(%barrier3A)
    %scan3A_29 = arith.constant 0 : i32
    %scan3A_30 = arith.constant 7 : i32
    %scan3A_31 = arith.addi %scan3A_29, %scan3A_30 : i32
    %scan3A_32 = arith.constant 1 : i32
    scf.for %scan3A_60 = %scan3A_29 to %scan3A_31 step %scan3A_32  : i32 {
      %mul3A_61 = arith.constant 2 : i32
      %mul3A_62 = arith.muli %scan3A_60, %mul3A_61 : i32
      %add3A_63 = arith.constant 0 : i32
      %add3A_64 = arith.addi %add3A_63, %mul3A_62 : i32
      %add3A_65 = arith.constant 1 : i32
      %add3A_66 = arith.addi %add3A_64, %add3A_65 : i32
      %mul3A_67 = arith.constant 128 : i32
      %mul3A_68 = arith.muli %add3A_66, %mul3A_67 : i32
      %add3A_69 = arith.addi %mul3A_2, %mul3A_68 : i32
      %add3A_70 = arith.constant 0 : i32
      %add3A_71 = arith.addi %add3A_70, %add3A_69 : i32
      %dma_start3A_72 = tpu.memref_slice %arg3[%add3A_71] : memref<320000xi32, #tpu.memory_space<hbm>> -> memref<128xi32, #tpu.memory_space<hbm>>
      %dma_start3A_73 = tpu.memref_slice %arg3[%add3A_71] : memref<320000xi32, #tpu.memory_space<hbm>> -> memref<128xi32, #tpu.memory_space<hbm>>
      tpu.enqueue_dma source(%dma_start3A_73 : memref<128xi32, #tpu.memory_space<hbm>>) target(%arg8 : memref<128xi32, #tpu.memory_space<vmem>>) target_semaphore(%arg14 : memref<!tpu.dma_semaphore, #tpu.memory_space<semaphore_mem>>)
      %dma_start3A_74 = arith.constant 0 : i32
      %dma_start3A_75 = tpu.memref_slice %arg2[%add3A_69, %dma_start3A_74] : memref<64000x128xf32, #tpu.memory_space<hbm>> -> memref<128x128xf32, #tpu.memory_space<hbm>>
      %dma_start3A_76 = arith.constant 0 : i32
      %dma_start3A_77 = tpu.memref_slice %arg2[%add3A_69, %dma_start3A_76] : memref<64000x128xf32, #tpu.memory_space<hbm>> -> memref<128x128xf32, #tpu.memory_space<hbm>>
      tpu.enqueue_dma source(%dma_start3A_77 : memref<128x128xf32, #tpu.memory_space<hbm>>) target(%arg9 : memref<128x128xf32, #tpu.memory_space<vmem>>) target_semaphore(%arg15 : memref<!tpu.dma_semaphore, #tpu.memory_space<semaphore_mem>>)
      %dma_wait3A_78 = arith.constant 0 : i32
      %dma_wait3A_79 = tpu.memref_slice %arg3[%dma_wait3A_78] : memref<320000xi32, #tpu.memory_space<hbm>> -> memref<128xi32, #tpu.memory_space<hbm>>
      %dma_wait3A_80 = arith.constant 0 : i32
      %dma_wait3A_81 = tpu.memref_slice %arg3[%dma_wait3A_80] : memref<320000xi32, #tpu.memory_space<hbm>> -> memref<128xi32, #tpu.memory_space<hbm>>
      tpu.wait_dma2 semaphore(%arg12 : memref<!tpu.dma_semaphore, #tpu.memory_space<semaphore_mem>>) src(%dma_wait3A_81 : memref<128xi32, #tpu.memory_space<hbm>>) dst(%arg6 : memref<128xi32, #tpu.memory_space<vmem>>)
      %dma_wait3A_82 = arith.constant 0 : i32
      %dma_wait3A_83 = arith.constant 0 : i32
      %dma_wait3A_84 = tpu.memref_slice %arg2[%dma_wait3A_82, %dma_wait3A_83] : memref<64000x128xf32, #tpu.memory_space<hbm>> -> memref<128x128xf32, #tpu.memory_space<hbm>>
      %dma_wait3A_85 = arith.constant 0 : i32
      %dma_wait3A_86 = arith.constant 0 : i32
      %dma_wait3A_87 = tpu.memref_slice %arg2[%dma_wait3A_85, %dma_wait3A_86] : memref<64000x128xf32, #tpu.memory_space<hbm>> -> memref<128x128xf32, #tpu.memory_space<hbm>>
      tpu.wait_dma2 semaphore(%arg13 : memref<!tpu.dma_semaphore, #tpu.memory_space<semaphore_mem>>) src(%dma_wait3A_87 : memref<128x128xf32, #tpu.memory_space<hbm>>) dst(%arg7 : memref<128x128xf32, #tpu.memory_space<vmem>>)
      "tpu.region"() ({
        %run_scoped3A = tpu.sem_alloc : memref<!tpu.dma_semaphore, #tpu.memory_space<semaphore_mem>>
        %dma_start3A_111 = arith.constant 0 : i32
        %dma_start3A_112 = arith.constant 0 : i32
        %dma_start3A_113 = tpu.memref_slice %arg5[%dma_start3A_111, %dma_start3A_112] : memref<10240x128xf32, #tpu.memory_space<vmem_shared>> -> memref<10240x128xf32, #tpu.memory_space<vmem_shared>>
        tpu.enqueue_indirect_dma source(%arg7 : memref<128x128xf32, #tpu.memory_space<vmem>>) target(%dma_start3A_113 : memref<10240x128xf32, #tpu.memory_space<vmem_shared>>) offsets(%arg6 : memref<128xi32, #tpu.memory_space<vmem>>) semaphore(%run_scoped3A : memref<!tpu.dma_semaphore, #tpu.memory_space<semaphore_mem>>) {add = true}
        %dma_wait3A_114 = arith.constant 0 : i32
        %dma_wait3A_115 = arith.constant 0 : i32
        %dma_wait3A_116 = tpu.memref_slice %arg5[%dma_wait3A_114, %dma_wait3A_115] : memref<10240x128xf32, #tpu.memory_space<vmem_shared>> -> memref<10240x128xf32, #tpu.memory_space<vmem_shared>>
        tpu.wait_indirect_dma semaphore(%run_scoped3A : memref<!tpu.dma_semaphore, #tpu.memory_space<semaphore_mem>>) src(%arg7 : memref<128x128xf32, #tpu.memory_space<vmem>>) dst(%dma_wait3A_116 : memref<10240x128xf32, #tpu.memory_space<vmem_shared>>)
        tpu.yield
      }) : () -> ()
      %add3A_88 = arith.constant 2 : i32
      %add3A_89 = arith.addi %add3A_64, %add3A_88 : i32
      %mul3A_90 = arith.constant 128 : i32
      %mul3A_91 = arith.muli %add3A_89, %mul3A_90 : i32
      %add3A_92 = arith.addi %mul3A_2, %mul3A_91 : i32
      %add3A_93 = arith.constant 0 : i32
      %add3A_94 = arith.addi %add3A_93, %add3A_92 : i32
      %dma_start3A_95 = tpu.memref_slice %arg3[%add3A_94] : memref<320000xi32, #tpu.memory_space<hbm>> -> memref<128xi32, #tpu.memory_space<hbm>>
      %dma_start3A_96 = tpu.memref_slice %arg3[%add3A_94] : memref<320000xi32, #tpu.memory_space<hbm>> -> memref<128xi32, #tpu.memory_space<hbm>>
      tpu.enqueue_dma source(%dma_start3A_96 : memref<128xi32, #tpu.memory_space<hbm>>) target(%arg6 : memref<128xi32, #tpu.memory_space<vmem>>) target_semaphore(%arg12 : memref<!tpu.dma_semaphore, #tpu.memory_space<semaphore_mem>>)
      %dma_start3A_97 = arith.constant 0 : i32
      %dma_start3A_98 = tpu.memref_slice %arg2[%add3A_92, %dma_start3A_97] : memref<64000x128xf32, #tpu.memory_space<hbm>> -> memref<128x128xf32, #tpu.memory_space<hbm>>
      %dma_start3A_99 = arith.constant 0 : i32
      %dma_start3A_100 = tpu.memref_slice %arg2[%add3A_92, %dma_start3A_99] : memref<64000x128xf32, #tpu.memory_space<hbm>> -> memref<128x128xf32, #tpu.memory_space<hbm>>
      tpu.enqueue_dma source(%dma_start3A_100 : memref<128x128xf32, #tpu.memory_space<hbm>>) target(%arg7 : memref<128x128xf32, #tpu.memory_space<vmem>>) target_semaphore(%arg13 : memref<!tpu.dma_semaphore, #tpu.memory_space<semaphore_mem>>)
      %dma_wait3A_101 = arith.constant 0 : i32
      %dma_wait3A_102 = tpu.memref_slice %arg3[%dma_wait3A_101] : memref<320000xi32, #tpu.memory_space<hbm>> -> memref<128xi32, #tpu.memory_space<hbm>>
      %dma_wait3A_103 = arith.constant 0 : i32
      %dma_wait3A_104 = tpu.memref_slice %arg3[%dma_wait3A_103] : memref<320000xi32, #tpu.memory_space<hbm>> -> memref<128xi32, #tpu.memory_space<hbm>>
      tpu.wait_dma2 semaphore(%arg14 : memref<!tpu.dma_semaphore, #tpu.memory_space<semaphore_mem>>) src(%dma_wait3A_104 : memref<128xi32, #tpu.memory_space<hbm>>) dst(%arg8 : memref<128xi32, #tpu.memory_space<vmem>>)
      %dma_wait3A_105 = arith.constant 0 : i32
      %dma_wait3A_106 = arith.constant 0 : i32
      %dma_wait3A_107 = tpu.memref_slice %arg2[%dma_wait3A_105, %dma_wait3A_106] : memref<64000x128xf32, #tpu.memory_space<hbm>> -> memref<128x128xf32, #tpu.memory_space<hbm>>
      %dma_wait3A_108 = arith.constant 0 : i32
      %dma_wait3A_109 = arith.constant 0 : i32
      %dma_wait3A_110 = tpu.memref_slice %arg2[%dma_wait3A_108, %dma_wait3A_109] : memref<64000x128xf32, #tpu.memory_space<hbm>> -> memref<128x128xf32, #tpu.memory_space<hbm>>
      tpu.wait_dma2 semaphore(%arg15 : memref<!tpu.dma_semaphore, #tpu.memory_space<semaphore_mem>>) src(%dma_wait3A_110 : memref<128x128xf32, #tpu.memory_space<hbm>>) dst(%arg9 : memref<128x128xf32, #tpu.memory_space<vmem>>)
      "tpu.region"() ({
        %run_scoped3A = tpu.sem_alloc : memref<!tpu.dma_semaphore, #tpu.memory_space<semaphore_mem>>
        %dma_start3A_111 = arith.constant 0 : i32
        %dma_start3A_112 = arith.constant 0 : i32
        %dma_start3A_113 = tpu.memref_slice %arg5[%dma_start3A_111, %dma_start3A_112] : memref<10240x128xf32, #tpu.memory_space<vmem_shared>> -> memref<10240x128xf32, #tpu.memory_space<vmem_shared>>
        tpu.enqueue_indirect_dma source(%arg9 : memref<128x128xf32, #tpu.memory_space<vmem>>) target(%dma_start3A_113 : memref<10240x128xf32, #tpu.memory_space<vmem_shared>>) offsets(%arg8 : memref<128xi32, #tpu.memory_space<vmem>>) semaphore(%run_scoped3A : memref<!tpu.dma_semaphore, #tpu.memory_space<semaphore_mem>>) {add = true}
        %dma_wait3A_114 = arith.constant 0 : i32
        %dma_wait3A_115 = arith.constant 0 : i32
        %dma_wait3A_116 = tpu.memref_slice %arg5[%dma_wait3A_114, %dma_wait3A_115] : memref<10240x128xf32, #tpu.memory_space<vmem_shared>> -> memref<10240x128xf32, #tpu.memory_space<vmem_shared>>
        tpu.wait_indirect_dma semaphore(%run_scoped3A : memref<!tpu.dma_semaphore, #tpu.memory_space<semaphore_mem>>) src(%arg9 : memref<128x128xf32, #tpu.memory_space<vmem>>) dst(%dma_wait3A_116 : memref<10240x128xf32, #tpu.memory_space<vmem_shared>>)
        tpu.yield
      }) : () -> ()
    }
    %scan3A_33 = arith.constant 7 : i32
    %dma_wait3A = arith.constant 0 : i32
    %dma_wait3A_34 = tpu.memref_slice %arg3[%dma_wait3A] : memref<320000xi32, #tpu.memory_space<hbm>> -> memref<128xi32, #tpu.memory_space<hbm>>
    %dma_wait3A_35 = arith.constant 0 : i32
    %dma_wait3A_36 = tpu.memref_slice %arg3[%dma_wait3A_35] : memref<320000xi32, #tpu.memory_space<hbm>> -> memref<128xi32, #tpu.memory_space<hbm>>
    tpu.wait_dma2 semaphore(%arg12 : memref<!tpu.dma_semaphore, #tpu.memory_space<semaphore_mem>>) src(%dma_wait3A_36 : memref<128xi32, #tpu.memory_space<hbm>>) dst(%arg6 : memref<128xi32, #tpu.memory_space<vmem>>)
    %dma_wait3A_37 = arith.constant 0 : i32
    %dma_wait3A_38 = arith.constant 0 : i32
    %dma_wait3A_39 = tpu.memref_slice %arg2[%dma_wait3A_37, %dma_wait3A_38] : memref<64000x128xf32, #tpu.memory_space<hbm>> -> memref<128x128xf32, #tpu.memory_space<hbm>>
    %dma_wait3A_40 = arith.constant 0 : i32
    %dma_wait3A_41 = arith.constant 0 : i32
    %dma_wait3A_42 = tpu.memref_slice %arg2[%dma_wait3A_40, %dma_wait3A_41] : memref<64000x128xf32, #tpu.memory_space<hbm>> -> memref<128x128xf32, #tpu.memory_space<hbm>>
    tpu.wait_dma2 semaphore(%arg13 : memref<!tpu.dma_semaphore, #tpu.memory_space<semaphore_mem>>) src(%dma_wait3A_42 : memref<128x128xf32, #tpu.memory_space<hbm>>) dst(%arg7 : memref<128x128xf32, #tpu.memory_space<vmem>>)
    "tpu.region"() ({
      %run_scoped3A = tpu.sem_alloc : memref<!tpu.dma_semaphore, #tpu.memory_space<semaphore_mem>>
      %dma_start3A_60 = arith.constant 0 : i32
      %dma_start3A_61 = arith.constant 0 : i32
      %dma_start3A_62 = tpu.memref_slice %arg5[%dma_start3A_60, %dma_start3A_61] : memref<10240x128xf32, #tpu.memory_space<vmem_shared>> -> memref<10240x128xf32, #tpu.memory_space<vmem_shared>>
      tpu.enqueue_indirect_dma source(%arg7 : memref<128x128xf32, #tpu.memory_space<vmem>>) target(%dma_start3A_62 : memref<10240x128xf32, #tpu.memory_space<vmem_shared>>) offsets(%arg6 : memref<128xi32, #tpu.memory_space<vmem>>) semaphore(%run_scoped3A : memref<!tpu.dma_semaphore, #tpu.memory_space<semaphore_mem>>) {add = true}
      %dma_wait3A_63 = arith.constant 0 : i32
      %dma_wait3A_64 = arith.constant 0 : i32
      %dma_wait3A_65 = tpu.memref_slice %arg5[%dma_wait3A_63, %dma_wait3A_64] : memref<10240x128xf32, #tpu.memory_space<vmem_shared>> -> memref<10240x128xf32, #tpu.memory_space<vmem_shared>>
      tpu.wait_indirect_dma semaphore(%run_scoped3A : memref<!tpu.dma_semaphore, #tpu.memory_space<semaphore_mem>>) src(%arg7 : memref<128x128xf32, #tpu.memory_space<vmem>>) dst(%dma_wait3A_65 : memref<10240x128xf32, #tpu.memory_space<vmem_shared>>)
      tpu.yield
    }) : () -> ()
    %add3A_43 = arith.constant 1920 : i32
    %add3A_44 = arith.addi %mul3A_2, %add3A_43 : i32
    %add3A_45 = arith.constant 0 : i32
    %add3A_46 = arith.addi %add3A_45, %add3A_44 : i32
    %dma_start3A_47 = tpu.memref_slice %arg3[%add3A_46] : memref<320000xi32, #tpu.memory_space<hbm>> -> memref<80xi32, #tpu.memory_space<hbm>>
    %dma_start3A_48 = tpu.memref_slice %arg3[%add3A_46] : memref<320000xi32, #tpu.memory_space<hbm>> -> memref<80xi32, #tpu.memory_space<hbm>>
    tpu.enqueue_dma source(%dma_start3A_48 : memref<80xi32, #tpu.memory_space<hbm>>) target(%arg10 : memref<80xi32, #tpu.memory_space<vmem>>) target_semaphore(%arg14 : memref<!tpu.dma_semaphore, #tpu.memory_space<semaphore_mem>>)
    %dma_start3A_49 = arith.constant 0 : i32
    %dma_start3A_50 = tpu.memref_slice %arg2[%add3A_44, %dma_start3A_49] : memref<64000x128xf32, #tpu.memory_space<hbm>> -> memref<80x128xf32, #tpu.memory_space<hbm>>
    %dma_start3A_51 = arith.constant 0 : i32
    %dma_start3A_52 = tpu.memref_slice %arg2[%add3A_44, %dma_start3A_51] : memref<64000x128xf32, #tpu.memory_space<hbm>> -> memref<80x128xf32, #tpu.memory_space<hbm>>
    tpu.enqueue_dma source(%dma_start3A_52 : memref<80x128xf32, #tpu.memory_space<hbm>>) target(%arg11 : memref<80x128xf32, #tpu.memory_space<vmem>>) target_semaphore(%arg15 : memref<!tpu.dma_semaphore, #tpu.memory_space<semaphore_mem>>)
    %dma_wait3A_53 = tpu.memref_slice %arg3[%add3A_46] : memref<320000xi32, #tpu.memory_space<hbm>> -> memref<80xi32, #tpu.memory_space<hbm>>
    %dma_wait3A_54 = tpu.memref_slice %arg3[%add3A_46] : memref<320000xi32, #tpu.memory_space<hbm>> -> memref<80xi32, #tpu.memory_space<hbm>>
    tpu.wait_dma2 semaphore(%arg14 : memref<!tpu.dma_semaphore, #tpu.memory_space<semaphore_mem>>) src(%dma_wait3A_54 : memref<80xi32, #tpu.memory_space<hbm>>) dst(%arg10 : memref<80xi32, #tpu.memory_space<vmem>>)
    %dma_wait3A_55 = arith.constant 0 : i32
    %dma_wait3A_56 = tpu.memref_slice %arg2[%add3A_44, %dma_wait3A_55] : memref<64000x128xf32, #tpu.memory_space<hbm>> -> memref<80x128xf32, #tpu.memory_space<hbm>>
    %dma_wait3A_57 = arith.constant 0 : i32
    %dma_wait3A_58 = tpu.memref_slice %arg2[%add3A_44, %dma_wait3A_57] : memref<64000x128xf32, #tpu.memory_space<hbm>> -> memref<80x128xf32, #tpu.memory_space<hbm>>
    tpu.wait_dma2 semaphore(%arg15 : memref<!tpu.dma_semaphore, #tpu.memory_space<semaphore_mem>>) src(%dma_wait3A_58 : memref<80x128xf32, #tpu.memory_space<hbm>>) dst(%arg11 : memref<80x128xf32, #tpu.memory_space<vmem>>)
    "tpu.region"() ({
      %run_scoped3A = tpu.sem_alloc : memref<!tpu.dma_semaphore, #tpu.memory_space<semaphore_mem>>
      %dma_start3A_60 = arith.constant 0 : i32
      %dma_start3A_61 = arith.constant 0 : i32
      %dma_start3A_62 = tpu.memref_slice %arg5[%dma_start3A_60, %dma_start3A_61] : memref<10240x128xf32, #tpu.memory_space<vmem_shared>> -> memref<10240x128xf32, #tpu.memory_space<vmem_shared>>
      tpu.enqueue_indirect_dma source(%arg11 : memref<80x128xf32, #tpu.memory_space<vmem>>) target(%dma_start3A_62 : memref<10240x128xf32, #tpu.memory_space<vmem_shared>>) offsets(%arg10 : memref<80xi32, #tpu.memory_space<vmem>>) semaphore(%run_scoped3A : memref<!tpu.dma_semaphore, #tpu.memory_space<semaphore_mem>>) {add = true}
      %dma_wait3A_63 = arith.constant 0 : i32
      %dma_wait3A_64 = arith.constant 0 : i32
      %dma_wait3A_65 = tpu.memref_slice %arg5[%dma_wait3A_63, %dma_wait3A_64] : memref<10240x128xf32, #tpu.memory_space<vmem_shared>> -> memref<10240x128xf32, #tpu.memory_space<vmem_shared>>
      tpu.wait_indirect_dma semaphore(%run_scoped3A : memref<!tpu.dma_semaphore, #tpu.memory_space<semaphore_mem>>) src(%arg11 : memref<80x128xf32, #tpu.memory_space<vmem>>) dst(%dma_wait3A_65 : memref<10240x128xf32, #tpu.memory_space<vmem_shared>>)
      tpu.yield
    }) : () -> ()
    %barrier3A_59 = arith.constant 0 : index
    tpu.barrier barrier_id(%barrier3A_59)
    "tpu.region"() ({
      %run_scoped3A = tpu.sem_alloc : memref<!tpu.dma_semaphore, #tpu.memory_space<semaphore_mem>>
      %dma_start3A_60 = arith.constant 0 : i32
      %dma_start3A_61 = tpu.memref_slice %arg4[%arg0, %mul3A_4, %dma_start3A_60] : memref<2x10240x128xf32, #tpu.memory_space<hbm>> -> memref<1x640x128xf32, #tpu.memory_space<hbm>>
      %dma_start3A_62 = tpu.memref_squeeze %dma_start3A_61 : memref<1x640x128xf32, #tpu.memory_space<hbm>> -> memref<640x128xf32, #tpu.memory_space<hbm>>
      %dma_start3A_63 = arith.constant 0 : i32
      %dma_start3A_64 = tpu.memref_slice %arg5[%mul3A_4, %dma_start3A_63] : memref<10240x128xf32, #tpu.memory_space<vmem_shared>> -> memref<640x128xf32, #tpu.memory_space<vmem_shared>>
      tpu.enqueue_dma source(%dma_start3A_64 : memref<640x128xf32, #tpu.memory_space<vmem_shared>>) target(%dma_start3A_62 : memref<640x128xf32, #tpu.memory_space<hbm>>) target_semaphore(%run_scoped3A : memref<!tpu.dma_semaphore, #tpu.memory_space<semaphore_mem>>)
      %dma_wait3A_65 = arith.constant 0 : i32
      %dma_wait3A_66 = tpu.memref_slice %arg4[%arg0, %mul3A_4, %dma_wait3A_65] : memref<2x10240x128xf32, #tpu.memory_space<hbm>> -> memref<1x640x128xf32, #tpu.memory_space<hbm>>
      %dma_wait3A_67 = tpu.memref_squeeze %dma_wait3A_66 : memref<1x640x128xf32, #tpu.memory_space<hbm>> -> memref<640x128xf32, #tpu.memory_space<hbm>>
      %dma_wait3A_68 = arith.constant 0 : i32
      %dma_wait3A_69 = tpu.memref_slice %arg5[%mul3A_4, %dma_wait3A_68] : memref<10240x128xf32, #tpu.memory_space<vmem_shared>> -> memref<640x128xf32, #tpu.memory_space<vmem_shared>>
      tpu.wait_dma2 semaphore(%run_scoped3A : memref<!tpu.dma_semaphore, #tpu.memory_space<semaphore_mem>>) src(%dma_wait3A_69 : memref<640x128xf32, #tpu.memory_space<vmem_shared>>) dst(%dma_wait3A_67 : memref<640x128xf32, #tpu.memory_space<hbm>>)
      tpu.yield
    }) : () -> ()
    return
  }
}

#map = affine_map<(d0, d1) -> (0, 0)>
#map1 = affine_map<(d0, d1) -> (0)>
#map2 = affine_map<(d0, d1) -> (0, 0, 0)>
module attributes {stable_mosaic.version = 14 : i64} {
  func.func @_scatter_body(%arg0: i32, %arg1: i32, %arg2: memref<64000x128xf32, #tpu.memory_space<hbm>>, %arg3: memref<320000xi32, #tpu.memory_space<hbm>>, %arg4: memref<2x10240x128xf32, #tpu.memory_space<hbm>>, %arg5: memref<10240x128xf32, #tpu.memory_space<vmem_shared>>, %arg6: memref<128xi32, #tpu.memory_space<vmem>>, %arg7: memref<128x128xf32, #tpu.memory_space<vmem>>, %arg8: memref<128xi32, #tpu.memory_space<vmem>>, %arg9: memref<128x128xf32, #tpu.memory_space<vmem>>, %arg10: memref<80xi32, #tpu.memory_space<vmem>>, %arg11: memref<80x128xf32, #tpu.memory_space<vmem>>, %arg12: memref<!tpu.dma_semaphore, #tpu.memory_space<semaphore_mem>>, %arg13: memref<!tpu.dma_semaphore, #tpu.memory_space<semaphore_mem>>, %arg14: memref<!tpu.dma_semaphore, #tpu.memory_space<semaphore_mem>>, %arg15: memref<!tpu.dma_semaphore, #tpu.memory_space<semaphore_mem>>) attributes {dimension_semantics = [#tpu.dimension_semantics<core_parallel>, #tpu.dimension_semantics<subcore_parallel>], iteration_bounds = array<i64: 2, 16>, scalar_prefetch = 0 : i64, scratch_operands = 11 : i64, tpu.core_type = #tpu.core_type<sc_vector_subcore>, window_params = [{transform_indices = #map}, {transform_indices = #map1}, {transform_indices = #map2}]} {
    %mul3A = arith.constant 16 : i32
    %mul3A_0 = arith.muli %arg0, %mul3A : i32
    %add3A = arith.addi %mul3A_0, %arg1 : i32
    %mul3A_1 = arith.constant 2000 : i32
    %mul3A_2 = arith.muli %add3A, %mul3A_1 : i32
    %mul3A_3 = arith.constant 640 : i32
    %mul3A_4 = arith.muli %arg1, %mul3A_3 : i32
    %add3A_5 = arith.constant 0 : i32
    %add3A_6 = arith.addi %mul3A_2, %add3A_5 : i32
    %add3A_7 = arith.constant 192000 : i32
    %add3A_8 = arith.addi %add3A_7, %add3A_6 : i32
    %dma_start3A = tpu.memref_slice %arg3[%add3A_8] : memref<320000xi32, #tpu.memory_space<hbm>> -> memref<128xi32, #tpu.memory_space<hbm>>
    %dma_start3A_9 = tpu.memref_slice %arg3[%add3A_8] : memref<320000xi32, #tpu.memory_space<hbm>> -> memref<128xi32, #tpu.memory_space<hbm>>
    tpu.enqueue_dma source(%dma_start3A_9 : memref<128xi32, #tpu.memory_space<hbm>>) target(%arg6 : memref<128xi32, #tpu.memory_space<vmem>>) target_semaphore(%arg12 : memref<!tpu.dma_semaphore, #tpu.memory_space<semaphore_mem>>)
    %dma_start3A_10 = arith.constant 0 : i32
    %dma_start3A_11 = tpu.memref_slice %arg2[%add3A_6, %dma_start3A_10] : memref<64000x128xf32, #tpu.memory_space<hbm>> -> memref<128x128xf32, #tpu.memory_space<hbm>>
    %dma_start3A_12 = arith.constant 0 : i32
    %dma_start3A_13 = tpu.memref_slice %arg2[%add3A_6, %dma_start3A_12] : memref<64000x128xf32, #tpu.memory_space<hbm>> -> memref<128x128xf32, #tpu.memory_space<hbm>>
    tpu.enqueue_dma source(%dma_start3A_13 : memref<128x128xf32, #tpu.memory_space<hbm>>) target(%arg7 : memref<128x128xf32, #tpu.memory_space<vmem>>) target_semaphore(%arg13 : memref<!tpu.dma_semaphore, #tpu.memory_space<semaphore_mem>>)
    %broadcast_in_dim3A = arith.constant 0.000000e+00 : f32
    %broadcast_in_dim3A_14 = vector.broadcast %broadcast_in_dim3A : f32 to vector<16xf32>
    %scan3A = arith.constant 0 : i32
    %scan3A_15 = arith.constant 128 : i32
    %scan3A_16 = arith.addi %scan3A, %scan3A_15 : i32
    %scan3A_17 = arith.constant 1 : i32
    scf.for %scan3A_60 = %scan3A to %scan3A_16 step %scan3A_17  : i32 {
      %mul3A_61 = arith.constant 1 : i32
      %mul3A_62 = arith.muli %scan3A_60, %mul3A_61 : i32
      %add3A_63 = arith.constant 0 : i32
      %add3A_64 = arith.addi %add3A_63, %mul3A_62 : i32
      %swap3A = arith.index_cast %add3A_64 : i32 to index
      %swap3A_65 = arith.constant 0 : index
      %swap3A_66 = tpu.vector_load %arg9[%swap3A, %swap3A_65] {strides = array<i32>} : memref<128x128xf32, #tpu.memory_space<vmem>>, vector<1x16xf32>,
      %swap3A_67 = vector.shape_cast %swap3A_66 : vector<1x16xf32> to vector<16xf32>
      %swap3A_68 = vector.shape_cast %broadcast_in_dim3A_14 : vector<16xf32> to vector<1x16xf32>
      tpu.vector_store %arg9[%swap3A, %swap3A_65], %swap3A_68 {strides = array<i32>} : memref<128x128xf32, #tpu.memory_space<vmem>>, vector<1x16xf32>,
      %swap3A_69 = arith.index_cast %add3A_64 : i32 to index
      %swap3A_70 = arith.constant 16 : index
      %swap3A_71 = tpu.vector_load %arg9[%swap3A_69, %swap3A_70] {strides = array<i32>} : memref<128x128xf32, #tpu.memory_space<vmem>>, vector<1x16xf32>,
      %swap3A_72 = vector.shape_cast %swap3A_71 : vector<1x16xf32> to vector<16xf32>
      %swap3A_73 = vector.shape_cast %broadcast_in_dim3A_14 : vector<16xf32> to vector<1x16xf32>
      tpu.vector_store %arg9[%swap3A_69, %swap3A_70], %swap3A_73 {strides = array<i32>} : memref<128x128xf32, #tpu.memory_space<vmem>>, vector<1x16xf32>,
      %swap3A_74 = arith.index_cast %add3A_64 : i32 to index
      %swap3A_75 = arith.constant 32 : index
      %swap3A_76 = tpu.vector_load %arg9[%swap3A_74, %swap3A_75] {strides = array<i32>} : memref<128x128xf32, #tpu.memory_space<vmem>>, vector<1x16xf32>,
      %swap3A_77 = vector.shape_cast %swap3A_76 : vector<1x16xf32> to vector<16xf32>
      %swap3A_78 = vector.shape_cast %broadcast_in_dim3A_14 : vector<16xf32> to vector<1x16xf32>
      tpu.vector_store %arg9[%swap3A_74, %swap3A_75], %swap3A_78 {strides = array<i32>} : memref<128x128xf32, #tpu.memory_space<vmem>>, vector<1x16xf32>,
      %swap3A_79 = arith.index_cast %add3A_64 : i32 to index
      %swap3A_80 = arith.constant 48 : index
      %swap3A_81 = tpu.vector_load %arg9[%swap3A_79, %swap3A_80] {strides = array<i32>} : memref<128x128xf32, #tpu.memory_space<vmem>>, vector<1x16xf32>,
      %swap3A_82 = vector.shape_cast %swap3A_81 : vector<1x16xf32> to vector<16xf32>
      %swap3A_83 = vector.shape_cast %broadcast_in_dim3A_14 : vector<16xf32> to vector<1x16xf32>
      tpu.vector_store %arg9[%swap3A_79, %swap3A_80], %swap3A_83 {strides = array<i32>} : memref<128x128xf32, #tpu.memory_space<vmem>>, vector<1x16xf32>,
      %swap3A_84 = arith.index_cast %add3A_64 : i32 to index
      %swap3A_85 = arith.constant 64 : index
      %swap3A_86 = tpu.vector_load %arg9[%swap3A_84, %swap3A_85] {strides = array<i32>} : memref<128x128xf32, #tpu.memory_space<vmem>>, vector<1x16xf32>,
      %swap3A_87 = vector.shape_cast %swap3A_86 : vector<1x16xf32> to vector<16xf32>
      %swap3A_88 = vector.shape_cast %broadcast_in_dim3A_14 : vector<16xf32> to vector<1x16xf32>
      tpu.vector_store %arg9[%swap3A_84, %swap3A_85], %swap3A_88 {strides = array<i32>} : memref<128x128xf32, #tpu.memory_space<vmem>>, vector<1x16xf32>,
      %swap3A_89 = arith.index_cast %add3A_64 : i32 to index
      %swap3A_90 = arith.constant 80 : index
      %swap3A_91 = tpu.vector_load %arg9[%swap3A_89, %swap3A_90] {strides = array<i32>} : memref<128x128xf32, #tpu.memory_space<vmem>>, vector<1x16xf32>,
      %swap3A_92 = vector.shape_cast %swap3A_91 : vector<1x16xf32> to vector<16xf32>
      %swap3A_93 = vector.shape_cast %broadcast_in_dim3A_14 : vector<16xf32> to vector<1x16xf32>
      tpu.vector_store %arg9[%swap3A_89, %swap3A_90], %swap3A_93 {strides = array<i32>} : memref<128x128xf32, #tpu.memory_space<vmem>>, vector<1x16xf32>,
      %swap3A_94 = arith.index_cast %add3A_64 : i32 to index
      %swap3A_95 = arith.constant 96 : index
      %swap3A_96 = tpu.vector_load %arg9[%swap3A_94, %swap3A_95] {strides = array<i32>} : memref<128x128xf32, #tpu.memory_space<vmem>>, vector<1x16xf32>,
      %swap3A_97 = vector.shape_cast %swap3A_96 : vector<1x16xf32> to vector<16xf32>
      %swap3A_98 = vector.shape_cast %broadcast_in_dim3A_14 : vector<16xf32> to vector<1x16xf32>
      tpu.vector_store %arg9[%swap3A_94, %swap3A_95], %swap3A_98 {strides = array<i32>} : memref<128x128xf32, #tpu.memory_space<vmem>>, vector<1x16xf32>,
      %swap3A_99 = arith.index_cast %add3A_64 : i32 to index
      %swap3A_100 = arith.constant 112 : index
      %swap3A_101 = tpu.vector_load %arg9[%swap3A_99, %swap3A_100] {strides = array<i32>} : memref<128x128xf32, #tpu.memory_space<vmem>>, vector<1x16xf32>,
      %swap3A_102 = vector.shape_cast %swap3A_101 : vector<1x16xf32> to vector<16xf32>
      %swap3A_103 = vector.shape_cast %broadcast_in_dim3A_14 : vector<16xf32> to vector<1x16xf32>
      tpu.vector_store %arg9[%swap3A_99, %swap3A_100], %swap3A_103 {strides = array<i32>} : memref<128x128xf32, #tpu.memory_space<vmem>>, vector<1x16xf32>,
    }
    %scan3A_18 = arith.constant 128 : i32
    %add3A_19 = arith.constant 0 : i32
    %add3A_20 = arith.addi %mul3A_4, %add3A_19 : i32
    "tpu.region"() ({
      %run_scoped3A = tpu.sem_alloc : memref<!tpu.dma_semaphore, #tpu.memory_space<semaphore_mem>>
      %dma_start3A_60 = arith.constant 0 : i32
      %dma_start3A_61 = tpu.memref_slice %arg5[%add3A_20, %dma_start3A_60] : memref<10240x128xf32, #tpu.memory_space<vmem_shared>> -> memref<128x128xf32, #tpu.memory_space<vmem_shared>>
      %dma_start3A_62 = arith.constant 0 : i32
      %dma_start3A_63 = tpu.memref_slice %arg5[%add3A_20, %dma_start3A_62] : memref<10240x128xf32, #tpu.memory_space<vmem_shared>> -> memref<128x128xf32, #tpu.memory_space<vmem_shared>>
      tpu.enqueue_dma source(%arg9 : memref<128x128xf32, #tpu.memory_space<vmem>>) target(%dma_start3A_63 : memref<128x128xf32, #tpu.memory_space<vmem_shared>>) target_semaphore(%run_scoped3A : memref<!tpu.dma_semaphore, #tpu.memory_space<semaphore_mem>>)
      %dma_wait3A_64 = arith.constant 0 : i32
      %dma_wait3A_65 = tpu.memref_slice %arg5[%add3A_20, %dma_wait3A_64] : memref<10240x128xf32, #tpu.memory_space<vmem_shared>> -> memref<128x128xf32, #tpu.memory_space<vmem_shared>>
      %dma_wait3A_66 = arith.constant 0 : i32
      %dma_wait3A_67 = tpu.memref_slice %arg5[%add3A_20, %dma_wait3A_66] : memref<10240x128xf32, #tpu.memory_space<vmem_shared>> -> memref<128x128xf32, #tpu.memory_space<vmem_shared>>
      tpu.wait_dma2 semaphore(%run_scoped3A : memref<!tpu.dma_semaphore, #tpu.memory_space<semaphore_mem>>) src(%arg9 : memref<128x128xf32, #tpu.memory_space<vmem>>) dst(%dma_wait3A_67 : memref<128x128xf32, #tpu.memory_space<vmem_shared>>)
      tpu.yield
    }) : () -> ()
    %add3A_21 = arith.constant 128 : i32
    %add3A_22 = arith.addi %mul3A_4, %add3A_21 : i32
    "tpu.region"() ({
      %run_scoped3A = tpu.sem_alloc : memref<!tpu.dma_semaphore, #tpu.memory_space<semaphore_mem>>
      %dma_start3A_60 = arith.constant 0 : i32
      %dma_start3A_61 = tpu.memref_slice %arg5[%add3A_22, %dma_start3A_60] : memref<10240x128xf32, #tpu.memory_space<vmem_shared>> -> memref<128x128xf32, #tpu.memory_space<vmem_shared>>
      %dma_start3A_62 = arith.constant 0 : i32
      %dma_start3A_63 = tpu.memref_slice %arg5[%add3A_22, %dma_start3A_62] : memref<10240x128xf32, #tpu.memory_space<vmem_shared>> -> memref<128x128xf32, #tpu.memory_space<vmem_shared>>
      tpu.enqueue_dma source(%arg9 : memref<128x128xf32, #tpu.memory_space<vmem>>) target(%dma_start3A_63 : memref<128x128xf32, #tpu.memory_space<vmem_shared>>) target_semaphore(%run_scoped3A : memref<!tpu.dma_semaphore, #tpu.memory_space<semaphore_mem>>)
      %dma_wait3A_64 = arith.constant 0 : i32
      %dma_wait3A_65 = tpu.memref_slice %arg5[%add3A_22, %dma_wait3A_64] : memref<10240x128xf32, #tpu.memory_space<vmem_shared>> -> memref<128x128xf32, #tpu.memory_space<vmem_shared>>
      %dma_wait3A_66 = arith.constant 0 : i32
      %dma_wait3A_67 = tpu.memref_slice %arg5[%add3A_22, %dma_wait3A_66] : memref<10240x128xf32, #tpu.memory_space<vmem_shared>> -> memref<128x128xf32, #tpu.memory_space<vmem_shared>>
      tpu.wait_dma2 semaphore(%run_scoped3A : memref<!tpu.dma_semaphore, #tpu.memory_space<semaphore_mem>>) src(%arg9 : memref<128x128xf32, #tpu.memory_space<vmem>>) dst(%dma_wait3A_67 : memref<128x128xf32, #tpu.memory_space<vmem_shared>>)
      tpu.yield
    }) : () -> ()
    %add3A_23 = arith.constant 256 : i32
    %add3A_24 = arith.addi %mul3A_4, %add3A_23 : i32
    "tpu.region"() ({
      %run_scoped3A = tpu.sem_alloc : memref<!tpu.dma_semaphore, #tpu.memory_space<semaphore_mem>>
      %dma_start3A_60 = arith.constant 0 : i32
      %dma_start3A_61 = tpu.memref_slice %arg5[%add3A_24, %dma_start3A_60] : memref<10240x128xf32, #tpu.memory_space<vmem_shared>> -> memref<128x128xf32, #tpu.memory_space<vmem_shared>>
      %dma_start3A_62 = arith.constant 0 : i32
      %dma_start3A_63 = tpu.memref_slice %arg5[%add3A_24, %dma_start3A_62] : memref<10240x128xf32, #tpu.memory_space<vmem_shared>> -> memref<128x128xf32, #tpu.memory_space<vmem_shared>>
      tpu.enqueue_dma source(%arg9 : memref<128x128xf32, #tpu.memory_space<vmem>>) target(%dma_start3A_63 : memref<128x128xf32, #tpu.memory_space<vmem_shared>>) target_semaphore(%run_scoped3A : memref<!tpu.dma_semaphore, #tpu.memory_space<semaphore_mem>>)
      %dma_wait3A_64 = arith.constant 0 : i32
      %dma_wait3A_65 = tpu.memref_slice %arg5[%add3A_24, %dma_wait3A_64] : memref<10240x128xf32, #tpu.memory_space<vmem_shared>> -> memref<128x128xf32, #tpu.memory_space<vmem_shared>>
      %dma_wait3A_66 = arith.constant 0 : i32
      %dma_wait3A_67 = tpu.memref_slice %arg5[%add3A_24, %dma_wait3A_66] : memref<10240x128xf32, #tpu.memory_space<vmem_shared>> -> memref<128x128xf32, #tpu.memory_space<vmem_shared>>
      tpu.wait_dma2 semaphore(%run_scoped3A : memref<!tpu.dma_semaphore, #tpu.memory_space<semaphore_mem>>) src(%arg9 : memref<128x128xf32, #tpu.memory_space<vmem>>) dst(%dma_wait3A_67 : memref<128x128xf32, #tpu.memory_space<vmem_shared>>)
      tpu.yield
    }) : () -> ()
    %add3A_25 = arith.constant 384 : i32
    %add3A_26 = arith.addi %mul3A_4, %add3A_25 : i32
    "tpu.region"() ({
      %run_scoped3A = tpu.sem_alloc : memref<!tpu.dma_semaphore, #tpu.memory_space<semaphore_mem>>
      %dma_start3A_60 = arith.constant 0 : i32
      %dma_start3A_61 = tpu.memref_slice %arg5[%add3A_26, %dma_start3A_60] : memref<10240x128xf32, #tpu.memory_space<vmem_shared>> -> memref<128x128xf32, #tpu.memory_space<vmem_shared>>
      %dma_start3A_62 = arith.constant 0 : i32
      %dma_start3A_63 = tpu.memref_slice %arg5[%add3A_26, %dma_start3A_62] : memref<10240x128xf32, #tpu.memory_space<vmem_shared>> -> memref<128x128xf32, #tpu.memory_space<vmem_shared>>
      tpu.enqueue_dma source(%arg9 : memref<128x128xf32, #tpu.memory_space<vmem>>) target(%dma_start3A_63 : memref<128x128xf32, #tpu.memory_space<vmem_shared>>) target_semaphore(%run_scoped3A : memref<!tpu.dma_semaphore, #tpu.memory_space<semaphore_mem>>)
      %dma_wait3A_64 = arith.constant 0 : i32
      %dma_wait3A_65 = tpu.memref_slice %arg5[%add3A_26, %dma_wait3A_64] : memref<10240x128xf32, #tpu.memory_space<vmem_shared>> -> memref<128x128xf32, #tpu.memory_space<vmem_shared>>
      %dma_wait3A_66 = arith.constant 0 : i32
      %dma_wait3A_67 = tpu.memref_slice %arg5[%add3A_26, %dma_wait3A_66] : memref<10240x128xf32, #tpu.memory_space<vmem_shared>> -> memref<128x128xf32, #tpu.memory_space<vmem_shared>>
      tpu.wait_dma2 semaphore(%run_scoped3A : memref<!tpu.dma_semaphore, #tpu.memory_space<semaphore_mem>>) src(%arg9 : memref<128x128xf32, #tpu.memory_space<vmem>>) dst(%dma_wait3A_67 : memref<128x128xf32, #tpu.memory_space<vmem_shared>>)
      tpu.yield
    }) : () -> ()
    %add3A_27 = arith.constant 512 : i32
    %add3A_28 = arith.addi %mul3A_4, %add3A_27 : i32
    "tpu.region"() ({
      %run_scoped3A = tpu.sem_alloc : memref<!tpu.dma_semaphore, #tpu.memory_space<semaphore_mem>>
      %dma_start3A_60 = arith.constant 0 : i32
      %dma_start3A_61 = tpu.memref_slice %arg5[%add3A_28, %dma_start3A_60] : memref<10240x128xf32, #tpu.memory_space<vmem_shared>> -> memref<128x128xf32, #tpu.memory_space<vmem_shared>>
      %dma_start3A_62 = arith.constant 0 : i32
      %dma_start3A_63 = tpu.memref_slice %arg5[%add3A_28, %dma_start3A_62] : memref<10240x128xf32, #tpu.memory_space<vmem_shared>> -> memref<128x128xf32, #tpu.memory_space<vmem_shared>>
      tpu.enqueue_dma source(%arg9 : memref<128x128xf32, #tpu.memory_space<vmem>>) target(%dma_start3A_63 : memref<128x128xf32, #tpu.memory_space<vmem_shared>>) target_semaphore(%run_scoped3A : memref<!tpu.dma_semaphore, #tpu.memory_space<semaphore_mem>>)
      %dma_wait3A_64 = arith.constant 0 : i32
      %dma_wait3A_65 = tpu.memref_slice %arg5[%add3A_28, %dma_wait3A_64] : memref<10240x128xf32, #tpu.memory_space<vmem_shared>> -> memref<128x128xf32, #tpu.memory_space<vmem_shared>>
      %dma_wait3A_66 = arith.constant 0 : i32
      %dma_wait3A_67 = tpu.memref_slice %arg5[%add3A_28, %dma_wait3A_66] : memref<10240x128xf32, #tpu.memory_space<vmem_shared>> -> memref<128x128xf32, #tpu.memory_space<vmem_shared>>
      tpu.wait_dma2 semaphore(%run_scoped3A : memref<!tpu.dma_semaphore, #tpu.memory_space<semaphore_mem>>) src(%arg9 : memref<128x128xf32, #tpu.memory_space<vmem>>) dst(%dma_wait3A_67 : memref<128x128xf32, #tpu.memory_space<vmem_shared>>)
      tpu.yield
    }) : () -> ()
    %barrier3A = arith.constant 0 : index
    tpu.barrier barrier_id(%barrier3A)
    %scan3A_29 = arith.constant 0 : i32
    %scan3A_30 = arith.constant 7 : i32
    %scan3A_31 = arith.addi %scan3A_29, %scan3A_30 : i32
    %scan3A_32 = arith.constant 1 : i32
    scf.for %scan3A_60 = %scan3A_29 to %scan3A_31 step %scan3A_32  : i32 {
      %mul3A_61 = arith.constant 2 : i32
      %mul3A_62 = arith.muli %scan3A_60, %mul3A_61 : i32
      %add3A_63 = arith.constant 0 : i32
      %add3A_64 = arith.addi %add3A_63, %mul3A_62 : i32
      %add3A_65 = arith.constant 1 : i32
      %add3A_66 = arith.addi %add3A_64, %add3A_65 : i32
      %mul3A_67 = arith.constant 128 : i32
      %mul3A_68 = arith.muli %add3A_66, %mul3A_67 : i32
      %add3A_69 = arith.addi %mul3A_2, %mul3A_68 : i32
      %add3A_70 = arith.constant 192000 : i32
      %add3A_71 = arith.addi %add3A_70, %add3A_69 : i32
      %dma_start3A_72 = tpu.memref_slice %arg3[%add3A_71] : memref<320000xi32, #tpu.memory_space<hbm>> -> memref<128xi32, #tpu.memory_space<hbm>>
      %dma_start3A_73 = tpu.memref_slice %arg3[%add3A_71] : memref<320000xi32, #tpu.memory_space<hbm>> -> memref<128xi32, #tpu.memory_space<hbm>>
      tpu.enqueue_dma source(%dma_start3A_73 : memref<128xi32, #tpu.memory_space<hbm>>) target(%arg8 : memref<128xi32, #tpu.memory_space<vmem>>) target_semaphore(%arg14 : memref<!tpu.dma_semaphore, #tpu.memory_space<semaphore_mem>>)
      %dma_start3A_74 = arith.constant 0 : i32
      %dma_start3A_75 = tpu.memref_slice %arg2[%add3A_69, %dma_start3A_74] : memref<64000x128xf32, #tpu.memory_space<hbm>> -> memref<128x128xf32, #tpu.memory_space<hbm>>
      %dma_start3A_76 = arith.constant 0 : i32
      %dma_start3A_77 = tpu.memref_slice %arg2[%add3A_69, %dma_start3A_76] : memref<64000x128xf32, #tpu.memory_space<hbm>> -> memref<128x128xf32, #tpu.memory_space<hbm>>
      tpu.enqueue_dma source(%dma_start3A_77 : memref<128x128xf32, #tpu.memory_space<hbm>>) target(%arg9 : memref<128x128xf32, #tpu.memory_space<vmem>>) target_semaphore(%arg15 : memref<!tpu.dma_semaphore, #tpu.memory_space<semaphore_mem>>)
      %dma_wait3A_78 = arith.constant 0 : i32
      %dma_wait3A_79 = tpu.memref_slice %arg3[%dma_wait3A_78] : memref<320000xi32, #tpu.memory_space<hbm>> -> memref<128xi32, #tpu.memory_space<hbm>>
      %dma_wait3A_80 = arith.constant 0 : i32
      %dma_wait3A_81 = tpu.memref_slice %arg3[%dma_wait3A_80] : memref<320000xi32, #tpu.memory_space<hbm>> -> memref<128xi32, #tpu.memory_space<hbm>>
      tpu.wait_dma2 semaphore(%arg12 : memref<!tpu.dma_semaphore, #tpu.memory_space<semaphore_mem>>) src(%dma_wait3A_81 : memref<128xi32, #tpu.memory_space<hbm>>) dst(%arg6 : memref<128xi32, #tpu.memory_space<vmem>>)
      %dma_wait3A_82 = arith.constant 0 : i32
      %dma_wait3A_83 = arith.constant 0 : i32
      %dma_wait3A_84 = tpu.memref_slice %arg2[%dma_wait3A_82, %dma_wait3A_83] : memref<64000x128xf32, #tpu.memory_space<hbm>> -> memref<128x128xf32, #tpu.memory_space<hbm>>
      %dma_wait3A_85 = arith.constant 0 : i32
      %dma_wait3A_86 = arith.constant 0 : i32
      %dma_wait3A_87 = tpu.memref_slice %arg2[%dma_wait3A_85, %dma_wait3A_86] : memref<64000x128xf32, #tpu.memory_space<hbm>> -> memref<128x128xf32, #tpu.memory_space<hbm>>
      tpu.wait_dma2 semaphore(%arg13 : memref<!tpu.dma_semaphore, #tpu.memory_space<semaphore_mem>>) src(%dma_wait3A_87 : memref<128x128xf32, #tpu.memory_space<hbm>>) dst(%arg7 : memref<128x128xf32, #tpu.memory_space<vmem>>)
      "tpu.region"() ({
        %run_scoped3A = tpu.sem_alloc : memref<!tpu.dma_semaphore, #tpu.memory_space<semaphore_mem>>
        %dma_start3A_111 = arith.constant 0 : i32
        %dma_start3A_112 = arith.constant 0 : i32
        %dma_start3A_113 = tpu.memref_slice %arg5[%dma_start3A_111, %dma_start3A_112] : memref<10240x128xf32, #tpu.memory_space<vmem_shared>> -> memref<10240x128xf32, #tpu.memory_space<vmem_shared>>
        tpu.enqueue_indirect_dma source(%arg7 : memref<128x128xf32, #tpu.memory_space<vmem>>) target(%dma_start3A_113 : memref<10240x128xf32, #tpu.memory_space<vmem_shared>>) offsets(%arg6 : memref<128xi32, #tpu.memory_space<vmem>>) semaphore(%run_scoped3A : memref<!tpu.dma_semaphore, #tpu.memory_space<semaphore_mem>>) {add = true}
        %dma_wait3A_114 = arith.constant 0 : i32
        %dma_wait3A_115 = arith.constant 0 : i32
        %dma_wait3A_116 = tpu.memref_slice %arg5[%dma_wait3A_114, %dma_wait3A_115] : memref<10240x128xf32, #tpu.memory_space<vmem_shared>> -> memref<10240x128xf32, #tpu.memory_space<vmem_shared>>
        tpu.wait_indirect_dma semaphore(%run_scoped3A : memref<!tpu.dma_semaphore, #tpu.memory_space<semaphore_mem>>) src(%arg7 : memref<128x128xf32, #tpu.memory_space<vmem>>) dst(%dma_wait3A_116 : memref<10240x128xf32, #tpu.memory_space<vmem_shared>>)
        tpu.yield
      }) : () -> ()
      %add3A_88 = arith.constant 2 : i32
      %add3A_89 = arith.addi %add3A_64, %add3A_88 : i32
      %mul3A_90 = arith.constant 128 : i32
      %mul3A_91 = arith.muli %add3A_89, %mul3A_90 : i32
      %add3A_92 = arith.addi %mul3A_2, %mul3A_91 : i32
      %add3A_93 = arith.constant 192000 : i32
      %add3A_94 = arith.addi %add3A_93, %add3A_92 : i32
      %dma_start3A_95 = tpu.memref_slice %arg3[%add3A_94] : memref<320000xi32, #tpu.memory_space<hbm>> -> memref<128xi32, #tpu.memory_space<hbm>>
      %dma_start3A_96 = tpu.memref_slice %arg3[%add3A_94] : memref<320000xi32, #tpu.memory_space<hbm>> -> memref<128xi32, #tpu.memory_space<hbm>>
      tpu.enqueue_dma source(%dma_start3A_96 : memref<128xi32, #tpu.memory_space<hbm>>) target(%arg6 : memref<128xi32, #tpu.memory_space<vmem>>) target_semaphore(%arg12 : memref<!tpu.dma_semaphore, #tpu.memory_space<semaphore_mem>>)
      %dma_start3A_97 = arith.constant 0 : i32
      %dma_start3A_98 = tpu.memref_slice %arg2[%add3A_92, %dma_start3A_97] : memref<64000x128xf32, #tpu.memory_space<hbm>> -> memref<128x128xf32, #tpu.memory_space<hbm>>
      %dma_start3A_99 = arith.constant 0 : i32
      %dma_start3A_100 = tpu.memref_slice %arg2[%add3A_92, %dma_start3A_99] : memref<64000x128xf32, #tpu.memory_space<hbm>> -> memref<128x128xf32, #tpu.memory_space<hbm>>
      tpu.enqueue_dma source(%dma_start3A_100 : memref<128x128xf32, #tpu.memory_space<hbm>>) target(%arg7 : memref<128x128xf32, #tpu.memory_space<vmem>>) target_semaphore(%arg13 : memref<!tpu.dma_semaphore, #tpu.memory_space<semaphore_mem>>)
      %dma_wait3A_101 = arith.constant 0 : i32
      %dma_wait3A_102 = tpu.memref_slice %arg3[%dma_wait3A_101] : memref<320000xi32, #tpu.memory_space<hbm>> -> memref<128xi32, #tpu.memory_space<hbm>>
      %dma_wait3A_103 = arith.constant 0 : i32
      %dma_wait3A_104 = tpu.memref_slice %arg3[%dma_wait3A_103] : memref<320000xi32, #tpu.memory_space<hbm>> -> memref<128xi32, #tpu.memory_space<hbm>>
      tpu.wait_dma2 semaphore(%arg14 : memref<!tpu.dma_semaphore, #tpu.memory_space<semaphore_mem>>) src(%dma_wait3A_104 : memref<128xi32, #tpu.memory_space<hbm>>) dst(%arg8 : memref<128xi32, #tpu.memory_space<vmem>>)
      %dma_wait3A_105 = arith.constant 0 : i32
      %dma_wait3A_106 = arith.constant 0 : i32
      %dma_wait3A_107 = tpu.memref_slice %arg2[%dma_wait3A_105, %dma_wait3A_106] : memref<64000x128xf32, #tpu.memory_space<hbm>> -> memref<128x128xf32, #tpu.memory_space<hbm>>
      %dma_wait3A_108 = arith.constant 0 : i32
      %dma_wait3A_109 = arith.constant 0 : i32
      %dma_wait3A_110 = tpu.memref_slice %arg2[%dma_wait3A_108, %dma_wait3A_109] : memref<64000x128xf32, #tpu.memory_space<hbm>> -> memref<128x128xf32, #tpu.memory_space<hbm>>
      tpu.wait_dma2 semaphore(%arg15 : memref<!tpu.dma_semaphore, #tpu.memory_space<semaphore_mem>>) src(%dma_wait3A_110 : memref<128x128xf32, #tpu.memory_space<hbm>>) dst(%arg9 : memref<128x128xf32, #tpu.memory_space<vmem>>)
      "tpu.region"() ({
        %run_scoped3A = tpu.sem_alloc : memref<!tpu.dma_semaphore, #tpu.memory_space<semaphore_mem>>
        %dma_start3A_111 = arith.constant 0 : i32
        %dma_start3A_112 = arith.constant 0 : i32
        %dma_start3A_113 = tpu.memref_slice %arg5[%dma_start3A_111, %dma_start3A_112] : memref<10240x128xf32, #tpu.memory_space<vmem_shared>> -> memref<10240x128xf32, #tpu.memory_space<vmem_shared>>
        tpu.enqueue_indirect_dma source(%arg9 : memref<128x128xf32, #tpu.memory_space<vmem>>) target(%dma_start3A_113 : memref<10240x128xf32, #tpu.memory_space<vmem_shared>>) offsets(%arg8 : memref<128xi32, #tpu.memory_space<vmem>>) semaphore(%run_scoped3A : memref<!tpu.dma_semaphore, #tpu.memory_space<semaphore_mem>>) {add = true}
        %dma_wait3A_114 = arith.constant 0 : i32
        %dma_wait3A_115 = arith.constant 0 : i32
        %dma_wait3A_116 = tpu.memref_slice %arg5[%dma_wait3A_114, %dma_wait3A_115] : memref<10240x128xf32, #tpu.memory_space<vmem_shared>> -> memref<10240x128xf32, #tpu.memory_space<vmem_shared>>
        tpu.wait_indirect_dma semaphore(%run_scoped3A : memref<!tpu.dma_semaphore, #tpu.memory_space<semaphore_mem>>) src(%arg9 : memref<128x128xf32, #tpu.memory_space<vmem>>) dst(%dma_wait3A_116 : memref<10240x128xf32, #tpu.memory_space<vmem_shared>>)
        tpu.yield
      }) : () -> ()
    }
    %scan3A_33 = arith.constant 7 : i32
    %dma_wait3A = arith.constant 0 : i32
    %dma_wait3A_34 = tpu.memref_slice %arg3[%dma_wait3A] : memref<320000xi32, #tpu.memory_space<hbm>> -> memref<128xi32, #tpu.memory_space<hbm>>
    %dma_wait3A_35 = arith.constant 0 : i32
    %dma_wait3A_36 = tpu.memref_slice %arg3[%dma_wait3A_35] : memref<320000xi32, #tpu.memory_space<hbm>> -> memref<128xi32, #tpu.memory_space<hbm>>
    tpu.wait_dma2 semaphore(%arg12 : memref<!tpu.dma_semaphore, #tpu.memory_space<semaphore_mem>>) src(%dma_wait3A_36 : memref<128xi32, #tpu.memory_space<hbm>>) dst(%arg6 : memref<128xi32, #tpu.memory_space<vmem>>)
    %dma_wait3A_37 = arith.constant 0 : i32
    %dma_wait3A_38 = arith.constant 0 : i32
    %dma_wait3A_39 = tpu.memref_slice %arg2[%dma_wait3A_37, %dma_wait3A_38] : memref<64000x128xf32, #tpu.memory_space<hbm>> -> memref<128x128xf32, #tpu.memory_space<hbm>>
    %dma_wait3A_40 = arith.constant 0 : i32
    %dma_wait3A_41 = arith.constant 0 : i32
    %dma_wait3A_42 = tpu.memref_slice %arg2[%dma_wait3A_40, %dma_wait3A_41] : memref<64000x128xf32, #tpu.memory_space<hbm>> -> memref<128x128xf32, #tpu.memory_space<hbm>>
    tpu.wait_dma2 semaphore(%arg13 : memref<!tpu.dma_semaphore, #tpu.memory_space<semaphore_mem>>) src(%dma_wait3A_42 : memref<128x128xf32, #tpu.memory_space<hbm>>) dst(%arg7 : memref<128x128xf32, #tpu.memory_space<vmem>>)
    "tpu.region"() ({
      %run_scoped3A = tpu.sem_alloc : memref<!tpu.dma_semaphore, #tpu.memory_space<semaphore_mem>>
      %dma_start3A_60 = arith.constant 0 : i32
      %dma_start3A_61 = arith.constant 0 : i32
      %dma_start3A_62 = tpu.memref_slice %arg5[%dma_start3A_60, %dma_start3A_61] : memref<10240x128xf32, #tpu.memory_space<vmem_shared>> -> memref<10240x128xf32, #tpu.memory_space<vmem_shared>>
      tpu.enqueue_indirect_dma source(%arg7 : memref<128x128xf32, #tpu.memory_space<vmem>>) target(%dma_start3A_62 : memref<10240x128xf32, #tpu.memory_space<vmem_shared>>) offsets(%arg6 : memref<128xi32, #tpu.memory_space<vmem>>) semaphore(%run_scoped3A : memref<!tpu.dma_semaphore, #tpu.memory_space<semaphore_mem>>) {add = true}
      %dma_wait3A_63 = arith.constant 0 : i32
      %dma_wait3A_64 = arith.constant 0 : i32
      %dma_wait3A_65 = tpu.memref_slice %arg5[%dma_wait3A_63, %dma_wait3A_64] : memref<10240x128xf32, #tpu.memory_space<vmem_shared>> -> memref<10240x128xf32, #tpu.memory_space<vmem_shared>>
      tpu.wait_indirect_dma semaphore(%run_scoped3A : memref<!tpu.dma_semaphore, #tpu.memory_space<semaphore_mem>>) src(%arg7 : memref<128x128xf32, #tpu.memory_space<vmem>>) dst(%dma_wait3A_65 : memref<10240x128xf32, #tpu.memory_space<vmem_shared>>)
      tpu.yield
    }) : () -> ()
    %add3A_43 = arith.constant 1920 : i32
    %add3A_44 = arith.addi %mul3A_2, %add3A_43 : i32
    %add3A_45 = arith.constant 192000 : i32
    %add3A_46 = arith.addi %add3A_45, %add3A_44 : i32
    %dma_start3A_47 = tpu.memref_slice %arg3[%add3A_46] : memref<320000xi32, #tpu.memory_space<hbm>> -> memref<80xi32, #tpu.memory_space<hbm>>
    %dma_start3A_48 = tpu.memref_slice %arg3[%add3A_46] : memref<320000xi32, #tpu.memory_space<hbm>> -> memref<80xi32, #tpu.memory_space<hbm>>
    tpu.enqueue_dma source(%dma_start3A_48 : memref<80xi32, #tpu.memory_space<hbm>>) target(%arg10 : memref<80xi32, #tpu.memory_space<vmem>>) target_semaphore(%arg14 : memref<!tpu.dma_semaphore, #tpu.memory_space<semaphore_mem>>)
    %dma_start3A_49 = arith.constant 0 : i32
    %dma_start3A_50 = tpu.memref_slice %arg2[%add3A_44, %dma_start3A_49] : memref<64000x128xf32, #tpu.memory_space<hbm>> -> memref<80x128xf32, #tpu.memory_space<hbm>>
    %dma_start3A_51 = arith.constant 0 : i32
    %dma_start3A_52 = tpu.memref_slice %arg2[%add3A_44, %dma_start3A_51] : memref<64000x128xf32, #tpu.memory_space<hbm>> -> memref<80x128xf32, #tpu.memory_space<hbm>>
    tpu.enqueue_dma source(%dma_start3A_52 : memref<80x128xf32, #tpu.memory_space<hbm>>) target(%arg11 : memref<80x128xf32, #tpu.memory_space<vmem>>) target_semaphore(%arg15 : memref<!tpu.dma_semaphore, #tpu.memory_space<semaphore_mem>>)
    %dma_wait3A_53 = tpu.memref_slice %arg3[%add3A_46] : memref<320000xi32, #tpu.memory_space<hbm>> -> memref<80xi32, #tpu.memory_space<hbm>>
    %dma_wait3A_54 = tpu.memref_slice %arg3[%add3A_46] : memref<320000xi32, #tpu.memory_space<hbm>> -> memref<80xi32, #tpu.memory_space<hbm>>
    tpu.wait_dma2 semaphore(%arg14 : memref<!tpu.dma_semaphore, #tpu.memory_space<semaphore_mem>>) src(%dma_wait3A_54 : memref<80xi32, #tpu.memory_space<hbm>>) dst(%arg10 : memref<80xi32, #tpu.memory_space<vmem>>)
    %dma_wait3A_55 = arith.constant 0 : i32
    %dma_wait3A_56 = tpu.memref_slice %arg2[%add3A_44, %dma_wait3A_55] : memref<64000x128xf32, #tpu.memory_space<hbm>> -> memref<80x128xf32, #tpu.memory_space<hbm>>
    %dma_wait3A_57 = arith.constant 0 : i32
    %dma_wait3A_58 = tpu.memref_slice %arg2[%add3A_44, %dma_wait3A_57] : memref<64000x128xf32, #tpu.memory_space<hbm>> -> memref<80x128xf32, #tpu.memory_space<hbm>>
    tpu.wait_dma2 semaphore(%arg15 : memref<!tpu.dma_semaphore, #tpu.memory_space<semaphore_mem>>) src(%dma_wait3A_58 : memref<80x128xf32, #tpu.memory_space<hbm>>) dst(%arg11 : memref<80x128xf32, #tpu.memory_space<vmem>>)
    "tpu.region"() ({
      %run_scoped3A = tpu.sem_alloc : memref<!tpu.dma_semaphore, #tpu.memory_space<semaphore_mem>>
      %dma_start3A_60 = arith.constant 0 : i32
      %dma_start3A_61 = arith.constant 0 : i32
      %dma_start3A_62 = tpu.memref_slice %arg5[%dma_start3A_60, %dma_start3A_61] : memref<10240x128xf32, #tpu.memory_space<vmem_shared>> -> memref<10240x128xf32, #tpu.memory_space<vmem_shared>>
      tpu.enqueue_indirect_dma source(%arg11 : memref<80x128xf32, #tpu.memory_space<vmem>>) target(%dma_start3A_62 : memref<10240x128xf32, #tpu.memory_space<vmem_shared>>) offsets(%arg10 : memref<80xi32, #tpu.memory_space<vmem>>) semaphore(%run_scoped3A : memref<!tpu.dma_semaphore, #tpu.memory_space<semaphore_mem>>) {add = true}
      %dma_wait3A_63 = arith.constant 0 : i32
      %dma_wait3A_64 = arith.constant 0 : i32
      %dma_wait3A_65 = tpu.memref_slice %arg5[%dma_wait3A_63, %dma_wait3A_64] : memref<10240x128xf32, #tpu.memory_space<vmem_shared>> -> memref<10240x128xf32, #tpu.memory_space<vmem_shared>>
      tpu.wait_indirect_dma semaphore(%run_scoped3A : memref<!tpu.dma_semaphore, #tpu.memory_space<semaphore_mem>>) src(%arg11 : memref<80x128xf32, #tpu.memory_space<vmem>>) dst(%dma_wait3A_65 : memref<10240x128xf32, #tpu.memory_space<vmem_shared>>)
      tpu.yield
    }) : () -> ()
    %barrier3A_59 = arith.constant 0 : index
    tpu.barrier barrier_id(%barrier3A_59)
    "tpu.region"() ({
      %run_scoped3A = tpu.sem_alloc : memref<!tpu.dma_semaphore, #tpu.memory_space<semaphore_mem>>
      %dma_start3A_60 = arith.constant 0 : i32
      %dma_start3A_61 = tpu.memref_slice %arg4[%arg0, %mul3A_4, %dma_start3A_60] : memref<2x10240x128xf32, #tpu.memory_space<hbm>> -> memref<1x640x128xf32, #tpu.memory_space<hbm>>
      %dma_start3A_62 = tpu.memref_squeeze %dma_start3A_61 : memref<1x640x128xf32, #tpu.memory_space<hbm>> -> memref<640x128xf32, #tpu.memory_space<hbm>>
      %dma_start3A_63 = arith.constant 0 : i32
      %dma_start3A_64 = tpu.memref_slice %arg5[%mul3A_4, %dma_start3A_63] : memref<10240x128xf32, #tpu.memory_space<vmem_shared>> -> memref<640x128xf32, #tpu.memory_space<vmem_shared>>
      tpu.enqueue_dma source(%dma_start3A_64 : memref<640x128xf32, #tpu.memory_space<vmem_shared>>) target(%dma_start3A_62 : memref<640x128xf32, #tpu.memory_space<hbm>>) target_semaphore(%run_scoped3A : memref<!tpu.dma_semaphore, #tpu.memory_space<semaphore_mem>>)
      %dma_wait3A_65 = arith.constant 0 : i32
      %dma_wait3A_66 = tpu.memref_slice %arg4[%arg0, %mul3A_4, %dma_wait3A_65] : memref<2x10240x128xf32, #tpu.memory_space<hbm>> -> memref<1x640x128xf32, #tpu.memory_space<hbm>>
      %dma_wait3A_67 = tpu.memref_squeeze %dma_wait3A_66 : memref<1x640x128xf32, #tpu.memory_space<hbm>> -> memref<640x128xf32, #tpu.memory_space<hbm>>
      %dma_wait3A_68 = arith.constant 0 : i32
      %dma_wait3A_69 = tpu.memref_slice %arg5[%mul3A_4, %dma_wait3A_68] : memref<10240x128xf32, #tpu.memory_space<vmem_shared>> -> memref<640x128xf32, #tpu.memory_space<vmem_shared>>
      tpu.wait_dma2 semaphore(%run_scoped3A : memref<!tpu.dma_semaphore, #tpu.memory_space<semaphore_mem>>) src(%dma_wait3A_69 : memref<640x128xf32, #tpu.memory_space<vmem_shared>>) dst(%dma_wait3A_67 : memref<640x128xf32, #tpu.memory_space<hbm>>)
      tpu.yield
    }) : () -> ()
    return
  }
}

#map = affine_map<(d0, d1) -> (0, 0)>
#map1 = affine_map<(d0, d1) -> (0)>
#map2 = affine_map<(d0, d1) -> (0, 0, 0)>
module attributes {stable_mosaic.version = 14 : i64} {
  func.func @_scatter_body(%arg0: i32, %arg1: i32, %arg2: memref<64000x128xf32, #tpu.memory_space<hbm>>, %arg3: memref<320000xi32, #tpu.memory_space<hbm>>, %arg4: memref<2x10240x128xf32, #tpu.memory_space<hbm>>, %arg5: memref<10240x128xf32, #tpu.memory_space<vmem_shared>>, %arg6: memref<128xi32, #tpu.memory_space<vmem>>, %arg7: memref<128x128xf32, #tpu.memory_space<vmem>>, %arg8: memref<128xi32, #tpu.memory_space<vmem>>, %arg9: memref<128x128xf32, #tpu.memory_space<vmem>>, %arg10: memref<80xi32, #tpu.memory_space<vmem>>, %arg11: memref<80x128xf32, #tpu.memory_space<vmem>>, %arg12: memref<!tpu.dma_semaphore, #tpu.memory_space<semaphore_mem>>, %arg13: memref<!tpu.dma_semaphore, #tpu.memory_space<semaphore_mem>>, %arg14: memref<!tpu.dma_semaphore, #tpu.memory_space<semaphore_mem>>, %arg15: memref<!tpu.dma_semaphore, #tpu.memory_space<semaphore_mem>>) attributes {dimension_semantics = [#tpu.dimension_semantics<core_parallel>, #tpu.dimension_semantics<subcore_parallel>], iteration_bounds = array<i64: 2, 16>, scalar_prefetch = 0 : i64, scratch_operands = 11 : i64, tpu.core_type = #tpu.core_type<sc_vector_subcore>, window_params = [{transform_indices = #map}, {transform_indices = #map1}, {transform_indices = #map2}]} {
    %mul3A = arith.constant 16 : i32
    %mul3A_0 = arith.muli %arg0, %mul3A : i32
    %add3A = arith.addi %mul3A_0, %arg1 : i32
    %mul3A_1 = arith.constant 2000 : i32
    %mul3A_2 = arith.muli %add3A, %mul3A_1 : i32
    %mul3A_3 = arith.constant 640 : i32
    %mul3A_4 = arith.muli %arg1, %mul3A_3 : i32
    %add3A_5 = arith.constant 0 : i32
    %add3A_6 = arith.addi %mul3A_2, %add3A_5 : i32
    %add3A_7 = arith.constant 64000 : i32
    %add3A_8 = arith.addi %add3A_7, %add3A_6 : i32
    %dma_start3A = tpu.memref_slice %arg3[%add3A_8] : memref<320000xi32, #tpu.memory_space<hbm>> -> memref<128xi32, #tpu.memory_space<hbm>>
    %dma_start3A_9 = tpu.memref_slice %arg3[%add3A_8] : memref<320000xi32, #tpu.memory_space<hbm>> -> memref<128xi32, #tpu.memory_space<hbm>>
    tpu.enqueue_dma source(%dma_start3A_9 : memref<128xi32, #tpu.memory_space<hbm>>) target(%arg6 : memref<128xi32, #tpu.memory_space<vmem>>) target_semaphore(%arg12 : memref<!tpu.dma_semaphore, #tpu.memory_space<semaphore_mem>>)
    %dma_start3A_10 = arith.constant 0 : i32
    %dma_start3A_11 = tpu.memref_slice %arg2[%add3A_6, %dma_start3A_10] : memref<64000x128xf32, #tpu.memory_space<hbm>> -> memref<128x128xf32, #tpu.memory_space<hbm>>
    %dma_start3A_12 = arith.constant 0 : i32
    %dma_start3A_13 = tpu.memref_slice %arg2[%add3A_6, %dma_start3A_12] : memref<64000x128xf32, #tpu.memory_space<hbm>> -> memref<128x128xf32, #tpu.memory_space<hbm>>
    tpu.enqueue_dma source(%dma_start3A_13 : memref<128x128xf32, #tpu.memory_space<hbm>>) target(%arg7 : memref<128x128xf32, #tpu.memory_space<vmem>>) target_semaphore(%arg13 : memref<!tpu.dma_semaphore, #tpu.memory_space<semaphore_mem>>)
    %broadcast_in_dim3A = arith.constant 0.000000e+00 : f32
    %broadcast_in_dim3A_14 = vector.broadcast %broadcast_in_dim3A : f32 to vector<16xf32>
    %scan3A = arith.constant 0 : i32
    %scan3A_15 = arith.constant 128 : i32
    %scan3A_16 = arith.addi %scan3A, %scan3A_15 : i32
    %scan3A_17 = arith.constant 1 : i32
    scf.for %scan3A_60 = %scan3A to %scan3A_16 step %scan3A_17  : i32 {
      %mul3A_61 = arith.constant 1 : i32
      %mul3A_62 = arith.muli %scan3A_60, %mul3A_61 : i32
      %add3A_63 = arith.constant 0 : i32
      %add3A_64 = arith.addi %add3A_63, %mul3A_62 : i32
      %swap3A = arith.index_cast %add3A_64 : i32 to index
      %swap3A_65 = arith.constant 0 : index
      %swap3A_66 = tpu.vector_load %arg9[%swap3A, %swap3A_65] {strides = array<i32>} : memref<128x128xf32, #tpu.memory_space<vmem>>, vector<1x16xf32>,
      %swap3A_67 = vector.shape_cast %swap3A_66 : vector<1x16xf32> to vector<16xf32>
      %swap3A_68 = vector.shape_cast %broadcast_in_dim3A_14 : vector<16xf32> to vector<1x16xf32>
      tpu.vector_store %arg9[%swap3A, %swap3A_65], %swap3A_68 {strides = array<i32>} : memref<128x128xf32, #tpu.memory_space<vmem>>, vector<1x16xf32>,
      %swap3A_69 = arith.index_cast %add3A_64 : i32 to index
      %swap3A_70 = arith.constant 16 : index
      %swap3A_71 = tpu.vector_load %arg9[%swap3A_69, %swap3A_70] {strides = array<i32>} : memref<128x128xf32, #tpu.memory_space<vmem>>, vector<1x16xf32>,
      %swap3A_72 = vector.shape_cast %swap3A_71 : vector<1x16xf32> to vector<16xf32>
      %swap3A_73 = vector.shape_cast %broadcast_in_dim3A_14 : vector<16xf32> to vector<1x16xf32>
      tpu.vector_store %arg9[%swap3A_69, %swap3A_70], %swap3A_73 {strides = array<i32>} : memref<128x128xf32, #tpu.memory_space<vmem>>, vector<1x16xf32>,
      %swap3A_74 = arith.index_cast %add3A_64 : i32 to index
      %swap3A_75 = arith.constant 32 : index
      %swap3A_76 = tpu.vector_load %arg9[%swap3A_74, %swap3A_75] {strides = array<i32>} : memref<128x128xf32, #tpu.memory_space<vmem>>, vector<1x16xf32>,
      %swap3A_77 = vector.shape_cast %swap3A_76 : vector<1x16xf32> to vector<16xf32>
      %swap3A_78 = vector.shape_cast %broadcast_in_dim3A_14 : vector<16xf32> to vector<1x16xf32>
      tpu.vector_store %arg9[%swap3A_74, %swap3A_75], %swap3A_78 {strides = array<i32>} : memref<128x128xf32, #tpu.memory_space<vmem>>, vector<1x16xf32>,
      %swap3A_79 = arith.index_cast %add3A_64 : i32 to index
      %swap3A_80 = arith.constant 48 : index
      %swap3A_81 = tpu.vector_load %arg9[%swap3A_79, %swap3A_80] {strides = array<i32>} : memref<128x128xf32, #tpu.memory_space<vmem>>, vector<1x16xf32>,
      %swap3A_82 = vector.shape_cast %swap3A_81 : vector<1x16xf32> to vector<16xf32>
      %swap3A_83 = vector.shape_cast %broadcast_in_dim3A_14 : vector<16xf32> to vector<1x16xf32>
      tpu.vector_store %arg9[%swap3A_79, %swap3A_80], %swap3A_83 {strides = array<i32>} : memref<128x128xf32, #tpu.memory_space<vmem>>, vector<1x16xf32>,
      %swap3A_84 = arith.index_cast %add3A_64 : i32 to index
      %swap3A_85 = arith.constant 64 : index
      %swap3A_86 = tpu.vector_load %arg9[%swap3A_84, %swap3A_85] {strides = array<i32>} : memref<128x128xf32, #tpu.memory_space<vmem>>, vector<1x16xf32>,
      %swap3A_87 = vector.shape_cast %swap3A_86 : vector<1x16xf32> to vector<16xf32>
      %swap3A_88 = vector.shape_cast %broadcast_in_dim3A_14 : vector<16xf32> to vector<1x16xf32>
      tpu.vector_store %arg9[%swap3A_84, %swap3A_85], %swap3A_88 {strides = array<i32>} : memref<128x128xf32, #tpu.memory_space<vmem>>, vector<1x16xf32>,
      %swap3A_89 = arith.index_cast %add3A_64 : i32 to index
      %swap3A_90 = arith.constant 80 : index
      %swap3A_91 = tpu.vector_load %arg9[%swap3A_89, %swap3A_90] {strides = array<i32>} : memref<128x128xf32, #tpu.memory_space<vmem>>, vector<1x16xf32>,
      %swap3A_92 = vector.shape_cast %swap3A_91 : vector<1x16xf32> to vector<16xf32>
      %swap3A_93 = vector.shape_cast %broadcast_in_dim3A_14 : vector<16xf32> to vector<1x16xf32>
      tpu.vector_store %arg9[%swap3A_89, %swap3A_90], %swap3A_93 {strides = array<i32>} : memref<128x128xf32, #tpu.memory_space<vmem>>, vector<1x16xf32>,
      %swap3A_94 = arith.index_cast %add3A_64 : i32 to index
      %swap3A_95 = arith.constant 96 : index
      %swap3A_96 = tpu.vector_load %arg9[%swap3A_94, %swap3A_95] {strides = array<i32>} : memref<128x128xf32, #tpu.memory_space<vmem>>, vector<1x16xf32>,
      %swap3A_97 = vector.shape_cast %swap3A_96 : vector<1x16xf32> to vector<16xf32>
      %swap3A_98 = vector.shape_cast %broadcast_in_dim3A_14 : vector<16xf32> to vector<1x16xf32>
      tpu.vector_store %arg9[%swap3A_94, %swap3A_95], %swap3A_98 {strides = array<i32>} : memref<128x128xf32, #tpu.memory_space<vmem>>, vector<1x16xf32>,
      %swap3A_99 = arith.index_cast %add3A_64 : i32 to index
      %swap3A_100 = arith.constant 112 : index
      %swap3A_101 = tpu.vector_load %arg9[%swap3A_99, %swap3A_100] {strides = array<i32>} : memref<128x128xf32, #tpu.memory_space<vmem>>, vector<1x16xf32>,
      %swap3A_102 = vector.shape_cast %swap3A_101 : vector<1x16xf32> to vector<16xf32>
      %swap3A_103 = vector.shape_cast %broadcast_in_dim3A_14 : vector<16xf32> to vector<1x16xf32>
      tpu.vector_store %arg9[%swap3A_99, %swap3A_100], %swap3A_103 {strides = array<i32>} : memref<128x128xf32, #tpu.memory_space<vmem>>, vector<1x16xf32>,
    }
    %scan3A_18 = arith.constant 128 : i32
    %add3A_19 = arith.constant 0 : i32
    %add3A_20 = arith.addi %mul3A_4, %add3A_19 : i32
    "tpu.region"() ({
      %run_scoped3A = tpu.sem_alloc : memref<!tpu.dma_semaphore, #tpu.memory_space<semaphore_mem>>
      %dma_start3A_60 = arith.constant 0 : i32
      %dma_start3A_61 = tpu.memref_slice %arg5[%add3A_20, %dma_start3A_60] : memref<10240x128xf32, #tpu.memory_space<vmem_shared>> -> memref<128x128xf32, #tpu.memory_space<vmem_shared>>
      %dma_start3A_62 = arith.constant 0 : i32
      %dma_start3A_63 = tpu.memref_slice %arg5[%add3A_20, %dma_start3A_62] : memref<10240x128xf32, #tpu.memory_space<vmem_shared>> -> memref<128x128xf32, #tpu.memory_space<vmem_shared>>
      tpu.enqueue_dma source(%arg9 : memref<128x128xf32, #tpu.memory_space<vmem>>) target(%dma_start3A_63 : memref<128x128xf32, #tpu.memory_space<vmem_shared>>) target_semaphore(%run_scoped3A : memref<!tpu.dma_semaphore, #tpu.memory_space<semaphore_mem>>)
      %dma_wait3A_64 = arith.constant 0 : i32
      %dma_wait3A_65 = tpu.memref_slice %arg5[%add3A_20, %dma_wait3A_64] : memref<10240x128xf32, #tpu.memory_space<vmem_shared>> -> memref<128x128xf32, #tpu.memory_space<vmem_shared>>
      %dma_wait3A_66 = arith.constant 0 : i32
      %dma_wait3A_67 = tpu.memref_slice %arg5[%add3A_20, %dma_wait3A_66] : memref<10240x128xf32, #tpu.memory_space<vmem_shared>> -> memref<128x128xf32, #tpu.memory_space<vmem_shared>>
      tpu.wait_dma2 semaphore(%run_scoped3A : memref<!tpu.dma_semaphore, #tpu.memory_space<semaphore_mem>>) src(%arg9 : memref<128x128xf32, #tpu.memory_space<vmem>>) dst(%dma_wait3A_67 : memref<128x128xf32, #tpu.memory_space<vmem_shared>>)
      tpu.yield
    }) : () -> ()
    %add3A_21 = arith.constant 128 : i32
    %add3A_22 = arith.addi %mul3A_4, %add3A_21 : i32
    "tpu.region"() ({
      %run_scoped3A = tpu.sem_alloc : memref<!tpu.dma_semaphore, #tpu.memory_space<semaphore_mem>>
      %dma_start3A_60 = arith.constant 0 : i32
      %dma_start3A_61 = tpu.memref_slice %arg5[%add3A_22, %dma_start3A_60] : memref<10240x128xf32, #tpu.memory_space<vmem_shared>> -> memref<128x128xf32, #tpu.memory_space<vmem_shared>>
      %dma_start3A_62 = arith.constant 0 : i32
      %dma_start3A_63 = tpu.memref_slice %arg5[%add3A_22, %dma_start3A_62] : memref<10240x128xf32, #tpu.memory_space<vmem_shared>> -> memref<128x128xf32, #tpu.memory_space<vmem_shared>>
      tpu.enqueue_dma source(%arg9 : memref<128x128xf32, #tpu.memory_space<vmem>>) target(%dma_start3A_63 : memref<128x128xf32, #tpu.memory_space<vmem_shared>>) target_semaphore(%run_scoped3A : memref<!tpu.dma_semaphore, #tpu.memory_space<semaphore_mem>>)
      %dma_wait3A_64 = arith.constant 0 : i32
      %dma_wait3A_65 = tpu.memref_slice %arg5[%add3A_22, %dma_wait3A_64] : memref<10240x128xf32, #tpu.memory_space<vmem_shared>> -> memref<128x128xf32, #tpu.memory_space<vmem_shared>>
      %dma_wait3A_66 = arith.constant 0 : i32
      %dma_wait3A_67 = tpu.memref_slice %arg5[%add3A_22, %dma_wait3A_66] : memref<10240x128xf32, #tpu.memory_space<vmem_shared>> -> memref<128x128xf32, #tpu.memory_space<vmem_shared>>
      tpu.wait_dma2 semaphore(%run_scoped3A : memref<!tpu.dma_semaphore, #tpu.memory_space<semaphore_mem>>) src(%arg9 : memref<128x128xf32, #tpu.memory_space<vmem>>) dst(%dma_wait3A_67 : memref<128x128xf32, #tpu.memory_space<vmem_shared>>)
      tpu.yield
    }) : () -> ()
    %add3A_23 = arith.constant 256 : i32
    %add3A_24 = arith.addi %mul3A_4, %add3A_23 : i32
    "tpu.region"() ({
      %run_scoped3A = tpu.sem_alloc : memref<!tpu.dma_semaphore, #tpu.memory_space<semaphore_mem>>
      %dma_start3A_60 = arith.constant 0 : i32
      %dma_start3A_61 = tpu.memref_slice %arg5[%add3A_24, %dma_start3A_60] : memref<10240x128xf32, #tpu.memory_space<vmem_shared>> -> memref<128x128xf32, #tpu.memory_space<vmem_shared>>
      %dma_start3A_62 = arith.constant 0 : i32
      %dma_start3A_63 = tpu.memref_slice %arg5[%add3A_24, %dma_start3A_62] : memref<10240x128xf32, #tpu.memory_space<vmem_shared>> -> memref<128x128xf32, #tpu.memory_space<vmem_shared>>
      tpu.enqueue_dma source(%arg9 : memref<128x128xf32, #tpu.memory_space<vmem>>) target(%dma_start3A_63 : memref<128x128xf32, #tpu.memory_space<vmem_shared>>) target_semaphore(%run_scoped3A : memref<!tpu.dma_semaphore, #tpu.memory_space<semaphore_mem>>)
      %dma_wait3A_64 = arith.constant 0 : i32
      %dma_wait3A_65 = tpu.memref_slice %arg5[%add3A_24, %dma_wait3A_64] : memref<10240x128xf32, #tpu.memory_space<vmem_shared>> -> memref<128x128xf32, #tpu.memory_space<vmem_shared>>
      %dma_wait3A_66 = arith.constant 0 : i32
      %dma_wait3A_67 = tpu.memref_slice %arg5[%add3A_24, %dma_wait3A_66] : memref<10240x128xf32, #tpu.memory_space<vmem_shared>> -> memref<128x128xf32, #tpu.memory_space<vmem_shared>>
      tpu.wait_dma2 semaphore(%run_scoped3A : memref<!tpu.dma_semaphore, #tpu.memory_space<semaphore_mem>>) src(%arg9 : memref<128x128xf32, #tpu.memory_space<vmem>>) dst(%dma_wait3A_67 : memref<128x128xf32, #tpu.memory_space<vmem_shared>>)
      tpu.yield
    }) : () -> ()
    %add3A_25 = arith.constant 384 : i32
    %add3A_26 = arith.addi %mul3A_4, %add3A_25 : i32
    "tpu.region"() ({
      %run_scoped3A = tpu.sem_alloc : memref<!tpu.dma_semaphore, #tpu.memory_space<semaphore_mem>>
      %dma_start3A_60 = arith.constant 0 : i32
      %dma_start3A_61 = tpu.memref_slice %arg5[%add3A_26, %dma_start3A_60] : memref<10240x128xf32, #tpu.memory_space<vmem_shared>> -> memref<128x128xf32, #tpu.memory_space<vmem_shared>>
      %dma_start3A_62 = arith.constant 0 : i32
      %dma_start3A_63 = tpu.memref_slice %arg5[%add3A_26, %dma_start3A_62] : memref<10240x128xf32, #tpu.memory_space<vmem_shared>> -> memref<128x128xf32, #tpu.memory_space<vmem_shared>>
      tpu.enqueue_dma source(%arg9 : memref<128x128xf32, #tpu.memory_space<vmem>>) target(%dma_start3A_63 : memref<128x128xf32, #tpu.memory_space<vmem_shared>>) target_semaphore(%run_scoped3A : memref<!tpu.dma_semaphore, #tpu.memory_space<semaphore_mem>>)
      %dma_wait3A_64 = arith.constant 0 : i32
      %dma_wait3A_65 = tpu.memref_slice %arg5[%add3A_26, %dma_wait3A_64] : memref<10240x128xf32, #tpu.memory_space<vmem_shared>> -> memref<128x128xf32, #tpu.memory_space<vmem_shared>>
      %dma_wait3A_66 = arith.constant 0 : i32
      %dma_wait3A_67 = tpu.memref_slice %arg5[%add3A_26, %dma_wait3A_66] : memref<10240x128xf32, #tpu.memory_space<vmem_shared>> -> memref<128x128xf32, #tpu.memory_space<vmem_shared>>
      tpu.wait_dma2 semaphore(%run_scoped3A : memref<!tpu.dma_semaphore, #tpu.memory_space<semaphore_mem>>) src(%arg9 : memref<128x128xf32, #tpu.memory_space<vmem>>) dst(%dma_wait3A_67 : memref<128x128xf32, #tpu.memory_space<vmem_shared>>)
      tpu.yield
    }) : () -> ()
    %add3A_27 = arith.constant 512 : i32
    %add3A_28 = arith.addi %mul3A_4, %add3A_27 : i32
    "tpu.region"() ({
      %run_scoped3A = tpu.sem_alloc : memref<!tpu.dma_semaphore, #tpu.memory_space<semaphore_mem>>
      %dma_start3A_60 = arith.constant 0 : i32
      %dma_start3A_61 = tpu.memref_slice %arg5[%add3A_28, %dma_start3A_60] : memref<10240x128xf32, #tpu.memory_space<vmem_shared>> -> memref<128x128xf32, #tpu.memory_space<vmem_shared>>
      %dma_start3A_62 = arith.constant 0 : i32
      %dma_start3A_63 = tpu.memref_slice %arg5[%add3A_28, %dma_start3A_62] : memref<10240x128xf32, #tpu.memory_space<vmem_shared>> -> memref<128x128xf32, #tpu.memory_space<vmem_shared>>
      tpu.enqueue_dma source(%arg9 : memref<128x128xf32, #tpu.memory_space<vmem>>) target(%dma_start3A_63 : memref<128x128xf32, #tpu.memory_space<vmem_shared>>) target_semaphore(%run_scoped3A : memref<!tpu.dma_semaphore, #tpu.memory_space<semaphore_mem>>)
      %dma_wait3A_64 = arith.constant 0 : i32
      %dma_wait3A_65 = tpu.memref_slice %arg5[%add3A_28, %dma_wait3A_64] : memref<10240x128xf32, #tpu.memory_space<vmem_shared>> -> memref<128x128xf32, #tpu.memory_space<vmem_shared>>
      %dma_wait3A_66 = arith.constant 0 : i32
      %dma_wait3A_67 = tpu.memref_slice %arg5[%add3A_28, %dma_wait3A_66] : memref<10240x128xf32, #tpu.memory_space<vmem_shared>> -> memref<128x128xf32, #tpu.memory_space<vmem_shared>>
      tpu.wait_dma2 semaphore(%run_scoped3A : memref<!tpu.dma_semaphore, #tpu.memory_space<semaphore_mem>>) src(%arg9 : memref<128x128xf32, #tpu.memory_space<vmem>>) dst(%dma_wait3A_67 : memref<128x128xf32, #tpu.memory_space<vmem_shared>>)
      tpu.yield
    }) : () -> ()
    %barrier3A = arith.constant 0 : index
    tpu.barrier barrier_id(%barrier3A)
    %scan3A_29 = arith.constant 0 : i32
    %scan3A_30 = arith.constant 7 : i32
    %scan3A_31 = arith.addi %scan3A_29, %scan3A_30 : i32
    %scan3A_32 = arith.constant 1 : i32
    scf.for %scan3A_60 = %scan3A_29 to %scan3A_31 step %scan3A_32  : i32 {
      %mul3A_61 = arith.constant 2 : i32
      %mul3A_62 = arith.muli %scan3A_60, %mul3A_61 : i32
      %add3A_63 = arith.constant 0 : i32
      %add3A_64 = arith.addi %add3A_63, %mul3A_62 : i32
      %add3A_65 = arith.constant 1 : i32
      %add3A_66 = arith.addi %add3A_64, %add3A_65 : i32
      %mul3A_67 = arith.constant 128 : i32
      %mul3A_68 = arith.muli %add3A_66, %mul3A_67 : i32
      %add3A_69 = arith.addi %mul3A_2, %mul3A_68 : i32
      %add3A_70 = arith.constant 64000 : i32
      %add3A_71 = arith.addi %add3A_70, %add3A_69 : i32
      %dma_start3A_72 = tpu.memref_slice %arg3[%add3A_71] : memref<320000xi32, #tpu.memory_space<hbm>> -> memref<128xi32, #tpu.memory_space<hbm>>
      %dma_start3A_73 = tpu.memref_slice %arg3[%add3A_71] : memref<320000xi32, #tpu.memory_space<hbm>> -> memref<128xi32, #tpu.memory_space<hbm>>
      tpu.enqueue_dma source(%dma_start3A_73 : memref<128xi32, #tpu.memory_space<hbm>>) target(%arg8 : memref<128xi32, #tpu.memory_space<vmem>>) target_semaphore(%arg14 : memref<!tpu.dma_semaphore, #tpu.memory_space<semaphore_mem>>)
      %dma_start3A_74 = arith.constant 0 : i32
      %dma_start3A_75 = tpu.memref_slice %arg2[%add3A_69, %dma_start3A_74] : memref<64000x128xf32, #tpu.memory_space<hbm>> -> memref<128x128xf32, #tpu.memory_space<hbm>>
      %dma_start3A_76 = arith.constant 0 : i32
      %dma_start3A_77 = tpu.memref_slice %arg2[%add3A_69, %dma_start3A_76] : memref<64000x128xf32, #tpu.memory_space<hbm>> -> memref<128x128xf32, #tpu.memory_space<hbm>>
      tpu.enqueue_dma source(%dma_start3A_77 : memref<128x128xf32, #tpu.memory_space<hbm>>) target(%arg9 : memref<128x128xf32, #tpu.memory_space<vmem>>) target_semaphore(%arg15 : memref<!tpu.dma_semaphore, #tpu.memory_space<semaphore_mem>>)
      %dma_wait3A_78 = arith.constant 0 : i32
      %dma_wait3A_79 = tpu.memref_slice %arg3[%dma_wait3A_78] : memref<320000xi32, #tpu.memory_space<hbm>> -> memref<128xi32, #tpu.memory_space<hbm>>
      %dma_wait3A_80 = arith.constant 0 : i32
      %dma_wait3A_81 = tpu.memref_slice %arg3[%dma_wait3A_80] : memref<320000xi32, #tpu.memory_space<hbm>> -> memref<128xi32, #tpu.memory_space<hbm>>
      tpu.wait_dma2 semaphore(%arg12 : memref<!tpu.dma_semaphore, #tpu.memory_space<semaphore_mem>>) src(%dma_wait3A_81 : memref<128xi32, #tpu.memory_space<hbm>>) dst(%arg6 : memref<128xi32, #tpu.memory_space<vmem>>)
      %dma_wait3A_82 = arith.constant 0 : i32
      %dma_wait3A_83 = arith.constant 0 : i32
      %dma_wait3A_84 = tpu.memref_slice %arg2[%dma_wait3A_82, %dma_wait3A_83] : memref<64000x128xf32, #tpu.memory_space<hbm>> -> memref<128x128xf32, #tpu.memory_space<hbm>>
      %dma_wait3A_85 = arith.constant 0 : i32
      %dma_wait3A_86 = arith.constant 0 : i32
      %dma_wait3A_87 = tpu.memref_slice %arg2[%dma_wait3A_85, %dma_wait3A_86] : memref<64000x128xf32, #tpu.memory_space<hbm>> -> memref<128x128xf32, #tpu.memory_space<hbm>>
      tpu.wait_dma2 semaphore(%arg13 : memref<!tpu.dma_semaphore, #tpu.memory_space<semaphore_mem>>) src(%dma_wait3A_87 : memref<128x128xf32, #tpu.memory_space<hbm>>) dst(%arg7 : memref<128x128xf32, #tpu.memory_space<vmem>>)
      "tpu.region"() ({
        %run_scoped3A = tpu.sem_alloc : memref<!tpu.dma_semaphore, #tpu.memory_space<semaphore_mem>>
        %dma_start3A_111 = arith.constant 0 : i32
        %dma_start3A_112 = arith.constant 0 : i32
        %dma_start3A_113 = tpu.memref_slice %arg5[%dma_start3A_111, %dma_start3A_112] : memref<10240x128xf32, #tpu.memory_space<vmem_shared>> -> memref<10240x128xf32, #tpu.memory_space<vmem_shared>>
        tpu.enqueue_indirect_dma source(%arg7 : memref<128x128xf32, #tpu.memory_space<vmem>>) target(%dma_start3A_113 : memref<10240x128xf32, #tpu.memory_space<vmem_shared>>) offsets(%arg6 : memref<128xi32, #tpu.memory_space<vmem>>) semaphore(%run_scoped3A : memref<!tpu.dma_semaphore, #tpu.memory_space<semaphore_mem>>) {add = true}
        %dma_wait3A_114 = arith.constant 0 : i32
        %dma_wait3A_115 = arith.constant 0 : i32
        %dma_wait3A_116 = tpu.memref_slice %arg5[%dma_wait3A_114, %dma_wait3A_115] : memref<10240x128xf32, #tpu.memory_space<vmem_shared>> -> memref<10240x128xf32, #tpu.memory_space<vmem_shared>>
        tpu.wait_indirect_dma semaphore(%run_scoped3A : memref<!tpu.dma_semaphore, #tpu.memory_space<semaphore_mem>>) src(%arg7 : memref<128x128xf32, #tpu.memory_space<vmem>>) dst(%dma_wait3A_116 : memref<10240x128xf32, #tpu.memory_space<vmem_shared>>)
        tpu.yield
      }) : () -> ()
      %add3A_88 = arith.constant 2 : i32
      %add3A_89 = arith.addi %add3A_64, %add3A_88 : i32
      %mul3A_90 = arith.constant 128 : i32
      %mul3A_91 = arith.muli %add3A_89, %mul3A_90 : i32
      %add3A_92 = arith.addi %mul3A_2, %mul3A_91 : i32
      %add3A_93 = arith.constant 64000 : i32
      %add3A_94 = arith.addi %add3A_93, %add3A_92 : i32
      %dma_start3A_95 = tpu.memref_slice %arg3[%add3A_94] : memref<320000xi32, #tpu.memory_space<hbm>> -> memref<128xi32, #tpu.memory_space<hbm>>
      %dma_start3A_96 = tpu.memref_slice %arg3[%add3A_94] : memref<320000xi32, #tpu.memory_space<hbm>> -> memref<128xi32, #tpu.memory_space<hbm>>
      tpu.enqueue_dma source(%dma_start3A_96 : memref<128xi32, #tpu.memory_space<hbm>>) target(%arg6 : memref<128xi32, #tpu.memory_space<vmem>>) target_semaphore(%arg12 : memref<!tpu.dma_semaphore, #tpu.memory_space<semaphore_mem>>)
      %dma_start3A_97 = arith.constant 0 : i32
      %dma_start3A_98 = tpu.memref_slice %arg2[%add3A_92, %dma_start3A_97] : memref<64000x128xf32, #tpu.memory_space<hbm>> -> memref<128x128xf32, #tpu.memory_space<hbm>>
      %dma_start3A_99 = arith.constant 0 : i32
      %dma_start3A_100 = tpu.memref_slice %arg2[%add3A_92, %dma_start3A_99] : memref<64000x128xf32, #tpu.memory_space<hbm>> -> memref<128x128xf32, #tpu.memory_space<hbm>>
      tpu.enqueue_dma source(%dma_start3A_100 : memref<128x128xf32, #tpu.memory_space<hbm>>) target(%arg7 : memref<128x128xf32, #tpu.memory_space<vmem>>) target_semaphore(%arg13 : memref<!tpu.dma_semaphore, #tpu.memory_space<semaphore_mem>>)
      %dma_wait3A_101 = arith.constant 0 : i32
      %dma_wait3A_102 = tpu.memref_slice %arg3[%dma_wait3A_101] : memref<320000xi32, #tpu.memory_space<hbm>> -> memref<128xi32, #tpu.memory_space<hbm>>
      %dma_wait3A_103 = arith.constant 0 : i32
      %dma_wait3A_104 = tpu.memref_slice %arg3[%dma_wait3A_103] : memref<320000xi32, #tpu.memory_space<hbm>> -> memref<128xi32, #tpu.memory_space<hbm>>
      tpu.wait_dma2 semaphore(%arg14 : memref<!tpu.dma_semaphore, #tpu.memory_space<semaphore_mem>>) src(%dma_wait3A_104 : memref<128xi32, #tpu.memory_space<hbm>>) dst(%arg8 : memref<128xi32, #tpu.memory_space<vmem>>)
      %dma_wait3A_105 = arith.constant 0 : i32
      %dma_wait3A_106 = arith.constant 0 : i32
      %dma_wait3A_107 = tpu.memref_slice %arg2[%dma_wait3A_105, %dma_wait3A_106] : memref<64000x128xf32, #tpu.memory_space<hbm>> -> memref<128x128xf32, #tpu.memory_space<hbm>>
      %dma_wait3A_108 = arith.constant 0 : i32
      %dma_wait3A_109 = arith.constant 0 : i32
      %dma_wait3A_110 = tpu.memref_slice %arg2[%dma_wait3A_108, %dma_wait3A_109] : memref<64000x128xf32, #tpu.memory_space<hbm>> -> memref<128x128xf32, #tpu.memory_space<hbm>>
      tpu.wait_dma2 semaphore(%arg15 : memref<!tpu.dma_semaphore, #tpu.memory_space<semaphore_mem>>) src(%dma_wait3A_110 : memref<128x128xf32, #tpu.memory_space<hbm>>) dst(%arg9 : memref<128x128xf32, #tpu.memory_space<vmem>>)
      "tpu.region"() ({
        %run_scoped3A = tpu.sem_alloc : memref<!tpu.dma_semaphore, #tpu.memory_space<semaphore_mem>>
        %dma_start3A_111 = arith.constant 0 : i32
        %dma_start3A_112 = arith.constant 0 : i32
        %dma_start3A_113 = tpu.memref_slice %arg5[%dma_start3A_111, %dma_start3A_112] : memref<10240x128xf32, #tpu.memory_space<vmem_shared>> -> memref<10240x128xf32, #tpu.memory_space<vmem_shared>>
        tpu.enqueue_indirect_dma source(%arg9 : memref<128x128xf32, #tpu.memory_space<vmem>>) target(%dma_start3A_113 : memref<10240x128xf32, #tpu.memory_space<vmem_shared>>) offsets(%arg8 : memref<128xi32, #tpu.memory_space<vmem>>) semaphore(%run_scoped3A : memref<!tpu.dma_semaphore, #tpu.memory_space<semaphore_mem>>) {add = true}
        %dma_wait3A_114 = arith.constant 0 : i32
        %dma_wait3A_115 = arith.constant 0 : i32
        %dma_wait3A_116 = tpu.memref_slice %arg5[%dma_wait3A_114, %dma_wait3A_115] : memref<10240x128xf32, #tpu.memory_space<vmem_shared>> -> memref<10240x128xf32, #tpu.memory_space<vmem_shared>>
        tpu.wait_indirect_dma semaphore(%run_scoped3A : memref<!tpu.dma_semaphore, #tpu.memory_space<semaphore_mem>>) src(%arg9 : memref<128x128xf32, #tpu.memory_space<vmem>>) dst(%dma_wait3A_116 : memref<10240x128xf32, #tpu.memory_space<vmem_shared>>)
        tpu.yield
      }) : () -> ()
    }
    %scan3A_33 = arith.constant 7 : i32
    %dma_wait3A = arith.constant 0 : i32
    %dma_wait3A_34 = tpu.memref_slice %arg3[%dma_wait3A] : memref<320000xi32, #tpu.memory_space<hbm>> -> memref<128xi32, #tpu.memory_space<hbm>>
    %dma_wait3A_35 = arith.constant 0 : i32
    %dma_wait3A_36 = tpu.memref_slice %arg3[%dma_wait3A_35] : memref<320000xi32, #tpu.memory_space<hbm>> -> memref<128xi32, #tpu.memory_space<hbm>>
    tpu.wait_dma2 semaphore(%arg12 : memref<!tpu.dma_semaphore, #tpu.memory_space<semaphore_mem>>) src(%dma_wait3A_36 : memref<128xi32, #tpu.memory_space<hbm>>) dst(%arg6 : memref<128xi32, #tpu.memory_space<vmem>>)
    %dma_wait3A_37 = arith.constant 0 : i32
    %dma_wait3A_38 = arith.constant 0 : i32
    %dma_wait3A_39 = tpu.memref_slice %arg2[%dma_wait3A_37, %dma_wait3A_38] : memref<64000x128xf32, #tpu.memory_space<hbm>> -> memref<128x128xf32, #tpu.memory_space<hbm>>
    %dma_wait3A_40 = arith.constant 0 : i32
    %dma_wait3A_41 = arith.constant 0 : i32
    %dma_wait3A_42 = tpu.memref_slice %arg2[%dma_wait3A_40, %dma_wait3A_41] : memref<64000x128xf32, #tpu.memory_space<hbm>> -> memref<128x128xf32, #tpu.memory_space<hbm>>
    tpu.wait_dma2 semaphore(%arg13 : memref<!tpu.dma_semaphore, #tpu.memory_space<semaphore_mem>>) src(%dma_wait3A_42 : memref<128x128xf32, #tpu.memory_space<hbm>>) dst(%arg7 : memref<128x128xf32, #tpu.memory_space<vmem>>)
    "tpu.region"() ({
      %run_scoped3A = tpu.sem_alloc : memref<!tpu.dma_semaphore, #tpu.memory_space<semaphore_mem>>
      %dma_start3A_60 = arith.constant 0 : i32
      %dma_start3A_61 = arith.constant 0 : i32
      %dma_start3A_62 = tpu.memref_slice %arg5[%dma_start3A_60, %dma_start3A_61] : memref<10240x128xf32, #tpu.memory_space<vmem_shared>> -> memref<10240x128xf32, #tpu.memory_space<vmem_shared>>
      tpu.enqueue_indirect_dma source(%arg7 : memref<128x128xf32, #tpu.memory_space<vmem>>) target(%dma_start3A_62 : memref<10240x128xf32, #tpu.memory_space<vmem_shared>>) offsets(%arg6 : memref<128xi32, #tpu.memory_space<vmem>>) semaphore(%run_scoped3A : memref<!tpu.dma_semaphore, #tpu.memory_space<semaphore_mem>>) {add = true}
      %dma_wait3A_63 = arith.constant 0 : i32
      %dma_wait3A_64 = arith.constant 0 : i32
      %dma_wait3A_65 = tpu.memref_slice %arg5[%dma_wait3A_63, %dma_wait3A_64] : memref<10240x128xf32, #tpu.memory_space<vmem_shared>> -> memref<10240x128xf32, #tpu.memory_space<vmem_shared>>
      tpu.wait_indirect_dma semaphore(%run_scoped3A : memref<!tpu.dma_semaphore, #tpu.memory_space<semaphore_mem>>) src(%arg7 : memref<128x128xf32, #tpu.memory_space<vmem>>) dst(%dma_wait3A_65 : memref<10240x128xf32, #tpu.memory_space<vmem_shared>>)
      tpu.yield
    }) : () -> ()
    %add3A_43 = arith.constant 1920 : i32
    %add3A_44 = arith.addi %mul3A_2, %add3A_43 : i32
    %add3A_45 = arith.constant 64000 : i32
    %add3A_46 = arith.addi %add3A_45, %add3A_44 : i32
    %dma_start3A_47 = tpu.memref_slice %arg3[%add3A_46] : memref<320000xi32, #tpu.memory_space<hbm>> -> memref<80xi32, #tpu.memory_space<hbm>>
    %dma_start3A_48 = tpu.memref_slice %arg3[%add3A_46] : memref<320000xi32, #tpu.memory_space<hbm>> -> memref<80xi32, #tpu.memory_space<hbm>>
    tpu.enqueue_dma source(%dma_start3A_48 : memref<80xi32, #tpu.memory_space<hbm>>) target(%arg10 : memref<80xi32, #tpu.memory_space<vmem>>) target_semaphore(%arg14 : memref<!tpu.dma_semaphore, #tpu.memory_space<semaphore_mem>>)
    %dma_start3A_49 = arith.constant 0 : i32
    %dma_start3A_50 = tpu.memref_slice %arg2[%add3A_44, %dma_start3A_49] : memref<64000x128xf32, #tpu.memory_space<hbm>> -> memref<80x128xf32, #tpu.memory_space<hbm>>
    %dma_start3A_51 = arith.constant 0 : i32
    %dma_start3A_52 = tpu.memref_slice %arg2[%add3A_44, %dma_start3A_51] : memref<64000x128xf32, #tpu.memory_space<hbm>> -> memref<80x128xf32, #tpu.memory_space<hbm>>
    tpu.enqueue_dma source(%dma_start3A_52 : memref<80x128xf32, #tpu.memory_space<hbm>>) target(%arg11 : memref<80x128xf32, #tpu.memory_space<vmem>>) target_semaphore(%arg15 : memref<!tpu.dma_semaphore, #tpu.memory_space<semaphore_mem>>)
    %dma_wait3A_53 = tpu.memref_slice %arg3[%add3A_46] : memref<320000xi32, #tpu.memory_space<hbm>> -> memref<80xi32, #tpu.memory_space<hbm>>
    %dma_wait3A_54 = tpu.memref_slice %arg3[%add3A_46] : memref<320000xi32, #tpu.memory_space<hbm>> -> memref<80xi32, #tpu.memory_space<hbm>>
    tpu.wait_dma2 semaphore(%arg14 : memref<!tpu.dma_semaphore, #tpu.memory_space<semaphore_mem>>) src(%dma_wait3A_54 : memref<80xi32, #tpu.memory_space<hbm>>) dst(%arg10 : memref<80xi32, #tpu.memory_space<vmem>>)
    %dma_wait3A_55 = arith.constant 0 : i32
    %dma_wait3A_56 = tpu.memref_slice %arg2[%add3A_44, %dma_wait3A_55] : memref<64000x128xf32, #tpu.memory_space<hbm>> -> memref<80x128xf32, #tpu.memory_space<hbm>>
    %dma_wait3A_57 = arith.constant 0 : i32
    %dma_wait3A_58 = tpu.memref_slice %arg2[%add3A_44, %dma_wait3A_57] : memref<64000x128xf32, #tpu.memory_space<hbm>> -> memref<80x128xf32, #tpu.memory_space<hbm>>
    tpu.wait_dma2 semaphore(%arg15 : memref<!tpu.dma_semaphore, #tpu.memory_space<semaphore_mem>>) src(%dma_wait3A_58 : memref<80x128xf32, #tpu.memory_space<hbm>>) dst(%arg11 : memref<80x128xf32, #tpu.memory_space<vmem>>)
    "tpu.region"() ({
      %run_scoped3A = tpu.sem_alloc : memref<!tpu.dma_semaphore, #tpu.memory_space<semaphore_mem>>
      %dma_start3A_60 = arith.constant 0 : i32
      %dma_start3A_61 = arith.constant 0 : i32
      %dma_start3A_62 = tpu.memref_slice %arg5[%dma_start3A_60, %dma_start3A_61] : memref<10240x128xf32, #tpu.memory_space<vmem_shared>> -> memref<10240x128xf32, #tpu.memory_space<vmem_shared>>
      tpu.enqueue_indirect_dma source(%arg11 : memref<80x128xf32, #tpu.memory_space<vmem>>) target(%dma_start3A_62 : memref<10240x128xf32, #tpu.memory_space<vmem_shared>>) offsets(%arg10 : memref<80xi32, #tpu.memory_space<vmem>>) semaphore(%run_scoped3A : memref<!tpu.dma_semaphore, #tpu.memory_space<semaphore_mem>>) {add = true}
      %dma_wait3A_63 = arith.constant 0 : i32
      %dma_wait3A_64 = arith.constant 0 : i32
      %dma_wait3A_65 = tpu.memref_slice %arg5[%dma_wait3A_63, %dma_wait3A_64] : memref<10240x128xf32, #tpu.memory_space<vmem_shared>> -> memref<10240x128xf32, #tpu.memory_space<vmem_shared>>
      tpu.wait_indirect_dma semaphore(%run_scoped3A : memref<!tpu.dma_semaphore, #tpu.memory_space<semaphore_mem>>) src(%arg11 : memref<80x128xf32, #tpu.memory_space<vmem>>) dst(%dma_wait3A_65 : memref<10240x128xf32, #tpu.memory_space<vmem_shared>>)
      tpu.yield
    }) : () -> ()
    %barrier3A_59 = arith.constant 0 : index
    tpu.barrier barrier_id(%barrier3A_59)
    "tpu.region"() ({
      %run_scoped3A = tpu.sem_alloc : memref<!tpu.dma_semaphore, #tpu.memory_space<semaphore_mem>>
      %dma_start3A_60 = arith.constant 0 : i32
      %dma_start3A_61 = tpu.memref_slice %arg4[%arg0, %mul3A_4, %dma_start3A_60] : memref<2x10240x128xf32, #tpu.memory_space<hbm>> -> memref<1x640x128xf32, #tpu.memory_space<hbm>>
      %dma_start3A_62 = tpu.memref_squeeze %dma_start3A_61 : memref<1x640x128xf32, #tpu.memory_space<hbm>> -> memref<640x128xf32, #tpu.memory_space<hbm>>
      %dma_start3A_63 = arith.constant 0 : i32
      %dma_start3A_64 = tpu.memref_slice %arg5[%mul3A_4, %dma_start3A_63] : memref<10240x128xf32, #tpu.memory_space<vmem_shared>> -> memref<640x128xf32, #tpu.memory_space<vmem_shared>>
      tpu.enqueue_dma source(%dma_start3A_64 : memref<640x128xf32, #tpu.memory_space<vmem_shared>>) target(%dma_start3A_62 : memref<640x128xf32, #tpu.memory_space<hbm>>) target_semaphore(%run_scoped3A : memref<!tpu.dma_semaphore, #tpu.memory_space<semaphore_mem>>)
      %dma_wait3A_65 = arith.constant 0 : i32
      %dma_wait3A_66 = tpu.memref_slice %arg4[%arg0, %mul3A_4, %dma_wait3A_65] : memref<2x10240x128xf32, #tpu.memory_space<hbm>> -> memref<1x640x128xf32, #tpu.memory_space<hbm>>
      %dma_wait3A_67 = tpu.memref_squeeze %dma_wait3A_66 : memref<1x640x128xf32, #tpu.memory_space<hbm>> -> memref<640x128xf32, #tpu.memory_space<hbm>>
      %dma_wait3A_68 = arith.constant 0 : i32
      %dma_wait3A_69 = tpu.memref_slice %arg5[%mul3A_4, %dma_wait3A_68] : memref<10240x128xf32, #tpu.memory_space<vmem_shared>> -> memref<640x128xf32, #tpu.memory_space<vmem_shared>>
      tpu.wait_dma2 semaphore(%run_scoped3A : memref<!tpu.dma_semaphore, #tpu.memory_space<semaphore_mem>>) src(%dma_wait3A_69 : memref<640x128xf32, #tpu.memory_space<vmem_shared>>) dst(%dma_wait3A_67 : memref<640x128xf32, #tpu.memory_space<hbm>>)
      tpu.yield
    }) : () -> ()
    return
  }
}

#map = affine_map<(d0, d1) -> (0, 0)>
#map1 = affine_map<(d0, d1) -> (0)>
#map2 = affine_map<(d0, d1) -> (0, 0, 0)>
module attributes {stable_mosaic.version = 14 : i64} {
  func.func @_scatter_body(%arg0: i32, %arg1: i32, %arg2: memref<64000x128xf32, #tpu.memory_space<hbm>>, %arg3: memref<320000xi32, #tpu.memory_space<hbm>>, %arg4: memref<2x10240x128xf32, #tpu.memory_space<hbm>>, %arg5: memref<10240x128xf32, #tpu.memory_space<vmem_shared>>, %arg6: memref<128xi32, #tpu.memory_space<vmem>>, %arg7: memref<128x128xf32, #tpu.memory_space<vmem>>, %arg8: memref<128xi32, #tpu.memory_space<vmem>>, %arg9: memref<128x128xf32, #tpu.memory_space<vmem>>, %arg10: memref<80xi32, #tpu.memory_space<vmem>>, %arg11: memref<80x128xf32, #tpu.memory_space<vmem>>, %arg12: memref<!tpu.dma_semaphore, #tpu.memory_space<semaphore_mem>>, %arg13: memref<!tpu.dma_semaphore, #tpu.memory_space<semaphore_mem>>, %arg14: memref<!tpu.dma_semaphore, #tpu.memory_space<semaphore_mem>>, %arg15: memref<!tpu.dma_semaphore, #tpu.memory_space<semaphore_mem>>) attributes {dimension_semantics = [#tpu.dimension_semantics<core_parallel>, #tpu.dimension_semantics<subcore_parallel>], iteration_bounds = array<i64: 2, 16>, scalar_prefetch = 0 : i64, scratch_operands = 11 : i64, tpu.core_type = #tpu.core_type<sc_vector_subcore>, window_params = [{transform_indices = #map}, {transform_indices = #map1}, {transform_indices = #map2}]} {
    %mul3A = arith.constant 16 : i32
    %mul3A_0 = arith.muli %arg0, %mul3A : i32
    %add3A = arith.addi %mul3A_0, %arg1 : i32
    %mul3A_1 = arith.constant 2000 : i32
    %mul3A_2 = arith.muli %add3A, %mul3A_1 : i32
    %mul3A_3 = arith.constant 640 : i32
    %mul3A_4 = arith.muli %arg1, %mul3A_3 : i32
    %add3A_5 = arith.constant 0 : i32
    %add3A_6 = arith.addi %mul3A_2, %add3A_5 : i32
    %add3A_7 = arith.constant 256000 : i32
    %add3A_8 = arith.addi %add3A_7, %add3A_6 : i32
    %dma_start3A = tpu.memref_slice %arg3[%add3A_8] : memref<320000xi32, #tpu.memory_space<hbm>> -> memref<128xi32, #tpu.memory_space<hbm>>
    %dma_start3A_9 = tpu.memref_slice %arg3[%add3A_8] : memref<320000xi32, #tpu.memory_space<hbm>> -> memref<128xi32, #tpu.memory_space<hbm>>
    tpu.enqueue_dma source(%dma_start3A_9 : memref<128xi32, #tpu.memory_space<hbm>>) target(%arg6 : memref<128xi32, #tpu.memory_space<vmem>>) target_semaphore(%arg12 : memref<!tpu.dma_semaphore, #tpu.memory_space<semaphore_mem>>)
    %dma_start3A_10 = arith.constant 0 : i32
    %dma_start3A_11 = tpu.memref_slice %arg2[%add3A_6, %dma_start3A_10] : memref<64000x128xf32, #tpu.memory_space<hbm>> -> memref<128x128xf32, #tpu.memory_space<hbm>>
    %dma_start3A_12 = arith.constant 0 : i32
    %dma_start3A_13 = tpu.memref_slice %arg2[%add3A_6, %dma_start3A_12] : memref<64000x128xf32, #tpu.memory_space<hbm>> -> memref<128x128xf32, #tpu.memory_space<hbm>>
    tpu.enqueue_dma source(%dma_start3A_13 : memref<128x128xf32, #tpu.memory_space<hbm>>) target(%arg7 : memref<128x128xf32, #tpu.memory_space<vmem>>) target_semaphore(%arg13 : memref<!tpu.dma_semaphore, #tpu.memory_space<semaphore_mem>>)
    %broadcast_in_dim3A = arith.constant 0.000000e+00 : f32
    %broadcast_in_dim3A_14 = vector.broadcast %broadcast_in_dim3A : f32 to vector<16xf32>
    %scan3A = arith.constant 0 : i32
    %scan3A_15 = arith.constant 128 : i32
    %scan3A_16 = arith.addi %scan3A, %scan3A_15 : i32
    %scan3A_17 = arith.constant 1 : i32
    scf.for %scan3A_60 = %scan3A to %scan3A_16 step %scan3A_17  : i32 {
      %mul3A_61 = arith.constant 1 : i32
      %mul3A_62 = arith.muli %scan3A_60, %mul3A_61 : i32
      %add3A_63 = arith.constant 0 : i32
      %add3A_64 = arith.addi %add3A_63, %mul3A_62 : i32
      %swap3A = arith.index_cast %add3A_64 : i32 to index
      %swap3A_65 = arith.constant 0 : index
      %swap3A_66 = tpu.vector_load %arg9[%swap3A, %swap3A_65] {strides = array<i32>} : memref<128x128xf32, #tpu.memory_space<vmem>>, vector<1x16xf32>,
      %swap3A_67 = vector.shape_cast %swap3A_66 : vector<1x16xf32> to vector<16xf32>
      %swap3A_68 = vector.shape_cast %broadcast_in_dim3A_14 : vector<16xf32> to vector<1x16xf32>
      tpu.vector_store %arg9[%swap3A, %swap3A_65], %swap3A_68 {strides = array<i32>} : memref<128x128xf32, #tpu.memory_space<vmem>>, vector<1x16xf32>,
      %swap3A_69 = arith.index_cast %add3A_64 : i32 to index
      %swap3A_70 = arith.constant 16 : index
      %swap3A_71 = tpu.vector_load %arg9[%swap3A_69, %swap3A_70] {strides = array<i32>} : memref<128x128xf32, #tpu.memory_space<vmem>>, vector<1x16xf32>,
      %swap3A_72 = vector.shape_cast %swap3A_71 : vector<1x16xf32> to vector<16xf32>
      %swap3A_73 = vector.shape_cast %broadcast_in_dim3A_14 : vector<16xf32> to vector<1x16xf32>
      tpu.vector_store %arg9[%swap3A_69, %swap3A_70], %swap3A_73 {strides = array<i32>} : memref<128x128xf32, #tpu.memory_space<vmem>>, vector<1x16xf32>,
      %swap3A_74 = arith.index_cast %add3A_64 : i32 to index
      %swap3A_75 = arith.constant 32 : index
      %swap3A_76 = tpu.vector_load %arg9[%swap3A_74, %swap3A_75] {strides = array<i32>} : memref<128x128xf32, #tpu.memory_space<vmem>>, vector<1x16xf32>,
      %swap3A_77 = vector.shape_cast %swap3A_76 : vector<1x16xf32> to vector<16xf32>
      %swap3A_78 = vector.shape_cast %broadcast_in_dim3A_14 : vector<16xf32> to vector<1x16xf32>
      tpu.vector_store %arg9[%swap3A_74, %swap3A_75], %swap3A_78 {strides = array<i32>} : memref<128x128xf32, #tpu.memory_space<vmem>>, vector<1x16xf32>,
      %swap3A_79 = arith.index_cast %add3A_64 : i32 to index
      %swap3A_80 = arith.constant 48 : index
      %swap3A_81 = tpu.vector_load %arg9[%swap3A_79, %swap3A_80] {strides = array<i32>} : memref<128x128xf32, #tpu.memory_space<vmem>>, vector<1x16xf32>,
      %swap3A_82 = vector.shape_cast %swap3A_81 : vector<1x16xf32> to vector<16xf32>
      %swap3A_83 = vector.shape_cast %broadcast_in_dim3A_14 : vector<16xf32> to vector<1x16xf32>
      tpu.vector_store %arg9[%swap3A_79, %swap3A_80], %swap3A_83 {strides = array<i32>} : memref<128x128xf32, #tpu.memory_space<vmem>>, vector<1x16xf32>,
      %swap3A_84 = arith.index_cast %add3A_64 : i32 to index
      %swap3A_85 = arith.constant 64 : index
      %swap3A_86 = tpu.vector_load %arg9[%swap3A_84, %swap3A_85] {strides = array<i32>} : memref<128x128xf32, #tpu.memory_space<vmem>>, vector<1x16xf32>,
      %swap3A_87 = vector.shape_cast %swap3A_86 : vector<1x16xf32> to vector<16xf32>
      %swap3A_88 = vector.shape_cast %broadcast_in_dim3A_14 : vector<16xf32> to vector<1x16xf32>
      tpu.vector_store %arg9[%swap3A_84, %swap3A_85], %swap3A_88 {strides = array<i32>} : memref<128x128xf32, #tpu.memory_space<vmem>>, vector<1x16xf32>,
      %swap3A_89 = arith.index_cast %add3A_64 : i32 to index
      %swap3A_90 = arith.constant 80 : index
      %swap3A_91 = tpu.vector_load %arg9[%swap3A_89, %swap3A_90] {strides = array<i32>} : memref<128x128xf32, #tpu.memory_space<vmem>>, vector<1x16xf32>,
      %swap3A_92 = vector.shape_cast %swap3A_91 : vector<1x16xf32> to vector<16xf32>
      %swap3A_93 = vector.shape_cast %broadcast_in_dim3A_14 : vector<16xf32> to vector<1x16xf32>
      tpu.vector_store %arg9[%swap3A_89, %swap3A_90], %swap3A_93 {strides = array<i32>} : memref<128x128xf32, #tpu.memory_space<vmem>>, vector<1x16xf32>,
      %swap3A_94 = arith.index_cast %add3A_64 : i32 to index
      %swap3A_95 = arith.constant 96 : index
      %swap3A_96 = tpu.vector_load %arg9[%swap3A_94, %swap3A_95] {strides = array<i32>} : memref<128x128xf32, #tpu.memory_space<vmem>>, vector<1x16xf32>,
      %swap3A_97 = vector.shape_cast %swap3A_96 : vector<1x16xf32> to vector<16xf32>
      %swap3A_98 = vector.shape_cast %broadcast_in_dim3A_14 : vector<16xf32> to vector<1x16xf32>
      tpu.vector_store %arg9[%swap3A_94, %swap3A_95], %swap3A_98 {strides = array<i32>} : memref<128x128xf32, #tpu.memory_space<vmem>>, vector<1x16xf32>,
      %swap3A_99 = arith.index_cast %add3A_64 : i32 to index
      %swap3A_100 = arith.constant 112 : index
      %swap3A_101 = tpu.vector_load %arg9[%swap3A_99, %swap3A_100] {strides = array<i32>} : memref<128x128xf32, #tpu.memory_space<vmem>>, vector<1x16xf32>,
      %swap3A_102 = vector.shape_cast %swap3A_101 : vector<1x16xf32> to vector<16xf32>
      %swap3A_103 = vector.shape_cast %broadcast_in_dim3A_14 : vector<16xf32> to vector<1x16xf32>
      tpu.vector_store %arg9[%swap3A_99, %swap3A_100], %swap3A_103 {strides = array<i32>} : memref<128x128xf32, #tpu.memory_space<vmem>>, vector<1x16xf32>,
    }
    %scan3A_18 = arith.constant 128 : i32
    %add3A_19 = arith.constant 0 : i32
    %add3A_20 = arith.addi %mul3A_4, %add3A_19 : i32
    "tpu.region"() ({
      %run_scoped3A = tpu.sem_alloc : memref<!tpu.dma_semaphore, #tpu.memory_space<semaphore_mem>>
      %dma_start3A_60 = arith.constant 0 : i32
      %dma_start3A_61 = tpu.memref_slice %arg5[%add3A_20, %dma_start3A_60] : memref<10240x128xf32, #tpu.memory_space<vmem_shared>> -> memref<128x128xf32, #tpu.memory_space<vmem_shared>>
      %dma_start3A_62 = arith.constant 0 : i32
      %dma_start3A_63 = tpu.memref_slice %arg5[%add3A_20, %dma_start3A_62] : memref<10240x128xf32, #tpu.memory_space<vmem_shared>> -> memref<128x128xf32, #tpu.memory_space<vmem_shared>>
      tpu.enqueue_dma source(%arg9 : memref<128x128xf32, #tpu.memory_space<vmem>>) target(%dma_start3A_63 : memref<128x128xf32, #tpu.memory_space<vmem_shared>>) target_semaphore(%run_scoped3A : memref<!tpu.dma_semaphore, #tpu.memory_space<semaphore_mem>>)
      %dma_wait3A_64 = arith.constant 0 : i32
      %dma_wait3A_65 = tpu.memref_slice %arg5[%add3A_20, %dma_wait3A_64] : memref<10240x128xf32, #tpu.memory_space<vmem_shared>> -> memref<128x128xf32, #tpu.memory_space<vmem_shared>>
      %dma_wait3A_66 = arith.constant 0 : i32
      %dma_wait3A_67 = tpu.memref_slice %arg5[%add3A_20, %dma_wait3A_66] : memref<10240x128xf32, #tpu.memory_space<vmem_shared>> -> memref<128x128xf32, #tpu.memory_space<vmem_shared>>
      tpu.wait_dma2 semaphore(%run_scoped3A : memref<!tpu.dma_semaphore, #tpu.memory_space<semaphore_mem>>) src(%arg9 : memref<128x128xf32, #tpu.memory_space<vmem>>) dst(%dma_wait3A_67 : memref<128x128xf32, #tpu.memory_space<vmem_shared>>)
      tpu.yield
    }) : () -> ()
    %add3A_21 = arith.constant 128 : i32
    %add3A_22 = arith.addi %mul3A_4, %add3A_21 : i32
    "tpu.region"() ({
      %run_scoped3A = tpu.sem_alloc : memref<!tpu.dma_semaphore, #tpu.memory_space<semaphore_mem>>
      %dma_start3A_60 = arith.constant 0 : i32
      %dma_start3A_61 = tpu.memref_slice %arg5[%add3A_22, %dma_start3A_60] : memref<10240x128xf32, #tpu.memory_space<vmem_shared>> -> memref<128x128xf32, #tpu.memory_space<vmem_shared>>
      %dma_start3A_62 = arith.constant 0 : i32
      %dma_start3A_63 = tpu.memref_slice %arg5[%add3A_22, %dma_start3A_62] : memref<10240x128xf32, #tpu.memory_space<vmem_shared>> -> memref<128x128xf32, #tpu.memory_space<vmem_shared>>
      tpu.enqueue_dma source(%arg9 : memref<128x128xf32, #tpu.memory_space<vmem>>) target(%dma_start3A_63 : memref<128x128xf32, #tpu.memory_space<vmem_shared>>) target_semaphore(%run_scoped3A : memref<!tpu.dma_semaphore, #tpu.memory_space<semaphore_mem>>)
      %dma_wait3A_64 = arith.constant 0 : i32
      %dma_wait3A_65 = tpu.memref_slice %arg5[%add3A_22, %dma_wait3A_64] : memref<10240x128xf32, #tpu.memory_space<vmem_shared>> -> memref<128x128xf32, #tpu.memory_space<vmem_shared>>
      %dma_wait3A_66 = arith.constant 0 : i32
      %dma_wait3A_67 = tpu.memref_slice %arg5[%add3A_22, %dma_wait3A_66] : memref<10240x128xf32, #tpu.memory_space<vmem_shared>> -> memref<128x128xf32, #tpu.memory_space<vmem_shared>>
      tpu.wait_dma2 semaphore(%run_scoped3A : memref<!tpu.dma_semaphore, #tpu.memory_space<semaphore_mem>>) src(%arg9 : memref<128x128xf32, #tpu.memory_space<vmem>>) dst(%dma_wait3A_67 : memref<128x128xf32, #tpu.memory_space<vmem_shared>>)
      tpu.yield
    }) : () -> ()
    %add3A_23 = arith.constant 256 : i32
    %add3A_24 = arith.addi %mul3A_4, %add3A_23 : i32
    "tpu.region"() ({
      %run_scoped3A = tpu.sem_alloc : memref<!tpu.dma_semaphore, #tpu.memory_space<semaphore_mem>>
      %dma_start3A_60 = arith.constant 0 : i32
      %dma_start3A_61 = tpu.memref_slice %arg5[%add3A_24, %dma_start3A_60] : memref<10240x128xf32, #tpu.memory_space<vmem_shared>> -> memref<128x128xf32, #tpu.memory_space<vmem_shared>>
      %dma_start3A_62 = arith.constant 0 : i32
      %dma_start3A_63 = tpu.memref_slice %arg5[%add3A_24, %dma_start3A_62] : memref<10240x128xf32, #tpu.memory_space<vmem_shared>> -> memref<128x128xf32, #tpu.memory_space<vmem_shared>>
      tpu.enqueue_dma source(%arg9 : memref<128x128xf32, #tpu.memory_space<vmem>>) target(%dma_start3A_63 : memref<128x128xf32, #tpu.memory_space<vmem_shared>>) target_semaphore(%run_scoped3A : memref<!tpu.dma_semaphore, #tpu.memory_space<semaphore_mem>>)
      %dma_wait3A_64 = arith.constant 0 : i32
      %dma_wait3A_65 = tpu.memref_slice %arg5[%add3A_24, %dma_wait3A_64] : memref<10240x128xf32, #tpu.memory_space<vmem_shared>> -> memref<128x128xf32, #tpu.memory_space<vmem_shared>>
      %dma_wait3A_66 = arith.constant 0 : i32
      %dma_wait3A_67 = tpu.memref_slice %arg5[%add3A_24, %dma_wait3A_66] : memref<10240x128xf32, #tpu.memory_space<vmem_shared>> -> memref<128x128xf32, #tpu.memory_space<vmem_shared>>
      tpu.wait_dma2 semaphore(%run_scoped3A : memref<!tpu.dma_semaphore, #tpu.memory_space<semaphore_mem>>) src(%arg9 : memref<128x128xf32, #tpu.memory_space<vmem>>) dst(%dma_wait3A_67 : memref<128x128xf32, #tpu.memory_space<vmem_shared>>)
      tpu.yield
    }) : () -> ()
    %add3A_25 = arith.constant 384 : i32
    %add3A_26 = arith.addi %mul3A_4, %add3A_25 : i32
    "tpu.region"() ({
      %run_scoped3A = tpu.sem_alloc : memref<!tpu.dma_semaphore, #tpu.memory_space<semaphore_mem>>
      %dma_start3A_60 = arith.constant 0 : i32
      %dma_start3A_61 = tpu.memref_slice %arg5[%add3A_26, %dma_start3A_60] : memref<10240x128xf32, #tpu.memory_space<vmem_shared>> -> memref<128x128xf32, #tpu.memory_space<vmem_shared>>
      %dma_start3A_62 = arith.constant 0 : i32
      %dma_start3A_63 = tpu.memref_slice %arg5[%add3A_26, %dma_start3A_62] : memref<10240x128xf32, #tpu.memory_space<vmem_shared>> -> memref<128x128xf32, #tpu.memory_space<vmem_shared>>
      tpu.enqueue_dma source(%arg9 : memref<128x128xf32, #tpu.memory_space<vmem>>) target(%dma_start3A_63 : memref<128x128xf32, #tpu.memory_space<vmem_shared>>) target_semaphore(%run_scoped3A : memref<!tpu.dma_semaphore, #tpu.memory_space<semaphore_mem>>)
      %dma_wait3A_64 = arith.constant 0 : i32
      %dma_wait3A_65 = tpu.memref_slice %arg5[%add3A_26, %dma_wait3A_64] : memref<10240x128xf32, #tpu.memory_space<vmem_shared>> -> memref<128x128xf32, #tpu.memory_space<vmem_shared>>
      %dma_wait3A_66 = arith.constant 0 : i32
      %dma_wait3A_67 = tpu.memref_slice %arg5[%add3A_26, %dma_wait3A_66] : memref<10240x128xf32, #tpu.memory_space<vmem_shared>> -> memref<128x128xf32, #tpu.memory_space<vmem_shared>>
      tpu.wait_dma2 semaphore(%run_scoped3A : memref<!tpu.dma_semaphore, #tpu.memory_space<semaphore_mem>>) src(%arg9 : memref<128x128xf32, #tpu.memory_space<vmem>>) dst(%dma_wait3A_67 : memref<128x128xf32, #tpu.memory_space<vmem_shared>>)
      tpu.yield
    }) : () -> ()
    %add3A_27 = arith.constant 512 : i32
    %add3A_28 = arith.addi %mul3A_4, %add3A_27 : i32
    "tpu.region"() ({
      %run_scoped3A = tpu.sem_alloc : memref<!tpu.dma_semaphore, #tpu.memory_space<semaphore_mem>>
      %dma_start3A_60 = arith.constant 0 : i32
      %dma_start3A_61 = tpu.memref_slice %arg5[%add3A_28, %dma_start3A_60] : memref<10240x128xf32, #tpu.memory_space<vmem_shared>> -> memref<128x128xf32, #tpu.memory_space<vmem_shared>>
      %dma_start3A_62 = arith.constant 0 : i32
      %dma_start3A_63 = tpu.memref_slice %arg5[%add3A_28, %dma_start3A_62] : memref<10240x128xf32, #tpu.memory_space<vmem_shared>> -> memref<128x128xf32, #tpu.memory_space<vmem_shared>>
      tpu.enqueue_dma source(%arg9 : memref<128x128xf32, #tpu.memory_space<vmem>>) target(%dma_start3A_63 : memref<128x128xf32, #tpu.memory_space<vmem_shared>>) target_semaphore(%run_scoped3A : memref<!tpu.dma_semaphore, #tpu.memory_space<semaphore_mem>>)
      %dma_wait3A_64 = arith.constant 0 : i32
      %dma_wait3A_65 = tpu.memref_slice %arg5[%add3A_28, %dma_wait3A_64] : memref<10240x128xf32, #tpu.memory_space<vmem_shared>> -> memref<128x128xf32, #tpu.memory_space<vmem_shared>>
      %dma_wait3A_66 = arith.constant 0 : i32
      %dma_wait3A_67 = tpu.memref_slice %arg5[%add3A_28, %dma_wait3A_66] : memref<10240x128xf32, #tpu.memory_space<vmem_shared>> -> memref<128x128xf32, #tpu.memory_space<vmem_shared>>
      tpu.wait_dma2 semaphore(%run_scoped3A : memref<!tpu.dma_semaphore, #tpu.memory_space<semaphore_mem>>) src(%arg9 : memref<128x128xf32, #tpu.memory_space<vmem>>) dst(%dma_wait3A_67 : memref<128x128xf32, #tpu.memory_space<vmem_shared>>)
      tpu.yield
    }) : () -> ()
    %barrier3A = arith.constant 0 : index
    tpu.barrier barrier_id(%barrier3A)
    %scan3A_29 = arith.constant 0 : i32
    %scan3A_30 = arith.constant 7 : i32
    %scan3A_31 = arith.addi %scan3A_29, %scan3A_30 : i32
    %scan3A_32 = arith.constant 1 : i32
    scf.for %scan3A_60 = %scan3A_29 to %scan3A_31 step %scan3A_32  : i32 {
      %mul3A_61 = arith.constant 2 : i32
      %mul3A_62 = arith.muli %scan3A_60, %mul3A_61 : i32
      %add3A_63 = arith.constant 0 : i32
      %add3A_64 = arith.addi %add3A_63, %mul3A_62 : i32
      %add3A_65 = arith.constant 1 : i32
      %add3A_66 = arith.addi %add3A_64, %add3A_65 : i32
      %mul3A_67 = arith.constant 128 : i32
      %mul3A_68 = arith.muli %add3A_66, %mul3A_67 : i32
      %add3A_69 = arith.addi %mul3A_2, %mul3A_68 : i32
      %add3A_70 = arith.constant 256000 : i32
      %add3A_71 = arith.addi %add3A_70, %add3A_69 : i32
      %dma_start3A_72 = tpu.memref_slice %arg3[%add3A_71] : memref<320000xi32, #tpu.memory_space<hbm>> -> memref<128xi32, #tpu.memory_space<hbm>>
      %dma_start3A_73 = tpu.memref_slice %arg3[%add3A_71] : memref<320000xi32, #tpu.memory_space<hbm>> -> memref<128xi32, #tpu.memory_space<hbm>>
      tpu.enqueue_dma source(%dma_start3A_73 : memref<128xi32, #tpu.memory_space<hbm>>) target(%arg8 : memref<128xi32, #tpu.memory_space<vmem>>) target_semaphore(%arg14 : memref<!tpu.dma_semaphore, #tpu.memory_space<semaphore_mem>>)
      %dma_start3A_74 = arith.constant 0 : i32
      %dma_start3A_75 = tpu.memref_slice %arg2[%add3A_69, %dma_start3A_74] : memref<64000x128xf32, #tpu.memory_space<hbm>> -> memref<128x128xf32, #tpu.memory_space<hbm>>
      %dma_start3A_76 = arith.constant 0 : i32
      %dma_start3A_77 = tpu.memref_slice %arg2[%add3A_69, %dma_start3A_76] : memref<64000x128xf32, #tpu.memory_space<hbm>> -> memref<128x128xf32, #tpu.memory_space<hbm>>
      tpu.enqueue_dma source(%dma_start3A_77 : memref<128x128xf32, #tpu.memory_space<hbm>>) target(%arg9 : memref<128x128xf32, #tpu.memory_space<vmem>>) target_semaphore(%arg15 : memref<!tpu.dma_semaphore, #tpu.memory_space<semaphore_mem>>)
      %dma_wait3A_78 = arith.constant 0 : i32
      %dma_wait3A_79 = tpu.memref_slice %arg3[%dma_wait3A_78] : memref<320000xi32, #tpu.memory_space<hbm>> -> memref<128xi32, #tpu.memory_space<hbm>>
      %dma_wait3A_80 = arith.constant 0 : i32
      %dma_wait3A_81 = tpu.memref_slice %arg3[%dma_wait3A_80] : memref<320000xi32, #tpu.memory_space<hbm>> -> memref<128xi32, #tpu.memory_space<hbm>>
      tpu.wait_dma2 semaphore(%arg12 : memref<!tpu.dma_semaphore, #tpu.memory_space<semaphore_mem>>) src(%dma_wait3A_81 : memref<128xi32, #tpu.memory_space<hbm>>) dst(%arg6 : memref<128xi32, #tpu.memory_space<vmem>>)
      %dma_wait3A_82 = arith.constant 0 : i32
      %dma_wait3A_83 = arith.constant 0 : i32
      %dma_wait3A_84 = tpu.memref_slice %arg2[%dma_wait3A_82, %dma_wait3A_83] : memref<64000x128xf32, #tpu.memory_space<hbm>> -> memref<128x128xf32, #tpu.memory_space<hbm>>
      %dma_wait3A_85 = arith.constant 0 : i32
      %dma_wait3A_86 = arith.constant 0 : i32
      %dma_wait3A_87 = tpu.memref_slice %arg2[%dma_wait3A_85, %dma_wait3A_86] : memref<64000x128xf32, #tpu.memory_space<hbm>> -> memref<128x128xf32, #tpu.memory_space<hbm>>
      tpu.wait_dma2 semaphore(%arg13 : memref<!tpu.dma_semaphore, #tpu.memory_space<semaphore_mem>>) src(%dma_wait3A_87 : memref<128x128xf32, #tpu.memory_space<hbm>>) dst(%arg7 : memref<128x128xf32, #tpu.memory_space<vmem>>)
      "tpu.region"() ({
        %run_scoped3A = tpu.sem_alloc : memref<!tpu.dma_semaphore, #tpu.memory_space<semaphore_mem>>
        %dma_start3A_111 = arith.constant 0 : i32
        %dma_start3A_112 = arith.constant 0 : i32
        %dma_start3A_113 = tpu.memref_slice %arg5[%dma_start3A_111, %dma_start3A_112] : memref<10240x128xf32, #tpu.memory_space<vmem_shared>> -> memref<10240x128xf32, #tpu.memory_space<vmem_shared>>
        tpu.enqueue_indirect_dma source(%arg7 : memref<128x128xf32, #tpu.memory_space<vmem>>) target(%dma_start3A_113 : memref<10240x128xf32, #tpu.memory_space<vmem_shared>>) offsets(%arg6 : memref<128xi32, #tpu.memory_space<vmem>>) semaphore(%run_scoped3A : memref<!tpu.dma_semaphore, #tpu.memory_space<semaphore_mem>>) {add = true}
        %dma_wait3A_114 = arith.constant 0 : i32
        %dma_wait3A_115 = arith.constant 0 : i32
        %dma_wait3A_116 = tpu.memref_slice %arg5[%dma_wait3A_114, %dma_wait3A_115] : memref<10240x128xf32, #tpu.memory_space<vmem_shared>> -> memref<10240x128xf32, #tpu.memory_space<vmem_shared>>
        tpu.wait_indirect_dma semaphore(%run_scoped3A : memref<!tpu.dma_semaphore, #tpu.memory_space<semaphore_mem>>) src(%arg7 : memref<128x128xf32, #tpu.memory_space<vmem>>) dst(%dma_wait3A_116 : memref<10240x128xf32, #tpu.memory_space<vmem_shared>>)
        tpu.yield
      }) : () -> ()
      %add3A_88 = arith.constant 2 : i32
      %add3A_89 = arith.addi %add3A_64, %add3A_88 : i32
      %mul3A_90 = arith.constant 128 : i32
      %mul3A_91 = arith.muli %add3A_89, %mul3A_90 : i32
      %add3A_92 = arith.addi %mul3A_2, %mul3A_91 : i32
      %add3A_93 = arith.constant 256000 : i32
      %add3A_94 = arith.addi %add3A_93, %add3A_92 : i32
      %dma_start3A_95 = tpu.memref_slice %arg3[%add3A_94] : memref<320000xi32, #tpu.memory_space<hbm>> -> memref<128xi32, #tpu.memory_space<hbm>>
      %dma_start3A_96 = tpu.memref_slice %arg3[%add3A_94] : memref<320000xi32, #tpu.memory_space<hbm>> -> memref<128xi32, #tpu.memory_space<hbm>>
      tpu.enqueue_dma source(%dma_start3A_96 : memref<128xi32, #tpu.memory_space<hbm>>) target(%arg6 : memref<128xi32, #tpu.memory_space<vmem>>) target_semaphore(%arg12 : memref<!tpu.dma_semaphore, #tpu.memory_space<semaphore_mem>>)
      %dma_start3A_97 = arith.constant 0 : i32
      %dma_start3A_98 = tpu.memref_slice %arg2[%add3A_92, %dma_start3A_97] : memref<64000x128xf32, #tpu.memory_space<hbm>> -> memref<128x128xf32, #tpu.memory_space<hbm>>
      %dma_start3A_99 = arith.constant 0 : i32
      %dma_start3A_100 = tpu.memref_slice %arg2[%add3A_92, %dma_start3A_99] : memref<64000x128xf32, #tpu.memory_space<hbm>> -> memref<128x128xf32, #tpu.memory_space<hbm>>
      tpu.enqueue_dma source(%dma_start3A_100 : memref<128x128xf32, #tpu.memory_space<hbm>>) target(%arg7 : memref<128x128xf32, #tpu.memory_space<vmem>>) target_semaphore(%arg13 : memref<!tpu.dma_semaphore, #tpu.memory_space<semaphore_mem>>)
      %dma_wait3A_101 = arith.constant 0 : i32
      %dma_wait3A_102 = tpu.memref_slice %arg3[%dma_wait3A_101] : memref<320000xi32, #tpu.memory_space<hbm>> -> memref<128xi32, #tpu.memory_space<hbm>>
      %dma_wait3A_103 = arith.constant 0 : i32
      %dma_wait3A_104 = tpu.memref_slice %arg3[%dma_wait3A_103] : memref<320000xi32, #tpu.memory_space<hbm>> -> memref<128xi32, #tpu.memory_space<hbm>>
      tpu.wait_dma2 semaphore(%arg14 : memref<!tpu.dma_semaphore, #tpu.memory_space<semaphore_mem>>) src(%dma_wait3A_104 : memref<128xi32, #tpu.memory_space<hbm>>) dst(%arg8 : memref<128xi32, #tpu.memory_space<vmem>>)
      %dma_wait3A_105 = arith.constant 0 : i32
      %dma_wait3A_106 = arith.constant 0 : i32
      %dma_wait3A_107 = tpu.memref_slice %arg2[%dma_wait3A_105, %dma_wait3A_106] : memref<64000x128xf32, #tpu.memory_space<hbm>> -> memref<128x128xf32, #tpu.memory_space<hbm>>
      %dma_wait3A_108 = arith.constant 0 : i32
      %dma_wait3A_109 = arith.constant 0 : i32
      %dma_wait3A_110 = tpu.memref_slice %arg2[%dma_wait3A_108, %dma_wait3A_109] : memref<64000x128xf32, #tpu.memory_space<hbm>> -> memref<128x128xf32, #tpu.memory_space<hbm>>
      tpu.wait_dma2 semaphore(%arg15 : memref<!tpu.dma_semaphore, #tpu.memory_space<semaphore_mem>>) src(%dma_wait3A_110 : memref<128x128xf32, #tpu.memory_space<hbm>>) dst(%arg9 : memref<128x128xf32, #tpu.memory_space<vmem>>)
      "tpu.region"() ({
        %run_scoped3A = tpu.sem_alloc : memref<!tpu.dma_semaphore, #tpu.memory_space<semaphore_mem>>
        %dma_start3A_111 = arith.constant 0 : i32
        %dma_start3A_112 = arith.constant 0 : i32
        %dma_start3A_113 = tpu.memref_slice %arg5[%dma_start3A_111, %dma_start3A_112] : memref<10240x128xf32, #tpu.memory_space<vmem_shared>> -> memref<10240x128xf32, #tpu.memory_space<vmem_shared>>
        tpu.enqueue_indirect_dma source(%arg9 : memref<128x128xf32, #tpu.memory_space<vmem>>) target(%dma_start3A_113 : memref<10240x128xf32, #tpu.memory_space<vmem_shared>>) offsets(%arg8 : memref<128xi32, #tpu.memory_space<vmem>>) semaphore(%run_scoped3A : memref<!tpu.dma_semaphore, #tpu.memory_space<semaphore_mem>>) {add = true}
        %dma_wait3A_114 = arith.constant 0 : i32
        %dma_wait3A_115 = arith.constant 0 : i32
        %dma_wait3A_116 = tpu.memref_slice %arg5[%dma_wait3A_114, %dma_wait3A_115] : memref<10240x128xf32, #tpu.memory_space<vmem_shared>> -> memref<10240x128xf32, #tpu.memory_space<vmem_shared>>
        tpu.wait_indirect_dma semaphore(%run_scoped3A : memref<!tpu.dma_semaphore, #tpu.memory_space<semaphore_mem>>) src(%arg9 : memref<128x128xf32, #tpu.memory_space<vmem>>) dst(%dma_wait3A_116 : memref<10240x128xf32, #tpu.memory_space<vmem_shared>>)
        tpu.yield
      }) : () -> ()
    }
    %scan3A_33 = arith.constant 7 : i32
    %dma_wait3A = arith.constant 0 : i32
    %dma_wait3A_34 = tpu.memref_slice %arg3[%dma_wait3A] : memref<320000xi32, #tpu.memory_space<hbm>> -> memref<128xi32, #tpu.memory_space<hbm>>
    %dma_wait3A_35 = arith.constant 0 : i32
    %dma_wait3A_36 = tpu.memref_slice %arg3[%dma_wait3A_35] : memref<320000xi32, #tpu.memory_space<hbm>> -> memref<128xi32, #tpu.memory_space<hbm>>
    tpu.wait_dma2 semaphore(%arg12 : memref<!tpu.dma_semaphore, #tpu.memory_space<semaphore_mem>>) src(%dma_wait3A_36 : memref<128xi32, #tpu.memory_space<hbm>>) dst(%arg6 : memref<128xi32, #tpu.memory_space<vmem>>)
    %dma_wait3A_37 = arith.constant 0 : i32
    %dma_wait3A_38 = arith.constant 0 : i32
    %dma_wait3A_39 = tpu.memref_slice %arg2[%dma_wait3A_37, %dma_wait3A_38] : memref<64000x128xf32, #tpu.memory_space<hbm>> -> memref<128x128xf32, #tpu.memory_space<hbm>>
    %dma_wait3A_40 = arith.constant 0 : i32
    %dma_wait3A_41 = arith.constant 0 : i32
    %dma_wait3A_42 = tpu.memref_slice %arg2[%dma_wait3A_40, %dma_wait3A_41] : memref<64000x128xf32, #tpu.memory_space<hbm>> -> memref<128x128xf32, #tpu.memory_space<hbm>>
    tpu.wait_dma2 semaphore(%arg13 : memref<!tpu.dma_semaphore, #tpu.memory_space<semaphore_mem>>) src(%dma_wait3A_42 : memref<128x128xf32, #tpu.memory_space<hbm>>) dst(%arg7 : memref<128x128xf32, #tpu.memory_space<vmem>>)
    "tpu.region"() ({
      %run_scoped3A = tpu.sem_alloc : memref<!tpu.dma_semaphore, #tpu.memory_space<semaphore_mem>>
      %dma_start3A_60 = arith.constant 0 : i32
      %dma_start3A_61 = arith.constant 0 : i32
      %dma_start3A_62 = tpu.memref_slice %arg5[%dma_start3A_60, %dma_start3A_61] : memref<10240x128xf32, #tpu.memory_space<vmem_shared>> -> memref<10240x128xf32, #tpu.memory_space<vmem_shared>>
      tpu.enqueue_indirect_dma source(%arg7 : memref<128x128xf32, #tpu.memory_space<vmem>>) target(%dma_start3A_62 : memref<10240x128xf32, #tpu.memory_space<vmem_shared>>) offsets(%arg6 : memref<128xi32, #tpu.memory_space<vmem>>) semaphore(%run_scoped3A : memref<!tpu.dma_semaphore, #tpu.memory_space<semaphore_mem>>) {add = true}
      %dma_wait3A_63 = arith.constant 0 : i32
      %dma_wait3A_64 = arith.constant 0 : i32
      %dma_wait3A_65 = tpu.memref_slice %arg5[%dma_wait3A_63, %dma_wait3A_64] : memref<10240x128xf32, #tpu.memory_space<vmem_shared>> -> memref<10240x128xf32, #tpu.memory_space<vmem_shared>>
      tpu.wait_indirect_dma semaphore(%run_scoped3A : memref<!tpu.dma_semaphore, #tpu.memory_space<semaphore_mem>>) src(%arg7 : memref<128x128xf32, #tpu.memory_space<vmem>>) dst(%dma_wait3A_65 : memref<10240x128xf32, #tpu.memory_space<vmem_shared>>)
      tpu.yield
    }) : () -> ()
    %add3A_43 = arith.constant 1920 : i32
    %add3A_44 = arith.addi %mul3A_2, %add3A_43 : i32
    %add3A_45 = arith.constant 256000 : i32
    %add3A_46 = arith.addi %add3A_45, %add3A_44 : i32
    %dma_start3A_47 = tpu.memref_slice %arg3[%add3A_46] : memref<320000xi32, #tpu.memory_space<hbm>> -> memref<80xi32, #tpu.memory_space<hbm>>
    %dma_start3A_48 = tpu.memref_slice %arg3[%add3A_46] : memref<320000xi32, #tpu.memory_space<hbm>> -> memref<80xi32, #tpu.memory_space<hbm>>
    tpu.enqueue_dma source(%dma_start3A_48 : memref<80xi32, #tpu.memory_space<hbm>>) target(%arg10 : memref<80xi32, #tpu.memory_space<vmem>>) target_semaphore(%arg14 : memref<!tpu.dma_semaphore, #tpu.memory_space<semaphore_mem>>)
    %dma_start3A_49 = arith.constant 0 : i32
    %dma_start3A_50 = tpu.memref_slice %arg2[%add3A_44, %dma_start3A_49] : memref<64000x128xf32, #tpu.memory_space<hbm>> -> memref<80x128xf32, #tpu.memory_space<hbm>>
    %dma_start3A_51 = arith.constant 0 : i32
    %dma_start3A_52 = tpu.memref_slice %arg2[%add3A_44, %dma_start3A_51] : memref<64000x128xf32, #tpu.memory_space<hbm>> -> memref<80x128xf32, #tpu.memory_space<hbm>>
    tpu.enqueue_dma source(%dma_start3A_52 : memref<80x128xf32, #tpu.memory_space<hbm>>) target(%arg11 : memref<80x128xf32, #tpu.memory_space<vmem>>) target_semaphore(%arg15 : memref<!tpu.dma_semaphore, #tpu.memory_space<semaphore_mem>>)
    %dma_wait3A_53 = tpu.memref_slice %arg3[%add3A_46] : memref<320000xi32, #tpu.memory_space<hbm>> -> memref<80xi32, #tpu.memory_space<hbm>>
    %dma_wait3A_54 = tpu.memref_slice %arg3[%add3A_46] : memref<320000xi32, #tpu.memory_space<hbm>> -> memref<80xi32, #tpu.memory_space<hbm>>
    tpu.wait_dma2 semaphore(%arg14 : memref<!tpu.dma_semaphore, #tpu.memory_space<semaphore_mem>>) src(%dma_wait3A_54 : memref<80xi32, #tpu.memory_space<hbm>>) dst(%arg10 : memref<80xi32, #tpu.memory_space<vmem>>)
    %dma_wait3A_55 = arith.constant 0 : i32
    %dma_wait3A_56 = tpu.memref_slice %arg2[%add3A_44, %dma_wait3A_55] : memref<64000x128xf32, #tpu.memory_space<hbm>> -> memref<80x128xf32, #tpu.memory_space<hbm>>
    %dma_wait3A_57 = arith.constant 0 : i32
    %dma_wait3A_58 = tpu.memref_slice %arg2[%add3A_44, %dma_wait3A_57] : memref<64000x128xf32, #tpu.memory_space<hbm>> -> memref<80x128xf32, #tpu.memory_space<hbm>>
    tpu.wait_dma2 semaphore(%arg15 : memref<!tpu.dma_semaphore, #tpu.memory_space<semaphore_mem>>) src(%dma_wait3A_58 : memref<80x128xf32, #tpu.memory_space<hbm>>) dst(%arg11 : memref<80x128xf32, #tpu.memory_space<vmem>>)
    "tpu.region"() ({
      %run_scoped3A = tpu.sem_alloc : memref<!tpu.dma_semaphore, #tpu.memory_space<semaphore_mem>>
      %dma_start3A_60 = arith.constant 0 : i32
      %dma_start3A_61 = arith.constant 0 : i32
      %dma_start3A_62 = tpu.memref_slice %arg5[%dma_start3A_60, %dma_start3A_61] : memref<10240x128xf32, #tpu.memory_space<vmem_shared>> -> memref<10240x128xf32, #tpu.memory_space<vmem_shared>>
      tpu.enqueue_indirect_dma source(%arg11 : memref<80x128xf32, #tpu.memory_space<vmem>>) target(%dma_start3A_62 : memref<10240x128xf32, #tpu.memory_space<vmem_shared>>) offsets(%arg10 : memref<80xi32, #tpu.memory_space<vmem>>) semaphore(%run_scoped3A : memref<!tpu.dma_semaphore, #tpu.memory_space<semaphore_mem>>) {add = true}
      %dma_wait3A_63 = arith.constant 0 : i32
      %dma_wait3A_64 = arith.constant 0 : i32
      %dma_wait3A_65 = tpu.memref_slice %arg5[%dma_wait3A_63, %dma_wait3A_64] : memref<10240x128xf32, #tpu.memory_space<vmem_shared>> -> memref<10240x128xf32, #tpu.memory_space<vmem_shared>>
      tpu.wait_indirect_dma semaphore(%run_scoped3A : memref<!tpu.dma_semaphore, #tpu.memory_space<semaphore_mem>>) src(%arg11 : memref<80x128xf32, #tpu.memory_space<vmem>>) dst(%dma_wait3A_65 : memref<10240x128xf32, #tpu.memory_space<vmem_shared>>)
      tpu.yield
    }) : () -> ()
    %barrier3A_59 = arith.constant 0 : index
    tpu.barrier barrier_id(%barrier3A_59)
    "tpu.region"() ({
      %run_scoped3A = tpu.sem_alloc : memref<!tpu.dma_semaphore, #tpu.memory_space<semaphore_mem>>
      %dma_start3A_60 = arith.constant 0 : i32
      %dma_start3A_61 = tpu.memref_slice %arg4[%arg0, %mul3A_4, %dma_start3A_60] : memref<2x10240x128xf32, #tpu.memory_space<hbm>> -> memref<1x640x128xf32, #tpu.memory_space<hbm>>
      %dma_start3A_62 = tpu.memref_squeeze %dma_start3A_61 : memref<1x640x128xf32, #tpu.memory_space<hbm>> -> memref<640x128xf32, #tpu.memory_space<hbm>>
      %dma_start3A_63 = arith.constant 0 : i32
      %dma_start3A_64 = tpu.memref_slice %arg5[%mul3A_4, %dma_start3A_63] : memref<10240x128xf32, #tpu.memory_space<vmem_shared>> -> memref<640x128xf32, #tpu.memory_space<vmem_shared>>
      tpu.enqueue_dma source(%dma_start3A_64 : memref<640x128xf32, #tpu.memory_space<vmem_shared>>) target(%dma_start3A_62 : memref<640x128xf32, #tpu.memory_space<hbm>>) target_semaphore(%run_scoped3A : memref<!tpu.dma_semaphore, #tpu.memory_space<semaphore_mem>>)
      %dma_wait3A_65 = arith.constant 0 : i32
      %dma_wait3A_66 = tpu.memref_slice %arg4[%arg0, %mul3A_4, %dma_wait3A_65] : memref<2x10240x128xf32, #tpu.memory_space<hbm>> -> memref<1x640x128xf32, #tpu.memory_space<hbm>>
      %dma_wait3A_67 = tpu.memref_squeeze %dma_wait3A_66 : memref<1x640x128xf32, #tpu.memory_space<hbm>> -> memref<640x128xf32, #tpu.memory_space<hbm>>
      %dma_wait3A_68 = arith.constant 0 : i32
      %dma_wait3A_69 = tpu.memref_slice %arg5[%mul3A_4, %dma_wait3A_68] : memref<10240x128xf32, #tpu.memory_space<vmem_shared>> -> memref<640x128xf32, #tpu.memory_space<vmem_shared>>
      tpu.wait_dma2 semaphore(%run_scoped3A : memref<!tpu.dma_semaphore, #tpu.memory_space<semaphore_mem>>) src(%dma_wait3A_69 : memref<640x128xf32, #tpu.memory_space<vmem_shared>>) dst(%dma_wait3A_67 : memref<640x128xf32, #tpu.memory_space<hbm>>)
      tpu.yield
    }) : () -> ()
    return
  }
}

module attributes {stable_mosaic.version = 14 : i64} {
  func.func @_edge_mlp_body(%arg0: i32, %arg1: memref<6400x384xf32, #tpu.memory_space<vmem>>, %arg2: memref<384x128xbf16, #tpu.memory_space<vmem>>, %arg3: memref<1x128xf32, #tpu.memory_space<vmem>>, %arg4: memref<128x128xbf16, #tpu.memory_space<vmem>>, %arg5: memref<1x128xf32, #tpu.memory_space<vmem>>, %arg6: memref<128x128xbf16, #tpu.memory_space<vmem>>, %arg7: memref<1x128xf32, #tpu.memory_space<vmem>>, %arg8: memref<6400x128xf32, #tpu.memory_space<vmem>>) attributes {dimension_semantics = [#tpu.dimension_semantics<arbitrary>], iteration_bounds = array<i64: 10>, scalar_prefetch = 0 : i64, scratch_operands = 0 : i64, tpu.core_type = #tpu.core_type<tc>, window_params = [{transform_indices = @transform_0, window_bounds = array<i64: 6400, 384>}, {pipeline_mode = #tpu.pipeline_mode<synchronous>, transform_indices = @transform_1, window_bounds = array<i64: 384, 128>}, {pipeline_mode = #tpu.pipeline_mode<synchronous>, transform_indices = @transform_2, window_bounds = array<i64: 1, 128>}, {pipeline_mode = #tpu.pipeline_mode<synchronous>, transform_indices = @transform_3, window_bounds = array<i64: 128, 128>}, {pipeline_mode = #tpu.pipeline_mode<synchronous>, transform_indices = @transform_4, window_bounds = array<i64: 1, 128>}, {pipeline_mode = #tpu.pipeline_mode<synchronous>, transform_indices = @transform_5, window_bounds = array<i64: 128, 128>}, {pipeline_mode = #tpu.pipeline_mode<synchronous>, transform_indices = @transform_6, window_bounds = array<i64: 1, 128>}, {transform_indices = @transform_7, window_bounds = array<i64: 6400, 128>}]} {
    %get3A = arith.constant 0 : index
    %get3A_0 = arith.constant 0 : index
    %get3A_1 = vector.load %arg1[%get3A, %get3A_0] : memref<6400x384xf32, #tpu.memory_space<vmem>>, vector<6400x384xf32>
    %convert_element_type3A = arith.truncf %get3A_1 : vector<6400x384xf32> to vector<6400x384xbf16>
    %get3A_2 = arith.constant 0 : index
    %get3A_3 = arith.constant 0 : index
    %get3A_4 = vector.load %arg2[%get3A_2, %get3A_3] : memref<384x128xbf16, #tpu.memory_space<vmem>>, vector<384x128xbf16>
    %dot_general3A = arith.constant dense<0.000000e+00> : vector<6400x128xf32>
    %dot_general3A_5 = tpu.matmul %convert_element_type3A, %get3A_4, %dot_general3A {dimension_numbers = #tpu.dot_dimension_numbers<[1], [0], [0], [1], [0, 0, 1, 1], [], []>, transpose_lhs_hint = false} : vector<6400x384xbf16>, vector<384x128xbf16>, vector<6400x128xf32> -> vector<6400x128xf32>
    %get3A_6 = arith.constant 0 : index
    %get3A_7 = arith.constant 0 : index
    %get3A_8 = vector.load %arg3[%get3A_6, %get3A_7] : memref<1x128xf32, #tpu.memory_space<vmem>>, vector<1x128xf32>
    %add3A = vector.broadcast %get3A_8 : vector<1x128xf32> to vector<6400x128xf32>
    %add3A_9 = arith.addf %dot_general3A_5, %add3A : vector<6400x128xf32>
    %max3A = arith.constant 0.000000e+00 : f32
    %max3A_10 = vector.broadcast %max3A : f32 to vector<6400x128xf32>
    %max3A_11 = arith.maximumf %add3A_9, %max3A_10 : vector<6400x128xf32>
    %convert_element_type3A_12 = arith.truncf %max3A_11 : vector<6400x128xf32> to vector<6400x128xbf16>
    %get3A_13 = arith.constant 0 : index
    %get3A_14 = arith.constant 0 : index
    %get3A_15 = vector.load %arg4[%get3A_13, %get3A_14] : memref<128x128xbf16, #tpu.memory_space<vmem>>, vector<128x128xbf16>
    %dot_general3A_16 = arith.constant dense<0.000000e+00> : vector<6400x128xf32>
    %dot_general3A_17 = tpu.matmul %convert_element_type3A_12, %get3A_15, %dot_general3A_16 {dimension_numbers = #tpu.dot_dimension_numbers<[1], [0], [0], [1], [0, 0, 1, 1], [], []>, transpose_lhs_hint = false} : vector<6400x128xbf16>, vector<128x128xbf16>, vector<6400x128xf32> -> vector<6400x128xf32>
    %get3A_18 = arith.constant 0 : index
    %get3A_19 = arith.constant 0 : index
    %get3A_20 = vector.load %arg5[%get3A_18, %get3A_19] : memref<1x128xf32, #tpu.memory_space<vmem>>, vector<1x128xf32>
    %add3A_21 = vector.broadcast %get3A_20 : vector<1x128xf32> to vector<6400x128xf32>
    %add3A_22 = arith.addf %dot_general3A_17, %add3A_21 : vector<6400x128xf32>
    %max3A_23 = arith.constant 0.000000e+00 : f32
    %max3A_24 = vector.broadcast %max3A_23 : f32 to vector<6400x128xf32>
    %max3A_25 = arith.maximumf %add3A_22, %max3A_24 : vector<6400x128xf32>
    %convert_element_type3A_26 = arith.truncf %max3A_25 : vector<6400x128xf32> to vector<6400x128xbf16>
    %get3A_27 = arith.constant 0 : index
    %get3A_28 = arith.constant 0 : index
    %get3A_29 = vector.load %arg6[%get3A_27, %get3A_28] : memref<128x128xbf16, #tpu.memory_space<vmem>>, vector<128x128xbf16>
    %dot_general3A_30 = arith.constant dense<0.000000e+00> : vector<6400x128xf32>
    %dot_general3A_31 = tpu.matmul %convert_element_type3A_26, %get3A_29, %dot_general3A_30 {dimension_numbers = #tpu.dot_dimension_numbers<[1], [0], [0], [1], [0, 0, 1, 1], [], []>, transpose_lhs_hint = false} : vector<6400x128xbf16>, vector<128x128xbf16>, vector<6400x128xf32> -> vector<6400x128xf32>
    %get3A_32 = arith.constant 0 : index
    %get3A_33 = arith.constant 0 : index
    %get3A_34 = vector.load %arg7[%get3A_32, %get3A_33] : memref<1x128xf32, #tpu.memory_space<vmem>>, vector<1x128xf32>
    %add3A_35 = vector.broadcast %get3A_34 : vector<1x128xf32> to vector<6400x128xf32>
    %add3A_36 = arith.addf %dot_general3A_31, %add3A_35 : vector<6400x128xf32>
    %swap3A = arith.constant 0 : index
    %swap3A_37 = arith.constant 0 : index
    %swap3A_38 = vector.load %arg8[%swap3A, %swap3A_37] : memref<6400x128xf32, #tpu.memory_space<vmem>>, vector<6400x128xf32>
    tpu.vector_store %arg8[%swap3A, %swap3A_37], %add3A_36 {strides = array<i32>} : memref<6400x128xf32, #tpu.memory_space<vmem>>, vector<6400x128xf32>,
    return
  }
  func.func @transform_0(%arg0: i32) -> (i32, i32) {
    %add3A = arith.constant 0 : i32
    %add3A_0 = arith.addi %arg0, %add3A : i32
    %c0_i32 = arith.constant 0 : i32
    %c0_i32_1 = arith.constant 0 : i32
    return %add3A_0, %c0_i32 : i32, i32
  }
  func.func @transform_1(%arg0: i32) -> (i32, i32) {
    %c0_i32 = arith.constant 0 : i32
    %c0_i32_0 = arith.constant 0 : i32
    %c0_i32_1 = arith.constant 0 : i32
    return %c0_i32, %c0_i32_0 : i32, i32
  }
  func.func @transform_2(%arg0: i32) -> (i32, i32) {
    %c0_i32 = arith.constant 0 : i32
    %c0_i32_0 = arith.constant 0 : i32
    %c0_i32_1 = arith.constant 0 : i32
    return %c0_i32, %c0_i32_0 : i32, i32
  }
  func.func @transform_3(%arg0: i32) -> (i32, i32) {
    %c0_i32 = arith.constant 0 : i32
    %c0_i32_0 = arith.constant 0 : i32
    %c0_i32_1 = arith.constant 0 : i32
    return %c0_i32, %c0_i32_0 : i32, i32
  }
  func.func @transform_4(%arg0: i32) -> (i32, i32) {
    %c0_i32 = arith.constant 0 : i32
    %c0_i32_0 = arith.constant 0 : i32
    %c0_i32_1 = arith.constant 0 : i32
    return %c0_i32, %c0_i32_0 : i32, i32
  }
  func.func @transform_5(%arg0: i32) -> (i32, i32) {
    %c0_i32 = arith.constant 0 : i32
    %c0_i32_0 = arith.constant 0 : i32
    %c0_i32_1 = arith.constant 0 : i32
    return %c0_i32, %c0_i32_0 : i32, i32
  }
  func.func @transform_6(%arg0: i32) -> (i32, i32) {
    %c0_i32 = arith.constant 0 : i32
    %c0_i32_0 = arith.constant 0 : i32
    %c0_i32_1 = arith.constant 0 : i32
    return %c0_i32, %c0_i32_0 : i32, i32
  }
  func.func @transform_7(%arg0: i32) -> (i32, i32) {
    %c0_i32 = arith.constant 0 : i32
    %c0_i32_0 = arith.constant 0 : i32
    return %arg0, %c0_i32 : i32, i32
  }
}

module attributes {stable_mosaic.version = 14 : i64} {
  func.func @_edge_mlp_body(%arg0: i32, %arg1: memref<6400x384xf32, #tpu.memory_space<vmem>>, %arg2: memref<384x128xbf16, #tpu.memory_space<vmem>>, %arg3: memref<1x128xf32, #tpu.memory_space<vmem>>, %arg4: memref<128x128xbf16, #tpu.memory_space<vmem>>, %arg5: memref<1x128xf32, #tpu.memory_space<vmem>>, %arg6: memref<128x128xbf16, #tpu.memory_space<vmem>>, %arg7: memref<1x128xf32, #tpu.memory_space<vmem>>, %arg8: memref<6400x128xf32, #tpu.memory_space<vmem>>) attributes {dimension_semantics = [#tpu.dimension_semantics<arbitrary>], iteration_bounds = array<i64: 10>, scalar_prefetch = 0 : i64, scratch_operands = 0 : i64, tpu.core_type = #tpu.core_type<tc>, window_params = [{transform_indices = @transform_0, window_bounds = array<i64: 6400, 384>}, {pipeline_mode = #tpu.pipeline_mode<synchronous>, transform_indices = @transform_1, window_bounds = array<i64: 384, 128>}, {pipeline_mode = #tpu.pipeline_mode<synchronous>, transform_indices = @transform_2, window_bounds = array<i64: 1, 128>}, {pipeline_mode = #tpu.pipeline_mode<synchronous>, transform_indices = @transform_3, window_bounds = array<i64: 128, 128>}, {pipeline_mode = #tpu.pipeline_mode<synchronous>, transform_indices = @transform_4, window_bounds = array<i64: 1, 128>}, {pipeline_mode = #tpu.pipeline_mode<synchronous>, transform_indices = @transform_5, window_bounds = array<i64: 128, 128>}, {pipeline_mode = #tpu.pipeline_mode<synchronous>, transform_indices = @transform_6, window_bounds = array<i64: 1, 128>}, {transform_indices = @transform_7, window_bounds = array<i64: 6400, 128>}]} {
    %get3A = arith.constant 0 : index
    %get3A_0 = arith.constant 0 : index
    %get3A_1 = vector.load %arg1[%get3A, %get3A_0] : memref<6400x384xf32, #tpu.memory_space<vmem>>, vector<6400x384xf32>
    %convert_element_type3A = arith.truncf %get3A_1 : vector<6400x384xf32> to vector<6400x384xbf16>
    %get3A_2 = arith.constant 0 : index
    %get3A_3 = arith.constant 0 : index
    %get3A_4 = vector.load %arg2[%get3A_2, %get3A_3] : memref<384x128xbf16, #tpu.memory_space<vmem>>, vector<384x128xbf16>
    %dot_general3A = arith.constant dense<0.000000e+00> : vector<6400x128xf32>
    %dot_general3A_5 = tpu.matmul %convert_element_type3A, %get3A_4, %dot_general3A {dimension_numbers = #tpu.dot_dimension_numbers<[1], [0], [0], [1], [0, 0, 1, 1], [], []>, transpose_lhs_hint = false} : vector<6400x384xbf16>, vector<384x128xbf16>, vector<6400x128xf32> -> vector<6400x128xf32>
    %get3A_6 = arith.constant 0 : index
    %get3A_7 = arith.constant 0 : index
    %get3A_8 = vector.load %arg3[%get3A_6, %get3A_7] : memref<1x128xf32, #tpu.memory_space<vmem>>, vector<1x128xf32>
    %add3A = vector.broadcast %get3A_8 : vector<1x128xf32> to vector<6400x128xf32>
    %add3A_9 = arith.addf %dot_general3A_5, %add3A : vector<6400x128xf32>
    %max3A = arith.constant 0.000000e+00 : f32
    %max3A_10 = vector.broadcast %max3A : f32 to vector<6400x128xf32>
    %max3A_11 = arith.maximumf %add3A_9, %max3A_10 : vector<6400x128xf32>
    %convert_element_type3A_12 = arith.truncf %max3A_11 : vector<6400x128xf32> to vector<6400x128xbf16>
    %get3A_13 = arith.constant 0 : index
    %get3A_14 = arith.constant 0 : index
    %get3A_15 = vector.load %arg4[%get3A_13, %get3A_14] : memref<128x128xbf16, #tpu.memory_space<vmem>>, vector<128x128xbf16>
    %dot_general3A_16 = arith.constant dense<0.000000e+00> : vector<6400x128xf32>
    %dot_general3A_17 = tpu.matmul %convert_element_type3A_12, %get3A_15, %dot_general3A_16 {dimension_numbers = #tpu.dot_dimension_numbers<[1], [0], [0], [1], [0, 0, 1, 1], [], []>, transpose_lhs_hint = false} : vector<6400x128xbf16>, vector<128x128xbf16>, vector<6400x128xf32> -> vector<6400x128xf32>
    %get3A_18 = arith.constant 0 : index
    %get3A_19 = arith.constant 0 : index
    %get3A_20 = vector.load %arg5[%get3A_18, %get3A_19] : memref<1x128xf32, #tpu.memory_space<vmem>>, vector<1x128xf32>
    %add3A_21 = vector.broadcast %get3A_20 : vector<1x128xf32> to vector<6400x128xf32>
    %add3A_22 = arith.addf %dot_general3A_17, %add3A_21 : vector<6400x128xf32>
    %max3A_23 = arith.constant 0.000000e+00 : f32
    %max3A_24 = vector.broadcast %max3A_23 : f32 to vector<6400x128xf32>
    %max3A_25 = arith.maximumf %add3A_22, %max3A_24 : vector<6400x128xf32>
    %convert_element_type3A_26 = arith.truncf %max3A_25 : vector<6400x128xf32> to vector<6400x128xbf16>
    %get3A_27 = arith.constant 0 : index
    %get3A_28 = arith.constant 0 : index
    %get3A_29 = vector.load %arg6[%get3A_27, %get3A_28] : memref<128x128xbf16, #tpu.memory_space<vmem>>, vector<128x128xbf16>
    %dot_general3A_30 = arith.constant dense<0.000000e+00> : vector<6400x128xf32>
    %dot_general3A_31 = tpu.matmul %convert_element_type3A_26, %get3A_29, %dot_general3A_30 {dimension_numbers = #tpu.dot_dimension_numbers<[1], [0], [0], [1], [0, 0, 1, 1], [], []>, transpose_lhs_hint = false} : vector<6400x128xbf16>, vector<128x128xbf16>, vector<6400x128xf32> -> vector<6400x128xf32>
    %get3A_32 = arith.constant 0 : index
    %get3A_33 = arith.constant 0 : index
    %get3A_34 = vector.load %arg7[%get3A_32, %get3A_33] : memref<1x128xf32, #tpu.memory_space<vmem>>, vector<1x128xf32>
    %add3A_35 = vector.broadcast %get3A_34 : vector<1x128xf32> to vector<6400x128xf32>
    %add3A_36 = arith.addf %dot_general3A_31, %add3A_35 : vector<6400x128xf32>
    %swap3A = arith.constant 0 : index
    %swap3A_37 = arith.constant 0 : index
    %swap3A_38 = vector.load %arg8[%swap3A, %swap3A_37] : memref<6400x128xf32, #tpu.memory_space<vmem>>, vector<6400x128xf32>
    tpu.vector_store %arg8[%swap3A, %swap3A_37], %add3A_36 {strides = array<i32>} : memref<6400x128xf32, #tpu.memory_space<vmem>>, vector<6400x128xf32>,
    return
  }
  func.func @transform_0(%arg0: i32) -> (i32, i32) {
    %add3A = arith.constant 20 : i32
    %add3A_0 = arith.addi %arg0, %add3A : i32
    %c0_i32 = arith.constant 0 : i32
    %c0_i32_1 = arith.constant 0 : i32
    return %add3A_0, %c0_i32 : i32, i32
  }
  func.func @transform_1(%arg0: i32) -> (i32, i32) {
    %c0_i32 = arith.constant 0 : i32
    %c0_i32_0 = arith.constant 0 : i32
    %c0_i32_1 = arith.constant 0 : i32
    return %c0_i32, %c0_i32_0 : i32, i32
  }
  func.func @transform_2(%arg0: i32) -> (i32, i32) {
    %c0_i32 = arith.constant 0 : i32
    %c0_i32_0 = arith.constant 0 : i32
    %c0_i32_1 = arith.constant 0 : i32
    return %c0_i32, %c0_i32_0 : i32, i32
  }
  func.func @transform_3(%arg0: i32) -> (i32, i32) {
    %c0_i32 = arith.constant 0 : i32
    %c0_i32_0 = arith.constant 0 : i32
    %c0_i32_1 = arith.constant 0 : i32
    return %c0_i32, %c0_i32_0 : i32, i32
  }
  func.func @transform_4(%arg0: i32) -> (i32, i32) {
    %c0_i32 = arith.constant 0 : i32
    %c0_i32_0 = arith.constant 0 : i32
    %c0_i32_1 = arith.constant 0 : i32
    return %c0_i32, %c0_i32_0 : i32, i32
  }
  func.func @transform_5(%arg0: i32) -> (i32, i32) {
    %c0_i32 = arith.constant 0 : i32
    %c0_i32_0 = arith.constant 0 : i32
    %c0_i32_1 = arith.constant 0 : i32
    return %c0_i32, %c0_i32_0 : i32, i32
  }
  func.func @transform_6(%arg0: i32) -> (i32, i32) {
    %c0_i32 = arith.constant 0 : i32
    %c0_i32_0 = arith.constant 0 : i32
    %c0_i32_1 = arith.constant 0 : i32
    return %c0_i32, %c0_i32_0 : i32, i32
  }
  func.func @transform_7(%arg0: i32) -> (i32, i32) {
    %c0_i32 = arith.constant 0 : i32
    %c0_i32_0 = arith.constant 0 : i32
    return %arg0, %c0_i32 : i32, i32
  }
}

module attributes {stable_mosaic.version = 14 : i64} {
  func.func @_edge_mlp_body(%arg0: i32, %arg1: memref<6400x384xf32, #tpu.memory_space<vmem>>, %arg2: memref<384x128xbf16, #tpu.memory_space<vmem>>, %arg3: memref<1x128xf32, #tpu.memory_space<vmem>>, %arg4: memref<128x128xbf16, #tpu.memory_space<vmem>>, %arg5: memref<1x128xf32, #tpu.memory_space<vmem>>, %arg6: memref<128x128xbf16, #tpu.memory_space<vmem>>, %arg7: memref<1x128xf32, #tpu.memory_space<vmem>>, %arg8: memref<6400x128xf32, #tpu.memory_space<vmem>>) attributes {dimension_semantics = [#tpu.dimension_semantics<arbitrary>], iteration_bounds = array<i64: 10>, scalar_prefetch = 0 : i64, scratch_operands = 0 : i64, tpu.core_type = #tpu.core_type<tc>, window_params = [{transform_indices = @transform_0, window_bounds = array<i64: 6400, 384>}, {pipeline_mode = #tpu.pipeline_mode<synchronous>, transform_indices = @transform_1, window_bounds = array<i64: 384, 128>}, {pipeline_mode = #tpu.pipeline_mode<synchronous>, transform_indices = @transform_2, window_bounds = array<i64: 1, 128>}, {pipeline_mode = #tpu.pipeline_mode<synchronous>, transform_indices = @transform_3, window_bounds = array<i64: 128, 128>}, {pipeline_mode = #tpu.pipeline_mode<synchronous>, transform_indices = @transform_4, window_bounds = array<i64: 1, 128>}, {pipeline_mode = #tpu.pipeline_mode<synchronous>, transform_indices = @transform_5, window_bounds = array<i64: 128, 128>}, {pipeline_mode = #tpu.pipeline_mode<synchronous>, transform_indices = @transform_6, window_bounds = array<i64: 1, 128>}, {transform_indices = @transform_7, window_bounds = array<i64: 6400, 128>}]} {
    %get3A = arith.constant 0 : index
    %get3A_0 = arith.constant 0 : index
    %get3A_1 = vector.load %arg1[%get3A, %get3A_0] : memref<6400x384xf32, #tpu.memory_space<vmem>>, vector<6400x384xf32>
    %convert_element_type3A = arith.truncf %get3A_1 : vector<6400x384xf32> to vector<6400x384xbf16>
    %get3A_2 = arith.constant 0 : index
    %get3A_3 = arith.constant 0 : index
    %get3A_4 = vector.load %arg2[%get3A_2, %get3A_3] : memref<384x128xbf16, #tpu.memory_space<vmem>>, vector<384x128xbf16>
    %dot_general3A = arith.constant dense<0.000000e+00> : vector<6400x128xf32>
    %dot_general3A_5 = tpu.matmul %convert_element_type3A, %get3A_4, %dot_general3A {dimension_numbers = #tpu.dot_dimension_numbers<[1], [0], [0], [1], [0, 0, 1, 1], [], []>, transpose_lhs_hint = false} : vector<6400x384xbf16>, vector<384x128xbf16>, vector<6400x128xf32> -> vector<6400x128xf32>
    %get3A_6 = arith.constant 0 : index
    %get3A_7 = arith.constant 0 : index
    %get3A_8 = vector.load %arg3[%get3A_6, %get3A_7] : memref<1x128xf32, #tpu.memory_space<vmem>>, vector<1x128xf32>
    %add3A = vector.broadcast %get3A_8 : vector<1x128xf32> to vector<6400x128xf32>
    %add3A_9 = arith.addf %dot_general3A_5, %add3A : vector<6400x128xf32>
    %max3A = arith.constant 0.000000e+00 : f32
    %max3A_10 = vector.broadcast %max3A : f32 to vector<6400x128xf32>
    %max3A_11 = arith.maximumf %add3A_9, %max3A_10 : vector<6400x128xf32>
    %convert_element_type3A_12 = arith.truncf %max3A_11 : vector<6400x128xf32> to vector<6400x128xbf16>
    %get3A_13 = arith.constant 0 : index
    %get3A_14 = arith.constant 0 : index
    %get3A_15 = vector.load %arg4[%get3A_13, %get3A_14] : memref<128x128xbf16, #tpu.memory_space<vmem>>, vector<128x128xbf16>
    %dot_general3A_16 = arith.constant dense<0.000000e+00> : vector<6400x128xf32>
    %dot_general3A_17 = tpu.matmul %convert_element_type3A_12, %get3A_15, %dot_general3A_16 {dimension_numbers = #tpu.dot_dimension_numbers<[1], [0], [0], [1], [0, 0, 1, 1], [], []>, transpose_lhs_hint = false} : vector<6400x128xbf16>, vector<128x128xbf16>, vector<6400x128xf32> -> vector<6400x128xf32>
    %get3A_18 = arith.constant 0 : index
    %get3A_19 = arith.constant 0 : index
    %get3A_20 = vector.load %arg5[%get3A_18, %get3A_19] : memref<1x128xf32, #tpu.memory_space<vmem>>, vector<1x128xf32>
    %add3A_21 = vector.broadcast %get3A_20 : vector<1x128xf32> to vector<6400x128xf32>
    %add3A_22 = arith.addf %dot_general3A_17, %add3A_21 : vector<6400x128xf32>
    %max3A_23 = arith.constant 0.000000e+00 : f32
    %max3A_24 = vector.broadcast %max3A_23 : f32 to vector<6400x128xf32>
    %max3A_25 = arith.maximumf %add3A_22, %max3A_24 : vector<6400x128xf32>
    %convert_element_type3A_26 = arith.truncf %max3A_25 : vector<6400x128xf32> to vector<6400x128xbf16>
    %get3A_27 = arith.constant 0 : index
    %get3A_28 = arith.constant 0 : index
    %get3A_29 = vector.load %arg6[%get3A_27, %get3A_28] : memref<128x128xbf16, #tpu.memory_space<vmem>>, vector<128x128xbf16>
    %dot_general3A_30 = arith.constant dense<0.000000e+00> : vector<6400x128xf32>
    %dot_general3A_31 = tpu.matmul %convert_element_type3A_26, %get3A_29, %dot_general3A_30 {dimension_numbers = #tpu.dot_dimension_numbers<[1], [0], [0], [1], [0, 0, 1, 1], [], []>, transpose_lhs_hint = false} : vector<6400x128xbf16>, vector<128x128xbf16>, vector<6400x128xf32> -> vector<6400x128xf32>
    %get3A_32 = arith.constant 0 : index
    %get3A_33 = arith.constant 0 : index
    %get3A_34 = vector.load %arg7[%get3A_32, %get3A_33] : memref<1x128xf32, #tpu.memory_space<vmem>>, vector<1x128xf32>
    %add3A_35 = vector.broadcast %get3A_34 : vector<1x128xf32> to vector<6400x128xf32>
    %add3A_36 = arith.addf %dot_general3A_31, %add3A_35 : vector<6400x128xf32>
    %swap3A = arith.constant 0 : index
    %swap3A_37 = arith.constant 0 : index
    %swap3A_38 = vector.load %arg8[%swap3A, %swap3A_37] : memref<6400x128xf32, #tpu.memory_space<vmem>>, vector<6400x128xf32>
    tpu.vector_store %arg8[%swap3A, %swap3A_37], %add3A_36 {strides = array<i32>} : memref<6400x128xf32, #tpu.memory_space<vmem>>, vector<6400x128xf32>,
    return
  }
  func.func @transform_0(%arg0: i32) -> (i32, i32) {
    %add3A = arith.constant 10 : i32
    %add3A_0 = arith.addi %arg0, %add3A : i32
    %c0_i32 = arith.constant 0 : i32
    %c0_i32_1 = arith.constant 0 : i32
    return %add3A_0, %c0_i32 : i32, i32
  }
  func.func @transform_1(%arg0: i32) -> (i32, i32) {
    %c0_i32 = arith.constant 0 : i32
    %c0_i32_0 = arith.constant 0 : i32
    %c0_i32_1 = arith.constant 0 : i32
    return %c0_i32, %c0_i32_0 : i32, i32
  }
  func.func @transform_2(%arg0: i32) -> (i32, i32) {
    %c0_i32 = arith.constant 0 : i32
    %c0_i32_0 = arith.constant 0 : i32
    %c0_i32_1 = arith.constant 0 : i32
    return %c0_i32, %c0_i32_0 : i32, i32
  }
  func.func @transform_3(%arg0: i32) -> (i32, i32) {
    %c0_i32 = arith.constant 0 : i32
    %c0_i32_0 = arith.constant 0 : i32
    %c0_i32_1 = arith.constant 0 : i32
    return %c0_i32, %c0_i32_0 : i32, i32
  }
  func.func @transform_4(%arg0: i32) -> (i32, i32) {
    %c0_i32 = arith.constant 0 : i32
    %c0_i32_0 = arith.constant 0 : i32
    %c0_i32_1 = arith.constant 0 : i32
    return %c0_i32, %c0_i32_0 : i32, i32
  }
  func.func @transform_5(%arg0: i32) -> (i32, i32) {
    %c0_i32 = arith.constant 0 : i32
    %c0_i32_0 = arith.constant 0 : i32
    %c0_i32_1 = arith.constant 0 : i32
    return %c0_i32, %c0_i32_0 : i32, i32
  }
  func.func @transform_6(%arg0: i32) -> (i32, i32) {
    %c0_i32 = arith.constant 0 : i32
    %c0_i32_0 = arith.constant 0 : i32
    %c0_i32_1 = arith.constant 0 : i32
    return %c0_i32, %c0_i32_0 : i32, i32
  }
  func.func @transform_7(%arg0: i32) -> (i32, i32) {
    %c0_i32 = arith.constant 0 : i32
    %c0_i32_0 = arith.constant 0 : i32
    return %arg0, %c0_i32 : i32, i32
  }
}

module attributes {stable_mosaic.version = 14 : i64} {
  func.func @_edge_mlp_body(%arg0: i32, %arg1: memref<6400x384xf32, #tpu.memory_space<vmem>>, %arg2: memref<384x128xbf16, #tpu.memory_space<vmem>>, %arg3: memref<1x128xf32, #tpu.memory_space<vmem>>, %arg4: memref<128x128xbf16, #tpu.memory_space<vmem>>, %arg5: memref<1x128xf32, #tpu.memory_space<vmem>>, %arg6: memref<128x128xbf16, #tpu.memory_space<vmem>>, %arg7: memref<1x128xf32, #tpu.memory_space<vmem>>, %arg8: memref<6400x128xf32, #tpu.memory_space<vmem>>) attributes {dimension_semantics = [#tpu.dimension_semantics<arbitrary>], iteration_bounds = array<i64: 10>, scalar_prefetch = 0 : i64, scratch_operands = 0 : i64, tpu.core_type = #tpu.core_type<tc>, window_params = [{transform_indices = @transform_0, window_bounds = array<i64: 6400, 384>}, {pipeline_mode = #tpu.pipeline_mode<synchronous>, transform_indices = @transform_1, window_bounds = array<i64: 384, 128>}, {pipeline_mode = #tpu.pipeline_mode<synchronous>, transform_indices = @transform_2, window_bounds = array<i64: 1, 128>}, {pipeline_mode = #tpu.pipeline_mode<synchronous>, transform_indices = @transform_3, window_bounds = array<i64: 128, 128>}, {pipeline_mode = #tpu.pipeline_mode<synchronous>, transform_indices = @transform_4, window_bounds = array<i64: 1, 128>}, {pipeline_mode = #tpu.pipeline_mode<synchronous>, transform_indices = @transform_5, window_bounds = array<i64: 128, 128>}, {pipeline_mode = #tpu.pipeline_mode<synchronous>, transform_indices = @transform_6, window_bounds = array<i64: 1, 128>}, {transform_indices = @transform_7, window_bounds = array<i64: 6400, 128>}]} {
    %get3A = arith.constant 0 : index
    %get3A_0 = arith.constant 0 : index
    %get3A_1 = vector.load %arg1[%get3A, %get3A_0] : memref<6400x384xf32, #tpu.memory_space<vmem>>, vector<6400x384xf32>
    %convert_element_type3A = arith.truncf %get3A_1 : vector<6400x384xf32> to vector<6400x384xbf16>
    %get3A_2 = arith.constant 0 : index
    %get3A_3 = arith.constant 0 : index
    %get3A_4 = vector.load %arg2[%get3A_2, %get3A_3] : memref<384x128xbf16, #tpu.memory_space<vmem>>, vector<384x128xbf16>
    %dot_general3A = arith.constant dense<0.000000e+00> : vector<6400x128xf32>
    %dot_general3A_5 = tpu.matmul %convert_element_type3A, %get3A_4, %dot_general3A {dimension_numbers = #tpu.dot_dimension_numbers<[1], [0], [0], [1], [0, 0, 1, 1], [], []>, transpose_lhs_hint = false} : vector<6400x384xbf16>, vector<384x128xbf16>, vector<6400x128xf32> -> vector<6400x128xf32>
    %get3A_6 = arith.constant 0 : index
    %get3A_7 = arith.constant 0 : index
    %get3A_8 = vector.load %arg3[%get3A_6, %get3A_7] : memref<1x128xf32, #tpu.memory_space<vmem>>, vector<1x128xf32>
    %add3A = vector.broadcast %get3A_8 : vector<1x128xf32> to vector<6400x128xf32>
    %add3A_9 = arith.addf %dot_general3A_5, %add3A : vector<6400x128xf32>
    %max3A = arith.constant 0.000000e+00 : f32
    %max3A_10 = vector.broadcast %max3A : f32 to vector<6400x128xf32>
    %max3A_11 = arith.maximumf %add3A_9, %max3A_10 : vector<6400x128xf32>
    %convert_element_type3A_12 = arith.truncf %max3A_11 : vector<6400x128xf32> to vector<6400x128xbf16>
    %get3A_13 = arith.constant 0 : index
    %get3A_14 = arith.constant 0 : index
    %get3A_15 = vector.load %arg4[%get3A_13, %get3A_14] : memref<128x128xbf16, #tpu.memory_space<vmem>>, vector<128x128xbf16>
    %dot_general3A_16 = arith.constant dense<0.000000e+00> : vector<6400x128xf32>
    %dot_general3A_17 = tpu.matmul %convert_element_type3A_12, %get3A_15, %dot_general3A_16 {dimension_numbers = #tpu.dot_dimension_numbers<[1], [0], [0], [1], [0, 0, 1, 1], [], []>, transpose_lhs_hint = false} : vector<6400x128xbf16>, vector<128x128xbf16>, vector<6400x128xf32> -> vector<6400x128xf32>
    %get3A_18 = arith.constant 0 : index
    %get3A_19 = arith.constant 0 : index
    %get3A_20 = vector.load %arg5[%get3A_18, %get3A_19] : memref<1x128xf32, #tpu.memory_space<vmem>>, vector<1x128xf32>
    %add3A_21 = vector.broadcast %get3A_20 : vector<1x128xf32> to vector<6400x128xf32>
    %add3A_22 = arith.addf %dot_general3A_17, %add3A_21 : vector<6400x128xf32>
    %max3A_23 = arith.constant 0.000000e+00 : f32
    %max3A_24 = vector.broadcast %max3A_23 : f32 to vector<6400x128xf32>
    %max3A_25 = arith.maximumf %add3A_22, %max3A_24 : vector<6400x128xf32>
    %convert_element_type3A_26 = arith.truncf %max3A_25 : vector<6400x128xf32> to vector<6400x128xbf16>
    %get3A_27 = arith.constant 0 : index
    %get3A_28 = arith.constant 0 : index
    %get3A_29 = vector.load %arg6[%get3A_27, %get3A_28] : memref<128x128xbf16, #tpu.memory_space<vmem>>, vector<128x128xbf16>
    %dot_general3A_30 = arith.constant dense<0.000000e+00> : vector<6400x128xf32>
    %dot_general3A_31 = tpu.matmul %convert_element_type3A_26, %get3A_29, %dot_general3A_30 {dimension_numbers = #tpu.dot_dimension_numbers<[1], [0], [0], [1], [0, 0, 1, 1], [], []>, transpose_lhs_hint = false} : vector<6400x128xbf16>, vector<128x128xbf16>, vector<6400x128xf32> -> vector<6400x128xf32>
    %get3A_32 = arith.constant 0 : index
    %get3A_33 = arith.constant 0 : index
    %get3A_34 = vector.load %arg7[%get3A_32, %get3A_33] : memref<1x128xf32, #tpu.memory_space<vmem>>, vector<1x128xf32>
    %add3A_35 = vector.broadcast %get3A_34 : vector<1x128xf32> to vector<6400x128xf32>
    %add3A_36 = arith.addf %dot_general3A_31, %add3A_35 : vector<6400x128xf32>
    %swap3A = arith.constant 0 : index
    %swap3A_37 = arith.constant 0 : index
    %swap3A_38 = vector.load %arg8[%swap3A, %swap3A_37] : memref<6400x128xf32, #tpu.memory_space<vmem>>, vector<6400x128xf32>
    tpu.vector_store %arg8[%swap3A, %swap3A_37], %add3A_36 {strides = array<i32>} : memref<6400x128xf32, #tpu.memory_space<vmem>>, vector<6400x128xf32>,
    return
  }
  func.func @transform_0(%arg0: i32) -> (i32, i32) {
    %add3A = arith.constant 30 : i32
    %add3A_0 = arith.addi %arg0, %add3A : i32
    %c0_i32 = arith.constant 0 : i32
    %c0_i32_1 = arith.constant 0 : i32
    return %add3A_0, %c0_i32 : i32, i32
  }
  func.func @transform_1(%arg0: i32) -> (i32, i32) {
    %c0_i32 = arith.constant 0 : i32
    %c0_i32_0 = arith.constant 0 : i32
    %c0_i32_1 = arith.constant 0 : i32
    return %c0_i32, %c0_i32_0 : i32, i32
  }
  func.func @transform_2(%arg0: i32) -> (i32, i32) {
    %c0_i32 = arith.constant 0 : i32
    %c0_i32_0 = arith.constant 0 : i32
    %c0_i32_1 = arith.constant 0 : i32
    return %c0_i32, %c0_i32_0 : i32, i32
  }
  func.func @transform_3(%arg0: i32) -> (i32, i32) {
    %c0_i32 = arith.constant 0 : i32
    %c0_i32_0 = arith.constant 0 : i32
    %c0_i32_1 = arith.constant 0 : i32
    return %c0_i32, %c0_i32_0 : i32, i32
  }
  func.func @transform_4(%arg0: i32) -> (i32, i32) {
    %c0_i32 = arith.constant 0 : i32
    %c0_i32_0 = arith.constant 0 : i32
    %c0_i32_1 = arith.constant 0 : i32
    return %c0_i32, %c0_i32_0 : i32, i32
  }
  func.func @transform_5(%arg0: i32) -> (i32, i32) {
    %c0_i32 = arith.constant 0 : i32
    %c0_i32_0 = arith.constant 0 : i32
    %c0_i32_1 = arith.constant 0 : i32
    return %c0_i32, %c0_i32_0 : i32, i32
  }
  func.func @transform_6(%arg0: i32) -> (i32, i32) {
    %c0_i32 = arith.constant 0 : i32
    %c0_i32_0 = arith.constant 0 : i32
    %c0_i32_1 = arith.constant 0 : i32
    return %c0_i32, %c0_i32_0 : i32, i32
  }
  func.func @transform_7(%arg0: i32) -> (i32, i32) {
    %c0_i32 = arith.constant 0 : i32
    %c0_i32_0 = arith.constant 0 : i32
    return %arg0, %c0_i32 : i32, i32
  }
}

module attributes {stable_mosaic.version = 14 : i64} {
  func.func @_edge_mlp_body(%arg0: i32, %arg1: memref<6400x384xf32, #tpu.memory_space<vmem>>, %arg2: memref<384x128xbf16, #tpu.memory_space<vmem>>, %arg3: memref<1x128xf32, #tpu.memory_space<vmem>>, %arg4: memref<128x128xbf16, #tpu.memory_space<vmem>>, %arg5: memref<1x128xf32, #tpu.memory_space<vmem>>, %arg6: memref<128x128xbf16, #tpu.memory_space<vmem>>, %arg7: memref<1x128xf32, #tpu.memory_space<vmem>>, %arg8: memref<6400x128xf32, #tpu.memory_space<vmem>>) attributes {dimension_semantics = [#tpu.dimension_semantics<arbitrary>], iteration_bounds = array<i64: 10>, scalar_prefetch = 0 : i64, scratch_operands = 0 : i64, tpu.core_type = #tpu.core_type<tc>, window_params = [{transform_indices = @transform_0, window_bounds = array<i64: 6400, 384>}, {pipeline_mode = #tpu.pipeline_mode<synchronous>, transform_indices = @transform_1, window_bounds = array<i64: 384, 128>}, {pipeline_mode = #tpu.pipeline_mode<synchronous>, transform_indices = @transform_2, window_bounds = array<i64: 1, 128>}, {pipeline_mode = #tpu.pipeline_mode<synchronous>, transform_indices = @transform_3, window_bounds = array<i64: 128, 128>}, {pipeline_mode = #tpu.pipeline_mode<synchronous>, transform_indices = @transform_4, window_bounds = array<i64: 1, 128>}, {pipeline_mode = #tpu.pipeline_mode<synchronous>, transform_indices = @transform_5, window_bounds = array<i64: 128, 128>}, {pipeline_mode = #tpu.pipeline_mode<synchronous>, transform_indices = @transform_6, window_bounds = array<i64: 1, 128>}, {transform_indices = @transform_7, window_bounds = array<i64: 6400, 128>}]} {
    %get3A = arith.constant 0 : index
    %get3A_0 = arith.constant 0 : index
    %get3A_1 = vector.load %arg1[%get3A, %get3A_0] : memref<6400x384xf32, #tpu.memory_space<vmem>>, vector<6400x384xf32>
    %convert_element_type3A = arith.truncf %get3A_1 : vector<6400x384xf32> to vector<6400x384xbf16>
    %get3A_2 = arith.constant 0 : index
    %get3A_3 = arith.constant 0 : index
    %get3A_4 = vector.load %arg2[%get3A_2, %get3A_3] : memref<384x128xbf16, #tpu.memory_space<vmem>>, vector<384x128xbf16>
    %dot_general3A = arith.constant dense<0.000000e+00> : vector<6400x128xf32>
    %dot_general3A_5 = tpu.matmul %convert_element_type3A, %get3A_4, %dot_general3A {dimension_numbers = #tpu.dot_dimension_numbers<[1], [0], [0], [1], [0, 0, 1, 1], [], []>, transpose_lhs_hint = false} : vector<6400x384xbf16>, vector<384x128xbf16>, vector<6400x128xf32> -> vector<6400x128xf32>
    %get3A_6 = arith.constant 0 : index
    %get3A_7 = arith.constant 0 : index
    %get3A_8 = vector.load %arg3[%get3A_6, %get3A_7] : memref<1x128xf32, #tpu.memory_space<vmem>>, vector<1x128xf32>
    %add3A = vector.broadcast %get3A_8 : vector<1x128xf32> to vector<6400x128xf32>
    %add3A_9 = arith.addf %dot_general3A_5, %add3A : vector<6400x128xf32>
    %max3A = arith.constant 0.000000e+00 : f32
    %max3A_10 = vector.broadcast %max3A : f32 to vector<6400x128xf32>
    %max3A_11 = arith.maximumf %add3A_9, %max3A_10 : vector<6400x128xf32>
    %convert_element_type3A_12 = arith.truncf %max3A_11 : vector<6400x128xf32> to vector<6400x128xbf16>
    %get3A_13 = arith.constant 0 : index
    %get3A_14 = arith.constant 0 : index
    %get3A_15 = vector.load %arg4[%get3A_13, %get3A_14] : memref<128x128xbf16, #tpu.memory_space<vmem>>, vector<128x128xbf16>
    %dot_general3A_16 = arith.constant dense<0.000000e+00> : vector<6400x128xf32>
    %dot_general3A_17 = tpu.matmul %convert_element_type3A_12, %get3A_15, %dot_general3A_16 {dimension_numbers = #tpu.dot_dimension_numbers<[1], [0], [0], [1], [0, 0, 1, 1], [], []>, transpose_lhs_hint = false} : vector<6400x128xbf16>, vector<128x128xbf16>, vector<6400x128xf32> -> vector<6400x128xf32>
    %get3A_18 = arith.constant 0 : index
    %get3A_19 = arith.constant 0 : index
    %get3A_20 = vector.load %arg5[%get3A_18, %get3A_19] : memref<1x128xf32, #tpu.memory_space<vmem>>, vector<1x128xf32>
    %add3A_21 = vector.broadcast %get3A_20 : vector<1x128xf32> to vector<6400x128xf32>
    %add3A_22 = arith.addf %dot_general3A_17, %add3A_21 : vector<6400x128xf32>
    %max3A_23 = arith.constant 0.000000e+00 : f32
    %max3A_24 = vector.broadcast %max3A_23 : f32 to vector<6400x128xf32>
    %max3A_25 = arith.maximumf %add3A_22, %max3A_24 : vector<6400x128xf32>
    %convert_element_type3A_26 = arith.truncf %max3A_25 : vector<6400x128xf32> to vector<6400x128xbf16>
    %get3A_27 = arith.constant 0 : index
    %get3A_28 = arith.constant 0 : index
    %get3A_29 = vector.load %arg6[%get3A_27, %get3A_28] : memref<128x128xbf16, #tpu.memory_space<vmem>>, vector<128x128xbf16>
    %dot_general3A_30 = arith.constant dense<0.000000e+00> : vector<6400x128xf32>
    %dot_general3A_31 = tpu.matmul %convert_element_type3A_26, %get3A_29, %dot_general3A_30 {dimension_numbers = #tpu.dot_dimension_numbers<[1], [0], [0], [1], [0, 0, 1, 1], [], []>, transpose_lhs_hint = false} : vector<6400x128xbf16>, vector<128x128xbf16>, vector<6400x128xf32> -> vector<6400x128xf32>
    %get3A_32 = arith.constant 0 : index
    %get3A_33 = arith.constant 0 : index
    %get3A_34 = vector.load %arg7[%get3A_32, %get3A_33] : memref<1x128xf32, #tpu.memory_space<vmem>>, vector<1x128xf32>
    %add3A_35 = vector.broadcast %get3A_34 : vector<1x128xf32> to vector<6400x128xf32>
    %add3A_36 = arith.addf %dot_general3A_31, %add3A_35 : vector<6400x128xf32>
    %swap3A = arith.constant 0 : index
    %swap3A_37 = arith.constant 0 : index
    %swap3A_38 = vector.load %arg8[%swap3A, %swap3A_37] : memref<6400x128xf32, #tpu.memory_space<vmem>>, vector<6400x128xf32>
    tpu.vector_store %arg8[%swap3A, %swap3A_37], %add3A_36 {strides = array<i32>} : memref<6400x128xf32, #tpu.memory_space<vmem>>, vector<6400x128xf32>,
    return
  }
  func.func @transform_0(%arg0: i32) -> (i32, i32) {
    %add3A = arith.constant 40 : i32
    %add3A_0 = arith.addi %arg0, %add3A : i32
    %c0_i32 = arith.constant 0 : i32
    %c0_i32_1 = arith.constant 0 : i32
    return %add3A_0, %c0_i32 : i32, i32
  }
  func.func @transform_1(%arg0: i32) -> (i32, i32) {
    %c0_i32 = arith.constant 0 : i32
    %c0_i32_0 = arith.constant 0 : i32
    %c0_i32_1 = arith.constant 0 : i32
    return %c0_i32, %c0_i32_0 : i32, i32
  }
  func.func @transform_2(%arg0: i32) -> (i32, i32) {
    %c0_i32 = arith.constant 0 : i32
    %c0_i32_0 = arith.constant 0 : i32
    %c0_i32_1 = arith.constant 0 : i32
    return %c0_i32, %c0_i32_0 : i32, i32
  }
  func.func @transform_3(%arg0: i32) -> (i32, i32) {
    %c0_i32 = arith.constant 0 : i32
    %c0_i32_0 = arith.constant 0 : i32
    %c0_i32_1 = arith.constant 0 : i32
    return %c0_i32, %c0_i32_0 : i32, i32
  }
  func.func @transform_4(%arg0: i32) -> (i32, i32) {
    %c0_i32 = arith.constant 0 : i32
    %c0_i32_0 = arith.constant 0 : i32
    %c0_i32_1 = arith.constant 0 : i32
    return %c0_i32, %c0_i32_0 : i32, i32
  }
  func.func @transform_5(%arg0: i32) -> (i32, i32) {
    %c0_i32 = arith.constant 0 : i32
    %c0_i32_0 = arith.constant 0 : i32
    %c0_i32_1 = arith.constant 0 : i32
    return %c0_i32, %c0_i32_0 : i32, i32
  }
  func.func @transform_6(%arg0: i32) -> (i32, i32) {
    %c0_i32 = arith.constant 0 : i32
    %c0_i32_0 = arith.constant 0 : i32
    %c0_i32_1 = arith.constant 0 : i32
    return %c0_i32, %c0_i32_0 : i32, i32
  }
  func.func @transform_7(%arg0: i32) -> (i32, i32) {
    %c0_i32 = arith.constant 0 : i32
    %c0_i32_0 = arith.constant 0 : i32
    return %arg0, %c0_i32 : i32, i32
  }
}

module attributes {stable_mosaic.version = 14 : i64} {
  func.func @_node_body(%arg0: i32, %arg1: memref<2000x128xf32, #tpu.memory_space<vmem>>, %arg2: memref<2x2000x128xf32, #tpu.memory_space<vmem>>, %arg3: memref<2x2000x128xf32, #tpu.memory_space<vmem>>, %arg4: memref<2x2000x128xf32, #tpu.memory_space<vmem>>, %arg5: memref<2x2000x128xf32, #tpu.memory_space<vmem>>, %arg6: memref<2x2000x128xf32, #tpu.memory_space<vmem>>, %arg7: memref<128x512xf32, #tpu.memory_space<vmem>>, %arg8: memref<1x512xf32, #tpu.memory_space<vmem>>, %arg9: memref<512x128xf32, #tpu.memory_space<vmem>>, %arg10: memref<1x128xf32, #tpu.memory_space<vmem>>, %arg11: memref<1x128xf32, #tpu.memory_space<vmem>>, %arg12: memref<1x128xf32, #tpu.memory_space<vmem>>, %arg13: memref<1x128xf32, #tpu.memory_space<vmem>>, %arg14: memref<1x128xf32, #tpu.memory_space<vmem>>, %arg15: memref<2000x128xf32, #tpu.memory_space<vmem>>) attributes {dimension_semantics = [#tpu.dimension_semantics<arbitrary>], iteration_bounds = array<i64: 5>, scalar_prefetch = 0 : i64, scratch_operands = 0 : i64, tpu.core_type = #tpu.core_type<tc>, window_params = [{transform_indices = @transform_0, window_bounds = array<i64: 2000, 128>}, {transform_indices = @transform_1, window_bounds = array<i64: 2, 2000, 128>}, {transform_indices = @transform_2, window_bounds = array<i64: 2, 2000, 128>}, {transform_indices = @transform_3, window_bounds = array<i64: 2, 2000, 128>}, {transform_indices = @transform_4, window_bounds = array<i64: 2, 2000, 128>}, {transform_indices = @transform_5, window_bounds = array<i64: 2, 2000, 128>}, {pipeline_mode = #tpu.pipeline_mode<synchronous>, transform_indices = @transform_6, window_bounds = array<i64: 128, 512>}, {pipeline_mode = #tpu.pipeline_mode<synchronous>, transform_indices = @transform_7, window_bounds = array<i64: 1, 512>}, {pipeline_mode = #tpu.pipeline_mode<synchronous>, transform_indices = @transform_8, window_bounds = array<i64: 512, 128>}, {pipeline_mode = #tpu.pipeline_mode<synchronous>, transform_indices = @transform_9, window_bounds = array<i64: 1, 128>}, {pipeline_mode = #tpu.pipeline_mode<synchronous>, transform_indices = @transform_10, window_bounds = array<i64: 1, 128>}, {pipeline_mode = #tpu.pipeline_mode<synchronous>, transform_indices = @transform_11, window_bounds = array<i64: 1, 128>}, {pipeline_mode = #tpu.pipeline_mode<synchronous>, transform_indices = @transform_12, window_bounds = array<i64: 1, 128>}, {pipeline_mode = #tpu.pipeline_mode<synchronous>, transform_indices = @transform_13, window_bounds = array<i64: 1, 128>}, {transform_indices = @transform_14, window_bounds = array<i64: 2000, 128>}]} {
    %broadcast_in_dim3A = arith.constant 0.000000e+00 : f32
    %broadcast_in_dim3A_0 = vector.broadcast %broadcast_in_dim3A : f32 to vector<2000x128xf32>
    %get3A = arith.constant 0 : index
    %get3A_1 = arith.constant 0 : index
    %get3A_2 = arith.constant 0 : index
    %get3A_3 = vector.load %arg2[%get3A, %get3A_1, %get3A_2] : memref<2x2000x128xf32, #tpu.memory_space<vmem>>, vector<1x2000x128xf32>
    %get3A_4 = vector.shape_cast %get3A_3 : vector<1x2000x128xf32> to vector<2000x128xf32>
    %get3A_5 = arith.constant 1 : index
    %get3A_6 = arith.constant 0 : index
    %get3A_7 = arith.constant 0 : index
    %get3A_8 = vector.load %arg2[%get3A_5, %get3A_6, %get3A_7] : memref<2x2000x128xf32, #tpu.memory_space<vmem>>, vector<1x2000x128xf32>
    %get3A_9 = vector.shape_cast %get3A_8 : vector<1x2000x128xf32> to vector<2000x128xf32>
    %add3A = arith.addf %get3A_4, %get3A_9 : vector<2000x128xf32>
    %add3A_10 = arith.addf %broadcast_in_dim3A_0, %add3A : vector<2000x128xf32>
    %get3A_11 = arith.constant 0 : index
    %get3A_12 = arith.constant 0 : index
    %get3A_13 = arith.constant 0 : index
    %get3A_14 = vector.load %arg3[%get3A_11, %get3A_12, %get3A_13] : memref<2x2000x128xf32, #tpu.memory_space<vmem>>, vector<1x2000x128xf32>
    %get3A_15 = vector.shape_cast %get3A_14 : vector<1x2000x128xf32> to vector<2000x128xf32>
    %get3A_16 = arith.constant 1 : index
    %get3A_17 = arith.constant 0 : index
    %get3A_18 = arith.constant 0 : index
    %get3A_19 = vector.load %arg3[%get3A_16, %get3A_17, %get3A_18] : memref<2x2000x128xf32, #tpu.memory_space<vmem>>, vector<1x2000x128xf32>
    %get3A_20 = vector.shape_cast %get3A_19 : vector<1x2000x128xf32> to vector<2000x128xf32>
    %add3A_21 = arith.addf %get3A_15, %get3A_20 : vector<2000x128xf32>
    %add3A_22 = arith.addf %add3A_10, %add3A_21 : vector<2000x128xf32>
    %get3A_23 = arith.constant 0 : index
    %get3A_24 = arith.constant 0 : index
    %get3A_25 = arith.constant 0 : index
    %get3A_26 = vector.load %arg4[%get3A_23, %get3A_24, %get3A_25] : memref<2x2000x128xf32, #tpu.memory_space<vmem>>, vector<1x2000x128xf32>
    %get3A_27 = vector.shape_cast %get3A_26 : vector<1x2000x128xf32> to vector<2000x128xf32>
    %get3A_28 = arith.constant 1 : index
    %get3A_29 = arith.constant 0 : index
    %get3A_30 = arith.constant 0 : index
    %get3A_31 = vector.load %arg4[%get3A_28, %get3A_29, %get3A_30] : memref<2x2000x128xf32, #tpu.memory_space<vmem>>, vector<1x2000x128xf32>
    %get3A_32 = vector.shape_cast %get3A_31 : vector<1x2000x128xf32> to vector<2000x128xf32>
    %add3A_33 = arith.addf %get3A_27, %get3A_32 : vector<2000x128xf32>
    %add3A_34 = arith.addf %add3A_22, %add3A_33 : vector<2000x128xf32>
    %get3A_35 = arith.constant 0 : index
    %get3A_36 = arith.constant 0 : index
    %get3A_37 = arith.constant 0 : index
    %get3A_38 = vector.load %arg5[%get3A_35, %get3A_36, %get3A_37] : memref<2x2000x128xf32, #tpu.memory_space<vmem>>, vector<1x2000x128xf32>
    %get3A_39 = vector.shape_cast %get3A_38 : vector<1x2000x128xf32> to vector<2000x128xf32>
    %get3A_40 = arith.constant 1 : index
    %get3A_41 = arith.constant 0 : index
    %get3A_42 = arith.constant 0 : index
    %get3A_43 = vector.load %arg5[%get3A_40, %get3A_41, %get3A_42] : memref<2x2000x128xf32, #tpu.memory_space<vmem>>, vector<1x2000x128xf32>
    %get3A_44 = vector.shape_cast %get3A_43 : vector<1x2000x128xf32> to vector<2000x128xf32>
    %add3A_45 = arith.addf %get3A_39, %get3A_44 : vector<2000x128xf32>
    %add3A_46 = arith.addf %add3A_34, %add3A_45 : vector<2000x128xf32>
    %get3A_47 = arith.constant 0 : index
    %get3A_48 = arith.constant 0 : index
    %get3A_49 = arith.constant 0 : index
    %get3A_50 = vector.load %arg6[%get3A_47, %get3A_48, %get3A_49] : memref<2x2000x128xf32, #tpu.memory_space<vmem>>, vector<1x2000x128xf32>
    %get3A_51 = vector.shape_cast %get3A_50 : vector<1x2000x128xf32> to vector<2000x128xf32>
    %get3A_52 = arith.constant 1 : index
    %get3A_53 = arith.constant 0 : index
    %get3A_54 = arith.constant 0 : index
    %get3A_55 = vector.load %arg6[%get3A_52, %get3A_53, %get3A_54] : memref<2x2000x128xf32, #tpu.memory_space<vmem>>, vector<1x2000x128xf32>
    %get3A_56 = vector.shape_cast %get3A_55 : vector<1x2000x128xf32> to vector<2000x128xf32>
    %add3A_57 = arith.addf %get3A_51, %get3A_56 : vector<2000x128xf32>
    %add3A_58 = arith.addf %add3A_46, %add3A_57 : vector<2000x128xf32>
    %mul3A = arith.constant 0.0333333351 : f32
    %mul3A_59 = vector.broadcast %mul3A : f32 to vector<2000x128xf32>
    %mul3A_60 = arith.mulf %add3A_58, %mul3A_59 : vector<2000x128xf32>
    %get3A_61 = arith.constant 0 : index
    %get3A_62 = arith.constant 0 : index
    %get3A_63 = vector.load %arg1[%get3A_61, %get3A_62] : memref<2000x128xf32, #tpu.memory_space<vmem>>, vector<2000x128xf32>
    %add3A_64 = arith.addf %get3A_63, %mul3A_60 : vector<2000x128xf32>
    %reduce_sum3A = arith.constant dense<0.000000e+00> : vector<2000xf32>
    %reduce_sum3A_65 = vector.multi_reduction <add>, %add3A_64, %reduce_sum3A [1] : vector<2000x128xf32> to vector<2000xf32>
    %broadcast_in_dim3A_66 = vector.shape_cast %reduce_sum3A_65 : vector<2000xf32> to vector<2000x1xf32>
    %div3A = arith.constant 1.280000e+02 : f32
    %div3A_67 = vector.broadcast %div3A : f32 to vector<2000x1xf32>
    %div3A_68 = arith.divf %broadcast_in_dim3A_66, %div3A_67 : vector<2000x1xf32>
    %sub3A = vector.broadcast %div3A_68 : vector<2000x1xf32> to vector<2000x128xf32>
    %sub3A_69 = arith.subf %add3A_64, %sub3A : vector<2000x128xf32>
    %mul3A_70 = arith.mulf %sub3A_69, %sub3A_69 : vector<2000x128xf32>
    %reduce_sum3A_71 = arith.constant dense<0.000000e+00> : vector<2000xf32>
    %reduce_sum3A_72 = vector.multi_reduction <add>, %mul3A_70, %reduce_sum3A_71 [1] : vector<2000x128xf32> to vector<2000xf32>
    %broadcast_in_dim3A_73 = vector.shape_cast %reduce_sum3A_72 : vector<2000xf32> to vector<2000x1xf32>
    %div3A_74 = arith.constant 1.280000e+02 : f32
    %div3A_75 = vector.broadcast %div3A_74 : f32 to vector<2000x1xf32>
    %div3A_76 = arith.divf %broadcast_in_dim3A_73, %div3A_75 : vector<2000x1xf32>
    %get3A_77 = arith.constant 0 : index
    %get3A_78 = arith.constant 0 : index
    %get3A_79 = vector.load %arg11[%get3A_77, %get3A_78] : memref<1x128xf32, #tpu.memory_space<vmem>>, vector<1x128xf32>
    %mul3A_80 = vector.broadcast %get3A_79 : vector<1x128xf32> to vector<2000x128xf32>
    %mul3A_81 = arith.mulf %mul3A_80, %sub3A_69 : vector<2000x128xf32>
    %add3A_82 = arith.constant 9.99999974E-6 : f32
    %add3A_83 = vector.broadcast %add3A_82 : f32 to vector<2000x1xf32>
    %add3A_84 = arith.addf %div3A_76, %add3A_83 : vector<2000x1xf32>
    %rsqrt3A = math.rsqrt %add3A_84 : vector<2000x1xf32>
    %mul3A_85 = vector.broadcast %rsqrt3A : vector<2000x1xf32> to vector<2000x128xf32>
    %mul3A_86 = arith.mulf %mul3A_81, %mul3A_85 : vector<2000x128xf32>
    %get3A_87 = arith.constant 0 : index
    %get3A_88 = arith.constant 0 : index
    %get3A_89 = vector.load %arg12[%get3A_87, %get3A_88] : memref<1x128xf32, #tpu.memory_space<vmem>>, vector<1x128xf32>
    %add3A_90 = vector.broadcast %get3A_89 : vector<1x128xf32> to vector<2000x128xf32>
    %add3A_91 = arith.addf %mul3A_86, %add3A_90 : vector<2000x128xf32>
    %get3A_92 = arith.constant 0 : index
    %get3A_93 = arith.constant 0 : index
    %get3A_94 = vector.load %arg7[%get3A_92, %get3A_93] : memref<128x512xf32, #tpu.memory_space<vmem>>, vector<128x512xf32>
    %dot_general3A = arith.constant dense<0.000000e+00> : vector<2000x512xf32>
    %dot_general3A_95 = tpu.matmul %add3A_91, %get3A_94, %dot_general3A {dimension_numbers = #tpu.dot_dimension_numbers<[1], [0], [0], [1], [0, 0, 1, 1], [], []>, transpose_lhs_hint = false} : vector<2000x128xf32>, vector<128x512xf32>, vector<2000x512xf32> -> vector<2000x512xf32>
    %get3A_96 = arith.constant 0 : index
    %get3A_97 = arith.constant 0 : index
    %get3A_98 = vector.load %arg8[%get3A_96, %get3A_97] : memref<1x512xf32, #tpu.memory_space<vmem>>, vector<1x512xf32>
    %add3A_99 = vector.broadcast %get3A_98 : vector<1x512xf32> to vector<2000x512xf32>
    %add3A_100 = arith.addf %dot_general3A_95, %add3A_99 : vector<2000x512xf32>
    %max3A = arith.constant 0.000000e+00 : f32
    %max3A_101 = vector.broadcast %max3A : f32 to vector<2000x512xf32>
    %max3A_102 = arith.maximumf %add3A_100, %max3A_101 : vector<2000x512xf32>
    %get3A_103 = arith.constant 0 : index
    %get3A_104 = arith.constant 0 : index
    %get3A_105 = vector.load %arg9[%get3A_103, %get3A_104] : memref<512x128xf32, #tpu.memory_space<vmem>>, vector<512x128xf32>
    %dot_general3A_106 = arith.constant dense<0.000000e+00> : vector<2000x128xf32>
    %dot_general3A_107 = tpu.matmul %max3A_102, %get3A_105, %dot_general3A_106 {dimension_numbers = #tpu.dot_dimension_numbers<[1], [0], [0], [1], [0, 0, 1, 1], [], []>, transpose_lhs_hint = false} : vector<2000x512xf32>, vector<512x128xf32>, vector<2000x128xf32> -> vector<2000x128xf32>
    %add3A_108 = arith.addf %add3A_91, %dot_general3A_107 : vector<2000x128xf32>
    %get3A_109 = arith.constant 0 : index
    %get3A_110 = arith.constant 0 : index
    %get3A_111 = vector.load %arg10[%get3A_109, %get3A_110] : memref<1x128xf32, #tpu.memory_space<vmem>>, vector<1x128xf32>
    %add3A_112 = vector.broadcast %get3A_111 : vector<1x128xf32> to vector<2000x128xf32>
    %add3A_113 = arith.addf %add3A_108, %add3A_112 : vector<2000x128xf32>
    %reduce_sum3A_114 = arith.constant dense<0.000000e+00> : vector<2000xf32>
    %reduce_sum3A_115 = vector.multi_reduction <add>, %add3A_113, %reduce_sum3A_114 [1] : vector<2000x128xf32> to vector<2000xf32>
    %broadcast_in_dim3A_116 = vector.shape_cast %reduce_sum3A_115 : vector<2000xf32> to vector<2000x1xf32>
    %div3A_117 = arith.constant 1.280000e+02 : f32
    %div3A_118 = vector.broadcast %div3A_117 : f32 to vector<2000x1xf32>
    %div3A_119 = arith.divf %broadcast_in_dim3A_116, %div3A_118 : vector<2000x1xf32>
    %sub3A_120 = vector.broadcast %div3A_119 : vector<2000x1xf32> to vector<2000x128xf32>
    %sub3A_121 = arith.subf %add3A_113, %sub3A_120 : vector<2000x128xf32>
    %mul3A_122 = arith.mulf %sub3A_121, %sub3A_121 : vector<2000x128xf32>
    %reduce_sum3A_123 = arith.constant dense<0.000000e+00> : vector<2000xf32>
    %reduce_sum3A_124 = vector.multi_reduction <add>, %mul3A_122, %reduce_sum3A_123 [1] : vector<2000x128xf32> to vector<2000xf32>
    %broadcast_in_dim3A_125 = vector.shape_cast %reduce_sum3A_124 : vector<2000xf32> to vector<2000x1xf32>
    %div3A_126 = arith.constant 1.280000e+02 : f32
    %div3A_127 = vector.broadcast %div3A_126 : f32 to vector<2000x1xf32>
    %div3A_128 = arith.divf %broadcast_in_dim3A_125, %div3A_127 : vector<2000x1xf32>
    %get3A_129 = arith.constant 0 : index
    %get3A_130 = arith.constant 0 : index
    %get3A_131 = vector.load %arg13[%get3A_129, %get3A_130] : memref<1x128xf32, #tpu.memory_space<vmem>>, vector<1x128xf32>
    %mul3A_132 = vector.broadcast %get3A_131 : vector<1x128xf32> to vector<2000x128xf32>
    %mul3A_133 = arith.mulf %mul3A_132, %sub3A_121 : vector<2000x128xf32>
    %add3A_134 = arith.constant 9.99999974E-6 : f32
    %add3A_135 = vector.broadcast %add3A_134 : f32 to vector<2000x1xf32>
    %add3A_136 = arith.addf %div3A_128, %add3A_135 : vector<2000x1xf32>
    %rsqrt3A_137 = math.rsqrt %add3A_136 : vector<2000x1xf32>
    %mul3A_138 = vector.broadcast %rsqrt3A_137 : vector<2000x1xf32> to vector<2000x128xf32>
    %mul3A_139 = arith.mulf %mul3A_133, %mul3A_138 : vector<2000x128xf32>
    %get3A_140 = arith.constant 0 : index
    %get3A_141 = arith.constant 0 : index
    %get3A_142 = vector.load %arg14[%get3A_140, %get3A_141] : memref<1x128xf32, #tpu.memory_space<vmem>>, vector<1x128xf32>
    %add3A_143 = vector.broadcast %get3A_142 : vector<1x128xf32> to vector<2000x128xf32>
    %add3A_144 = arith.addf %mul3A_139, %add3A_143 : vector<2000x128xf32>
    %swap3A = arith.constant 0 : index
    %swap3A_145 = arith.constant 0 : index
    %swap3A_146 = vector.load %arg15[%swap3A, %swap3A_145] : memref<2000x128xf32, #tpu.memory_space<vmem>>, vector<2000x128xf32>
    tpu.vector_store %arg15[%swap3A, %swap3A_145], %add3A_144 {strides = array<i32>} : memref<2000x128xf32, #tpu.memory_space<vmem>>, vector<2000x128xf32>,
    return
  }
  func.func @transform_0(%arg0: i32) -> (i32, i32) {
    %c0_i32 = arith.constant 0 : i32
    %c0_i32_0 = arith.constant 0 : i32
    return %arg0, %c0_i32 : i32, i32
  }
  func.func @transform_1(%arg0: i32) -> (i32, i32, i32) {
    %c0_i32 = arith.constant 0 : i32
    %c0_i32_0 = arith.constant 0 : i32
    %c0_i32_1 = arith.constant 0 : i32
    return %c0_i32, %arg0, %c0_i32_0 : i32, i32, i32
  }
  func.func @transform_2(%arg0: i32) -> (i32, i32, i32) {
    %c0_i32 = arith.constant 0 : i32
    %c0_i32_0 = arith.constant 0 : i32
    %c0_i32_1 = arith.constant 0 : i32
    return %c0_i32, %arg0, %c0_i32_0 : i32, i32, i32
  }
  func.func @transform_3(%arg0: i32) -> (i32, i32, i32) {
    %c0_i32 = arith.constant 0 : i32
    %c0_i32_0 = arith.constant 0 : i32
    %c0_i32_1 = arith.constant 0 : i32
    return %c0_i32, %arg0, %c0_i32_0 : i32, i32, i32
  }
  func.func @transform_4(%arg0: i32) -> (i32, i32, i32) {
    %c0_i32 = arith.constant 0 : i32
    %c0_i32_0 = arith.constant 0 : i32
    %c0_i32_1 = arith.constant 0 : i32
    return %c0_i32, %arg0, %c0_i32_0 : i32, i32, i32
  }
  func.func @transform_5(%arg0: i32) -> (i32, i32, i32) {
    %c0_i32 = arith.constant 0 : i32
    %c0_i32_0 = arith.constant 0 : i32
    %c0_i32_1 = arith.constant 0 : i32
    return %c0_i32, %arg0, %c0_i32_0 : i32, i32, i32
  }
  func.func @transform_6(%arg0: i32) -> (i32, i32) {
    %c0_i32 = arith.constant 0 : i32
    %c0_i32_0 = arith.constant 0 : i32
    %c0_i32_1 = arith.constant 0 : i32
    return %c0_i32, %c0_i32_0 : i32, i32
  }
  func.func @transform_7(%arg0: i32) -> (i32, i32) {
    %c0_i32 = arith.constant 0 : i32
    %c0_i32_0 = arith.constant 0 : i32
    %c0_i32_1 = arith.constant 0 : i32
    return %c0_i32, %c0_i32_0 : i32, i32
  }
  func.func @transform_8(%arg0: i32) -> (i32, i32) {
    %c0_i32 = arith.constant 0 : i32
    %c0_i32_0 = arith.constant 0 : i32
    %c0_i32_1 = arith.constant 0 : i32
    return %c0_i32, %c0_i32_0 : i32, i32
  }
  func.func @transform_9(%arg0: i32) -> (i32, i32) {
    %c0_i32 = arith.constant 0 : i32
    %c0_i32_0 = arith.constant 0 : i32
    %c0_i32_1 = arith.constant 0 : i32
    return %c0_i32, %c0_i32_0 : i32, i32
  }
  func.func @transform_10(%arg0: i32) -> (i32, i32) {
    %c0_i32 = arith.constant 0 : i32
    %c0_i32_0 = arith.constant 0 : i32
    %c0_i32_1 = arith.constant 0 : i32
    return %c0_i32, %c0_i32_0 : i32, i32
  }
  func.func @transform_11(%arg0: i32) -> (i32, i32) {
    %c0_i32 = arith.constant 0 : i32
    %c0_i32_0 = arith.constant 0 : i32
    %c0_i32_1 = arith.constant 0 : i32
    return %c0_i32, %c0_i32_0 : i32, i32
  }
  func.func @transform_12(%arg0: i32) -> (i32, i32) {
    %c0_i32 = arith.constant 0 : i32
    %c0_i32_0 = arith.constant 0 : i32
    %c0_i32_1 = arith.constant 0 : i32
    return %c0_i32, %c0_i32_0 : i32, i32
  }
  func.func @transform_13(%arg0: i32) -> (i32, i32) {
    %c0_i32 = arith.constant 0 : i32
    %c0_i32_0 = arith.constant 0 : i32
    %c0_i32_1 = arith.constant 0 : i32
    return %c0_i32, %c0_i32_0 : i32, i32
  }
  func.func @transform_14(%arg0: i32) -> (i32, i32) {
    %c0_i32 = arith.constant 0 : i32
    %c0_i32_0 = arith.constant 0 : i32
    return %arg0, %c0_i32 : i32, i32
  }
}

</mosaic_0001>

<sc_bundles>
// kernel: kernel.13.cloned.1.call-start
scs
__scs_entry_jumppad:
0x0: {  	(pc) =	sbr.rel $0x88, $3  }
0x1: {  	(tag) =	ssettag $0x0;
	lr =	simm.s32 $0x1  }
0x2: {  	[smem:$0x3F90] =	sst lr;
	_ =	strace $0xD0000000  }
0x3: {  	_ = 	snop  }
0x4: {  	_ = 	snop  }
0x5: {  	_ = 	snop  }
0x6: {  	_ = 	snop  }
0x7: {  	_ = 	snop  }
__scs_overlays_trampoline_lowered:
0x8: {  	[smem:$0x3F9F] =	sst s0  }
0x9: {  	[smem:$0x3FA0] =	sst s1  }
0xa: {  	[smem:$0x3FA1] =	sst s2  }
0xb: {  	[smem:$0x3FA2] =	sst s3  }
0xc: {  	[smem:$0x3FA3] =	sst s4  }
0xd: {  	[smem:$0x3FA4] =	sst s5  }
0xe: {  	[smem:$0x3FA5] =	sst s6  }
0xf: {  	[smem:$0x3FA6] =	sst s7  }
0x10: {  	[smem:$0x3FA7] =	sst s8  }
0x11: {  	[smem:$0x3FA8] =	sst s9;
	s0 =	simm.s32 @!p0 $0x0  }
0x12: {  	s1 =	sld [smem:$0x3F8E];
	s0 =	simm.s32 @p0 $0x1  }
0x13: {  	[smem:$0x3FA9] =	sst s0;
	s0 =	simm.s32 @!p1 $0x0  }
0x14: {  	s2 =	sld [smem:$0x3F8D];
	s0 =	simm.s32 @p1 $0x1  }
0x15: {  	[smem:$0x3FAA] =	sst s0;
	s0 =	simm.s32 @!p2 $0x0  }
0x16: {  	s3 =	sld [smem:$0x3FDB];
	s0 =	simm.s32 @p2 $0x1  }
0x17: {  	s4 =	simm.s32 $0x1BF5;
	[smem:$0x3FAC] =	sst s0  }
0x18: {  	s0 =	sld [smem:$0x3F8F];
	_ =	swait.ge [sflag:s4], $0x0  }
0x19: {  	s7 =	sld [smem:$0x3F90]  }
0x1a: {  	s8 =	sadd.s32 $0xFFFFE003, lr  }
0x1b: {  	s9 =	sadd.s32 $0xFFFFFEF7, lr;
	s5 =	simm.s32 $0xFFFFFFFF;
	p2 =	slt.u32 s8, $0xFFFFF086  }
0x1c: {  	p1 =	slt.u32 s9, $0xF7A;
	s5 =	simm.s32 @!p2 $0x0  }
0x1d: {  	s5 =	simm.s32 @p1 $0x1;
	p0 =	seq.s32 s7, s2  }
0x1e: {  	s7 =	smul.u32 @!p0 $0xF7A, s2;
	p2 =	seq.s32 @!p0 s5, $0x0  }
0x1f: {  	s9 =	smul.u32 $0xF7A, s1;
	s8 =	simm.s32 @!p0 $0x1BF5;
	p2 =	por !p2, p0  }
0x20: {  	[sflag:s8] =	ssyncset.s32 @!p0 $0xFFFFF086;
	s6 =	sadd.s32 @!p0 s3, s7;
	s7 =	simm.s32 @!p0 $0x108  }
0x21: {  	s3 =	sadd.s32 s3, s9;
	s6 =	sadd.s32 @!p0 $0x88, s6;
	s7 =	simm.s32 @p2 $0x1082  }
0x22: {  	[simem:s7], [sflag:s8] =	dma.local @!p0 [hbm:s6], $0xF7A  }
0x23: {  	s9 =	sor.u32 $0xD0000000, s2;
	s6 =	simm.s32 $0x108;
	_ =	swait.ge @!p0 [sflag:s8], $0x0  }
0x24: {  	s3 =	sadd.s32 $0x88, s3;
	s6 =	simm.s32 @!p1 $0x1082;
	[sflag:s4] =	ssyncset.s32 $0xFFFFF086  }
0x25: {  	[simem:s6], [sflag:s4] =	dma.local [hbm:s3], $0xF7A  }
0x26: {  	[smem:$0x3F90] =	sst s1;
	(tag) =	ssettag s2;
	_ =	strace s9  }
0x27: {  	s1 =	sld [smem:$0x3FA0]  }
0x28: {  	s2 =	sld [smem:$0x3FA1]  }
0x29: {  	s4 =	sld [smem:$0x3FA3]  }
0x2a: {  	p0 =	seq.s32 s5, $0x0;
	s5 =	sld [smem:$0x3FA4]  }
0x2b: {  	s6 =	sld [smem:$0x3FA5]  }
0x2c: {  	s7 =	sld [smem:$0x3FA6]  }
0x2d: {  	s3 =	simm.s32 $0x108;
	s8 =	sld [smem:$0x3FA7]  }
0x2e: {  	s3 =	simm.s32 @!p0 $0x1082;
	s9 =	sld [smem:$0x3FA8]  }
0x2f: {  	lr =	sadd.s32 s0, s3;
	s0 =	sld [smem:$0x3F9F]  }
0x30: {  	s3 =	sld [smem:$0x3FA2]  }
0x31: {  	[smem:$0x3FAB] =	sst s10  }
0x32: {  	s10 =	sld [smem:$0x3FA9];
	_ =	sdelay $0x3  }
0x33: {  	p0 =	seq.s32 s10, $0x1;
	s10 =	sld [smem:$0x3FAB];
	_ =	sdelay $0x3  }
0x34: {  	[smem:$0x3FAB] =	sst s10  }
0x35: {  	s10 =	sld [smem:$0x3FAA];
	_ =	sdelay $0x3  }
0x36: {  	p1 =	seq.s32 s10, $0x1;
	s10 =	sld [smem:$0x3FAB];
	_ =	sdelay $0x3  }
0x37: {  	[smem:$0x3FAB] =	sst s10  }
0x38: {  	s10 =	sld [smem:$0x3FAC]  }
0x39: {  	_ = 	snop;
	(pc) =	sbr.ind lr, $3  }
0x3a: {  	_ = 	snop  }
0x3b: {  	_ = 	snop  }
0x3c: {  	p2 =	seq.s32 s10, $0x1;
	s10 =	sld [smem:$0x3FAB]  }
0x3d: {  	_ =	shalt  }
0x3e: {  	_ =	shalt  }
0x3f: {  	_ =	shalt  }
0x40: {  	_ =	shalt  }
0x41: {  	_ =	shalt  }
0x42: {  	_ =	shalt  }
0x43: {  	_ =	shalt  }
0x44: {  	_ =	shalt  }
0x45: {  	_ =	shalt  }
0x46: {  	_ =	shalt  }
0x47: {  	_ =	shalt  }
0x48: {  	_ =	shalt  }
0x49: {  	_ =	shalt  }
0x4a: {  	_ =	shalt  }
0x4b: {  	_ =	shalt  }
0x4c: {  	_ =	shalt  }
0x4d: {  	_ =	shalt  }
0x4e: {  	_ =	shalt  }
0x4f: {  	_ =	shalt  }
0x50: {  	_ =	shalt  }
0x51: {  	_ =	shalt  }
0x52: {  	_ =	shalt  }
0x53: {  	_ =	shalt  }
0x54: {  	_ =	shalt  }
0x55: {  	_ =	shalt  }
0x56: {  	_ =	shalt  }
0x57: {  	_ =	shalt  }
0x58: {  	_ =	shalt  }
0x59: {  	_ =	shalt  }
0x5a: {  	_ =	shalt  }
0x5b: {  	_ =	shalt  }
0x5c: {  	_ =	shalt  }
0x5d: {  	_ =	shalt  }
0x5e: {  	_ =	shalt  }
0x5f: {  	_ =	shalt  }
0x60: {  	_ =	shalt  }
0x61: {  	_ =	shalt  }
0x62: {  	_ =	shalt  }
0x63: {  	_ =	shalt  }
0x64: {  	_ =	shalt  }
0x65: {  	_ =	shalt  }
0x66: {  	_ =	shalt  }
0x67: {  	_ =	shalt  }
0x68: {  	_ =	shalt  }
0x69: {  	_ =	shalt  }
0x6a: {  	_ =	shalt  }
0x6b: {  	_ =	shalt  }
0x6c: {  	_ =	shalt  }
0x6d: {  	_ =	shalt  }
0x6e: {  	_ =	shalt  }
0x6f: {  	_ =	shalt  }
0x70: {  	_ =	shalt  }
0x71: {  	_ =	shalt  }
0x72: {  	_ =	shalt  }
0x73: {  	_ =	shalt  }
0x74: {  	_ =	shalt  }
0x75: {  	_ =	shalt  }
0x76: {  	_ =	shalt  }
0x77: {  	_ =	shalt  }
0x78: {  	_ =	shalt  }
0x79: {  	_ =	shalt  }
0x7a: {  	_ =	shalt  }
0x7b: {  	_ =	shalt  }
0x7c: {  	_ =	shalt  }
0x7d: {  	_ =	shalt  }
0x7e: {  	_ =	shalt  }
0x7f: {  	_ =	shalt  }
0x80: {  	_ =	shalt  }
0x81: {  	_ =	shalt  }
0x82: {  	_ =	shalt  }
0x83: {  	_ =	shalt  }
0x84: {  	_ =	shalt  }
0x85: {  	_ =	shalt  }
0x86: {  	_ =	shalt  }
0x87: {  	_ =	shalt  }
.Lfunc_end0:
.L_simem_size_0:
called_computation_lowered:
.L_overlay_start_0:
0x88: {  	s2 =	sld [smem:$0x3FD9]  }
0x89: {  	s3 =	sld [smem:$0x3FFE];
	_ =	sdelay $0x1  }
0x8a: {  	s1 =	srdreg.scid  }
0x8b: {  	s0 =	sand.u32 $0x1, s1  }
0x8c: {  	s17 =	sshll.u32 s0, $0xA;
	s2 =	sadd.s32 s3, s2  }
0x8d: {  	s2 =	sadd.s32 s2, s17  }
0x8e: {  	[smem:$0x3FB7] =	sst s2  }
0x8f: {  	_ = 	snop  }
0x90: {  	s2 =	sld [smem:$0x3FD0];
	(tm) =	ssettm $0x1  }
0x91: {  	s18 =	sld [smem:$0x3FFB];
	_ =	sdelay $0x3  }
0x92: {  	_ =	strace s18  }
0x93: {  	s3 =	sld [smem:$0x3FFC];
	_ =	sdelay $0x3  }
0x94: {  	_ =	strace s3  }
0x95: {  	s3 =	sld [smem:$0x3FFD];
	_ =	sdelay $0x3  }
0x96: {  	_ =	strace s3  }
0x97: {  	_ =	strace $0x8FFFFFFF  }
0x98: {  	s19 =	sld [smem:$0x3FDB];
	_ =	sdelay $0x1  }
0x99: {  	s4 =	simm.s32 $_scs_section_size  }
0x9a: {  	s5 =	simm.s32 $_size__tile_overlayer_lowered;
	s6 =	simm.s32 $_tile_overlayer_lowered  }
0x9b: {  	s22 =	simm.s32 $0x1BFF;
	s21 =	sshll.u32 s6, $0x1;
	s3 =	sadd.s32 s4, s19  }
0x9c: {  	s7 =	simm.s32 $0x0;
	s20 =	sshll.u32 s5, $0x1;
	s5 =	sadd.s32 s21, s3  }
0x9d: {  	[timem:s7], [sflag:s22] =	dma.local [hbm:s5], s20  }
0x9e: {  	_ =	swait.ge [sflag:s22], s20  }
0x9f: {  	s4 =	ssub.s32 $0x0, s20;
	[sflag:s22] =	ssyncset.done $0x0  }
0xa0: {  	[sflag:s22] =	ssyncadd.s32 s4;
	_ =	sdelay $0x1  }
0xa1: {  	s23 =	simm.s32 $0x1B8B  }
0xa2: {  	_ =	swait.ge [sflag:s23], $0x1  }
0xa3: {  	[sflag:s23] =	ssyncset.done $0x0  }
0xa4: {  	s25 =	simm.s32 $0x1B8E;
	s24 =	sld [smem:$0x3FFE];
	[sflag:s23] =	ssyncadd.s32 $0xFFFFFFFF  }
0xa5: {  	s26 =	simm.s32 $execute0_lowered;
	[smem:$0x3FD2] =	sst s25  }
0xa6: {  	s5 =	sshll.u32 s26, $0x1;
	_ =	strace $0x80000046;
	[dreg:$0x1] =	wrdreg $0xFFFFFFFF  }
0xa7: {  	s28 =	simm.s32 $_size_execute0_lowered;
	s3 =	sadd.s32 s3, s5;
	[dreg:$0x0] =	wrdreg $0x0  }
0xa8: {  	s5 =	sshll.u32 s28, $0x1;
	[dreg:$0x2] =	wrdreg s3  }
0xa9: {  	[dreg:$0x3] =	wrdreg s5  }
0xaa: {  	[dreg:$0x4] =	wrdreg $0xC0  }
0xab: {  	_ =	task [dreg:s7], $0x5FFFF  }
0xac: {  	[dreg:$0x1] =	wrdreg $0xFFFFFFFF  }
0xad: {  	[dreg:$0x0] =	wrdreg $0x60  }
0xae: {  	[dreg:$0x2] =	wrdreg s24  }
0xaf: {  	[dreg:$0x3] =	wrdreg s2  }
0xb0: {  	[dreg:$0x4] =	wrdreg $0x0  }
0xb1: {  	[dreg:$0x5] =	wrdreg $0x9  }
0xb2: {  	_ =	task.clear_ibuf [dreg:s7], $0x6FFFF;
	_ =	strace $0x90000046  }
0xb3: {  	s29 =	simm.s32 $0x9;
	_ =	strace $0x80000048  }
0xb4: {  	_ =	swait.ge [sflag:s29], $0x1  }
0xb5: {  	[sflag:s29] =	ssyncadd.s32 $0xFFFFFFFF  }
0xb6: {  	_ =	strace $0x90000048  }
0xb7: {  	_ =	sfence  }
0xb8: {  	s30 =	sld [smem:$0x0];
	_ =	sdelay $0x2  }
0xb9: {  	s31 =	sshll.u32 s1, $0xD;
	s1 =	sshrl.u32 s1, $0x2  }
0xba: {  	s3 =	sand.u32 $0x4000, s31;
	s1 =	sadd.s32 s1, s30  }
0xbb: {  	s0 =	sor.u32 s3, s0;
	s1 =	sshll.u32 s1, $0x11  }
0xbc: {  	s0 =	sor.u32 s1, s0  }
0xbd: {  	s0 =	sadd.s32 $0x8F2B, s0  }
0xbe: {  	[sflag:s0] =	ssyncadd.remote.s32 $0x1  }
0xbf: {  	_ =	sfence.sel $0xFFFF  }
0xc0: {  	[dreg:$0x0] =	wrdreg $0xFFFFFFFF;
	(pc) =	sbr.abs _section_cstart, $3  }
0xc1: {  	[dreg:$0x1] =	wrdreg $0xFFFFFFFF  }
0xc2: {  	_ =	task.clear_ibuf [dreg:s7], $0x2FFFF;
	_ =	strace $0x9FFFFFFF  }
0xc3: {  	(tm) =	ssettm $0x7FFFFFFF  }
tec
execute0_lowered:
.L_overlay_start_1:
0x0: {  	(tag) =	ssettag $0x1  }
0x1: {  	s0 =	rddreg [dreg:$0x0]  }
0x2: {  	s1 =	rddreg [dreg:$0x1]  }
0x3: {  	s2 =	rddreg [dreg:$0x2]  }
0x4: {  	s3 =	srdreg.scid;
	s4 =	simm.s32 $0x0;
	s10 =	stileid.u32  }
0x5: {  	s28 =	simm.s32 $0x3;
	s29 =	simm.s32 $0x4;
	s6 =	smul.u32 $0x14000, s10  }
0x6: {  	s30 =	simm.s32 $0x1C100;
	s31 =	simm.s32 $0x1C180;
	s8 =	smul.u32 $0x50000, s10  }
0x7: {  	s3 =	sand.u32 $0x1, s3;
	[smem:$0x7FF] =	sst s4;
	s23 =	smul.u32 $0x7D00, s10  }
0x8: {  	s7 =	sadd.s32 $0x2A00, s0;
	s5 =	smul.u32 $0x140000, s3;
	_ =	strace $0x80000047  }
0x9: {  	s14 =	sshll.u32 s3, $0x4;
	s15 =	ssub.s32 $0x2, s3;
	s21 =	smul.u32 $0x7D000, s3  }
0xa: {  	s3 =	smul.u32 $0x7D00, s3;
	s9 =	sshrl.u32 s15, $0x1;
	s8 =	sshrl.u32 s8, $0x2  }
0xb: {  	s5 =	sadd.s32 s6, s5;
	s6 =	sor.u32 s10, s14;
	s15 =	ssub.s32 s15, s9  }
0xc: {  	s24 =	sadd.s32 s21, s7;
	s21 =	simm.s32 $0x18100;
	s12 =	smul.u32 $0x7D0, s6  }
0xd: {  	s5 =	sshrl.u32 s5, $0x3;
	s6 =	smul.u32 $0x7D00, s6;
	s15 =	smax.u32 s15, $0x1  }
0xe: {  	s0 =	sadd.s32 s5, s0;
	s5 =	sadd.s32 s8, s2;
	s16 =	sshrl.u32 s12, $0x3  }
0xf: {  	s6 =	sadd.s32 s7, s6;
	s18 =	sadd.s32 $0x4000, s5;
	s19 =	sadd.s32 $0x8000, s5  }
0x10: {  	s20 =	sadd.s32 $0xC000, s5;
	s11 =	sadd.s32 $0x10000, s5;
	[dreg:$0x5] =	wrdreg s6  }
0x11: {  	s22 =	sadd.s32 $0x780, s12;
	s14 =	sadd.s32 $0xFCA00, s0;
	[dreg:$0x6] =	wrdreg s18  }
0x12: {  	s0 =	sadd.s32 s23, s24;
	s23 =	simm.s32 $0x18080;
	[dreg:$0x7] =	wrdreg s19  }
0x13: {  	s24 =	simm.s32 $0x1;
	s17 =	sadd.s32 s1, s16;
	[dreg:$0x8] =	wrdreg s20  }
0x14: {  	s12 =	sshrl.u32 s22, $0x3;
	s8 =	sshll.u32 s22, $0x4;
	s16 =	smul.u32 $0x7D0, s10  }
0x15: {  	s19 =	simm.s32 $0x14000;
	s20 =	simm.s32 $0x14080;
	s22 =	simm.s32 $0x5  }
0x16: {  	[dreg:$0x4] =	wrdreg s17;
	s12 =	sadd.s32 s1, s12;
	s3 =	sadd.s32 s16, s3  }
0x17: {  	s13 =	sadd.s32 s7, s8;
	s16 =	sadd.s32 $0x1000, s0;
	s25 =	sadd.s32 $0x80, s3  }
0x18: {  	s17 =	sadd.s32 $0x100, s3;
	s3 =	simm.s32 $0x0;
	s26 =	sshrl.u32 s25, $0x3  }
0x19: {  	v0 =	vimm.f32 $0.0e+00;
	s25 =	simm.s32 $0x2;
	s18 =	sadd.s32 s26, s1;
	s26 =	simm.s32 $0x80  }
.LBB2_1:
0x1a: {  	s0 =	rddreg [dreg:$0x4]  }
0x1b: {  	[tilespmem:s19], [sflag:$0x1] =	stream.linear.gather [hbm4b:s0+s4], $0x80, $0x38;
	[tilespmem:$0x1E980] =	vst v63  }
0x1c: {  	s10 =	rddreg [dreg:$0x5];
	s6 =	simm.s32 $0x200;
	s0 =	simm.s32 $0x0  }
0x1d: {  	[tilespmem:s20], [sflag:$0x2] =	stream.linear.gather [hbm4b:s10+s4], $0x4000, $0x38;
	[tilespmem:$0x1E980] =	vst v63  }
.LBB2_2:
0x1e: {  	p0 =	sne.s32 s6, $0xFE00;
	[tilespmem:s0+$0x18170] =	vst v0  }
0x1f: {  	[tilespmem:s0+$0x18100] =	vst v0  }
0x20: {  	[tilespmem:s0+$0x18110] =	vst v0  }
.Ltmp0:
0x21: {  	[tilespmem:s0+$0x18120] =	vst v0;
	(pc) =	sbr.rel @p0 .LBB2_2-.Ltmp0, $4  }
0x22: {  	[tilespmem:s0+$0x18130] =	vst v0  }
0x23: {  	[tilespmem:s0+$0x18140] =	vst v0  }
0x24: {  	[tilespmem:s0+$0x18150] =	vst v0  }
0x25: {  	[tilespmem:s0+$0x18160] =	vst v0;
	s0 =	sshra.s32 s6, $0x2;
	s6 =	sadd.s32 $0x200, s6  }
0x26: {  	[tilespmem:s0+$0x18170] =	vst v0  }
0x27: {  	[tilespmem:s0+$0x18100] =	vst v0  }
0x28: {  	[tilespmem:s0+$0x18110] =	vst v0  }
0x29: {  	[tilespmem:s0+$0x18120] =	vst v0  }
0x2a: {  	[tilespmem:s0+$0x18130] =	vst v0  }
0x2b: {  	[tilespmem:s0+$0x18140] =	vst v0  }
0x2c: {  	[tilespmem:s0+$0x18150] =	vst v0  }
0x2d: {  	[tilespmem:s0+$0x18160] =	vst v0  }
0x2e: {  	[spmem:s5] =	stream.linear.scatter [tilespmem:s21], [sflag:$0x5], $0x4000, $0x38;
	[tilespmem:$0x1E980] =	vst v63  }
0x2f: {  	_ =	swait.ge [sflag:s22], $0x4000  }
0x30: {  	[sflag:s22] =	ssyncset.done $0x0  }
0x31: {  	s10 =	rddreg [dreg:$0x6];
	[sflag:s22] =	ssyncadd.s32 $0xFFFFC000  }
0x32: {  	[spmem:s10] =	stream.linear.scatter [tilespmem:s21], [sflag:$0x5], $0x4000, $0x38;
	[tilespmem:$0x1E980] =	vst v63  }
0x33: {  	_ =	swait.ge [sflag:s22], $0x4000  }
0x34: {  	[sflag:s22] =	ssyncset.done $0x0  }
0x35: {  	s6 =	rddreg [dreg:$0x7];
	[sflag:s22] =	ssyncadd.s32 $0xFFFFC000  }
0x36: {  	[spmem:s6] =	stream.linear.scatter [tilespmem:s21], [sflag:$0x5], $0x4000, $0x38;
	[tilespmem:$0x1E980] =	vst v63  }
0x37: {  	_ =	swait.ge [sflag:s22], $0x4000  }
0x38: {  	[sflag:s22] =	ssyncset.done $0x0  }
0x39: {  	s7 =	rddreg [dreg:$0x8];
	[sflag:s22] =	ssyncadd.s32 $0xFFFFC000  }
0x3a: {  	[spmem:s7] =	stream.linear.scatter [tilespmem:s21], [sflag:$0x5], $0x4000, $0x38;
	[tilespmem:$0x1E980] =	vst v63  }
0x3b: {  	_ =	swait.ge [sflag:s22], $0x4000  }
0x3c: {  	[sflag:s22] =	ssyncset.done $0x0  }
0x3d: {  	[sflag:s22] =	ssyncadd.s32 $0xFFFFC000  }
0x3e: {  	[spmem:s11] =	stream.linear.scatter [tilespmem:s21], [sflag:$0x5], $0x4000, $0x38;
	[tilespmem:$0x1E980] =	vst v63  }
0x3f: {  	_ =	swait.ge [sflag:s22], $0x4000  }
0x40: {  	[sflag:s22] =	ssyncset.done $0x0  }
0x41: {  	[sflag:s22] =	ssyncadd.s32 $0xFFFFC000  }
0x42: {  	s8 =	sadd.s32 $0x0, s18;
	[bflag:$0x0] =	sbarrier.arrive $0xFFFF  }
0x43: {  	[tilespmem:s23], [sflag:$0x3] =	stream.linear.gather [hbm4b:s8+s4], $0x80, $0x38;
	[tilespmem:$0x1E980] =	vst v63  }
0x44: {  	s9 =	sadd.s32 $0xFFFFF800, s16  }
0x45: {  	[tilespmem:s21], [sflag:$0x4] =	stream.linear.gather [hbm4b:s9+s4], $0x4000, $0x38;
	[tilespmem:$0x1E980] =	vst v63  }
0x46: {  	_ =	swait.ge [sflag:s24], $0x80  }
0x47: {  	[sflag:s24] =	ssyncset.done $0x0  }
0x48: {  	[sflag:s24] =	ssyncadd.s32 $0xFFFFFF80  }
0x49: {  	_ =	swait.ge [sflag:s25], $0x4000  }
0x4a: {  	[sflag:s25] =	ssyncset.done $0x0  }
0x4b: {  	[sflag:s25] =	ssyncadd.s32 $0xFFFFC000  }
0x4c: {  	[spmem:s2] =	stream.indirect.scatter.add.f32 [tilespmem:s20], [sflag:$0x5], $0x80, s19, s26, $0xb8;
	[tilespmem:$0x1E980] =	vst v63  }
0x4d: {  	_ =	swait.ge [sflag:s22], $0x4000  }
0x4e: {  	s10 =	sshrl.u32 s17, $0x3;
	[sflag:s22] =	ssyncset.done $0x0  }
0x4f: {  	s0 =	sadd.s32 s1, s10;
	[sflag:s22] =	ssyncadd.s32 $0xFFFFC000  }
0x50: {  	[tilespmem:s19], [sflag:$0x1] =	stream.linear.gather [hbm4b:s0+s4], $0x80, $0x38;
	[tilespmem:$0x1E980] =	vst v63  }
0x51: {  	_ = 	snop  }
0x52: {  	[tilespmem:s20], [sflag:$0x2] =	stream.linear.gather [hbm4b:s16+s4], $0x4000, $0x38;
	[tilespmem:$0x1E980] =	vst v63  }
0x53: {  	_ =	swait.ge [sflag:s28], $0x80  }
0x54: {  	[sflag:s28] =	ssyncset.done $0x0  }
0x55: {  	[sflag:s28] =	ssyncadd.s32 $0xFFFFFF80  }
0x56: {  	_ =	swait.ge [sflag:s29], $0x4000  }
0x57: {  	[sflag:s29] =	ssyncset.done $0x0  }
0x58: {  	[sflag:s29] =	ssyncadd.s32 $0xFFFFC000  }
0x59: {  	[spmem:s2] =	stream.indirect.scatter.add.f32 [tilespmem:s21], [sflag:$0x5], $0x80, s23, s26, $0xb8;
	[tilespmem:$0x1E980] =	vst v63  }
0x5a: {  	s6 =	sadd.s32 $0x100, s17;
	s7 =	simm.s32 $0x20;
	_ =	swait.ge [sflag:s22], $0x4000  }
0x5b: {  	s8 =	simm.s32 $0x40;
	s0 =	sadd.s32 $0x1000, s16;
	[sflag:s22] =	ssyncset.done $0x0  }
.LBB2_4:
0x5c: {  	s9 =	sadd.s32 s7, s18  }
0x5d: {  	[sflag:s22] =	ssyncadd.s32 $0xFFFFC000;
	s7 =	smov.u32 s8;
	s10 =	sadd.s32 $0x20, s8  }
0x5e: {  	[tilespmem:s23], [sflag:$0x3] =	stream.linear.gather [hbm4b:s9+s4], $0x80, $0x38;
	[tilespmem:$0x1E980] =	vst v63  }
0x5f: {  	p0 =	sne.s32 s8, $0xC0;
	s8 =	sadd.s32 $0xFFFFF800, s0  }
0x60: {  	[tilespmem:s21], [sflag:$0x4] =	stream.linear.gather [hbm4b:s8+s4], $0x4000, $0x38;
	[tilespmem:$0x1E980] =	vst v63  }
0x61: {  	_ =	swait.ge [sflag:s24], $0x80  }
0x62: {  	[sflag:s24] =	ssyncset.done $0x0  }
0x63: {  	[sflag:s24] =	ssyncadd.s32 $0xFFFFFF80  }
0x64: {  	_ =	swait.ge [sflag:s25], $0x4000  }
0x65: {  	[sflag:s25] =	ssyncset.done $0x0  }
0x66: {  	[sflag:s25] =	ssyncadd.s32 $0xFFFFC000  }
0x67: {  	[spmem:s2] =	stream.indirect.scatter.add.f32 [tilespmem:s20], [sflag:$0x5], $0x80, s19, s26, $0xb8;
	[tilespmem:$0x1E980] =	vst v63  }
0x68: {  	_ =	swait.ge [sflag:s22], $0x4000  }
0x69: {  	s8 =	sshrl.u32 s6, $0x3;
	[sflag:s22] =	ssyncset.done $0x0  }
0x6a: {  	s8 =	sadd.s32 s1, s8;
	[sflag:s22] =	ssyncadd.s32 $0xFFFFC000  }
0x6b: {  	[tilespmem:s19], [sflag:$0x1] =	stream.linear.gather [hbm4b:s8+s4], $0x80, $0x38;
	[tilespmem:$0x1E980] =	vst v63  }
0x6c: {  	_ = 	snop  }
0x6d: {  	[tilespmem:s20], [sflag:$0x2] =	stream.linear.gather [hbm4b:s0+s4], $0x4000, $0x38;
	[tilespmem:$0x1E980] =	vst v63  }
0x6e: {  	_ =	swait.ge [sflag:s28], $0x80  }
0x6f: {  	[sflag:s28] =	ssyncset.done $0x0  }
0x70: {  	[sflag:s28] =	ssyncadd.s32 $0xFFFFFF80  }
0x71: {  	_ =	swait.ge [sflag:s29], $0x4000  }
.Ltmp1:
0x72: {  	[sflag:s29] =	ssyncset.done $0x0;
	(pc) =	sbr.rel @p0 .LBB2_4-.Ltmp1, $4  }
0x73: {  	[sflag:s29] =	ssyncadd.s32 $0xFFFFC000  }
0x74: {  	[spmem:s2] =	stream.indirect.scatter.add.f32 [tilespmem:s21], [sflag:$0x5], $0x80, s23, s26, $0xb8;
	[tilespmem:$0x1E980] =	vst v63  }
0x75: {  	s6 =	sadd.s32 $0x100, s6;
	_ =	swait.ge [sflag:s22], $0x4000  }
0x76: {  	s8 =	smov.u32 s10;
	s0 =	sadd.s32 $0x1000, s0;
	[sflag:s22] =	ssyncset.done $0x0  }
0x77: {  	s7 =	sadd.s32 s7, s18;
	[sflag:s22] =	ssyncadd.s32 $0xFFFFC000  }
0x78: {  	[tilespmem:s23], [sflag:$0x3] =	stream.linear.gather [hbm4b:s7+s4], $0x80, $0x38;
	[tilespmem:$0x1E980] =	vst v63  }
0x79: {  	s10 =	sadd.s32 $0xFFFFF800, s0  }
0x7a: {  	[tilespmem:s21], [sflag:$0x4] =	stream.linear.gather [hbm4b:s10+s4], $0x4000, $0x38;
	[tilespmem:$0x1E980] =	vst v63  }
0x7b: {  	_ =	swait.ge [sflag:s24], $0x80  }
0x7c: {  	[sflag:s24] =	ssyncset.done $0x0  }
0x7d: {  	[sflag:s24] =	ssyncadd.s32 $0xFFFFFF80  }
0x7e: {  	_ =	swait.ge [sflag:s25], $0x4000  }
0x7f: {  	[sflag:s25] =	ssyncset.done $0x0  }
0x80: {  	[sflag:s25] =	ssyncadd.s32 $0xFFFFC000  }
0x81: {  	[spmem:s2] =	stream.indirect.scatter.add.f32 [tilespmem:s20], [sflag:$0x5], $0x80, s19, s26, $0xb8;
	[tilespmem:$0x1E980] =	vst v63  }
0x82: {  	_ =	swait.ge [sflag:s22], $0x4000  }
0x83: {  	s6 =	sshrl.u32 s6, $0x3;
	[sflag:s22] =	ssyncset.done $0x0  }
0x84: {  	s6 =	sadd.s32 s1, s6;
	[sflag:s22] =	ssyncadd.s32 $0xFFFFC000  }
0x85: {  	[tilespmem:s19], [sflag:$0x1] =	stream.linear.gather [hbm4b:s6+s4], $0x80, $0x38;
	[tilespmem:$0x1E980] =	vst v63  }
0x86: {  	_ = 	snop  }
0x87: {  	[tilespmem:s20], [sflag:$0x2] =	stream.linear.gather [hbm4b:s0+s4], $0x4000, $0x38;
	[tilespmem:$0x1E980] =	vst v63  }
0x88: {  	_ =	swait.ge [sflag:s28], $0x80  }
0x89: {  	[sflag:s28] =	ssyncset.done $0x0  }
0x8a: {  	[sflag:s28] =	ssyncadd.s32 $0xFFFFFF80  }
0x8b: {  	_ =	swait.ge [sflag:s29], $0x4000  }
0x8c: {  	[sflag:s29] =	ssyncset.done $0x0  }
0x8d: {  	[sflag:s29] =	ssyncadd.s32 $0xFFFFC000  }
0x8e: {  	[spmem:s2] =	stream.indirect.scatter.add.f32 [tilespmem:s21], [sflag:$0x5], $0x80, s23, s26, $0xb8;
	[tilespmem:$0x1E980] =	vst v63  }
0x8f: {  	_ =	swait.ge [sflag:s22], $0x4000  }
0x90: {  	[sflag:s22] =	ssyncset.done $0x0  }
0x91: {  	[sflag:s22] =	ssyncadd.s32 $0xFFFFC000  }
0x92: {  	_ =	swait.ge [sflag:s24], $0x80  }
0x93: {  	[sflag:s24] =	ssyncset.done $0x0  }
0x94: {  	[sflag:s24] =	ssyncadd.s32 $0xFFFFFF80  }
0x95: {  	_ =	swait.ge [sflag:s25], $0x4000  }
0x96: {  	[sflag:s25] =	ssyncset.done $0x0  }
0x97: {  	[sflag:s25] =	ssyncadd.s32 $0xFFFFC000  }
0x98: {  	[spmem:s2] =	stream.indirect.scatter.add.f32 [tilespmem:s20], [sflag:$0x5], $0x80, s19, s26, $0xb8;
	[tilespmem:$0x1E980] =	vst v63  }
0x99: {  	_ =	swait.ge [sflag:s22], $0x4000  }
0x9a: {  	[sflag:s22] =	ssyncset.done $0x0  }
0x9b: {  	[sflag:s22] =	ssyncadd.s32 $0xFFFFC000  }
0x9c: {  	[tilespmem:s30], [sflag:$0x3] =	stream.linear.gather [hbm4b:s12+s4], $0x50, $0x38;
	[tilespmem:$0x1E980] =	vst v63  }
0x9d: {  	_ = 	snop  }
0x9e: {  	[tilespmem:s31], [sflag:$0x4] =	stream.linear.gather [hbm4b:s13+s4], $0x2800, $0x38;
	[tilespmem:$0x1E980] =	vst v63  }
0x9f: {  	_ =	swait.ge [sflag:s28], $0x50  }
0xa0: {  	[sflag:s28] =	ssyncset.done $0x0  }
0xa1: {  	[sflag:s28] =	ssyncadd.s32 $0xFFFFFFB0  }
0xa2: {  	_ =	swait.ge [sflag:s29], $0x2800  }
0xa3: {  	[sflag:s29] =	ssyncset.done $0x0  }
0xa4: {  	s8 =	simm.s32 $0x50;
	[sflag:s29] =	ssyncadd.s32 $0xFFFFD800  }
0xa5: {  	[spmem:s2] =	stream.indirect.scatter.add.f32 [tilespmem:s31], [sflag:$0x5], $0x80, s30, s8, $0xb8;
	[tilespmem:$0x1E980] =	vst v63  }
0xa6: {  	s3 =	sadd.s32 $0x1, s3;
	_ =	swait.ge [sflag:s22], $0x2800  }
0xa7: {  	s9 =	stileid.u32;
	p0 =	sne.s32 s3, s15;
	[sflag:s22] =	ssyncset.done $0x0  }
0xa8: {  	s10 =	sshrl.u32 s5, $0x3;
	s0 =	sshll.u32 s9, $0x6;
	[sflag:s22] =	ssyncadd.s32 $0xFFFFD800  }
.Ltmp2:
0xa9: {  	s0 =	sor.u32 $0x1C05, s0;
	[bflag:$0x0] =	sbarrier.arrive $0xFFFF;
	(pc) =	sbr.rel @p0 .LBB2_1-.Ltmp2, $4  }
0xaa: {  	[hbm:s14], [sflag:s0] =	dma.local [spmem:s10], $0x2800  }
0xab: {  	_ =	swait.ge [sflag:s22], $0x2800  }
0xac: {  	[sflag:s22] =	ssyncset.done $0x0  }
0xad: {  	[sflag:s22] =	ssyncadd.s32 $0xFFFFD800  }
0xae: {  	_ =	sfence.sel $0x180000  }
0xaf: {  	[bflag:$0x0] =	sbarrier.arrive $0xFFFF  }
0xb0: {  	_ =	strace $0x90000047  }
0xb1: {  	s0 =	stileid.u32;
	[bflag:$0x2] =	sbarrier.arrive $0xFFFF  }
0xb2: {  	p0 =	sne.s32 s0, $0x0;
	s0 =	rddreg [dreg:$0x3]  }
0xb3: {  	s0 =	sadd.s32 @!p0 $0x100000, s0  }
0xb4: {  	[sflag:s0] =	ssyncadd.tile.s32 @!p0 $0x1;
	_ =	shalt  }
.Lfunc_end2:
_tile_overlayer_lowered:
.L_overlay_start_2:
0xb5: {  	(tag) =	ssettag $0x2  }
0xb6: {  	s0 =	rddreg [dreg:$0x0];
	s2 =	stileid.u32  }
0xb7: {  	s1 =	rddreg [dreg:$0x1];
	p0 =	sne.s32 s2, $0x0  }
0xb8: {  	s3 =	rddreg [dreg:$0x2];
	[bflag:$0x3] =	sbarrier.arrive $0xFFFF;
	s2 =	simm.s32 @!p0 $0x1C05  }
0xb9: {  	[timem:s3], [sflag:s2] =	dma.local @!p0 [hbm:s0], s1  }
0xba: {  	s0 =	simm.s32 @!p0 $0x5  }
0xbb: {  	_ =	swait.ge @!p0 [sflag:s0], s1  }
0xbc: {  	s1 =	ssub.s32 @!p0 $0x0, s1;
	[sflag:s0] =	ssyncset.done @!p0 $0x0  }
0xbd: {  	[sflag:s0] =	ssyncadd.s32 @!p0 s1  }
0xbe: {  	[bflag:$0x3] =	sbarrier.arrive $0xFFFF  }
0xbf: {  	_ =	shalt  }

// kernel: kernel.16.cloned.1.call-start
scs
__scs_entry_jumppad:
0x0: {  	(pc) =	sbr.rel $0x88, $3  }
0x1: {  	(tag) =	ssettag $0x0;
	lr =	simm.s32 $0x1  }
0x2: {  	[smem:$0x3F90] =	sst lr;
	_ =	strace $0xD0000000  }
0x3: {  	_ = 	snop  }
0x4: {  	_ = 	snop  }
0x5: {  	_ = 	snop  }
0x6: {  	_ = 	snop  }
0x7: {  	_ = 	snop  }
__scs_overlays_trampoline_lowered:
0x8: {  	[smem:$0x3F9F] =	sst s0  }
0x9: {  	[smem:$0x3FA0] =	sst s1  }
0xa: {  	[smem:$0x3FA1] =	sst s2  }
0xb: {  	[smem:$0x3FA2] =	sst s3  }
0xc: {  	[smem:$0x3FA3] =	sst s4  }
0xd: {  	[smem:$0x3FA4] =	sst s5  }
0xe: {  	[smem:$0x3FA5] =	sst s6  }
0xf: {  	[smem:$0x3FA6] =	sst s7  }
0x10: {  	[smem:$0x3FA7] =	sst s8  }
0x11: {  	[smem:$0x3FA8] =	sst s9;
	s0 =	simm.s32 @!p0 $0x0  }
0x12: {  	s1 =	sld [smem:$0x3F8E];
	s0 =	simm.s32 @p0 $0x1  }
0x13: {  	[smem:$0x3FA9] =	sst s0;
	s0 =	simm.s32 @!p1 $0x0  }
0x14: {  	s2 =	sld [smem:$0x3F8D];
	s0 =	simm.s32 @p1 $0x1  }
0x15: {  	[smem:$0x3FAA] =	sst s0;
	s0 =	simm.s32 @!p2 $0x0  }
0x16: {  	s3 =	sld [smem:$0x3FDB];
	s0 =	simm.s32 @p2 $0x1  }
0x17: {  	s4 =	simm.s32 $0x1BF5;
	[smem:$0x3FAC] =	sst s0  }
0x18: {  	s0 =	sld [smem:$0x3F8F];
	_ =	swait.ge [sflag:s4], $0x0  }
0x19: {  	s7 =	sld [smem:$0x3F90]  }
0x1a: {  	s8 =	sadd.s32 $0xFFFFE003, lr  }
0x1b: {  	s9 =	sadd.s32 $0xFFFFFEF7, lr;
	s5 =	simm.s32 $0xFFFFFFFF;
	p2 =	slt.u32 s8, $0xFFFFF086  }
0x1c: {  	p1 =	slt.u32 s9, $0xF7A;
	s5 =	simm.s32 @!p2 $0x0  }
0x1d: {  	s5 =	simm.s32 @p1 $0x1;
	p0 =	seq.s32 s7, s2  }
0x1e: {  	s7 =	smul.u32 @!p0 $0xF7A, s2;
	p2 =	seq.s32 @!p0 s5, $0x0  }
0x1f: {  	s9 =	smul.u32 $0xF7A, s1;
	s8 =	simm.s32 @!p0 $0x1BF5;
	p2 =	por !p2, p0  }
0x20: {  	[sflag:s8] =	ssyncset.s32 @!p0 $0xFFFFF086;
	s6 =	sadd.s32 @!p0 s3, s7;
	s7 =	simm.s32 @!p0 $0x108  }
0x21: {  	s3 =	sadd.s32 s3, s9;
	s6 =	sadd.s32 @!p0 $0x88, s6;
	s7 =	simm.s32 @p2 $0x1082  }
0x22: {  	[simem:s7], [sflag:s8] =	dma.local @!p0 [hbm:s6], $0xF7A  }
0x23: {  	s9 =	sor.u32 $0xD0000000, s2;
	s6 =	simm.s32 $0x108;
	_ =	swait.ge @!p0 [sflag:s8], $0x0  }
0x24: {  	s3 =	sadd.s32 $0x88, s3;
	s6 =	simm.s32 @!p1 $0x1082;
	[sflag:s4] =	ssyncset.s32 $0xFFFFF086  }
0x25: {  	[simem:s6], [sflag:s4] =	dma.local [hbm:s3], $0xF7A  }
0x26: {  	[smem:$0x3F90] =	sst s1;
	(tag) =	ssettag s2;
	_ =	strace s9  }
0x27: {  	s1 =	sld [smem:$0x3FA0]  }
0x28: {  	s2 =	sld [smem:$0x3FA1]  }
0x29: {  	s4 =	sld [smem:$0x3FA3]  }
0x2a: {  	p0 =	seq.s32 s5, $0x0;
	s5 =	sld [smem:$0x3FA4]  }
0x2b: {  	s6 =	sld [smem:$0x3FA5]  }
0x2c: {  	s7 =	sld [smem:$0x3FA6]  }
0x2d: {  	s3 =	simm.s32 $0x108;
	s8 =	sld [smem:$0x3FA7]  }
0x2e: {  	s3 =	simm.s32 @!p0 $0x1082;
	s9 =	sld [smem:$0x3FA8]  }
0x2f: {  	lr =	sadd.s32 s0, s3;
	s0 =	sld [smem:$0x3F9F]  }
0x30: {  	s3 =	sld [smem:$0x3FA2]  }
0x31: {  	[smem:$0x3FAB] =	sst s10  }
0x32: {  	s10 =	sld [smem:$0x3FA9];
	_ =	sdelay $0x3  }
0x33: {  	p0 =	seq.s32 s10, $0x1;
	s10 =	sld [smem:$0x3FAB];
	_ =	sdelay $0x3  }
0x34: {  	[smem:$0x3FAB] =	sst s10  }
0x35: {  	s10 =	sld [smem:$0x3FAA];
	_ =	sdelay $0x3  }
0x36: {  	p1 =	seq.s32 s10, $0x1;
	s10 =	sld [smem:$0x3FAB];
	_ =	sdelay $0x3  }
0x37: {  	[smem:$0x3FAB] =	sst s10  }
0x38: {  	s10 =	sld [smem:$0x3FAC]  }
0x39: {  	_ = 	snop;
	(pc) =	sbr.ind lr, $3  }
0x3a: {  	_ = 	snop  }
0x3b: {  	_ = 	snop  }
0x3c: {  	p2 =	seq.s32 s10, $0x1;
	s10 =	sld [smem:$0x3FAB]  }
0x3d: {  	_ =	shalt  }
0x3e: {  	_ =	shalt  }
0x3f: {  	_ =	shalt  }
0x40: {  	_ =	shalt  }
0x41: {  	_ =	shalt  }
0x42: {  	_ =	shalt  }
0x43: {  	_ =	shalt  }
0x44: {  	_ =	shalt  }
0x45: {  	_ =	shalt  }
0x46: {  	_ =	shalt  }
0x47: {  	_ =	shalt  }
0x48: {  	_ =	shalt  }
0x49: {  	_ =	shalt  }
0x4a: {  	_ =	shalt  }
0x4b: {  	_ =	shalt  }
0x4c: {  	_ =	shalt  }
0x4d: {  	_ =	shalt  }
0x4e: {  	_ =	shalt  }
0x4f: {  	_ =	shalt  }
0x50: {  	_ =	shalt  }
0x51: {  	_ =	shalt  }
0x52: {  	_ =	shalt  }
0x53: {  	_ =	shalt  }
0x54: {  	_ =	shalt  }
0x55: {  	_ =	shalt  }
0x56: {  	_ =	shalt  }
0x57: {  	_ =	shalt  }
0x58: {  	_ =	shalt  }
0x59: {  	_ =	shalt  }
0x5a: {  	_ =	shalt  }
0x5b: {  	_ =	shalt  }
0x5c: {  	_ =	shalt  }
0x5d: {  	_ =	shalt  }
0x5e: {  	_ =	shalt  }
0x5f: {  	_ =	shalt  }
0x60: {  	_ =	shalt  }
0x61: {  	_ =	shalt  }
0x62: {  	_ =	shalt  }
0x63: {  	_ =	shalt  }
0x64: {  	_ =	shalt  }
0x65: {  	_ =	shalt  }
0x66: {  	_ =	shalt  }
0x67: {  	_ =	shalt  }
0x68: {  	_ =	shalt  }
0x69: {  	_ =	shalt  }
0x6a: {  	_ =	shalt  }
0x6b: {  	_ =	shalt  }
0x6c: {  	_ =	shalt  }
0x6d: {  	_ =	shalt  }
0x6e: {  	_ =	shalt  }
0x6f: {  	_ =	shalt  }
0x70: {  	_ =	shalt  }
0x71: {  	_ =	shalt  }
0x72: {  	_ =	shalt  }
0x73: {  	_ =	shalt  }
0x74: {  	_ =	shalt  }
0x75: {  	_ =	shalt  }
0x76: {  	_ =	shalt  }
0x77: {  	_ =	shalt  }
0x78: {  	_ =	shalt  }
0x79: {  	_ =	shalt  }
0x7a: {  	_ =	shalt  }
0x7b: {  	_ =	shalt  }
0x7c: {  	_ =	shalt  }
0x7d: {  	_ =	shalt  }
0x7e: {  	_ =	shalt  }
0x7f: {  	_ =	shalt  }
0x80: {  	_ =	shalt  }
0x81: {  	_ =	shalt  }
0x82: {  	_ =	shalt  }
0x83: {  	_ =	shalt  }
0x84: {  	_ =	shalt  }
0x85: {  	_ =	shalt  }
0x86: {  	_ =	shalt  }
0x87: {  	_ =	shalt  }
.Lfunc_end0:
.L_simem_size_0:
called_computation.1_lowered:
.L_overlay_start_0:
0x88: {  	s2 =	sld [smem:$0x3FD9]  }
0x89: {  	s3 =	sld [smem:$0x3FFE];
	_ =	sdelay $0x1  }
0x8a: {  	s1 =	srdreg.scid  }
0x8b: {  	s0 =	sand.u32 $0x1, s1  }
0x8c: {  	s17 =	sshll.u32 s0, $0xA;
	s2 =	sadd.s32 s3, s2  }
0x8d: {  	s2 =	sadd.s32 s2, s17  }
0x8e: {  	[smem:$0x3FB7] =	sst s2  }
0x8f: {  	_ = 	snop  }
0x90: {  	s18 =	sld [smem:$0x3FD0];
	(tm) =	ssettm $0x1  }
0x91: {  	s19 =	sld [smem:$0x3FFB];
	_ =	sdelay $0x3  }
0x92: {  	_ =	strace s19  }
0x93: {  	s2 =	sld [smem:$0x3FFC];
	_ =	sdelay $0x3  }
0x94: {  	_ =	strace s2  }
0x95: {  	s2 =	sld [smem:$0x3FFD];
	_ =	sdelay $0x3  }
0x96: {  	_ =	strace s2  }
0x97: {  	_ =	strace $0x8FFFFFFF  }
0x98: {  	s20 =	sld [smem:$0x3FDB];
	_ =	sdelay $0x1  }
0x99: {  	s4 =	simm.s32 $_scs_section_size  }
0x9a: {  	s5 =	simm.s32 $_size__tile_overlayer_lowered;
	s6 =	simm.s32 $_tile_overlayer_lowered  }
0x9b: {  	s7 =	simm.s32 $0x1BFF;
	s21 =	sshll.u32 s6, $0x1;
	s4 =	sadd.s32 s4, s20  }
0x9c: {  	s22 =	simm.s32 $0x0;
	s5 =	sshll.u32 s5, $0x1;
	s6 =	sadd.s32 s21, s4  }
0x9d: {  	[timem:s22], [sflag:s7] =	dma.local [hbm:s6], s5  }
0x9e: {  	_ =	swait.ge [sflag:s7], s5  }
0x9f: {  	s5 =	ssub.s32 $0x0, s5;
	[sflag:s7] =	ssyncset.done $0x0  }
0xa0: {  	[sflag:s7] =	ssyncadd.s32 s5;
	_ =	sdelay $0x1  }
0xa1: {  	s23 =	simm.s32 $0x1B8B  }
0xa2: {  	_ =	swait.ge [sflag:s23], $0x1  }
0xa3: {  	[sflag:s23] =	ssyncset.done $0x0  }
0xa4: {  	[sflag:s23] =	ssyncadd.s32 $0xFFFFFFFF  }
0xa5: {  	s5 =	sld [smem:$0x0]  }
0xa6: {  	s6 =	sand.u32 $0xFFFFFFFE, s1  }
0xa7: {  	p0 =	sne.s32 s1, s6  }
0xa8: {  	s6 =	sshll.u32 @p0 s6, $0xE  }
0xa9: {  	s6 =	sadd.s32 @p0 $0x11B8D, s6;
	s7 =	sshll.u32 @p0 s5, $0x11  }
0xaa: {  	s6 =	sor.u32 @p0 s7, s6  }
0xab: {  	[sflag:s6] =	ssyncadd.remote.s32 @p0 $0x1;
	_ =	sdelay $0x1  }
0xac: {  	s6 =	simm.s32 @p0 $0x1B8D  }
0xad: {  	_ =	swait.eq @p0 [sflag:s6], $0x1  }
0xae: {  	[sflag:s6] =	ssyncadd.s32 @p0 $0xFFFFFFFF  }
0xaf: {  	s7 =	sshll.u32 @!p0 s1, $0xE  }
0xb0: {  	s7 =	sor.u32 @!p0 $0x4000, s7;
	s6 =	simm.s32 @!p0 $0x1B8D  }
0xb1: {  	s5 =	sshll.u32 @!p0 s5, $0x11;
	s7 =	sadd.s32 @!p0 $0x11B8D, s7;
	_ =	swait.eq @!p0 [sflag:s6], $0x1  }
0xb2: {  	s5 =	sor.u32 @!p0 s5, s7;
	[sflag:s6] =	ssyncadd.s32 @!p0 $0xFFFFFFFF  }
0xb3: {  	s25 =	simm.s32 $0x1B8E;
	s24 =	sld [smem:$0x3FFE];
	[sflag:s5] =	ssyncadd.remote.s32 @!p0 $0x1  }
0xb4: {  	s26 =	simm.s32 $execute0_lowered;
	[smem:$0x3FD2] =	sst s25  }
0xb5: {  	s6 =	sshll.u32 s26, $0x1;
	_ =	strace $0x80000049;
	[dreg:$0x1] =	wrdreg $0xFFFFFFFF  }
0xb6: {  	s28 =	simm.s32 $_size_execute0_lowered;
	s4 =	sadd.s32 s4, s6;
	[dreg:$0x0] =	wrdreg $0x0  }
0xb7: {  	s6 =	sshll.u32 s28, $0x1;
	[dreg:$0x2] =	wrdreg s4  }
0xb8: {  	[dreg:$0x3] =	wrdreg s6  }
0xb9: {  	[dreg:$0x4] =	wrdreg $0xC0  }
0xba: {  	_ =	task [dreg:s22], $0x5FFFF  }
0xbb: {  	[dreg:$0x1] =	wrdreg $0xFFFFFFFF  }
0xbc: {  	[dreg:$0x0] =	wrdreg $0x60  }
0xbd: {  	[dreg:$0x2] =	wrdreg s24  }
0xbe: {  	[dreg:$0x3] =	wrdreg s18  }
0xbf: {  	[dreg:$0x4] =	wrdreg $0x0  }
0xc0: {  	[dreg:$0x5] =	wrdreg $0xA  }
0xc1: {  	_ =	task.clear_ibuf [dreg:s22], $0x6FFFF;
	_ =	strace $0x90000049  }
0xc2: {  	s29 =	simm.s32 $0xA;
	_ =	strace $0x8000004B  }
0xc3: {  	_ =	swait.ge [sflag:s29], $0x1  }
0xc4: {  	[sflag:s29] =	ssyncadd.s32 $0xFFFFFFFF  }
0xc5: {  	_ =	strace $0x9000004B  }
0xc6: {  	_ =	sfence  }
0xc7: {  	s30 =	sld [smem:$0x0];
	_ =	sdelay $0x2  }
0xc8: {  	s31 =	sshll.u32 s1, $0xD;
	s1 =	sshrl.u32 s1, $0x2  }
0xc9: {  	s4 =	sand.u32 $0x4000, s31;
	s1 =	sadd.s32 s1, s30  }
0xca: {  	s0 =	sor.u32 s4, s0;
	s1 =	sshll.u32 s1, $0x11  }
0xcb: {  	s0 =	sor.u32 s1, s0  }
0xcc: {  	s0 =	sadd.s32 $0x8F2B, s0  }
0xcd: {  	[sflag:s0] =	ssyncadd.remote.s32 $0x1  }
0xce: {  	_ =	sfence.sel $0xFFFF  }
0xcf: {  	[dreg:$0x0] =	wrdreg $0xFFFFFFFF;
	(pc) =	sbr.abs _section_cstart, $3  }
0xd0: {  	[dreg:$0x1] =	wrdreg $0xFFFFFFFF  }
0xd1: {  	_ =	task.clear_ibuf [dreg:s22], $0x2FFFF;
	_ =	strace $0x9FFFFFFF  }
0xd2: {  	(tm) =	ssettm $0x7FFFFFFF  }
0xd3: {  	_ =	shalt  }
tec
execute0_lowered:
.L_overlay_start_1:
0x0: {  	(tag) =	ssettag $0x1  }
0x1: {  	s0 =	rddreg [dreg:$0x0]  }
0x2: {  	s2 =	rddreg [dreg:$0x1]  }
0x3: {  	s1 =	rddreg [dreg:$0x2]  }
0x4: {  	s3 =	srdreg.scid;
	s18 =	stileid.u32  }
0x5: {  	s28 =	simm.s32 $0x4;
	s29 =	simm.s32 $0x1C100;
	s6 =	smul.u32 $0x14000, s18  }
0x6: {  	s30 =	simm.s32 $0x1C180;
	s4 =	sand.u32 $0x1, s3;
	s10 =	smul.u32 $0x50000, s18  }
0x7: {  	s3 =	simm.s32 $0x0;
	s15 =	sadd.s32 $0x14CA00, s0;
	s24 =	smul.u32 $0x7D00, s18  }
0x8: {  	s5 =	smul.u32 $0x140000, s4;
	[smem:$0x7FF] =	sst s3;
	s7 =	sshll.u32 s4, $0x4  }
0x9: {  	s14 =	ssub.s32 $0x2, s4;
	_ =	strace $0x8000004A;
	s7 =	sor.u32 s18, s7  }
0xa: {  	s9 =	sshrl.u32 s14, $0x1;
	s19 =	sshrl.u32 s10, $0x2;
	s8 =	smul.u32 $0x7D0, s7  }
0xb: {  	s5 =	sadd.s32 s6, s5;
	s14 =	ssub.s32 s14, s9;
	s17 =	smul.u32 $0x7D00, s7  }
0xc: {  	s21 =	smul.u32 $0x3E800, s7;
	s5 =	sshrl.u32 s5, $0x3;
	s14 =	smax.u32 s14, $0x1  }
0xd: {  	s0 =	sadd.s32 s5, s0;
	s16 =	sshrl.u32 s8, $0x3;
	s5 =	sadd.s32 s19, s1  }
0xe: {  	s6 =	sadd.s32 s15, s17;
	s12 =	sshrl.u32 s21, $0x3;
	s17 =	smul.u32 $0x7D0, s18  }
0xf: {  	s18 =	simm.s32 $0x14000;
	s19 =	simm.s32 $0x14080;
	s21 =	simm.s32 $0x5  }
0x10: {  	s11 =	sadd.s32 s2, s16;
	[dreg:$0x5] =	wrdreg s6;
	s22 =	sadd.s32 $0x4000, s5  }
0x11: {  	s23 =	sadd.s32 $0x8000, s5;
	s9 =	sadd.s32 $0xC000, s5;
	s16 =	smul.u32 $0x7D00, s4  }
0x12: {  	s10 =	sadd.s32 $0x10000, s5;
	s12 =	sadd.s32 s15, s12;
	s4 =	smul.u32 $0x7D000, s4  }
0x13: {  	s13 =	sadd.s32 $0x246A00, s0;
	s20 =	sadd.s32 $0x1F40, s11;
	[dreg:$0x6] =	wrdreg s22  }
0x14: {  	[dreg:$0x7] =	wrdreg s23;
	s11 =	sadd.s32 $0x2030, s11;
	s12 =	sadd.s32 $0x7800, s12  }
0x15: {  	s22 =	simm.s32 $0x18080;
	s23 =	simm.s32 $0x1;
	[dreg:$0x4] =	wrdreg s20  }
0x16: {  	s16 =	sadd.s32 s17, s16;
	s4 =	sadd.s32 s4, s15;
	s20 =	simm.s32 $0x18100  }
0x17: {  	s25 =	sadd.s32 $0xFB00, s16;
	s0 =	sadd.s32 s24, s4;
	s17 =	sadd.s32 $0xFA80, s16  }
0x18: {  	s24 =	simm.s32 $0x2;
	s26 =	sshrl.u32 s25, $0x3;
	s15 =	sadd.s32 $0x1000, s0  }
0x19: {  	s31 =	sshrl.u32 s17, $0x3;
	s25 =	simm.s32 $0x80;
	s0 =	simm.s32 $0x0  }
0x1a: {  	v0 =	vimm.f32 $0.0e+00;
	s16 =	sadd.s32 s26, s2;
	s17 =	sadd.s32 s31, s2;
	s26 =	simm.s32 $0x3  }
.LBB2_1:
0x1b: {  	s2 =	rddreg [dreg:$0x4]  }
0x1c: {  	[tilespmem:s18], [sflag:$0x1] =	stream.linear.gather [hbm4b:s2+s3], $0x80, $0x38;
	[tilespmem:$0x1E980] =	vst v63  }
0x1d: {  	s8 =	rddreg [dreg:$0x5];
	s31 =	simm.s32 $0x200;
	s2 =	simm.s32 $0x0  }
0x1e: {  	[tilespmem:s19], [sflag:$0x2] =	stream.linear.gather [hbm4b:s8+s3], $0x4000, $0x38;
	[tilespmem:$0x1E980] =	vst v63  }
.LBB2_2:
0x1f: {  	p0 =	sne.s32 s31, $0xFE00;
	[tilespmem:s2+$0x18170] =	vst v0  }
0x20: {  	[tilespmem:s2+$0x18100] =	vst v0  }
0x21: {  	[tilespmem:s2+$0x18110] =	vst v0  }
.Ltmp0:
0x22: {  	[tilespmem:s2+$0x18120] =	vst v0;
	(pc) =	sbr.rel @p0 .LBB2_2-.Ltmp0, $4  }
0x23: {  	[tilespmem:s2+$0x18130] =	vst v0  }
0x24: {  	[tilespmem:s2+$0x18140] =	vst v0  }
0x25: {  	[tilespmem:s2+$0x18150] =	vst v0  }
0x26: {  	[tilespmem:s2+$0x18160] =	vst v0;
	s2 =	sshra.s32 s31, $0x2;
	s31 =	sadd.s32 $0x200, s31  }
0x27: {  	[tilespmem:s2+$0x18170] =	vst v0  }
0x28: {  	[tilespmem:s2+$0x18100] =	vst v0  }
0x29: {  	[tilespmem:s2+$0x18110] =	vst v0  }
0x2a: {  	[tilespmem:s2+$0x18120] =	vst v0  }
0x2b: {  	[tilespmem:s2+$0x18130] =	vst v0  }
0x2c: {  	[tilespmem:s2+$0x18140] =	vst v0  }
0x2d: {  	[tilespmem:s2+$0x18150] =	vst v0  }
0x2e: {  	[tilespmem:s2+$0x18160] =	vst v0  }
0x2f: {  	[spmem:s5] =	stream.linear.scatter [tilespmem:s20], [sflag:$0x5], $0x4000, $0x38;
	[tilespmem:$0x1E980] =	vst v63  }
0x30: {  	_ =	swait.ge [sflag:s21], $0x4000  }
0x31: {  	[sflag:s21] =	ssyncset.done $0x0  }
0x32: {  	s8 =	rddreg [dreg:$0x6];
	[sflag:s21] =	ssyncadd.s32 $0xFFFFC000  }
0x33: {  	[spmem:s8] =	stream.linear.scatter [tilespmem:s20], [sflag:$0x5], $0x4000, $0x38;
	[tilespmem:$0x1E980] =	vst v63  }
0x34: {  	_ =	swait.ge [sflag:s21], $0x4000  }
0x35: {  	[sflag:s21] =	ssyncset.done $0x0  }
0x36: {  	s4 =	rddreg [dreg:$0x7];
	[sflag:s21] =	ssyncadd.s32 $0xFFFFC000  }
0x37: {  	[spmem:s4] =	stream.linear.scatter [tilespmem:s20], [sflag:$0x5], $0x4000, $0x38;
	[tilespmem:$0x1E980] =	vst v63  }
0x38: {  	_ =	swait.ge [sflag:s21], $0x4000  }
0x39: {  	[sflag:s21] =	ssyncset.done $0x0  }
0x3a: {  	[sflag:s21] =	ssyncadd.s32 $0xFFFFC000  }
0x3b: {  	[spmem:s9] =	stream.linear.scatter [tilespmem:s20], [sflag:$0x5], $0x4000, $0x38;
	[tilespmem:$0x1E980] =	vst v63  }
0x3c: {  	_ =	swait.ge [sflag:s21], $0x4000  }
0x3d: {  	[sflag:s21] =	ssyncset.done $0x0  }
0x3e: {  	[sflag:s21] =	ssyncadd.s32 $0xFFFFC000  }
0x3f: {  	[spmem:s10] =	stream.linear.scatter [tilespmem:s20], [sflag:$0x5], $0x4000, $0x38;
	[tilespmem:$0x1E980] =	vst v63  }
0x40: {  	_ =	swait.ge [sflag:s21], $0x4000  }
0x41: {  	[sflag:s21] =	ssyncset.done $0x0  }
0x42: {  	[sflag:s21] =	ssyncadd.s32 $0xFFFFC000  }
0x43: {  	s6 =	sadd.s32 $0x0, s17;
	[bflag:$0x0] =	sbarrier.arrive $0xFFFF  }
0x44: {  	[tilespmem:s22], [sflag:$0x3] =	stream.linear.gather [hbm4b:s6+s3], $0x80, $0x38;
	[tilespmem:$0x1E980] =	vst v63  }
0x45: {  	s7 =	sadd.s32 $0xFFFFF800, s15  }
0x46: {  	[tilespmem:s20], [sflag:$0x4] =	stream.linear.gather [hbm4b:s7+s3], $0x4000, $0x38;
	[tilespmem:$0x1E980] =	vst v63  }
0x47: {  	_ =	swait.ge [sflag:s23], $0x80  }
0x48: {  	[sflag:s23] =	ssyncset.done $0x0  }
0x49: {  	[sflag:s23] =	ssyncadd.s32 $0xFFFFFF80  }
0x4a: {  	_ =	swait.ge [sflag:s24], $0x4000  }
0x4b: {  	[sflag:s24] =	ssyncset.done $0x0  }
0x4c: {  	[sflag:s24] =	ssyncadd.s32 $0xFFFFC000  }
0x4d: {  	[spmem:s1] =	stream.indirect.scatter.add.f32 [tilespmem:s19], [sflag:$0x5], $0x80, s18, s25, $0xb8;
	[tilespmem:$0x1E980] =	vst v63  }
0x4e: {  	_ =	swait.ge [sflag:s21], $0x4000  }
0x4f: {  	[sflag:s21] =	ssyncset.done $0x0  }
0x50: {  	s8 =	sadd.s32 $0x0, s16;
	[sflag:s21] =	ssyncadd.s32 $0xFFFFC000  }
0x51: {  	[tilespmem:s18], [sflag:$0x1] =	stream.linear.gather [hbm4b:s8+s3], $0x80, $0x38;
	[tilespmem:$0x1E980] =	vst v63  }
0x52: {  	_ = 	snop  }
0x53: {  	[tilespmem:s19], [sflag:$0x2] =	stream.linear.gather [hbm4b:s15+s3], $0x4000, $0x38;
	[tilespmem:$0x1E980] =	vst v63  }
0x54: {  	_ =	swait.ge [sflag:s26], $0x80  }
0x55: {  	[sflag:s26] =	ssyncset.done $0x0  }
0x56: {  	[sflag:s26] =	ssyncadd.s32 $0xFFFFFF80  }
0x57: {  	_ =	swait.ge [sflag:s28], $0x4000  }
0x58: {  	[sflag:s28] =	ssyncset.done $0x0  }
0x59: {  	[sflag:s28] =	ssyncadd.s32 $0xFFFFC000  }
0x5a: {  	[spmem:s1] =	stream.indirect.scatter.add.f32 [tilespmem:s20], [sflag:$0x5], $0x80, s22, s25, $0xb8;
	[tilespmem:$0x1E980] =	vst v63  }
0x5b: {  	s2 =	simm.s32 $0x20;
	_ =	swait.ge [sflag:s21], $0x4000  }
0x5c: {  	s31 =	sadd.s32 $0x1000, s15;
	s4 =	simm.s32 $0x40;
	[sflag:s21] =	ssyncset.done $0x0  }
.LBB2_4:
0x5d: {  	s6 =	sadd.s32 s2, s17  }
0x5e: {  	[sflag:s21] =	ssyncadd.s32 $0xFFFFC000;
	s7 =	smov.u32 s4;
	s8 =	sadd.s32 $0x20, s4  }
0x5f: {  	[tilespmem:s22], [sflag:$0x3] =	stream.linear.gather [hbm4b:s6+s3], $0x80, $0x38;
	[tilespmem:$0x1E980] =	vst v63  }
0x60: {  	p0 =	sne.s32 s4, $0xC0;
	s4 =	sadd.s32 $0xFFFFF800, s31  }
0x61: {  	[tilespmem:s20], [sflag:$0x4] =	stream.linear.gather [hbm4b:s4+s3], $0x4000, $0x38;
	[tilespmem:$0x1E980] =	vst v63  }
0x62: {  	_ =	swait.ge [sflag:s23], $0x80  }
0x63: {  	[sflag:s23] =	ssyncset.done $0x0  }
0x64: {  	[sflag:s23] =	ssyncadd.s32 $0xFFFFFF80  }
0x65: {  	_ =	swait.ge [sflag:s24], $0x4000  }
0x66: {  	[sflag:s24] =	ssyncset.done $0x0  }
0x67: {  	[sflag:s24] =	ssyncadd.s32 $0xFFFFC000  }
0x68: {  	[spmem:s1] =	stream.indirect.scatter.add.f32 [tilespmem:s19], [sflag:$0x5], $0x80, s18, s25, $0xb8;
	[tilespmem:$0x1E980] =	vst v63  }
0x69: {  	_ =	swait.ge [sflag:s21], $0x4000  }
0x6a: {  	[sflag:s21] =	ssyncset.done $0x0  }
0x6b: {  	s4 =	sadd.s32 s2, s16;
	s2 =	smov.u32 s7;
	[sflag:s21] =	ssyncadd.s32 $0xFFFFC000  }
0x6c: {  	[tilespmem:s18], [sflag:$0x1] =	stream.linear.gather [hbm4b:s4+s3], $0x80, $0x38;
	[tilespmem:$0x1E980] =	vst v63  }
0x6d: {  	_ = 	snop  }
0x6e: {  	[tilespmem:s19], [sflag:$0x2] =	stream.linear.gather [hbm4b:s31+s3], $0x4000, $0x38;
	[tilespmem:$0x1E980] =	vst v63  }
0x6f: {  	_ =	swait.ge [sflag:s26], $0x80  }
0x70: {  	[sflag:s26] =	ssyncset.done $0x0  }
0x71: {  	[sflag:s26] =	ssyncadd.s32 $0xFFFFFF80  }
0x72: {  	_ =	swait.ge [sflag:s28], $0x4000  }
.Ltmp1:
0x73: {  	[sflag:s28] =	ssyncset.done $0x0;
	(pc) =	sbr.rel @p0 .LBB2_4-.Ltmp1, $4  }
0x74: {  	[sflag:s28] =	ssyncadd.s32 $0xFFFFC000  }
0x75: {  	[spmem:s1] =	stream.indirect.scatter.add.f32 [tilespmem:s20], [sflag:$0x5], $0x80, s22, s25, $0xb8;
	[tilespmem:$0x1E980] =	vst v63  }
0x76: {  	_ =	swait.ge [sflag:s21], $0x4000  }
0x77: {  	s4 =	smov.u32 s8;
	s31 =	sadd.s32 $0x1000, s31;
	[sflag:s21] =	ssyncset.done $0x0  }
0x78: {  	s4 =	sadd.s32 s2, s17;
	[sflag:s21] =	ssyncadd.s32 $0xFFFFC000  }
0x79: {  	[tilespmem:s22], [sflag:$0x3] =	stream.linear.gather [hbm4b:s4+s3], $0x80, $0x38;
	[tilespmem:$0x1E980] =	vst v63  }
0x7a: {  	s8 =	sadd.s32 $0xFFFFF800, s31  }
0x7b: {  	[tilespmem:s20], [sflag:$0x4] =	stream.linear.gather [hbm4b:s8+s3], $0x4000, $0x38;
	[tilespmem:$0x1E980] =	vst v63  }
0x7c: {  	_ =	swait.ge [sflag:s23], $0x80  }
0x7d: {  	[sflag:s23] =	ssyncset.done $0x0  }
0x7e: {  	[sflag:s23] =	ssyncadd.s32 $0xFFFFFF80  }
0x7f: {  	_ =	swait.ge [sflag:s24], $0x4000  }
0x80: {  	[sflag:s24] =	ssyncset.done $0x0  }
0x81: {  	[sflag:s24] =	ssyncadd.s32 $0xFFFFC000  }
0x82: {  	[spmem:s1] =	stream.indirect.scatter.add.f32 [tilespmem:s19], [sflag:$0x5], $0x80, s18, s25, $0xb8;
	[tilespmem:$0x1E980] =	vst v63  }
0x83: {  	_ =	swait.ge [sflag:s21], $0x4000  }
0x84: {  	[sflag:s21] =	ssyncset.done $0x0  }
0x85: {  	s6 =	sadd.s32 s2, s16;
	[sflag:s21] =	ssyncadd.s32 $0xFFFFC000  }
0x86: {  	[tilespmem:s18], [sflag:$0x1] =	stream.linear.gather [hbm4b:s6+s3], $0x80, $0x38;
	[tilespmem:$0x1E980] =	vst v63  }
0x87: {  	_ = 	snop  }
0x88: {  	[tilespmem:s19], [sflag:$0x2] =	stream.linear.gather [hbm4b:s31+s3], $0x4000, $0x38;
	[tilespmem:$0x1E980] =	vst v63  }
0x89: {  	_ =	swait.ge [sflag:s26], $0x80  }
0x8a: {  	[sflag:s26] =	ssyncset.done $0x0  }
0x8b: {  	[sflag:s26] =	ssyncadd.s32 $0xFFFFFF80  }
0x8c: {  	_ =	swait.ge [sflag:s28], $0x4000  }
0x8d: {  	[sflag:s28] =	ssyncset.done $0x0  }
0x8e: {  	[sflag:s28] =	ssyncadd.s32 $0xFFFFC000  }
0x8f: {  	[spmem:s1] =	stream.indirect.scatter.add.f32 [tilespmem:s20], [sflag:$0x5], $0x80, s22, s25, $0xb8;
	[tilespmem:$0x1E980] =	vst v63  }
0x90: {  	_ =	swait.ge [sflag:s21], $0x4000  }
0x91: {  	[sflag:s21] =	ssyncset.done $0x0  }
0x92: {  	[sflag:s21] =	ssyncadd.s32 $0xFFFFC000  }
0x93: {  	_ =	swait.ge [sflag:s23], $0x80  }
0x94: {  	[sflag:s23] =	ssyncset.done $0x0  }
0x95: {  	[sflag:s23] =	ssyncadd.s32 $0xFFFFFF80  }
0x96: {  	_ =	swait.ge [sflag:s24], $0x4000  }
0x97: {  	[sflag:s24] =	ssyncset.done $0x0  }
0x98: {  	[sflag:s24] =	ssyncadd.s32 $0xFFFFC000  }
0x99: {  	[spmem:s1] =	stream.indirect.scatter.add.f32 [tilespmem:s19], [sflag:$0x5], $0x80, s18, s25, $0xb8;
	[tilespmem:$0x1E980] =	vst v63  }
0x9a: {  	_ =	swait.ge [sflag:s21], $0x4000  }
0x9b: {  	[sflag:s21] =	ssyncset.done $0x0  }
0x9c: {  	[sflag:s21] =	ssyncadd.s32 $0xFFFFC000  }
0x9d: {  	[tilespmem:s29], [sflag:$0x3] =	stream.linear.gather [hbm4b:s11+s3], $0x50, $0x38;
	[tilespmem:$0x1E980] =	vst v63  }
0x9e: {  	_ = 	snop  }
0x9f: {  	[tilespmem:s30], [sflag:$0x4] =	stream.linear.gather [hbm4b:s12+s3], $0x2800, $0x38;
	[tilespmem:$0x1E980] =	vst v63  }
0xa0: {  	_ =	swait.ge [sflag:s26], $0x50  }
0xa1: {  	[sflag:s26] =	ssyncset.done $0x0  }
0xa2: {  	[sflag:s26] =	ssyncadd.s32 $0xFFFFFFB0  }
0xa3: {  	_ =	swait.ge [sflag:s28], $0x2800  }
0xa4: {  	[sflag:s28] =	ssyncset.done $0x0  }
0xa5: {  	s7 =	simm.s32 $0x50;
	[sflag:s28] =	ssyncadd.s32 $0xFFFFD800  }
0xa6: {  	[spmem:s1] =	stream.indirect.scatter.add.f32 [tilespmem:s30], [sflag:$0x5], $0x80, s29, s7, $0xb8;
	[tilespmem:$0x1E980] =	vst v63  }
0xa7: {  	s8 =	stileid.u32;
	_ =	swait.ge [sflag:s21], $0x2800  }
0xa8: {  	s0 =	sadd.s32 $0x1, s0;
	s2 =	sshll.u32 s8, $0x6;
	[sflag:s21] =	ssyncset.done $0x0  }
0xa9: {  	p0 =	sne.s32 s0, s14;
	s2 =	sor.u32 $0x1C05, s2;
	[sflag:s21] =	ssyncadd.s32 $0xFFFFD800  }
.Ltmp2:
0xaa: {  	s31 =	sshrl.u32 s5, $0x3;
	[bflag:$0x0] =	sbarrier.arrive $0xFFFF;
	(pc) =	sbr.rel @p0 .LBB2_1-.Ltmp2, $4  }
0xab: {  	[hbm:s13], [sflag:s2] =	dma.local [spmem:s31], $0x2800  }
0xac: {  	_ =	swait.ge [sflag:s21], $0x2800  }
0xad: {  	[sflag:s21] =	ssyncset.done $0x0  }
0xae: {  	[sflag:s21] =	ssyncadd.s32 $0xFFFFD800  }
0xaf: {  	_ =	sfence.sel $0x180000  }
0xb0: {  	[bflag:$0x0] =	sbarrier.arrive $0xFFFF  }
0xb1: {  	_ =	strace $0x9000004A  }
0xb2: {  	s0 =	stileid.u32;
	[bflag:$0x2] =	sbarrier.arrive $0xFFFF  }
0xb3: {  	p0 =	sne.s32 s0, $0x0;
	s0 =	rddreg [dreg:$0x3]  }
0xb4: {  	s0 =	sadd.s32 @!p0 $0x100000, s0  }
0xb5: {  	[sflag:s0] =	ssyncadd.tile.s32 @!p0 $0x1;
	_ =	shalt  }
.Lfunc_end2:
_tile_overlayer_lowered:
.L_overlay_start_2:
0xb6: {  	(tag) =	ssettag $0x2  }
0xb7: {  	s0 =	rddreg [dreg:$0x0];
	s2 =	stileid.u32  }
0xb8: {  	s1 =	rddreg [dreg:$0x1];
	p0 =	sne.s32 s2, $0x0  }
0xb9: {  	s3 =	rddreg [dreg:$0x2];
	[bflag:$0x3] =	sbarrier.arrive $0xFFFF;
	s2 =	simm.s32 @!p0 $0x1C05  }
0xba: {  	[timem:s3], [sflag:s2] =	dma.local @!p0 [hbm:s0], s1  }
0xbb: {  	s0 =	simm.s32 @!p0 $0x5  }
0xbc: {  	_ =	swait.ge @!p0 [sflag:s0], s1  }
0xbd: {  	s1 =	ssub.s32 @!p0 $0x0, s1;
	[sflag:s0] =	ssyncset.done @!p0 $0x0  }
0xbe: {  	[sflag:s0] =	ssyncadd.s32 @!p0 s1  }
0xbf: {  	[bflag:$0x3] =	sbarrier.arrive $0xFFFF  }
0xc0: {  	_ =	shalt  }

// kernel: kernel.19.cloned.1.call-start
scs
__scs_entry_jumppad:
0x0: {  	(pc) =	sbr.rel $0x88, $3  }
0x1: {  	(tag) =	ssettag $0x0;
	lr =	simm.s32 $0x1  }
0x2: {  	[smem:$0x3F90] =	sst lr;
	_ =	strace $0xD0000000  }
0x3: {  	_ = 	snop  }
0x4: {  	_ = 	snop  }
0x5: {  	_ = 	snop  }
0x6: {  	_ = 	snop  }
0x7: {  	_ = 	snop  }
__scs_overlays_trampoline_lowered:
0x8: {  	[smem:$0x3F9F] =	sst s0  }
0x9: {  	[smem:$0x3FA0] =	sst s1  }
0xa: {  	[smem:$0x3FA1] =	sst s2  }
0xb: {  	[smem:$0x3FA2] =	sst s3  }
0xc: {  	[smem:$0x3FA3] =	sst s4  }
0xd: {  	[smem:$0x3FA4] =	sst s5  }
0xe: {  	[smem:$0x3FA5] =	sst s6  }
0xf: {  	[smem:$0x3FA6] =	sst s7  }
0x10: {  	[smem:$0x3FA7] =	sst s8  }
0x11: {  	[smem:$0x3FA8] =	sst s9;
	s0 =	simm.s32 @!p0 $0x0  }
0x12: {  	s1 =	sld [smem:$0x3F8E];
	s0 =	simm.s32 @p0 $0x1  }
0x13: {  	[smem:$0x3FA9] =	sst s0;
	s0 =	simm.s32 @!p1 $0x0  }
0x14: {  	s2 =	sld [smem:$0x3F8D];
	s0 =	simm.s32 @p1 $0x1  }
0x15: {  	[smem:$0x3FAA] =	sst s0;
	s0 =	simm.s32 @!p2 $0x0  }
0x16: {  	s3 =	sld [smem:$0x3FDB];
	s0 =	simm.s32 @p2 $0x1  }
0x17: {  	s4 =	simm.s32 $0x1BF5;
	[smem:$0x3FAC] =	sst s0  }
0x18: {  	s0 =	sld [smem:$0x3F8F];
	_ =	swait.ge [sflag:s4], $0x0  }
0x19: {  	s7 =	sld [smem:$0x3F90]  }
0x1a: {  	s8 =	sadd.s32 $0xFFFFE003, lr  }
0x1b: {  	s9 =	sadd.s32 $0xFFFFFEF7, lr;
	s5 =	simm.s32 $0xFFFFFFFF;
	p2 =	slt.u32 s8, $0xFFFFF086  }
0x1c: {  	p1 =	slt.u32 s9, $0xF7A;
	s5 =	simm.s32 @!p2 $0x0  }
0x1d: {  	s5 =	simm.s32 @p1 $0x1;
	p0 =	seq.s32 s7, s2  }
0x1e: {  	s7 =	smul.u32 @!p0 $0xF7A, s2;
	p2 =	seq.s32 @!p0 s5, $0x0  }
0x1f: {  	s9 =	smul.u32 $0xF7A, s1;
	s8 =	simm.s32 @!p0 $0x1BF5;
	p2 =	por !p2, p0  }
0x20: {  	[sflag:s8] =	ssyncset.s32 @!p0 $0xFFFFF086;
	s6 =	sadd.s32 @!p0 s3, s7;
	s7 =	simm.s32 @!p0 $0x108  }
0x21: {  	s3 =	sadd.s32 s3, s9;
	s6 =	sadd.s32 @!p0 $0x88, s6;
	s7 =	simm.s32 @p2 $0x1082  }
0x22: {  	[simem:s7], [sflag:s8] =	dma.local @!p0 [hbm:s6], $0xF7A  }
0x23: {  	s9 =	sor.u32 $0xD0000000, s2;
	s6 =	simm.s32 $0x108;
	_ =	swait.ge @!p0 [sflag:s8], $0x0  }
0x24: {  	s3 =	sadd.s32 $0x88, s3;
	s6 =	simm.s32 @!p1 $0x1082;
	[sflag:s4] =	ssyncset.s32 $0xFFFFF086  }
0x25: {  	[simem:s6], [sflag:s4] =	dma.local [hbm:s3], $0xF7A  }
0x26: {  	[smem:$0x3F90] =	sst s1;
	(tag) =	ssettag s2;
	_ =	strace s9  }
0x27: {  	s1 =	sld [smem:$0x3FA0]  }
0x28: {  	s2 =	sld [smem:$0x3FA1]  }
0x29: {  	s4 =	sld [smem:$0x3FA3]  }
0x2a: {  	p0 =	seq.s32 s5, $0x0;
	s5 =	sld [smem:$0x3FA4]  }
0x2b: {  	s6 =	sld [smem:$0x3FA5]  }
0x2c: {  	s7 =	sld [smem:$0x3FA6]  }
0x2d: {  	s3 =	simm.s32 $0x108;
	s8 =	sld [smem:$0x3FA7]  }
0x2e: {  	s3 =	simm.s32 @!p0 $0x1082;
	s9 =	sld [smem:$0x3FA8]  }
0x2f: {  	lr =	sadd.s32 s0, s3;
	s0 =	sld [smem:$0x3F9F]  }
0x30: {  	s3 =	sld [smem:$0x3FA2]  }
0x31: {  	[smem:$0x3FAB] =	sst s10  }
0x32: {  	s10 =	sld [smem:$0x3FA9];
	_ =	sdelay $0x3  }
0x33: {  	p0 =	seq.s32 s10, $0x1;
	s10 =	sld [smem:$0x3FAB];
	_ =	sdelay $0x3  }
0x34: {  	[smem:$0x3FAB] =	sst s10  }
0x35: {  	s10 =	sld [smem:$0x3FAA];
	_ =	sdelay $0x3  }
0x36: {  	p1 =	seq.s32 s10, $0x1;
	s10 =	sld [smem:$0x3FAB];
	_ =	sdelay $0x3  }
0x37: {  	[smem:$0x3FAB] =	sst s10  }
0x38: {  	s10 =	sld [smem:$0x3FAC]  }
0x39: {  	_ = 	snop;
	(pc) =	sbr.ind lr, $3  }
0x3a: {  	_ = 	snop  }
0x3b: {  	_ = 	snop  }
0x3c: {  	p2 =	seq.s32 s10, $0x1;
	s10 =	sld [smem:$0x3FAB]  }
0x3d: {  	_ =	shalt  }
0x3e: {  	_ =	shalt  }
0x3f: {  	_ =	shalt  }
0x40: {  	_ =	shalt  }
0x41: {  	_ =	shalt  }
0x42: {  	_ =	shalt  }
0x43: {  	_ =	shalt  }
0x44: {  	_ =	shalt  }
0x45: {  	_ =	shalt  }
0x46: {  	_ =	shalt  }
0x47: {  	_ =	shalt  }
0x48: {  	_ =	shalt  }
0x49: {  	_ =	shalt  }
0x4a: {  	_ =	shalt  }
0x4b: {  	_ =	shalt  }
0x4c: {  	_ =	shalt  }
0x4d: {  	_ =	shalt  }
0x4e: {  	_ =	shalt  }
0x4f: {  	_ =	shalt  }
0x50: {  	_ =	shalt  }
0x51: {  	_ =	shalt  }
0x52: {  	_ =	shalt  }
0x53: {  	_ =	shalt  }
0x54: {  	_ =	shalt  }
0x55: {  	_ =	shalt  }
0x56: {  	_ =	shalt  }
0x57: {  	_ =	shalt  }
0x58: {  	_ =	shalt  }
0x59: {  	_ =	shalt  }
0x5a: {  	_ =	shalt  }
0x5b: {  	_ =	shalt  }
0x5c: {  	_ =	shalt  }
0x5d: {  	_ =	shalt  }
0x5e: {  	_ =	shalt  }
0x5f: {  	_ =	shalt  }
0x60: {  	_ =	shalt  }
0x61: {  	_ =	shalt  }
0x62: {  	_ =	shalt  }
0x63: {  	_ =	shalt  }
0x64: {  	_ =	shalt  }
0x65: {  	_ =	shalt  }
0x66: {  	_ =	shalt  }
0x67: {  	_ =	shalt  }
0x68: {  	_ =	shalt  }
0x69: {  	_ =	shalt  }
0x6a: {  	_ =	shalt  }
0x6b: {  	_ =	shalt  }
0x6c: {  	_ =	shalt  }
0x6d: {  	_ =	shalt  }
0x6e: {  	_ =	shalt  }
0x6f: {  	_ =	shalt  }
0x70: {  	_ =	shalt  }
0x71: {  	_ =	shalt  }
0x72: {  	_ =	shalt  }
0x73: {  	_ =	shalt  }
0x74: {  	_ =	shalt  }
0x75: {  	_ =	shalt  }
0x76: {  	_ =	shalt  }
0x77: {  	_ =	shalt  }
0x78: {  	_ =	shalt  }
0x79: {  	_ =	shalt  }
0x7a: {  	_ =	shalt  }
0x7b: {  	_ =	shalt  }
0x7c: {  	_ =	shalt  }
0x7d: {  	_ =	shalt  }
0x7e: {  	_ =	shalt  }
0x7f: {  	_ =	shalt  }
0x80: {  	_ =	shalt  }
0x81: {  	_ =	shalt  }
0x82: {  	_ =	shalt  }
0x83: {  	_ =	shalt  }
0x84: {  	_ =	shalt  }
0x85: {  	_ =	shalt  }
0x86: {  	_ =	shalt  }
0x87: {  	_ =	shalt  }
.Lfunc_end0:
.L_simem_size_0:
called_computation.2_lowered:
.L_overlay_start_0:
0x88: {  	s2 =	sld [smem:$0x3FD9]  }
0x89: {  	s3 =	sld [smem:$0x3FFE];
	_ =	sdelay $0x1  }
0x8a: {  	s1 =	srdreg.scid  }
0x8b: {  	s0 =	sand.u32 $0x1, s1  }
0x8c: {  	s17 =	sshll.u32 s0, $0xA;
	s2 =	sadd.s32 s3, s2  }
0x8d: {  	s2 =	sadd.s32 s2, s17  }
0x8e: {  	[smem:$0x3FB7] =	sst s2  }
0x8f: {  	_ = 	snop  }
0x90: {  	s18 =	sld [smem:$0x3FD0];
	(tm) =	ssettm $0x1  }
0x91: {  	s19 =	sld [smem:$0x3FFB];
	_ =	sdelay $0x3  }
0x92: {  	_ =	strace s19  }
0x93: {  	s2 =	sld [smem:$0x3FFC];
	_ =	sdelay $0x3  }
0x94: {  	_ =	strace s2  }
0x95: {  	s2 =	sld [smem:$0x3FFD];
	_ =	sdelay $0x3  }
0x96: {  	_ =	strace s2  }
0x97: {  	_ =	strace $0x8FFFFFFF  }
0x98: {  	s20 =	sld [smem:$0x3FDB];
	_ =	sdelay $0x1  }
0x99: {  	s4 =	simm.s32 $_scs_section_size  }
0x9a: {  	s5 =	simm.s32 $_size__tile_overlayer_lowered;
	s6 =	simm.s32 $_tile_overlayer_lowered  }
0x9b: {  	s7 =	simm.s32 $0x1BFF;
	s21 =	sshll.u32 s6, $0x1;
	s4 =	sadd.s32 s4, s20  }
0x9c: {  	s22 =	simm.s32 $0x0;
	s5 =	sshll.u32 s5, $0x1;
	s6 =	sadd.s32 s21, s4  }
0x9d: {  	[timem:s22], [sflag:s7] =	dma.local [hbm:s6], s5  }
0x9e: {  	_ =	swait.ge [sflag:s7], s5  }
0x9f: {  	s5 =	ssub.s32 $0x0, s5;
	[sflag:s7] =	ssyncset.done $0x0  }
0xa0: {  	[sflag:s7] =	ssyncadd.s32 s5;
	_ =	sdelay $0x1  }
0xa1: {  	s23 =	simm.s32 $0x1B8B  }
0xa2: {  	_ =	swait.ge [sflag:s23], $0x1  }
0xa3: {  	[sflag:s23] =	ssyncset.done $0x0  }
0xa4: {  	[sflag:s23] =	ssyncadd.s32 $0xFFFFFFFF  }
0xa5: {  	s5 =	sld [smem:$0x0]  }
0xa6: {  	s6 =	sand.u32 $0xFFFFFFFE, s1  }
0xa7: {  	p0 =	sne.s32 s1, s6  }
0xa8: {  	s6 =	sshll.u32 @p0 s6, $0xE  }
0xa9: {  	s6 =	sadd.s32 @p0 $0x11B8D, s6;
	s7 =	sshll.u32 @p0 s5, $0x11  }
0xaa: {  	s6 =	sor.u32 @p0 s7, s6  }
0xab: {  	[sflag:s6] =	ssyncadd.remote.s32 @p0 $0x1;
	_ =	sdelay $0x1  }
0xac: {  	s6 =	simm.s32 @p0 $0x1B8D  }
0xad: {  	_ =	swait.eq @p0 [sflag:s6], $0x1  }
0xae: {  	[sflag:s6] =	ssyncadd.s32 @p0 $0xFFFFFFFF  }
0xaf: {  	s7 =	sshll.u32 @!p0 s1, $0xE  }
0xb0: {  	s7 =	sor.u32 @!p0 $0x4000, s7;
	s6 =	simm.s32 @!p0 $0x1B8D  }
0xb1: {  	s5 =	sshll.u32 @!p0 s5, $0x11;
	s7 =	sadd.s32 @!p0 $0x11B8D, s7;
	_ =	swait.eq @!p0 [sflag:s6], $0x1  }
0xb2: {  	s5 =	sor.u32 @!p0 s5, s7;
	[sflag:s6] =	ssyncadd.s32 @!p0 $0xFFFFFFFF  }
0xb3: {  	s25 =	simm.s32 $0x1B8E;
	s24 =	sld [smem:$0x3FFE];
	[sflag:s5] =	ssyncadd.remote.s32 @!p0 $0x1  }
0xb4: {  	s26 =	simm.s32 $execute0_lowered;
	[smem:$0x3FD2] =	sst s25  }
0xb5: {  	s6 =	sshll.u32 s26, $0x1;
	_ =	strace $0x8000004C;
	[dreg:$0x1] =	wrdreg $0xFFFFFFFF  }
0xb6: {  	s28 =	simm.s32 $_size_execute0_lowered;
	s4 =	sadd.s32 s4, s6;
	[dreg:$0x0] =	wrdreg $0x0  }
0xb7: {  	s6 =	sshll.u32 s28, $0x1;
	[dreg:$0x2] =	wrdreg s4  }
0xb8: {  	[dreg:$0x3] =	wrdreg s6  }
0xb9: {  	[dreg:$0x4] =	wrdreg $0xC0  }
0xba: {  	_ =	task [dreg:s22], $0x5FFFF  }
0xbb: {  	[dreg:$0x1] =	wrdreg $0xFFFFFFFF  }
0xbc: {  	[dreg:$0x0] =	wrdreg $0x60  }
0xbd: {  	[dreg:$0x2] =	wrdreg s24  }
0xbe: {  	[dreg:$0x3] =	wrdreg s18  }
0xbf: {  	[dreg:$0x4] =	wrdreg $0x0  }
0xc0: {  	[dreg:$0x5] =	wrdreg $0xB  }
0xc1: {  	_ =	task.clear_ibuf [dreg:s22], $0x6FFFF;
	_ =	strace $0x9000004C  }
0xc2: {  	s29 =	simm.s32 $0xB;
	_ =	strace $0x8000004E  }
0xc3: {  	_ =	swait.ge [sflag:s29], $0x1  }
0xc4: {  	[sflag:s29] =	ssyncadd.s32 $0xFFFFFFFF  }
0xc5: {  	_ =	strace $0x9000004E  }
0xc6: {  	_ =	sfence  }
0xc7: {  	s30 =	sld [smem:$0x0];
	_ =	sdelay $0x2  }
0xc8: {  	s31 =	sshll.u32 s1, $0xD;
	s1 =	sshrl.u32 s1, $0x2  }
0xc9: {  	s4 =	sand.u32 $0x4000, s31;
	s1 =	sadd.s32 s1, s30  }
0xca: {  	s0 =	sor.u32 s4, s0;
	s1 =	sshll.u32 s1, $0x11  }
0xcb: {  	s0 =	sor.u32 s1, s0  }
0xcc: {  	s0 =	sadd.s32 $0x8F2B, s0  }
0xcd: {  	[sflag:s0] =	ssyncadd.remote.s32 $0x1  }
0xce: {  	_ =	sfence.sel $0xFFFF  }
0xcf: {  	[dreg:$0x0] =	wrdreg $0xFFFFFFFF;
	(pc) =	sbr.abs _section_cstart, $3  }
0xd0: {  	[dreg:$0x1] =	wrdreg $0xFFFFFFFF  }
0xd1: {  	_ =	task.clear_ibuf [dreg:s22], $0x2FFFF;
	_ =	strace $0x9FFFFFFF  }
0xd2: {  	(tm) =	ssettm $0x7FFFFFFF  }
0xd3: {  	_ =	shalt  }
tec
execute0_lowered:
.L_overlay_start_1:
0x0: {  	(tag) =	ssettag $0x1  }
0x1: {  	s0 =	rddreg [dreg:$0x0]  }
0x2: {  	s2 =	rddreg [dreg:$0x1]  }
0x3: {  	s1 =	rddreg [dreg:$0x2]  }
0x4: {  	s3 =	srdreg.scid;
	s18 =	stileid.u32  }
0x5: {  	s28 =	simm.s32 $0x4;
	s29 =	simm.s32 $0x1C100;
	s6 =	smul.u32 $0x14000, s18  }
0x6: {  	s30 =	simm.s32 $0x1C180;
	s4 =	sand.u32 $0x1, s3;
	s10 =	smul.u32 $0x50000, s18  }
0x7: {  	s3 =	simm.s32 $0x0;
	s15 =	sadd.s32 $0x296A00, s0;
	s24 =	smul.u32 $0x7D00, s18  }
0x8: {  	s5 =	smul.u32 $0x140000, s4;
	[smem:$0x7FF] =	sst s3;
	s7 =	sshll.u32 s4, $0x4  }
0x9: {  	s14 =	ssub.s32 $0x2, s4;
	_ =	strace $0x8000004D;
	s7 =	sor.u32 s18, s7  }
0xa: {  	s9 =	sshrl.u32 s14, $0x1;
	s19 =	sshrl.u32 s10, $0x2;
	s8 =	smul.u32 $0x7D0, s7  }
0xb: {  	s5 =	sadd.s32 s6, s5;
	s14 =	ssub.s32 s14, s9;
	s17 =	smul.u32 $0x7D00, s7  }
0xc: {  	s21 =	smul.u32 $0x3E800, s7;
	s5 =	sshrl.u32 s5, $0x3;
	s14 =	smax.u32 s14, $0x1  }
0xd: {  	s0 =	sadd.s32 s5, s0;
	s16 =	sshrl.u32 s8, $0x3;
	s5 =	sadd.s32 s19, s1  }
0xe: {  	s6 =	sadd.s32 s15, s17;
	s12 =	sshrl.u32 s21, $0x3;
	s17 =	smul.u32 $0x7D0, s18  }
0xf: {  	s18 =	simm.s32 $0x14000;
	s19 =	simm.s32 $0x14080;
	s21 =	simm.s32 $0x5  }
0x10: {  	s11 =	sadd.s32 s2, s16;
	[dreg:$0x5] =	wrdreg s6;
	s22 =	sadd.s32 $0x4000, s5  }
0x11: {  	s23 =	sadd.s32 $0x8000, s5;
	s9 =	sadd.s32 $0xC000, s5;
	s16 =	smul.u32 $0x7D00, s4  }
0x12: {  	s10 =	sadd.s32 $0x10000, s5;
	s12 =	sadd.s32 s15, s12;
	s4 =	smul.u32 $0x7D000, s4  }
0x13: {  	s13 =	sadd.s32 $0x390A00, s0;
	s20 =	sadd.s32 $0x3E80, s11;
	[dreg:$0x6] =	wrdreg s22  }
0x14: {  	[dreg:$0x7] =	wrdreg s23;
	s11 =	sadd.s32 $0x3F70, s11;
	s12 =	sadd.s32 $0x7800, s12  }
0x15: {  	s22 =	simm.s32 $0x18080;
	s23 =	simm.s32 $0x1;
	[dreg:$0x4] =	wrdreg s20  }
0x16: {  	s16 =	sadd.s32 s17, s16;
	s4 =	sadd.s32 s4, s15;
	s20 =	simm.s32 $0x18100  }
0x17: {  	s25 =	sadd.s32 $0x1F500, s16;
	s0 =	sadd.s32 s24, s4;
	s17 =	sadd.s32 $0x1F480, s16  }
0x18: {  	s24 =	simm.s32 $0x2;
	s26 =	sshrl.u32 s25, $0x3;
	s15 =	sadd.s32 $0x1000, s0  }
0x19: {  	s31 =	sshrl.u32 s17, $0x3;
	s25 =	simm.s32 $0x80;
	s0 =	simm.s32 $0x0  }
0x1a: {  	v0 =	vimm.f32 $0.0e+00;
	s16 =	sadd.s32 s26, s2;
	s17 =	sadd.s32 s31, s2;
	s26 =	simm.s32 $0x3  }
.LBB2_1:
0x1b: {  	s2 =	rddreg [dreg:$0x4]  }
0x1c: {  	[tilespmem:s18], [sflag:$0x1] =	stream.linear.gather [hbm4b:s2+s3], $0x80, $0x38;
	[tilespmem:$0x1E980] =	vst v63  }
0x1d: {  	s8 =	rddreg [dreg:$0x5];
	s31 =	simm.s32 $0x200;
	s2 =	simm.s32 $0x0  }
0x1e: {  	[tilespmem:s19], [sflag:$0x2] =	stream.linear.gather [hbm4b:s8+s3], $0x4000, $0x38;
	[tilespmem:$0x1E980] =	vst v63  }
.LBB2_2:
0x1f: {  	p0 =	sne.s32 s31, $0xFE00;
	[tilespmem:s2+$0x18170] =	vst v0  }
0x20: {  	[tilespmem:s2+$0x18100] =	vst v0  }
0x21: {  	[tilespmem:s2+$0x18110] =	vst v0  }
.Ltmp0:
0x22: {  	[tilespmem:s2+$0x18120] =	vst v0;
	(pc) =	sbr.rel @p0 .LBB2_2-.Ltmp0, $4  }
0x23: {  	[tilespmem:s2+$0x18130] =	vst v0  }
0x24: {  	[tilespmem:s2+$0x18140] =	vst v0  }
0x25: {  	[tilespmem:s2+$0x18150] =	vst v0  }
0x26: {  	[tilespmem:s2+$0x18160] =	vst v0;
	s2 =	sshra.s32 s31, $0x2;
	s31 =	sadd.s32 $0x200, s31  }
0x27: {  	[tilespmem:s2+$0x18170] =	vst v0  }
0x28: {  	[tilespmem:s2+$0x18100] =	vst v0  }
0x29: {  	[tilespmem:s2+$0x18110] =	vst v0  }
0x2a: {  	[tilespmem:s2+$0x18120] =	vst v0  }
0x2b: {  	[tilespmem:s2+$0x18130] =	vst v0  }
0x2c: {  	[tilespmem:s2+$0x18140] =	vst v0  }
0x2d: {  	[tilespmem:s2+$0x18150] =	vst v0  }
0x2e: {  	[tilespmem:s2+$0x18160] =	vst v0  }
0x2f: {  	[spmem:s5] =	stream.linear.scatter [tilespmem:s20], [sflag:$0x5], $0x4000, $0x38;
	[tilespmem:$0x1E980] =	vst v63  }
0x30: {  	_ =	swait.ge [sflag:s21], $0x4000  }
0x31: {  	[sflag:s21] =	ssyncset.done $0x0  }
0x32: {  	s8 =	rddreg [dreg:$0x6];
	[sflag:s21] =	ssyncadd.s32 $0xFFFFC000  }
0x33: {  	[spmem:s8] =	stream.linear.scatter [tilespmem:s20], [sflag:$0x5], $0x4000, $0x38;
	[tilespmem:$0x1E980] =	vst v63  }
0x34: {  	_ =	swait.ge [sflag:s21], $0x4000  }
0x35: {  	[sflag:s21] =	ssyncset.done $0x0  }
0x36: {  	s4 =	rddreg [dreg:$0x7];
	[sflag:s21] =	ssyncadd.s32 $0xFFFFC000  }
0x37: {  	[spmem:s4] =	stream.linear.scatter [tilespmem:s20], [sflag:$0x5], $0x4000, $0x38;
	[tilespmem:$0x1E980] =	vst v63  }
0x38: {  	_ =	swait.ge [sflag:s21], $0x4000  }
0x39: {  	[sflag:s21] =	ssyncset.done $0x0  }
0x3a: {  	[sflag:s21] =	ssyncadd.s32 $0xFFFFC000  }
0x3b: {  	[spmem:s9] =	stream.linear.scatter [tilespmem:s20], [sflag:$0x5], $0x4000, $0x38;
	[tilespmem:$0x1E980] =	vst v63  }
0x3c: {  	_ =	swait.ge [sflag:s21], $0x4000  }
0x3d: {  	[sflag:s21] =	ssyncset.done $0x0  }
0x3e: {  	[sflag:s21] =	ssyncadd.s32 $0xFFFFC000  }
0x3f: {  	[spmem:s10] =	stream.linear.scatter [tilespmem:s20], [sflag:$0x5], $0x4000, $0x38;
	[tilespmem:$0x1E980] =	vst v63  }
0x40: {  	_ =	swait.ge [sflag:s21], $0x4000  }
0x41: {  	[sflag:s21] =	ssyncset.done $0x0  }
0x42: {  	[sflag:s21] =	ssyncadd.s32 $0xFFFFC000  }
0x43: {  	s6 =	sadd.s32 $0x0, s17;
	[bflag:$0x0] =	sbarrier.arrive $0xFFFF  }
0x44: {  	[tilespmem:s22], [sflag:$0x3] =	stream.linear.gather [hbm4b:s6+s3], $0x80, $0x38;
	[tilespmem:$0x1E980] =	vst v63  }
0x45: {  	s7 =	sadd.s32 $0xFFFFF800, s15  }
0x46: {  	[tilespmem:s20], [sflag:$0x4] =	stream.linear.gather [hbm4b:s7+s3], $0x4000, $0x38;
	[tilespmem:$0x1E980] =	vst v63  }
0x47: {  	_ =	swait.ge [sflag:s23], $0x80  }
0x48: {  	[sflag:s23] =	ssyncset.done $0x0  }
0x49: {  	[sflag:s23] =	ssyncadd.s32 $0xFFFFFF80  }
0x4a: {  	_ =	swait.ge [sflag:s24], $0x4000  }
0x4b: {  	[sflag:s24] =	ssyncset.done $0x0  }
0x4c: {  	[sflag:s24] =	ssyncadd.s32 $0xFFFFC000  }
0x4d: {  	[spmem:s1] =	stream.indirect.scatter.add.f32 [tilespmem:s19], [sflag:$0x5], $0x80, s18, s25, $0xb8;
	[tilespmem:$0x1E980] =	vst v63  }
0x4e: {  	_ =	swait.ge [sflag:s21], $0x4000  }
0x4f: {  	[sflag:s21] =	ssyncset.done $0x0  }
0x50: {  	s8 =	sadd.s32 $0x0, s16;
	[sflag:s21] =	ssyncadd.s32 $0xFFFFC000  }
0x51: {  	[tilespmem:s18], [sflag:$0x1] =	stream.linear.gather [hbm4b:s8+s3], $0x80, $0x38;
	[tilespmem:$0x1E980] =	vst v63  }
0x52: {  	_ = 	snop  }
0x53: {  	[tilespmem:s19], [sflag:$0x2] =	stream.linear.gather [hbm4b:s15+s3], $0x4000, $0x38;
	[tilespmem:$0x1E980] =	vst v63  }
0x54: {  	_ =	swait.ge [sflag:s26], $0x80  }
0x55: {  	[sflag:s26] =	ssyncset.done $0x0  }
0x56: {  	[sflag:s26] =	ssyncadd.s32 $0xFFFFFF80  }
0x57: {  	_ =	swait.ge [sflag:s28], $0x4000  }
0x58: {  	[sflag:s28] =	ssyncset.done $0x0  }
0x59: {  	[sflag:s28] =	ssyncadd.s32 $0xFFFFC000  }
0x5a: {  	[spmem:s1] =	stream.indirect.scatter.add.f32 [tilespmem:s20], [sflag:$0x5], $0x80, s22, s25, $0xb8;
	[tilespmem:$0x1E980] =	vst v63  }
0x5b: {  	s2 =	simm.s32 $0x20;
	_ =	swait.ge [sflag:s21], $0x4000  }
0x5c: {  	s31 =	sadd.s32 $0x1000, s15;
	s4 =	simm.s32 $0x40;
	[sflag:s21] =	ssyncset.done $0x0  }
.LBB2_4:
0x5d: {  	s6 =	sadd.s32 s2, s17  }
0x5e: {  	[sflag:s21] =	ssyncadd.s32 $0xFFFFC000;
	s7 =	smov.u32 s4;
	s8 =	sadd.s32 $0x20, s4  }
0x5f: {  	[tilespmem:s22], [sflag:$0x3] =	stream.linear.gather [hbm4b:s6+s3], $0x80, $0x38;
	[tilespmem:$0x1E980] =	vst v63  }
0x60: {  	p0 =	sne.s32 s4, $0xC0;
	s4 =	sadd.s32 $0xFFFFF800, s31  }
0x61: {  	[tilespmem:s20], [sflag:$0x4] =	stream.linear.gather [hbm4b:s4+s3], $0x4000, $0x38;
	[tilespmem:$0x1E980] =	vst v63  }
0x62: {  	_ =	swait.ge [sflag:s23], $0x80  }
0x63: {  	[sflag:s23] =	ssyncset.done $0x0  }
0x64: {  	[sflag:s23] =	ssyncadd.s32 $0xFFFFFF80  }
0x65: {  	_ =	swait.ge [sflag:s24], $0x4000  }
0x66: {  	[sflag:s24] =	ssyncset.done $0x0  }
0x67: {  	[sflag:s24] =	ssyncadd.s32 $0xFFFFC000  }
0x68: {  	[spmem:s1] =	stream.indirect.scatter.add.f32 [tilespmem:s19], [sflag:$0x5], $0x80, s18, s25, $0xb8;
	[tilespmem:$0x1E980] =	vst v63  }
0x69: {  	_ =	swait.ge [sflag:s21], $0x4000  }
0x6a: {  	[sflag:s21] =	ssyncset.done $0x0  }
0x6b: {  	s4 =	sadd.s32 s2, s16;
	s2 =	smov.u32 s7;
	[sflag:s21] =	ssyncadd.s32 $0xFFFFC000  }
0x6c: {  	[tilespmem:s18], [sflag:$0x1] =	stream.linear.gather [hbm4b:s4+s3], $0x80, $0x38;
	[tilespmem:$0x1E980] =	vst v63  }
0x6d: {  	_ = 	snop  }
0x6e: {  	[tilespmem:s19], [sflag:$0x2] =	stream.linear.gather [hbm4b:s31+s3], $0x4000, $0x38;
	[tilespmem:$0x1E980] =	vst v63  }
0x6f: {  	_ =	swait.ge [sflag:s26], $0x80  }
0x70: {  	[sflag:s26] =	ssyncset.done $0x0  }
0x71: {  	[sflag:s26] =	ssyncadd.s32 $0xFFFFFF80  }
0x72: {  	_ =	swait.ge [sflag:s28], $0x4000  }
.Ltmp1:
0x73: {  	[sflag:s28] =	ssyncset.done $0x0;
	(pc) =	sbr.rel @p0 .LBB2_4-.Ltmp1, $4  }
0x74: {  	[sflag:s28] =	ssyncadd.s32 $0xFFFFC000  }
0x75: {  	[spmem:s1] =	stream.indirect.scatter.add.f32 [tilespmem:s20], [sflag:$0x5], $0x80, s22, s25, $0xb8;
	[tilespmem:$0x1E980] =	vst v63  }
0x76: {  	_ =	swait.ge [sflag:s21], $0x4000  }
0x77: {  	s4 =	smov.u32 s8;
	s31 =	sadd.s32 $0x1000, s31;
	[sflag:s21] =	ssyncset.done $0x0  }
0x78: {  	s4 =	sadd.s32 s2, s17;
	[sflag:s21] =	ssyncadd.s32 $0xFFFFC000  }
0x79: {  	[tilespmem:s22], [sflag:$0x3] =	stream.linear.gather [hbm4b:s4+s3], $0x80, $0x38;
	[tilespmem:$0x1E980] =	vst v63  }
0x7a: {  	s8 =	sadd.s32 $0xFFFFF800, s31  }
0x7b: {  	[tilespmem:s20], [sflag:$0x4] =	stream.linear.gather [hbm4b:s8+s3], $0x4000, $0x38;
	[tilespmem:$0x1E980] =	vst v63  }
0x7c: {  	_ =	swait.ge [sflag:s23], $0x80  }
0x7d: {  	[sflag:s23] =	ssyncset.done $0x0  }
0x7e: {  	[sflag:s23] =	ssyncadd.s32 $0xFFFFFF80  }
0x7f: {  	_ =	swait.ge [sflag:s24], $0x4000  }
0x80: {  	[sflag:s24] =	ssyncset.done $0x0  }
0x81: {  	[sflag:s24] =	ssyncadd.s32 $0xFFFFC000  }
0x82: {  	[spmem:s1] =	stream.indirect.scatter.add.f32 [tilespmem:s19], [sflag:$0x5], $0x80, s18, s25, $0xb8;
	[tilespmem:$0x1E980] =	vst v63  }
0x83: {  	_ =	swait.ge [sflag:s21], $0x4000  }
0x84: {  	[sflag:s21] =	ssyncset.done $0x0  }
0x85: {  	s6 =	sadd.s32 s2, s16;
	[sflag:s21] =	ssyncadd.s32 $0xFFFFC000  }
0x86: {  	[tilespmem:s18], [sflag:$0x1] =	stream.linear.gather [hbm4b:s6+s3], $0x80, $0x38;
	[tilespmem:$0x1E980] =	vst v63  }
0x87: {  	_ = 	snop  }
0x88: {  	[tilespmem:s19], [sflag:$0x2] =	stream.linear.gather [hbm4b:s31+s3], $0x4000, $0x38;
	[tilespmem:$0x1E980] =	vst v63  }
0x89: {  	_ =	swait.ge [sflag:s26], $0x80  }
0x8a: {  	[sflag:s26] =	ssyncset.done $0x0  }
0x8b: {  	[sflag:s26] =	ssyncadd.s32 $0xFFFFFF80  }
0x8c: {  	_ =	swait.ge [sflag:s28], $0x4000  }
0x8d: {  	[sflag:s28] =	ssyncset.done $0x0  }
0x8e: {  	[sflag:s28] =	ssyncadd.s32 $0xFFFFC000  }
0x8f: {  	[spmem:s1] =	stream.indirect.scatter.add.f32 [tilespmem:s20], [sflag:$0x5], $0x80, s22, s25, $0xb8;
	[tilespmem:$0x1E980] =	vst v63  }
0x90: {  	_ =	swait.ge [sflag:s21], $0x4000  }
0x91: {  	[sflag:s21] =	ssyncset.done $0x0  }
0x92: {  	[sflag:s21] =	ssyncadd.s32 $0xFFFFC000  }
0x93: {  	_ =	swait.ge [sflag:s23], $0x80  }
0x94: {  	[sflag:s23] =	ssyncset.done $0x0  }
0x95: {  	[sflag:s23] =	ssyncadd.s32 $0xFFFFFF80  }
0x96: {  	_ =	swait.ge [sflag:s24], $0x4000  }
0x97: {  	[sflag:s24] =	ssyncset.done $0x0  }
0x98: {  	[sflag:s24] =	ssyncadd.s32 $0xFFFFC000  }
0x99: {  	[spmem:s1] =	stream.indirect.scatter.add.f32 [tilespmem:s19], [sflag:$0x5], $0x80, s18, s25, $0xb8;
	[tilespmem:$0x1E980] =	vst v63  }
0x9a: {  	_ =	swait.ge [sflag:s21], $0x4000  }
0x9b: {  	[sflag:s21] =	ssyncset.done $0x0  }
0x9c: {  	[sflag:s21] =	ssyncadd.s32 $0xFFFFC000  }
0x9d: {  	[tilespmem:s29], [sflag:$0x3] =	stream.linear.gather [hbm4b:s11+s3], $0x50, $0x38;
	[tilespmem:$0x1E980] =	vst v63  }
0x9e: {  	_ = 	snop  }
0x9f: {  	[tilespmem:s30], [sflag:$0x4] =	stream.linear.gather [hbm4b:s12+s3], $0x2800, $0x38;
	[tilespmem:$0x1E980] =	vst v63  }
0xa0: {  	_ =	swait.ge [sflag:s26], $0x50  }
0xa1: {  	[sflag:s26] =	ssyncset.done $0x0  }
0xa2: {  	[sflag:s26] =	ssyncadd.s32 $0xFFFFFFB0  }
0xa3: {  	_ =	swait.ge [sflag:s28], $0x2800  }
0xa4: {  	[sflag:s28] =	ssyncset.done $0x0  }
0xa5: {  	s7 =	simm.s32 $0x50;
	[sflag:s28] =	ssyncadd.s32 $0xFFFFD800  }
0xa6: {  	[spmem:s1] =	stream.indirect.scatter.add.f32 [tilespmem:s30], [sflag:$0x5], $0x80, s29, s7, $0xb8;
	[tilespmem:$0x1E980] =	vst v63  }
0xa7: {  	s8 =	stileid.u32;
	_ =	swait.ge [sflag:s21], $0x2800  }
0xa8: {  	s0 =	sadd.s32 $0x1, s0;
	s2 =	sshll.u32 s8, $0x6;
	[sflag:s21] =	ssyncset.done $0x0  }
0xa9: {  	p0 =	sne.s32 s0, s14;
	s2 =	sor.u32 $0x1C05, s2;
	[sflag:s21] =	ssyncadd.s32 $0xFFFFD800  }
.Ltmp2:
0xaa: {  	s31 =	sshrl.u32 s5, $0x3;
	[bflag:$0x0] =	sbarrier.arrive $0xFFFF;
	(pc) =	sbr.rel @p0 .LBB2_1-.Ltmp2, $4  }
0xab: {  	[hbm:s13], [sflag:s2] =	dma.local [spmem:s31], $0x2800  }
0xac: {  	_ =	swait.ge [sflag:s21], $0x2800  }
0xad: {  	[sflag:s21] =	ssyncset.done $0x0  }
0xae: {  	[sflag:s21] =	ssyncadd.s32 $0xFFFFD800  }
0xaf: {  	_ =	sfence.sel $0x180000  }
0xb0: {  	[bflag:$0x0] =	sbarrier.arrive $0xFFFF  }
0xb1: {  	_ =	strace $0x9000004D  }
0xb2: {  	s0 =	stileid.u32;
	[bflag:$0x2] =	sbarrier.arrive $0xFFFF  }
0xb3: {  	p0 =	sne.s32 s0, $0x0;
	s0 =	rddreg [dreg:$0x3]  }
0xb4: {  	s0 =	sadd.s32 @!p0 $0x100000, s0  }
0xb5: {  	[sflag:s0] =	ssyncadd.tile.s32 @!p0 $0x1;
	_ =	shalt  }
.Lfunc_end2:
_tile_overlayer_lowered:
.L_overlay_start_2:
0xb6: {  	(tag) =	ssettag $0x2  }
0xb7: {  	s0 =	rddreg [dreg:$0x0];
	s2 =	stileid.u32  }
0xb8: {  	s1 =	rddreg [dreg:$0x1];
	p0 =	sne.s32 s2, $0x0  }
0xb9: {  	s3 =	rddreg [dreg:$0x2];
	[bflag:$0x3] =	sbarrier.arrive $0xFFFF;
	s2 =	simm.s32 @!p0 $0x1C05  }
0xba: {  	[timem:s3], [sflag:s2] =	dma.local @!p0 [hbm:s0], s1  }
0xbb: {  	s0 =	simm.s32 @!p0 $0x5  }
0xbc: {  	_ =	swait.ge @!p0 [sflag:s0], s1  }
0xbd: {  	s1 =	ssub.s32 @!p0 $0x0, s1;
	[sflag:s0] =	ssyncset.done @!p0 $0x0  }
0xbe: {  	[sflag:s0] =	ssyncadd.s32 @!p0 s1  }
0xbf: {  	[bflag:$0x3] =	sbarrier.arrive $0xFFFF  }
0xc0: {  	_ =	shalt  }

// kernel: kernel.22.cloned.1.call-start
scs
__scs_entry_jumppad:
0x0: {  	(pc) =	sbr.rel $0x88, $3  }
0x1: {  	(tag) =	ssettag $0x0;
	lr =	simm.s32 $0x1  }
0x2: {  	[smem:$0x3F90] =	sst lr;
	_ =	strace $0xD0000000  }
0x3: {  	_ = 	snop  }
0x4: {  	_ = 	snop  }
0x5: {  	_ = 	snop  }
0x6: {  	_ = 	snop  }
0x7: {  	_ = 	snop  }
__scs_overlays_trampoline_lowered:
0x8: {  	[smem:$0x3F9F] =	sst s0  }
0x9: {  	[smem:$0x3FA0] =	sst s1  }
0xa: {  	[smem:$0x3FA1] =	sst s2  }
0xb: {  	[smem:$0x3FA2] =	sst s3  }
0xc: {  	[smem:$0x3FA3] =	sst s4  }
0xd: {  	[smem:$0x3FA4] =	sst s5  }
0xe: {  	[smem:$0x3FA5] =	sst s6  }
0xf: {  	[smem:$0x3FA6] =	sst s7  }
0x10: {  	[smem:$0x3FA7] =	sst s8  }
0x11: {  	[smem:$0x3FA8] =	sst s9;
	s0 =	simm.s32 @!p0 $0x0  }
0x12: {  	s1 =	sld [smem:$0x3F8E];
	s0 =	simm.s32 @p0 $0x1  }
0x13: {  	[smem:$0x3FA9] =	sst s0;
	s0 =	simm.s32 @!p1 $0x0  }
0x14: {  	s2 =	sld [smem:$0x3F8D];
	s0 =	simm.s32 @p1 $0x1  }
0x15: {  	[smem:$0x3FAA] =	sst s0;
	s0 =	simm.s32 @!p2 $0x0  }
0x16: {  	s3 =	sld [smem:$0x3FDB];
	s0 =	simm.s32 @p2 $0x1  }
0x17: {  	s4 =	simm.s32 $0x1BF5;
	[smem:$0x3FAC] =	sst s0  }
0x18: {  	s0 =	sld [smem:$0x3F8F];
	_ =	swait.ge [sflag:s4], $0x0  }
0x19: {  	s7 =	sld [smem:$0x3F90]  }
0x1a: {  	s8 =	sadd.s32 $0xFFFFE003, lr  }
0x1b: {  	s9 =	sadd.s32 $0xFFFFFEF7, lr;
	s5 =	simm.s32 $0xFFFFFFFF;
	p2 =	slt.u32 s8, $0xFFFFF086  }
0x1c: {  	p1 =	slt.u32 s9, $0xF7A;
	s5 =	simm.s32 @!p2 $0x0  }
0x1d: {  	s5 =	simm.s32 @p1 $0x1;
	p0 =	seq.s32 s7, s2  }
0x1e: {  	s7 =	smul.u32 @!p0 $0xF7A, s2;
	p2 =	seq.s32 @!p0 s5, $0x0  }
0x1f: {  	s9 =	smul.u32 $0xF7A, s1;
	s8 =	simm.s32 @!p0 $0x1BF5;
	p2 =	por !p2, p0  }
0x20: {  	[sflag:s8] =	ssyncset.s32 @!p0 $0xFFFFF086;
	s6 =	sadd.s32 @!p0 s3, s7;
	s7 =	simm.s32 @!p0 $0x108  }
0x21: {  	s3 =	sadd.s32 s3, s9;
	s6 =	sadd.s32 @!p0 $0x88, s6;
	s7 =	simm.s32 @p2 $0x1082  }
0x22: {  	[simem:s7], [sflag:s8] =	dma.local @!p0 [hbm:s6], $0xF7A  }
0x23: {  	s9 =	sor.u32 $0xD0000000, s2;
	s6 =	simm.s32 $0x108;
	_ =	swait.ge @!p0 [sflag:s8], $0x0  }
0x24: {  	s3 =	sadd.s32 $0x88, s3;
	s6 =	simm.s32 @!p1 $0x1082;
	[sflag:s4] =	ssyncset.s32 $0xFFFFF086  }
0x25: {  	[simem:s6], [sflag:s4] =	dma.local [hbm:s3], $0xF7A  }
0x26: {  	[smem:$0x3F90] =	sst s1;
	(tag) =	ssettag s2;
	_ =	strace s9  }
0x27: {  	s1 =	sld [smem:$0x3FA0]  }
0x28: {  	s2 =	sld [smem:$0x3FA1]  }
0x29: {  	s4 =	sld [smem:$0x3FA3]  }
0x2a: {  	p0 =	seq.s32 s5, $0x0;
	s5 =	sld [smem:$0x3FA4]  }
0x2b: {  	s6 =	sld [smem:$0x3FA5]  }
0x2c: {  	s7 =	sld [smem:$0x3FA6]  }
0x2d: {  	s3 =	simm.s32 $0x108;
	s8 =	sld [smem:$0x3FA7]  }
0x2e: {  	s3 =	simm.s32 @!p0 $0x1082;
	s9 =	sld [smem:$0x3FA8]  }
0x2f: {  	lr =	sadd.s32 s0, s3;
	s0 =	sld [smem:$0x3F9F]  }
0x30: {  	s3 =	sld [smem:$0x3FA2]  }
0x31: {  	[smem:$0x3FAB] =	sst s10  }
0x32: {  	s10 =	sld [smem:$0x3FA9];
	_ =	sdelay $0x3  }
0x33: {  	p0 =	seq.s32 s10, $0x1;
	s10 =	sld [smem:$0x3FAB];
	_ =	sdelay $0x3  }
0x34: {  	[smem:$0x3FAB] =	sst s10  }
0x35: {  	s10 =	sld [smem:$0x3FAA];
	_ =	sdelay $0x3  }
0x36: {  	p1 =	seq.s32 s10, $0x1;
	s10 =	sld [smem:$0x3FAB];
	_ =	sdelay $0x3  }
0x37: {  	[smem:$0x3FAB] =	sst s10  }
0x38: {  	s10 =	sld [smem:$0x3FAC]  }
0x39: {  	_ = 	snop;
	(pc) =	sbr.ind lr, $3  }
0x3a: {  	_ = 	snop  }
0x3b: {  	_ = 	snop  }
0x3c: {  	p2 =	seq.s32 s10, $0x1;
	s10 =	sld [smem:$0x3FAB]  }
0x3d: {  	_ =	shalt  }
0x3e: {  	_ =	shalt  }
0x3f: {  	_ =	shalt  }
0x40: {  	_ =	shalt  }
0x41: {  	_ =	shalt  }
0x42: {  	_ =	shalt  }
0x43: {  	_ =	shalt  }
0x44: {  	_ =	shalt  }
0x45: {  	_ =	shalt  }
0x46: {  	_ =	shalt  }
0x47: {  	_ =	shalt  }
0x48: {  	_ =	shalt  }
0x49: {  	_ =	shalt  }
0x4a: {  	_ =	shalt  }
0x4b: {  	_ =	shalt  }
0x4c: {  	_ =	shalt  }
0x4d: {  	_ =	shalt  }
0x4e: {  	_ =	shalt  }
0x4f: {  	_ =	shalt  }
0x50: {  	_ =	shalt  }
0x51: {  	_ =	shalt  }
0x52: {  	_ =	shalt  }
0x53: {  	_ =	shalt  }
0x54: {  	_ =	shalt  }
0x55: {  	_ =	shalt  }
0x56: {  	_ =	shalt  }
0x57: {  	_ =	shalt  }
0x58: {  	_ =	shalt  }
0x59: {  	_ =	shalt  }
0x5a: {  	_ =	shalt  }
0x5b: {  	_ =	shalt  }
0x5c: {  	_ =	shalt  }
0x5d: {  	_ =	shalt  }
0x5e: {  	_ =	shalt  }
0x5f: {  	_ =	shalt  }
0x60: {  	_ =	shalt  }
0x61: {  	_ =	shalt  }
0x62: {  	_ =	shalt  }
0x63: {  	_ =	shalt  }
0x64: {  	_ =	shalt  }
0x65: {  	_ =	shalt  }
0x66: {  	_ =	shalt  }
0x67: {  	_ =	shalt  }
0x68: {  	_ =	shalt  }
0x69: {  	_ =	shalt  }
0x6a: {  	_ =	shalt  }
0x6b: {  	_ =	shalt  }
0x6c: {  	_ =	shalt  }
0x6d: {  	_ =	shalt  }
0x6e: {  	_ =	shalt  }
0x6f: {  	_ =	shalt  }
0x70: {  	_ =	shalt  }
0x71: {  	_ =	shalt  }
0x72: {  	_ =	shalt  }
0x73: {  	_ =	shalt  }
0x74: {  	_ =	shalt  }
0x75: {  	_ =	shalt  }
0x76: {  	_ =	shalt  }
0x77: {  	_ =	shalt  }
0x78: {  	_ =	shalt  }
0x79: {  	_ =	shalt  }
0x7a: {  	_ =	shalt  }
0x7b: {  	_ =	shalt  }
0x7c: {  	_ =	shalt  }
0x7d: {  	_ =	shalt  }
0x7e: {  	_ =	shalt  }
0x7f: {  	_ =	shalt  }
0x80: {  	_ =	shalt  }
0x81: {  	_ =	shalt  }
0x82: {  	_ =	shalt  }
0x83: {  	_ =	shalt  }
0x84: {  	_ =	shalt  }
0x85: {  	_ =	shalt  }
0x86: {  	_ =	shalt  }
0x87: {  	_ =	shalt  }
.Lfunc_end0:
.L_simem_size_0:
called_computation.3_lowered:
.L_overlay_start_0:
0x88: {  	s2 =	sld [smem:$0x3FD9]  }
0x89: {  	s3 =	sld [smem:$0x3FFE];
	_ =	sdelay $0x1  }
0x8a: {  	s1 =	srdreg.scid  }
0x8b: {  	s0 =	sand.u32 $0x1, s1  }
0x8c: {  	s17 =	sshll.u32 s0, $0xA;
	s2 =	sadd.s32 s3, s2  }
0x8d: {  	s2 =	sadd.s32 s2, s17  }
0x8e: {  	[smem:$0x3FB7] =	sst s2  }
0x8f: {  	_ = 	snop  }
0x90: {  	s18 =	sld [smem:$0x3FD0];
	(tm) =	ssettm $0x1  }
0x91: {  	s19 =	sld [smem:$0x3FFB];
	_ =	sdelay $0x3  }
0x92: {  	_ =	strace s19  }
0x93: {  	s2 =	sld [smem:$0x3FFC];
	_ =	sdelay $0x3  }
0x94: {  	_ =	strace s2  }
0x95: {  	s2 =	sld [smem:$0x3FFD];
	_ =	sdelay $0x3  }
0x96: {  	_ =	strace s2  }
0x97: {  	_ =	strace $0x8FFFFFFF  }
0x98: {  	s20 =	sld [smem:$0x3FDB];
	_ =	sdelay $0x1  }
0x99: {  	s4 =	simm.s32 $_scs_section_size  }
0x9a: {  	s5 =	simm.s32 $_size__tile_overlayer_lowered;
	s6 =	simm.s32 $_tile_overlayer_lowered  }
0x9b: {  	s7 =	simm.s32 $0x1BFF;
	s21 =	sshll.u32 s6, $0x1;
	s4 =	sadd.s32 s4, s20  }
0x9c: {  	s22 =	simm.s32 $0x0;
	s5 =	sshll.u32 s5, $0x1;
	s6 =	sadd.s32 s21, s4  }
0x9d: {  	[timem:s22], [sflag:s7] =	dma.local [hbm:s6], s5  }
0x9e: {  	_ =	swait.ge [sflag:s7], s5  }
0x9f: {  	s5 =	ssub.s32 $0x0, s5;
	[sflag:s7] =	ssyncset.done $0x0  }
0xa0: {  	[sflag:s7] =	ssyncadd.s32 s5;
	_ =	sdelay $0x1  }
0xa1: {  	s23 =	simm.s32 $0x1B8B  }
0xa2: {  	_ =	swait.ge [sflag:s23], $0x1  }
0xa3: {  	[sflag:s23] =	ssyncset.done $0x0  }
0xa4: {  	[sflag:s23] =	ssyncadd.s32 $0xFFFFFFFF  }
0xa5: {  	s5 =	sld [smem:$0x0]  }
0xa6: {  	s6 =	sand.u32 $0xFFFFFFFE, s1  }
0xa7: {  	p0 =	sne.s32 s1, s6  }
0xa8: {  	s6 =	sshll.u32 @p0 s6, $0xE  }
0xa9: {  	s6 =	sadd.s32 @p0 $0x11B8D, s6;
	s7 =	sshll.u32 @p0 s5, $0x11  }
0xaa: {  	s6 =	sor.u32 @p0 s7, s6  }
0xab: {  	[sflag:s6] =	ssyncadd.remote.s32 @p0 $0x1;
	_ =	sdelay $0x1  }
0xac: {  	s6 =	simm.s32 @p0 $0x1B8D  }
0xad: {  	_ =	swait.eq @p0 [sflag:s6], $0x1  }
0xae: {  	[sflag:s6] =	ssyncadd.s32 @p0 $0xFFFFFFFF  }
0xaf: {  	s7 =	sshll.u32 @!p0 s1, $0xE  }
0xb0: {  	s7 =	sor.u32 @!p0 $0x4000, s7;
	s6 =	simm.s32 @!p0 $0x1B8D  }
0xb1: {  	s5 =	sshll.u32 @!p0 s5, $0x11;
	s7 =	sadd.s32 @!p0 $0x11B8D, s7;
	_ =	swait.eq @!p0 [sflag:s6], $0x1  }
0xb2: {  	s5 =	sor.u32 @!p0 s5, s7;
	[sflag:s6] =	ssyncadd.s32 @!p0 $0xFFFFFFFF  }
0xb3: {  	s25 =	simm.s32 $0x1B8E;
	s24 =	sld [smem:$0x3FFE];
	[sflag:s5] =	ssyncadd.remote.s32 @!p0 $0x1  }
0xb4: {  	s26 =	simm.s32 $execute0_lowered;
	[smem:$0x3FD2] =	sst s25  }
0xb5: {  	s6 =	sshll.u32 s26, $0x1;
	_ =	strace $0x8000004F;
	[dreg:$0x1] =	wrdreg $0xFFFFFFFF  }
0xb6: {  	s28 =	simm.s32 $_size_execute0_lowered;
	s4 =	sadd.s32 s4, s6;
	[dreg:$0x0] =	wrdreg $0x0  }
0xb7: {  	s6 =	sshll.u32 s28, $0x1;
	[dreg:$0x2] =	wrdreg s4  }
0xb8: {  	[dreg:$0x3] =	wrdreg s6  }
0xb9: {  	[dreg:$0x4] =	wrdreg $0xC0  }
0xba: {  	_ =	task [dreg:s22], $0x5FFFF  }
0xbb: {  	[dreg:$0x1] =	wrdreg $0xFFFFFFFF  }
0xbc: {  	[dreg:$0x0] =	wrdreg $0x60  }
0xbd: {  	[dreg:$0x2] =	wrdreg s24  }
0xbe: {  	[dreg:$0x3] =	wrdreg s18  }
0xbf: {  	[dreg:$0x4] =	wrdreg $0x0  }
0xc0: {  	[dreg:$0x5] =	wrdreg $0xC  }
0xc1: {  	_ =	task.clear_ibuf [dreg:s22], $0x6FFFF;
	_ =	strace $0x9000004F  }
0xc2: {  	s29 =	simm.s32 $0xC;
	_ =	strace $0x80000051  }
0xc3: {  	_ =	swait.ge [sflag:s29], $0x1  }
0xc4: {  	[sflag:s29] =	ssyncadd.s32 $0xFFFFFFFF  }
0xc5: {  	_ =	strace $0x90000051  }
0xc6: {  	_ =	sfence  }
0xc7: {  	s30 =	sld [smem:$0x0];
	_ =	sdelay $0x2  }
0xc8: {  	s31 =	sshll.u32 s1, $0xD;
	s1 =	sshrl.u32 s1, $0x2  }
0xc9: {  	s4 =	sand.u32 $0x4000, s31;
	s1 =	sadd.s32 s1, s30  }
0xca: {  	s0 =	sor.u32 s4, s0;
	s1 =	sshll.u32 s1, $0x11  }
0xcb: {  	s0 =	sor.u32 s1, s0  }
0xcc: {  	s0 =	sadd.s32 $0x8F2B, s0  }
0xcd: {  	[sflag:s0] =	ssyncadd.remote.s32 $0x1  }
0xce: {  	_ =	sfence.sel $0xFFFF  }
0xcf: {  	[dreg:$0x0] =	wrdreg $0xFFFFFFFF;
	(pc) =	sbr.abs _section_cstart, $3  }
0xd0: {  	[dreg:$0x1] =	wrdreg $0xFFFFFFFF  }
0xd1: {  	_ =	task.clear_ibuf [dreg:s22], $0x2FFFF;
	_ =	strace $0x9FFFFFFF  }
0xd2: {  	(tm) =	ssettm $0x7FFFFFFF  }
0xd3: {  	_ =	shalt  }
tec
execute0_lowered:
.L_overlay_start_1:
0x0: {  	(tag) =	ssettag $0x1  }
0x1: {  	s0 =	rddreg [dreg:$0x0]  }
0x2: {  	s2 =	rddreg [dreg:$0x1]  }
0x3: {  	s1 =	rddreg [dreg:$0x2]  }
0x4: {  	s3 =	srdreg.scid;
	s18 =	stileid.u32  }
0x5: {  	s28 =	simm.s32 $0x4;
	s29 =	simm.s32 $0x1C100;
	s6 =	smul.u32 $0x14000, s18  }
0x6: {  	s30 =	simm.s32 $0x1C180;
	s4 =	sand.u32 $0x1, s3;
	s10 =	smul.u32 $0x50000, s18  }
0x7: {  	s3 =	simm.s32 $0x0;
	s15 =	sadd.s32 $0x3E0A00, s0;
	s24 =	smul.u32 $0x7D00, s18  }
0x8: {  	s5 =	smul.u32 $0x140000, s4;
	[smem:$0x7FF] =	sst s3;
	s7 =	sshll.u32 s4, $0x4  }
0x9: {  	s14 =	ssub.s32 $0x2, s4;
	_ =	strace $0x80000050;
	s7 =	sor.u32 s18, s7  }
0xa: {  	s9 =	sshrl.u32 s14, $0x1;
	s19 =	sshrl.u32 s10, $0x2;
	s8 =	smul.u32 $0x7D0, s7  }
0xb: {  	s5 =	sadd.s32 s6, s5;
	s14 =	ssub.s32 s14, s9;
	s17 =	smul.u32 $0x7D00, s7  }
0xc: {  	s21 =	smul.u32 $0x3E800, s7;
	s5 =	sshrl.u32 s5, $0x3;
	s14 =	smax.u32 s14, $0x1  }
0xd: {  	s0 =	sadd.s32 s5, s0;
	s16 =	sshrl.u32 s8, $0x3;
	s5 =	sadd.s32 s19, s1  }
0xe: {  	s6 =	sadd.s32 s15, s17;
	s12 =	sshrl.u32 s21, $0x3;
	s17 =	smul.u32 $0x7D0, s18  }
0xf: {  	s18 =	simm.s32 $0x14000;
	s19 =	simm.s32 $0x14080;
	s21 =	simm.s32 $0x5  }
0x10: {  	s11 =	sadd.s32 s2, s16;
	[dreg:$0x5] =	wrdreg s6;
	s22 =	sadd.s32 $0x4000, s5  }
0x11: {  	s23 =	sadd.s32 $0x8000, s5;
	s9 =	sadd.s32 $0xC000, s5;
	s16 =	smul.u32 $0x7D00, s4  }
0x12: {  	s10 =	sadd.s32 $0x10000, s5;
	s12 =	sadd.s32 s15, s12;
	s4 =	smul.u32 $0x7D000, s4  }
0x13: {  	s13 =	sadd.s32 $0x4DAA00, s0;
	s20 =	sadd.s32 $0x5DC0, s11;
	[dreg:$0x6] =	wrdreg s22  }
0x14: {  	[dreg:$0x7] =	wrdreg s23;
	s11 =	sadd.s32 $0x5EB0, s11;
	s12 =	sadd.s32 $0x7800, s12  }
0x15: {  	s22 =	simm.s32 $0x18080;
	s23 =	simm.s32 $0x1;
	[dreg:$0x4] =	wrdreg s20  }
0x16: {  	s16 =	sadd.s32 s17, s16;
	s4 =	sadd.s32 s4, s15;
	s20 =	simm.s32 $0x18100  }
0x17: {  	s25 =	sadd.s32 $0x2EF00, s16;
	s0 =	sadd.s32 s24, s4;
	s17 =	sadd.s32 $0x2EE80, s16  }
0x18: {  	s24 =	simm.s32 $0x2;
	s26 =	sshrl.u32 s25, $0x3;
	s15 =	sadd.s32 $0x1000, s0  }
0x19: {  	s31 =	sshrl.u32 s17, $0x3;
	s25 =	simm.s32 $0x80;
	s0 =	simm.s32 $0x0  }
0x1a: {  	v0 =	vimm.f32 $0.0e+00;
	s16 =	sadd.s32 s26, s2;
	s17 =	sadd.s32 s31, s2;
	s26 =	simm.s32 $0x3  }
.LBB2_1:
0x1b: {  	s2 =	rddreg [dreg:$0x4]  }
0x1c: {  	[tilespmem:s18], [sflag:$0x1] =	stream.linear.gather [hbm4b:s2+s3], $0x80, $0x38;
	[tilespmem:$0x1E980] =	vst v63  }
0x1d: {  	s8 =	rddreg [dreg:$0x5];
	s31 =	simm.s32 $0x200;
	s2 =	simm.s32 $0x0  }
0x1e: {  	[tilespmem:s19], [sflag:$0x2] =	stream.linear.gather [hbm4b:s8+s3], $0x4000, $0x38;
	[tilespmem:$0x1E980] =	vst v63  }
.LBB2_2:
0x1f: {  	p0 =	sne.s32 s31, $0xFE00;
	[tilespmem:s2+$0x18170] =	vst v0  }
0x20: {  	[tilespmem:s2+$0x18100] =	vst v0  }
0x21: {  	[tilespmem:s2+$0x18110] =	vst v0  }
.Ltmp0:
0x22: {  	[tilespmem:s2+$0x18120] =	vst v0;
	(pc) =	sbr.rel @p0 .LBB2_2-.Ltmp0, $4  }
0x23: {  	[tilespmem:s2+$0x18130] =	vst v0  }
0x24: {  	[tilespmem:s2+$0x18140] =	vst v0  }
0x25: {  	[tilespmem:s2+$0x18150] =	vst v0  }
0x26: {  	[tilespmem:s2+$0x18160] =	vst v0;
	s2 =	sshra.s32 s31, $0x2;
	s31 =	sadd.s32 $0x200, s31  }
0x27: {  	[tilespmem:s2+$0x18170] =	vst v0  }
0x28: {  	[tilespmem:s2+$0x18100] =	vst v0  }
0x29: {  	[tilespmem:s2+$0x18110] =	vst v0  }
0x2a: {  	[tilespmem:s2+$0x18120] =	vst v0  }
0x2b: {  	[tilespmem:s2+$0x18130] =	vst v0  }
0x2c: {  	[tilespmem:s2+$0x18140] =	vst v0  }
0x2d: {  	[tilespmem:s2+$0x18150] =	vst v0  }
0x2e: {  	[tilespmem:s2+$0x18160] =	vst v0  }
0x2f: {  	[spmem:s5] =	stream.linear.scatter [tilespmem:s20], [sflag:$0x5], $0x4000, $0x38;
	[tilespmem:$0x1E980] =	vst v63  }
0x30: {  	_ =	swait.ge [sflag:s21], $0x4000  }
0x31: {  	[sflag:s21] =	ssyncset.done $0x0  }
0x32: {  	s8 =	rddreg [dreg:$0x6];
	[sflag:s21] =	ssyncadd.s32 $0xFFFFC000  }
0x33: {  	[spmem:s8] =	stream.linear.scatter [tilespmem:s20], [sflag:$0x5], $0x4000, $0x38;
	[tilespmem:$0x1E980] =	vst v63  }
0x34: {  	_ =	swait.ge [sflag:s21], $0x4000  }
0x35: {  	[sflag:s21] =	ssyncset.done $0x0  }
0x36: {  	s4 =	rddreg [dreg:$0x7];
	[sflag:s21] =	ssyncadd.s32 $0xFFFFC000  }
0x37: {  	[spmem:s4] =	stream.linear.scatter [tilespmem:s20], [sflag:$0x5], $0x4000, $0x38;
	[tilespmem:$0x1E980] =	vst v63  }
0x38: {  	_ =	swait.ge [sflag:s21], $0x4000  }
0x39: {  	[sflag:s21] =	ssyncset.done $0x0  }
0x3a: {  	[sflag:s21] =	ssyncadd.s32 $0xFFFFC000  }
0x3b: {  	[spmem:s9] =	stream.linear.scatter [tilespmem:s20], [sflag:$0x5], $0x4000, $0x38;
	[tilespmem:$0x1E980] =	vst v63  }
0x3c: {  	_ =	swait.ge [sflag:s21], $0x4000  }
0x3d: {  	[sflag:s21] =	ssyncset.done $0x0  }
0x3e: {  	[sflag:s21] =	ssyncadd.s32 $0xFFFFC000  }
0x3f: {  	[spmem:s10] =	stream.linear.scatter [tilespmem:s20], [sflag:$0x5], $0x4000, $0x38;
	[tilespmem:$0x1E980] =	vst v63  }
0x40: {  	_ =	swait.ge [sflag:s21], $0x4000  }
0x41: {  	[sflag:s21] =	ssyncset.done $0x0  }
0x42: {  	[sflag:s21] =	ssyncadd.s32 $0xFFFFC000  }
0x43: {  	s6 =	sadd.s32 $0x0, s17;
	[bflag:$0x0] =	sbarrier.arrive $0xFFFF  }
0x44: {  	[tilespmem:s22], [sflag:$0x3] =	stream.linear.gather [hbm4b:s6+s3], $0x80, $0x38;
	[tilespmem:$0x1E980] =	vst v63  }
0x45: {  	s7 =	sadd.s32 $0xFFFFF800, s15  }
0x46: {  	[tilespmem:s20], [sflag:$0x4] =	stream.linear.gather [hbm4b:s7+s3], $0x4000, $0x38;
	[tilespmem:$0x1E980] =	vst v63  }
0x47: {  	_ =	swait.ge [sflag:s23], $0x80  }
0x48: {  	[sflag:s23] =	ssyncset.done $0x0  }
0x49: {  	[sflag:s23] =	ssyncadd.s32 $0xFFFFFF80  }
0x4a: {  	_ =	swait.ge [sflag:s24], $0x4000  }
0x4b: {  	[sflag:s24] =	ssyncset.done $0x0  }
0x4c: {  	[sflag:s24] =	ssyncadd.s32 $0xFFFFC000  }
0x4d: {  	[spmem:s1] =	stream.indirect.scatter.add.f32 [tilespmem:s19], [sflag:$0x5], $0x80, s18, s25, $0xb8;
	[tilespmem:$0x1E980] =	vst v63  }
0x4e: {  	_ =	swait.ge [sflag:s21], $0x4000  }
0x4f: {  	[sflag:s21] =	ssyncset.done $0x0  }
0x50: {  	s8 =	sadd.s32 $0x0, s16;
	[sflag:s21] =	ssyncadd.s32 $0xFFFFC000  }
0x51: {  	[tilespmem:s18], [sflag:$0x1] =	stream.linear.gather [hbm4b:s8+s3], $0x80, $0x38;
	[tilespmem:$0x1E980] =	vst v63  }
0x52: {  	_ = 	snop  }
0x53: {  	[tilespmem:s19], [sflag:$0x2] =	stream.linear.gather [hbm4b:s15+s3], $0x4000, $0x38;
	[tilespmem:$0x1E980] =	vst v63  }
0x54: {  	_ =	swait.ge [sflag:s26], $0x80  }
0x55: {  	[sflag:s26] =	ssyncset.done $0x0  }
0x56: {  	[sflag:s26] =	ssyncadd.s32 $0xFFFFFF80  }
0x57: {  	_ =	swait.ge [sflag:s28], $0x4000  }
0x58: {  	[sflag:s28] =	ssyncset.done $0x0  }
0x59: {  	[sflag:s28] =	ssyncadd.s32 $0xFFFFC000  }
0x5a: {  	[spmem:s1] =	stream.indirect.scatter.add.f32 [tilespmem:s20], [sflag:$0x5], $0x80, s22, s25, $0xb8;
	[tilespmem:$0x1E980] =	vst v63  }
0x5b: {  	s2 =	simm.s32 $0x20;
	_ =	swait.ge [sflag:s21], $0x4000  }
0x5c: {  	s31 =	sadd.s32 $0x1000, s15;
	s4 =	simm.s32 $0x40;
	[sflag:s21] =	ssyncset.done $0x0  }
.LBB2_4:
0x5d: {  	s6 =	sadd.s32 s2, s17  }
0x5e: {  	[sflag:s21] =	ssyncadd.s32 $0xFFFFC000;
	s7 =	smov.u32 s4;
	s8 =	sadd.s32 $0x20, s4  }
0x5f: {  	[tilespmem:s22], [sflag:$0x3] =	stream.linear.gather [hbm4b:s6+s3], $0x80, $0x38;
	[tilespmem:$0x1E980] =	vst v63  }
0x60: {  	p0 =	sne.s32 s4, $0xC0;
	s4 =	sadd.s32 $0xFFFFF800, s31  }
0x61: {  	[tilespmem:s20], [sflag:$0x4] =	stream.linear.gather [hbm4b:s4+s3], $0x4000, $0x38;
	[tilespmem:$0x1E980] =	vst v63  }
0x62: {  	_ =	swait.ge [sflag:s23], $0x80  }
0x63: {  	[sflag:s23] =	ssyncset.done $0x0  }
0x64: {  	[sflag:s23] =	ssyncadd.s32 $0xFFFFFF80  }
0x65: {  	_ =	swait.ge [sflag:s24], $0x4000  }
0x66: {  	[sflag:s24] =	ssyncset.done $0x0  }
0x67: {  	[sflag:s24] =	ssyncadd.s32 $0xFFFFC000  }
0x68: {  	[spmem:s1] =	stream.indirect.scatter.add.f32 [tilespmem:s19], [sflag:$0x5], $0x80, s18, s25, $0xb8;
	[tilespmem:$0x1E980] =	vst v63  }
0x69: {  	_ =	swait.ge [sflag:s21], $0x4000  }
0x6a: {  	[sflag:s21] =	ssyncset.done $0x0  }
0x6b: {  	s4 =	sadd.s32 s2, s16;
	s2 =	smov.u32 s7;
	[sflag:s21] =	ssyncadd.s32 $0xFFFFC000  }
0x6c: {  	[tilespmem:s18], [sflag:$0x1] =	stream.linear.gather [hbm4b:s4+s3], $0x80, $0x38;
	[tilespmem:$0x1E980] =	vst v63  }
0x6d: {  	_ = 	snop  }
0x6e: {  	[tilespmem:s19], [sflag:$0x2] =	stream.linear.gather [hbm4b:s31+s3], $0x4000, $0x38;
	[tilespmem:$0x1E980] =	vst v63  }
0x6f: {  	_ =	swait.ge [sflag:s26], $0x80  }
0x70: {  	[sflag:s26] =	ssyncset.done $0x0  }
0x71: {  	[sflag:s26] =	ssyncadd.s32 $0xFFFFFF80  }
0x72: {  	_ =	swait.ge [sflag:s28], $0x4000  }
.Ltmp1:
0x73: {  	[sflag:s28] =	ssyncset.done $0x0;
	(pc) =	sbr.rel @p0 .LBB2_4-.Ltmp1, $4  }
0x74: {  	[sflag:s28] =	ssyncadd.s32 $0xFFFFC000  }
0x75: {  	[spmem:s1] =	stream.indirect.scatter.add.f32 [tilespmem:s20], [sflag:$0x5], $0x80, s22, s25, $0xb8;
	[tilespmem:$0x1E980] =	vst v63  }
0x76: {  	_ =	swait.ge [sflag:s21], $0x4000  }
0x77: {  	s4 =	smov.u32 s8;
	s31 =	sadd.s32 $0x1000, s31;
	[sflag:s21] =	ssyncset.done $0x0  }
0x78: {  	s4 =	sadd.s32 s2, s17;
	[sflag:s21] =	ssyncadd.s32 $0xFFFFC000  }
0x79: {  	[tilespmem:s22], [sflag:$0x3] =	stream.linear.gather [hbm4b:s4+s3], $0x80, $0x38;
	[tilespmem:$0x1E980] =	vst v63  }
0x7a: {  	s8 =	sadd.s32 $0xFFFFF800, s31  }
0x7b: {  	[tilespmem:s20], [sflag:$0x4] =	stream.linear.gather [hbm4b:s8+s3], $0x4000, $0x38;
	[tilespmem:$0x1E980] =	vst v63  }
0x7c: {  	_ =	swait.ge [sflag:s23], $0x80  }
0x7d: {  	[sflag:s23] =	ssyncset.done $0x0  }
0x7e: {  	[sflag:s23] =	ssyncadd.s32 $0xFFFFFF80  }
0x7f: {  	_ =	swait.ge [sflag:s24], $0x4000  }
0x80: {  	[sflag:s24] =	ssyncset.done $0x0  }
0x81: {  	[sflag:s24] =	ssyncadd.s32 $0xFFFFC000  }
0x82: {  	[spmem:s1] =	stream.indirect.scatter.add.f32 [tilespmem:s19], [sflag:$0x5], $0x80, s18, s25, $0xb8;
	[tilespmem:$0x1E980] =	vst v63  }
0x83: {  	_ =	swait.ge [sflag:s21], $0x4000  }
0x84: {  	[sflag:s21] =	ssyncset.done $0x0  }
0x85: {  	s6 =	sadd.s32 s2, s16;
	[sflag:s21] =	ssyncadd.s32 $0xFFFFC000  }
0x86: {  	[tilespmem:s18], [sflag:$0x1] =	stream.linear.gather [hbm4b:s6+s3], $0x80, $0x38;
	[tilespmem:$0x1E980] =	vst v63  }
0x87: {  	_ = 	snop  }
0x88: {  	[tilespmem:s19], [sflag:$0x2] =	stream.linear.gather [hbm4b:s31+s3], $0x4000, $0x38;
	[tilespmem:$0x1E980] =	vst v63  }
0x89: {  	_ =	swait.ge [sflag:s26], $0x80  }
0x8a: {  	[sflag:s26] =	ssyncset.done $0x0  }
0x8b: {  	[sflag:s26] =	ssyncadd.s32 $0xFFFFFF80  }
0x8c: {  	_ =	swait.ge [sflag:s28], $0x4000  }
0x8d: {  	[sflag:s28] =	ssyncset.done $0x0  }
0x8e: {  	[sflag:s28] =	ssyncadd.s32 $0xFFFFC000  }
0x8f: {  	[spmem:s1] =	stream.indirect.scatter.add.f32 [tilespmem:s20], [sflag:$0x5], $0x80, s22, s25, $0xb8;
	[tilespmem:$0x1E980] =	vst v63  }
0x90: {  	_ =	swait.ge [sflag:s21], $0x4000  }
0x91: {  	[sflag:s21] =	ssyncset.done $0x0  }
0x92: {  	[sflag:s21] =	ssyncadd.s32 $0xFFFFC000  }
0x93: {  	_ =	swait.ge [sflag:s23], $0x80  }
0x94: {  	[sflag:s23] =	ssyncset.done $0x0  }
0x95: {  	[sflag:s23] =	ssyncadd.s32 $0xFFFFFF80  }
0x96: {  	_ =	swait.ge [sflag:s24], $0x4000  }
0x97: {  	[sflag:s24] =	ssyncset.done $0x0  }
0x98: {  	[sflag:s24] =	ssyncadd.s32 $0xFFFFC000  }
0x99: {  	[spmem:s1] =	stream.indirect.scatter.add.f32 [tilespmem:s19], [sflag:$0x5], $0x80, s18, s25, $0xb8;
	[tilespmem:$0x1E980] =	vst v63  }
0x9a: {  	_ =	swait.ge [sflag:s21], $0x4000  }
0x9b: {  	[sflag:s21] =	ssyncset.done $0x0  }
0x9c: {  	[sflag:s21] =	ssyncadd.s32 $0xFFFFC000  }
0x9d: {  	[tilespmem:s29], [sflag:$0x3] =	stream.linear.gather [hbm4b:s11+s3], $0x50, $0x38;
	[tilespmem:$0x1E980] =	vst v63  }
0x9e: {  	_ = 	snop  }
0x9f: {  	[tilespmem:s30], [sflag:$0x4] =	stream.linear.gather [hbm4b:s12+s3], $0x2800, $0x38;
	[tilespmem:$0x1E980] =	vst v63  }
0xa0: {  	_ =	swait.ge [sflag:s26], $0x50  }
0xa1: {  	[sflag:s26] =	ssyncset.done $0x0  }
0xa2: {  	[sflag:s26] =	ssyncadd.s32 $0xFFFFFFB0  }
0xa3: {  	_ =	swait.ge [sflag:s28], $0x2800  }
0xa4: {  	[sflag:s28] =	ssyncset.done $0x0  }
0xa5: {  	s7 =	simm.s32 $0x50;
	[sflag:s28] =	ssyncadd.s32 $0xFFFFD800  }
0xa6: {  	[spmem:s1] =	stream.indirect.scatter.add.f32 [tilespmem:s30], [sflag:$0x5], $0x80, s29, s7, $0xb8;
	[tilespmem:$0x1E980] =	vst v63  }
0xa7: {  	s8 =	stileid.u32;
	_ =	swait.ge [sflag:s21], $0x2800  }
0xa8: {  	s0 =	sadd.s32 $0x1, s0;
	s2 =	sshll.u32 s8, $0x6;
	[sflag:s21] =	ssyncset.done $0x0  }
0xa9: {  	p0 =	sne.s32 s0, s14;
	s2 =	sor.u32 $0x1C05, s2;
	[sflag:s21] =	ssyncadd.s32 $0xFFFFD800  }
.Ltmp2:
0xaa: {  	s31 =	sshrl.u32 s5, $0x3;
	[bflag:$0x0] =	sbarrier.arrive $0xFFFF;
	(pc) =	sbr.rel @p0 .LBB2_1-.Ltmp2, $4  }
0xab: {  	[hbm:s13], [sflag:s2] =	dma.local [spmem:s31], $0x2800  }
0xac: {  	_ =	swait.ge [sflag:s21], $0x2800  }
0xad: {  	[sflag:s21] =	ssyncset.done $0x0  }
0xae: {  	[sflag:s21] =	ssyncadd.s32 $0xFFFFD800  }
0xaf: {  	_ =	sfence.sel $0x180000  }
0xb0: {  	[bflag:$0x0] =	sbarrier.arrive $0xFFFF  }
0xb1: {  	_ =	strace $0x90000050  }
0xb2: {  	s0 =	stileid.u32;
	[bflag:$0x2] =	sbarrier.arrive $0xFFFF  }
0xb3: {  	p0 =	sne.s32 s0, $0x0;
	s0 =	rddreg [dreg:$0x3]  }
0xb4: {  	s0 =	sadd.s32 @!p0 $0x100000, s0  }
0xb5: {  	[sflag:s0] =	ssyncadd.tile.s32 @!p0 $0x1;
	_ =	shalt  }
.Lfunc_end2:
_tile_overlayer_lowered:
.L_overlay_start_2:
0xb6: {  	(tag) =	ssettag $0x2  }
0xb7: {  	s0 =	rddreg [dreg:$0x0];
	s2 =	stileid.u32  }
0xb8: {  	s1 =	rddreg [dreg:$0x1];
	p0 =	sne.s32 s2, $0x0  }
0xb9: {  	s3 =	rddreg [dreg:$0x2];
	[bflag:$0x3] =	sbarrier.arrive $0xFFFF;
	s2 =	simm.s32 @!p0 $0x1C05  }
0xba: {  	[timem:s3], [sflag:s2] =	dma.local @!p0 [hbm:s0], s1  }
0xbb: {  	s0 =	simm.s32 @!p0 $0x5  }
0xbc: {  	_ =	swait.ge @!p0 [sflag:s0], s1  }
0xbd: {  	s1 =	ssub.s32 @!p0 $0x0, s1;
	[sflag:s0] =	ssyncset.done @!p0 $0x0  }
0xbe: {  	[sflag:s0] =	ssyncadd.s32 @!p0 s1  }
0xbf: {  	[bflag:$0x3] =	sbarrier.arrive $0xFFFF  }
0xc0: {  	_ =	shalt  }

// kernel: kernel.25.cloned.1.call-start
scs
__scs_entry_jumppad:
0x0: {  	(pc) =	sbr.rel $0x88, $3  }
0x1: {  	(tag) =	ssettag $0x0;
	lr =	simm.s32 $0x1  }
0x2: {  	[smem:$0x3F90] =	sst lr;
	_ =	strace $0xD0000000  }
0x3: {  	_ = 	snop  }
0x4: {  	_ = 	snop  }
0x5: {  	_ = 	snop  }
0x6: {  	_ = 	snop  }
0x7: {  	_ = 	snop  }
__scs_overlays_trampoline_lowered:
0x8: {  	[smem:$0x3F9F] =	sst s0  }
0x9: {  	[smem:$0x3FA0] =	sst s1  }
0xa: {  	[smem:$0x3FA1] =	sst s2  }
0xb: {  	[smem:$0x3FA2] =	sst s3  }
0xc: {  	[smem:$0x3FA3] =	sst s4  }
0xd: {  	[smem:$0x3FA4] =	sst s5  }
0xe: {  	[smem:$0x3FA5] =	sst s6  }
0xf: {  	[smem:$0x3FA6] =	sst s7  }
0x10: {  	[smem:$0x3FA7] =	sst s8  }
0x11: {  	[smem:$0x3FA8] =	sst s9;
	s0 =	simm.s32 @!p0 $0x0  }
0x12: {  	s1 =	sld [smem:$0x3F8E];
	s0 =	simm.s32 @p0 $0x1  }
0x13: {  	[smem:$0x3FA9] =	sst s0;
	s0 =	simm.s32 @!p1 $0x0  }
0x14: {  	s2 =	sld [smem:$0x3F8D];
	s0 =	simm.s32 @p1 $0x1  }
0x15: {  	[smem:$0x3FAA] =	sst s0;
	s0 =	simm.s32 @!p2 $0x0  }
0x16: {  	s3 =	sld [smem:$0x3FDB];
	s0 =	simm.s32 @p2 $0x1  }
0x17: {  	s4 =	simm.s32 $0x1BF5;
	[smem:$0x3FAC] =	sst s0  }
0x18: {  	s0 =	sld [smem:$0x3F8F];
	_ =	swait.ge [sflag:s4], $0x0  }
0x19: {  	s7 =	sld [smem:$0x3F90]  }
0x1a: {  	s8 =	sadd.s32 $0xFFFFE003, lr  }
0x1b: {  	s9 =	sadd.s32 $0xFFFFFEF7, lr;
	s5 =	simm.s32 $0xFFFFFFFF;
	p2 =	slt.u32 s8, $0xFFFFF086  }
0x1c: {  	p1 =	slt.u32 s9, $0xF7A;
	s5 =	simm.s32 @!p2 $0x0  }
0x1d: {  	s5 =	simm.s32 @p1 $0x1;
	p0 =	seq.s32 s7, s2  }
0x1e: {  	s7 =	smul.u32 @!p0 $0xF7A, s2;
	p2 =	seq.s32 @!p0 s5, $0x0  }
0x1f: {  	s9 =	smul.u32 $0xF7A, s1;
	s8 =	simm.s32 @!p0 $0x1BF5;
	p2 =	por !p2, p0  }
0x20: {  	[sflag:s8] =	ssyncset.s32 @!p0 $0xFFFFF086;
	s6 =	sadd.s32 @!p0 s3, s7;
	s7 =	simm.s32 @!p0 $0x108  }
0x21: {  	s3 =	sadd.s32 s3, s9;
	s6 =	sadd.s32 @!p0 $0x88, s6;
	s7 =	simm.s32 @p2 $0x1082  }
0x22: {  	[simem:s7], [sflag:s8] =	dma.local @!p0 [hbm:s6], $0xF7A  }
0x23: {  	s9 =	sor.u32 $0xD0000000, s2;
	s6 =	simm.s32 $0x108;
	_ =	swait.ge @!p0 [sflag:s8], $0x0  }
0x24: {  	s3 =	sadd.s32 $0x88, s3;
	s6 =	simm.s32 @!p1 $0x1082;
	[sflag:s4] =	ssyncset.s32 $0xFFFFF086  }
0x25: {  	[simem:s6], [sflag:s4] =	dma.local [hbm:s3], $0xF7A  }
0x26: {  	[smem:$0x3F90] =	sst s1;
	(tag) =	ssettag s2;
	_ =	strace s9  }
0x27: {  	s1 =	sld [smem:$0x3FA0]  }
0x28: {  	s2 =	sld [smem:$0x3FA1]  }
0x29: {  	s4 =	sld [smem:$0x3FA3]  }
0x2a: {  	p0 =	seq.s32 s5, $0x0;
	s5 =	sld [smem:$0x3FA4]  }
0x2b: {  	s6 =	sld [smem:$0x3FA5]  }
0x2c: {  	s7 =	sld [smem:$0x3FA6]  }
0x2d: {  	s3 =	simm.s32 $0x108;
	s8 =	sld [smem:$0x3FA7]  }
0x2e: {  	s3 =	simm.s32 @!p0 $0x1082;
	s9 =	sld [smem:$0x3FA8]  }
0x2f: {  	lr =	sadd.s32 s0, s3;
	s0 =	sld [smem:$0x3F9F]  }
0x30: {  	s3 =	sld [smem:$0x3FA2]  }
0x31: {  	[smem:$0x3FAB] =	sst s10  }
0x32: {  	s10 =	sld [smem:$0x3FA9];
	_ =	sdelay $0x3  }
0x33: {  	p0 =	seq.s32 s10, $0x1;
	s10 =	sld [smem:$0x3FAB];
	_ =	sdelay $0x3  }
0x34: {  	[smem:$0x3FAB] =	sst s10  }
0x35: {  	s10 =	sld [smem:$0x3FAA];
	_ =	sdelay $0x3  }
0x36: {  	p1 =	seq.s32 s10, $0x1;
	s10 =	sld [smem:$0x3FAB];
	_ =	sdelay $0x3  }
0x37: {  	[smem:$0x3FAB] =	sst s10  }
0x38: {  	s10 =	sld [smem:$0x3FAC]  }
0x39: {  	_ = 	snop;
	(pc) =	sbr.ind lr, $3  }
0x3a: {  	_ = 	snop  }
0x3b: {  	_ = 	snop  }
0x3c: {  	p2 =	seq.s32 s10, $0x1;
	s10 =	sld [smem:$0x3FAB]  }
0x3d: {  	_ =	shalt  }
0x3e: {  	_ =	shalt  }
0x3f: {  	_ =	shalt  }
0x40: {  	_ =	shalt  }
0x41: {  	_ =	shalt  }
0x42: {  	_ =	shalt  }
0x43: {  	_ =	shalt  }
0x44: {  	_ =	shalt  }
0x45: {  	_ =	shalt  }
0x46: {  	_ =	shalt  }
0x47: {  	_ =	shalt  }
0x48: {  	_ =	shalt  }
0x49: {  	_ =	shalt  }
0x4a: {  	_ =	shalt  }
0x4b: {  	_ =	shalt  }
0x4c: {  	_ =	shalt  }
0x4d: {  	_ =	shalt  }
0x4e: {  	_ =	shalt  }
0x4f: {  	_ =	shalt  }
0x50: {  	_ =	shalt  }
0x51: {  	_ =	shalt  }
0x52: {  	_ =	shalt  }
0x53: {  	_ =	shalt  }
0x54: {  	_ =	shalt  }
0x55: {  	_ =	shalt  }
0x56: {  	_ =	shalt  }
0x57: {  	_ =	shalt  }
0x58: {  	_ =	shalt  }
0x59: {  	_ =	shalt  }
0x5a: {  	_ =	shalt  }
0x5b: {  	_ =	shalt  }
0x5c: {  	_ =	shalt  }
0x5d: {  	_ =	shalt  }
0x5e: {  	_ =	shalt  }
0x5f: {  	_ =	shalt  }
0x60: {  	_ =	shalt  }
0x61: {  	_ =	shalt  }
0x62: {  	_ =	shalt  }
0x63: {  	_ =	shalt  }
0x64: {  	_ =	shalt  }
0x65: {  	_ =	shalt  }
0x66: {  	_ =	shalt  }
0x67: {  	_ =	shalt  }
0x68: {  	_ =	shalt  }
0x69: {  	_ =	shalt  }
0x6a: {  	_ =	shalt  }
0x6b: {  	_ =	shalt  }
0x6c: {  	_ =	shalt  }
0x6d: {  	_ =	shalt  }
0x6e: {  	_ =	shalt  }
0x6f: {  	_ =	shalt  }
0x70: {  	_ =	shalt  }
0x71: {  	_ =	shalt  }
0x72: {  	_ =	shalt  }
0x73: {  	_ =	shalt  }
0x74: {  	_ =	shalt  }
0x75: {  	_ =	shalt  }
0x76: {  	_ =	shalt  }
0x77: {  	_ =	shalt  }
0x78: {  	_ =	shalt  }
0x79: {  	_ =	shalt  }
0x7a: {  	_ =	shalt  }
0x7b: {  	_ =	shalt  }
0x7c: {  	_ =	shalt  }
0x7d: {  	_ =	shalt  }
0x7e: {  	_ =	shalt  }
0x7f: {  	_ =	shalt  }
0x80: {  	_ =	shalt  }
0x81: {  	_ =	shalt  }
0x82: {  	_ =	shalt  }
0x83: {  	_ =	shalt  }
0x84: {  	_ =	shalt  }
0x85: {  	_ =	shalt  }
0x86: {  	_ =	shalt  }
0x87: {  	_ =	shalt  }
.Lfunc_end0:
.L_simem_size_0:
called_computation.4_lowered:
.L_overlay_start_0:
0x88: {  	s2 =	sld [smem:$0x3FD9]  }
0x89: {  	s3 =	sld [smem:$0x3FFE];
	_ =	sdelay $0x1  }
0x8a: {  	s1 =	srdreg.scid  }
0x8b: {  	s0 =	sand.u32 $0x1, s1  }
0x8c: {  	s17 =	sshll.u32 s0, $0xA;
	s2 =	sadd.s32 s3, s2  }
0x8d: {  	s2 =	sadd.s32 s2, s17  }
0x8e: {  	[smem:$0x3FB7] =	sst s2  }
0x8f: {  	_ = 	snop  }
0x90: {  	s18 =	sld [smem:$0x3FD0];
	(tm) =	ssettm $0x1  }
0x91: {  	s19 =	sld [smem:$0x3FFB];
	_ =	sdelay $0x3  }
0x92: {  	_ =	strace s19  }
0x93: {  	s2 =	sld [smem:$0x3FFC];
	_ =	sdelay $0x3  }
0x94: {  	_ =	strace s2  }
0x95: {  	s2 =	sld [smem:$0x3FFD];
	_ =	sdelay $0x3  }
0x96: {  	_ =	strace s2  }
0x97: {  	_ =	strace $0x8FFFFFFF  }
0x98: {  	s20 =	sld [smem:$0x3FDB];
	_ =	sdelay $0x1  }
0x99: {  	s4 =	simm.s32 $_scs_section_size  }
0x9a: {  	s5 =	simm.s32 $_size__tile_overlayer_lowered;
	s6 =	simm.s32 $_tile_overlayer_lowered  }
0x9b: {  	s7 =	simm.s32 $0x1BFF;
	s21 =	sshll.u32 s6, $0x1;
	s4 =	sadd.s32 s4, s20  }
0x9c: {  	s22 =	simm.s32 $0x0;
	s5 =	sshll.u32 s5, $0x1;
	s6 =	sadd.s32 s21, s4  }
0x9d: {  	[timem:s22], [sflag:s7] =	dma.local [hbm:s6], s5  }
0x9e: {  	_ =	swait.ge [sflag:s7], s5  }
0x9f: {  	s5 =	ssub.s32 $0x0, s5;
	[sflag:s7] =	ssyncset.done $0x0  }
0xa0: {  	[sflag:s7] =	ssyncadd.s32 s5;
	_ =	sdelay $0x1  }
0xa1: {  	s23 =	simm.s32 $0x1B8B  }
0xa2: {  	_ =	swait.ge [sflag:s23], $0x1  }
0xa3: {  	[sflag:s23] =	ssyncset.done $0x0  }
0xa4: {  	[sflag:s23] =	ssyncadd.s32 $0xFFFFFFFF  }
0xa5: {  	s5 =	sld [smem:$0x0]  }
0xa6: {  	s6 =	sand.u32 $0xFFFFFFFE, s1  }
0xa7: {  	p0 =	sne.s32 s1, s6  }
0xa8: {  	s6 =	sshll.u32 @p0 s6, $0xE  }
0xa9: {  	s6 =	sadd.s32 @p0 $0x11B8D, s6;
	s7 =	sshll.u32 @p0 s5, $0x11  }
0xaa: {  	s6 =	sor.u32 @p0 s7, s6  }
0xab: {  	[sflag:s6] =	ssyncadd.remote.s32 @p0 $0x1;
	_ =	sdelay $0x1  }
0xac: {  	s6 =	simm.s32 @p0 $0x1B8D  }
0xad: {  	_ =	swait.eq @p0 [sflag:s6], $0x1  }
0xae: {  	[sflag:s6] =	ssyncadd.s32 @p0 $0xFFFFFFFF  }
0xaf: {  	s7 =	sshll.u32 @!p0 s1, $0xE  }
0xb0: {  	s7 =	sor.u32 @!p0 $0x4000, s7;
	s6 =	simm.s32 @!p0 $0x1B8D  }
0xb1: {  	s5 =	sshll.u32 @!p0 s5, $0x11;
	s7 =	sadd.s32 @!p0 $0x11B8D, s7;
	_ =	swait.eq @!p0 [sflag:s6], $0x1  }
0xb2: {  	s5 =	sor.u32 @!p0 s5, s7;
	[sflag:s6] =	ssyncadd.s32 @!p0 $0xFFFFFFFF  }
0xb3: {  	s25 =	simm.s32 $0x1B8E;
	s24 =	sld [smem:$0x3FFE];
	[sflag:s5] =	ssyncadd.remote.s32 @!p0 $0x1  }
0xb4: {  	s26 =	simm.s32 $execute0_lowered;
	[smem:$0x3FD2] =	sst s25  }
0xb5: {  	s6 =	sshll.u32 s26, $0x1;
	_ =	strace $0x80000052;
	[dreg:$0x1] =	wrdreg $0xFFFFFFFF  }
0xb6: {  	s28 =	simm.s32 $_size_execute0_lowered;
	s4 =	sadd.s32 s4, s6;
	[dreg:$0x0] =	wrdreg $0x0  }
0xb7: {  	s6 =	sshll.u32 s28, $0x1;
	[dreg:$0x2] =	wrdreg s4  }
0xb8: {  	[dreg:$0x3] =	wrdreg s6  }
0xb9: {  	[dreg:$0x4] =	wrdreg $0xC0  }
0xba: {  	_ =	task [dreg:s22], $0x5FFFF  }
0xbb: {  	[dreg:$0x1] =	wrdreg $0xFFFFFFFF  }
0xbc: {  	[dreg:$0x0] =	wrdreg $0x60  }
0xbd: {  	[dreg:$0x2] =	wrdreg s24  }
0xbe: {  	[dreg:$0x3] =	wrdreg s18  }
0xbf: {  	[dreg:$0x4] =	wrdreg $0x0  }
0xc0: {  	[dreg:$0x5] =	wrdreg $0xD  }
0xc1: {  	_ =	task.clear_ibuf [dreg:s22], $0x6FFFF;
	_ =	strace $0x90000052  }
0xc2: {  	s29 =	simm.s32 $0xD;
	_ =	strace $0x80000054  }
0xc3: {  	_ =	swait.ge [sflag:s29], $0x1  }
0xc4: {  	[sflag:s29] =	ssyncadd.s32 $0xFFFFFFFF  }
0xc5: {  	_ =	strace $0x90000054  }
0xc6: {  	_ =	sfence  }
0xc7: {  	s30 =	sld [smem:$0x0];
	_ =	sdelay $0x2  }
0xc8: {  	s31 =	sshll.u32 s1, $0xD;
	s1 =	sshrl.u32 s1, $0x2  }
0xc9: {  	s4 =	sand.u32 $0x4000, s31;
	s1 =	sadd.s32 s1, s30  }
0xca: {  	s0 =	sor.u32 s4, s0;
	s1 =	sshll.u32 s1, $0x11  }
0xcb: {  	s0 =	sor.u32 s1, s0  }
0xcc: {  	s0 =	sadd.s32 $0x8F2B, s0  }
0xcd: {  	[sflag:s0] =	ssyncadd.remote.s32 $0x1  }
0xce: {  	_ =	sfence.sel $0xFFFF  }
0xcf: {  	[dreg:$0x0] =	wrdreg $0xFFFFFFFF;
	(pc) =	sbr.abs _section_cstart, $3  }
0xd0: {  	[dreg:$0x1] =	wrdreg $0xFFFFFFFF  }
0xd1: {  	_ =	task.clear_ibuf [dreg:s22], $0x2FFFF;
	_ =	strace $0x9FFFFFFF  }
0xd2: {  	(tm) =	ssettm $0x7FFFFFFF  }
0xd3: {  	_ =	shalt  }
tec
execute0_lowered:
.L_overlay_start_1:
0x0: {  	(tag) =	ssettag $0x1  }
0x1: {  	s0 =	rddreg [dreg:$0x0]  }
0x2: {  	s2 =	rddreg [dreg:$0x1]  }
0x3: {  	s1 =	rddreg [dreg:$0x2]  }
0x4: {  	s3 =	srdreg.scid;
	s18 =	stileid.u32  }
0x5: {  	s28 =	simm.s32 $0x4;
	s29 =	simm.s32 $0x1C100;
	s6 =	smul.u32 $0x14000, s18  }
0x6: {  	s30 =	simm.s32 $0x1C180;
	s4 =	sand.u32 $0x1, s3;
	s10 =	smul.u32 $0x50000, s18  }
0x7: {  	s3 =	simm.s32 $0x0;
	s15 =	sadd.s32 $0x52AA00, s0;
	s24 =	smul.u32 $0x7D00, s18  }
0x8: {  	s5 =	smul.u32 $0x140000, s4;
	[smem:$0x7FF] =	sst s3;
	s7 =	sshll.u32 s4, $0x4  }
0x9: {  	s14 =	ssub.s32 $0x2, s4;
	_ =	strace $0x80000053;
	s7 =	sor.u32 s18, s7  }
0xa: {  	s9 =	sshrl.u32 s14, $0x1;
	s19 =	sshrl.u32 s10, $0x2;
	s8 =	smul.u32 $0x7D0, s7  }
0xb: {  	s5 =	sadd.s32 s6, s5;
	s14 =	ssub.s32 s14, s9;
	s17 =	smul.u32 $0x7D00, s7  }
0xc: {  	s21 =	smul.u32 $0x3E800, s7;
	s5 =	sshrl.u32 s5, $0x3;
	s14 =	smax.u32 s14, $0x1  }
0xd: {  	s0 =	sadd.s32 s5, s0;
	s16 =	sshrl.u32 s8, $0x3;
	s5 =	sadd.s32 s19, s1  }
0xe: {  	s6 =	sadd.s32 s15, s17;
	s12 =	sshrl.u32 s21, $0x3;
	s17 =	smul.u32 $0x7D0, s18  }
0xf: {  	s18 =	simm.s32 $0x14000;
	s19 =	simm.s32 $0x14080;
	s21 =	simm.s32 $0x5  }
0x10: {  	s11 =	sadd.s32 s2, s16;
	[dreg:$0x5] =	wrdreg s6;
	s22 =	sadd.s32 $0x4000, s5  }
0x11: {  	s23 =	sadd.s32 $0x8000, s5;
	s9 =	sadd.s32 $0xC000, s5;
	s16 =	smul.u32 $0x7D00, s4  }
0x12: {  	s10 =	sadd.s32 $0x10000, s5;
	s12 =	sadd.s32 s15, s12;
	s4 =	smul.u32 $0x7D000, s4  }
0x13: {  	s13 =	sadd.s32 $0x624A00, s0;
	s20 =	sadd.s32 $0x7D00, s11;
	[dreg:$0x6] =	wrdreg s22  }
0x14: {  	[dreg:$0x7] =	wrdreg s23;
	s11 =	sadd.s32 $0x7DF0, s11;
	s12 =	sadd.s32 $0x7800, s12  }
0x15: {  	s22 =	simm.s32 $0x18080;
	s23 =	simm.s32 $0x1;
	[dreg:$0x4] =	wrdreg s20  }
0x16: {  	s16 =	sadd.s32 s17, s16;
	s4 =	sadd.s32 s4, s15;
	s20 =	simm.s32 $0x18100  }
0x17: {  	s25 =	sadd.s32 $0x3E900, s16;
	s0 =	sadd.s32 s24, s4;
	s17 =	sadd.s32 $0x3E880, s16  }
0x18: {  	s24 =	simm.s32 $0x2;
	s26 =	sshrl.u32 s25, $0x3;
	s15 =	sadd.s32 $0x1000, s0  }
0x19: {  	s31 =	sshrl.u32 s17, $0x3;
	s25 =	simm.s32 $0x80;
	s0 =	simm.s32 $0x0  }
0x1a: {  	v0 =	vimm.f32 $0.0e+00;
	s16 =	sadd.s32 s26, s2;
	s17 =	sadd.s32 s31, s2;
	s26 =	simm.s32 $0x3  }
.LBB2_1:
0x1b: {  	s2 =	rddreg [dreg:$0x4]  }
0x1c: {  	[tilespmem:s18], [sflag:$0x1] =	stream.linear.gather [hbm4b:s2+s3], $0x80, $0x38;
	[tilespmem:$0x1E980] =	vst v63  }
0x1d: {  	s8 =	rddreg [dreg:$0x5];
	s31 =	simm.s32 $0x200;
	s2 =	simm.s32 $0x0  }
0x1e: {  	[tilespmem:s19], [sflag:$0x2] =	stream.linear.gather [hbm4b:s8+s3], $0x4000, $0x38;
	[tilespmem:$0x1E980] =	vst v63  }
.LBB2_2:
0x1f: {  	p0 =	sne.s32 s31, $0xFE00;
	[tilespmem:s2+$0x18170] =	vst v0  }
0x20: {  	[tilespmem:s2+$0x18100] =	vst v0  }
0x21: {  	[tilespmem:s2+$0x18110] =	vst v0  }
.Ltmp0:
0x22: {  	[tilespmem:s2+$0x18120] =	vst v0;
	(pc) =	sbr.rel @p0 .LBB2_2-.Ltmp0, $4  }
0x23: {  	[tilespmem:s2+$0x18130] =	vst v0  }
0x24: {  	[tilespmem:s2+$0x18140] =	vst v0  }
0x25: {  	[tilespmem:s2+$0x18150] =	vst v0  }
0x26: {  	[tilespmem:s2+$0x18160] =	vst v0;
	s2 =	sshra.s32 s31, $0x2;
	s31 =	sadd.s32 $0x200, s31  }
0x27: {  	[tilespmem:s2+$0x18170] =	vst v0  }
0x28: {  	[tilespmem:s2+$0x18100] =	vst v0  }
0x29: {  	[tilespmem:s2+$0x18110] =	vst v0  }
0x2a: {  	[tilespmem:s2+$0x18120] =	vst v0  }
0x2b: {  	[tilespmem:s2+$0x18130] =	vst v0  }
0x2c: {  	[tilespmem:s2+$0x18140] =	vst v0  }
0x2d: {  	[tilespmem:s2+$0x18150] =	vst v0  }
0x2e: {  	[tilespmem:s2+$0x18160] =	vst v0  }
0x2f: {  	[spmem:s5] =	stream.linear.scatter [tilespmem:s20], [sflag:$0x5], $0x4000, $0x38;
	[tilespmem:$0x1E980] =	vst v63  }
0x30: {  	_ =	swait.ge [sflag:s21], $0x4000  }
0x31: {  	[sflag:s21] =	ssyncset.done $0x0  }
0x32: {  	s8 =	rddreg [dreg:$0x6];
	[sflag:s21] =	ssyncadd.s32 $0xFFFFC000  }
0x33: {  	[spmem:s8] =	stream.linear.scatter [tilespmem:s20], [sflag:$0x5], $0x4000, $0x38;
	[tilespmem:$0x1E980] =	vst v63  }
0x34: {  	_ =	swait.ge [sflag:s21], $0x4000  }
0x35: {  	[sflag:s21] =	ssyncset.done $0x0  }
0x36: {  	s4 =	rddreg [dreg:$0x7];
	[sflag:s21] =	ssyncadd.s32 $0xFFFFC000  }
0x37: {  	[spmem:s4] =	stream.linear.scatter [tilespmem:s20], [sflag:$0x5], $0x4000, $0x38;
	[tilespmem:$0x1E980] =	vst v63  }
0x38: {  	_ =	swait.ge [sflag:s21], $0x4000  }
0x39: {  	[sflag:s21] =	ssyncset.done $0x0  }
0x3a: {  	[sflag:s21] =	ssyncadd.s32 $0xFFFFC000  }
0x3b: {  	[spmem:s9] =	stream.linear.scatter [tilespmem:s20], [sflag:$0x5], $0x4000, $0x38;
	[tilespmem:$0x1E980] =	vst v63  }
0x3c: {  	_ =	swait.ge [sflag:s21], $0x4000  }
0x3d: {  	[sflag:s21] =	ssyncset.done $0x0  }
0x3e: {  	[sflag:s21] =	ssyncadd.s32 $0xFFFFC000  }
0x3f: {  	[spmem:s10] =	stream.linear.scatter [tilespmem:s20], [sflag:$0x5], $0x4000, $0x38;
	[tilespmem:$0x1E980] =	vst v63  }
0x40: {  	_ =	swait.ge [sflag:s21], $0x4000  }
0x41: {  	[sflag:s21] =	ssyncset.done $0x0  }
0x42: {  	[sflag:s21] =	ssyncadd.s32 $0xFFFFC000  }
0x43: {  	s6 =	sadd.s32 $0x0, s17;
	[bflag:$0x0] =	sbarrier.arrive $0xFFFF  }
0x44: {  	[tilespmem:s22], [sflag:$0x3] =	stream.linear.gather [hbm4b:s6+s3], $0x80, $0x38;
	[tilespmem:$0x1E980] =	vst v63  }
0x45: {  	s7 =	sadd.s32 $0xFFFFF800, s15  }
0x46: {  	[tilespmem:s20], [sflag:$0x4] =	stream.linear.gather [hbm4b:s7+s3], $0x4000, $0x38;
	[tilespmem:$0x1E980] =	vst v63  }
0x47: {  	_ =	swait.ge [sflag:s23], $0x80  }
0x48: {  	[sflag:s23] =	ssyncset.done $0x0  }
0x49: {  	[sflag:s23] =	ssyncadd.s32 $0xFFFFFF80  }
0x4a: {  	_ =	swait.ge [sflag:s24], $0x4000  }
0x4b: {  	[sflag:s24] =	ssyncset.done $0x0  }
0x4c: {  	[sflag:s24] =	ssyncadd.s32 $0xFFFFC000  }
0x4d: {  	[spmem:s1] =	stream.indirect.scatter.add.f32 [tilespmem:s19], [sflag:$0x5], $0x80, s18, s25, $0xb8;
	[tilespmem:$0x1E980] =	vst v63  }
0x4e: {  	_ =	swait.ge [sflag:s21], $0x4000  }
0x4f: {  	[sflag:s21] =	ssyncset.done $0x0  }
0x50: {  	s8 =	sadd.s32 $0x0, s16;
	[sflag:s21] =	ssyncadd.s32 $0xFFFFC000  }
0x51: {  	[tilespmem:s18], [sflag:$0x1] =	stream.linear.gather [hbm4b:s8+s3], $0x80, $0x38;
	[tilespmem:$0x1E980] =	vst v63  }
0x52: {  	_ = 	snop  }
0x53: {  	[tilespmem:s19], [sflag:$0x2] =	stream.linear.gather [hbm4b:s15+s3], $0x4000, $0x38;
	[tilespmem:$0x1E980] =	vst v63  }
0x54: {  	_ =	swait.ge [sflag:s26], $0x80  }
0x55: {  	[sflag:s26] =	ssyncset.done $0x0  }
0x56: {  	[sflag:s26] =	ssyncadd.s32 $0xFFFFFF80  }
0x57: {  	_ =	swait.ge [sflag:s28], $0x4000  }
0x58: {  	[sflag:s28] =	ssyncset.done $0x0  }
0x59: {  	[sflag:s28] =	ssyncadd.s32 $0xFFFFC000  }
0x5a: {  	[spmem:s1] =	stream.indirect.scatter.add.f32 [tilespmem:s20], [sflag:$0x5], $0x80, s22, s25, $0xb8;
	[tilespmem:$0x1E980] =	vst v63  }
0x5b: {  	s2 =	simm.s32 $0x20;
	_ =	swait.ge [sflag:s21], $0x4000  }
0x5c: {  	s31 =	sadd.s32 $0x1000, s15;
	s4 =	simm.s32 $0x40;
	[sflag:s21] =	ssyncset.done $0x0  }
.LBB2_4:
0x5d: {  	s6 =	sadd.s32 s2, s17  }
0x5e: {  	[sflag:s21] =	ssyncadd.s32 $0xFFFFC000;
	s7 =	smov.u32 s4;
	s8 =	sadd.s32 $0x20, s4  }
0x5f: {  	[tilespmem:s22], [sflag:$0x3] =	stream.linear.gather [hbm4b:s6+s3], $0x80, $0x38;
	[tilespmem:$0x1E980] =	vst v63  }
0x60: {  	p0 =	sne.s32 s4, $0xC0;
	s4 =	sadd.s32 $0xFFFFF800, s31  }
0x61: {  	[tilespmem:s20], [sflag:$0x4] =	stream.linear.gather [hbm4b:s4+s3], $0x4000, $0x38;
	[tilespmem:$0x1E980] =	vst v63  }
0x62: {  	_ =	swait.ge [sflag:s23], $0x80  }
0x63: {  	[sflag:s23] =	ssyncset.done $0x0  }
0x64: {  	[sflag:s23] =	ssyncadd.s32 $0xFFFFFF80  }
0x65: {  	_ =	swait.ge [sflag:s24], $0x4000  }
0x66: {  	[sflag:s24] =	ssyncset.done $0x0  }
0x67: {  	[sflag:s24] =	ssyncadd.s32 $0xFFFFC000  }
0x68: {  	[spmem:s1] =	stream.indirect.scatter.add.f32 [tilespmem:s19], [sflag:$0x5], $0x80, s18, s25, $0xb8;
	[tilespmem:$0x1E980] =	vst v63  }
0x69: {  	_ =	swait.ge [sflag:s21], $0x4000  }
0x6a: {  	[sflag:s21] =	ssyncset.done $0x0  }
0x6b: {  	s4 =	sadd.s32 s2, s16;
	s2 =	smov.u32 s7;
	[sflag:s21] =	ssyncadd.s32 $0xFFFFC000  }
0x6c: {  	[tilespmem:s18], [sflag:$0x1] =	stream.linear.gather [hbm4b:s4+s3], $0x80, $0x38;
	[tilespmem:$0x1E980] =	vst v63  }
0x6d: {  	_ = 	snop  }
0x6e: {  	[tilespmem:s19], [sflag:$0x2] =	stream.linear.gather [hbm4b:s31+s3], $0x4000, $0x38;
	[tilespmem:$0x1E980] =	vst v63  }
0x6f: {  	_ =	swait.ge [sflag:s26], $0x80  }
0x70: {  	[sflag:s26] =	ssyncset.done $0x0  }
0x71: {  	[sflag:s26] =	ssyncadd.s32 $0xFFFFFF80  }
0x72: {  	_ =	swait.ge [sflag:s28], $0x4000  }
.Ltmp1:
0x73: {  	[sflag:s28] =	ssyncset.done $0x0;
	(pc) =	sbr.rel @p0 .LBB2_4-.Ltmp1, $4  }
0x74: {  	[sflag:s28] =	ssyncadd.s32 $0xFFFFC000  }
0x75: {  	[spmem:s1] =	stream.indirect.scatter.add.f32 [tilespmem:s20], [sflag:$0x5], $0x80, s22, s25, $0xb8;
	[tilespmem:$0x1E980] =	vst v63  }
0x76: {  	_ =	swait.ge [sflag:s21], $0x4000  }
0x77: {  	s4 =	smov.u32 s8;
	s31 =	sadd.s32 $0x1000, s31;
	[sflag:s21] =	ssyncset.done $0x0  }
0x78: {  	s4 =	sadd.s32 s2, s17;
	[sflag:s21] =	ssyncadd.s32 $0xFFFFC000  }
0x79: {  	[tilespmem:s22], [sflag:$0x3] =	stream.linear.gather [hbm4b:s4+s3], $0x80, $0x38;
	[tilespmem:$0x1E980] =	vst v63  }
0x7a: {  	s8 =	sadd.s32 $0xFFFFF800, s31  }
0x7b: {  	[tilespmem:s20], [sflag:$0x4] =	stream.linear.gather [hbm4b:s8+s3], $0x4000, $0x38;
	[tilespmem:$0x1E980] =	vst v63  }
0x7c: {  	_ =	swait.ge [sflag:s23], $0x80  }
0x7d: {  	[sflag:s23] =	ssyncset.done $0x0  }
0x7e: {  	[sflag:s23] =	ssyncadd.s32 $0xFFFFFF80  }
0x7f: {  	_ =	swait.ge [sflag:s24], $0x4000  }
0x80: {  	[sflag:s24] =	ssyncset.done $0x0  }
0x81: {  	[sflag:s24] =	ssyncadd.s32 $0xFFFFC000  }
0x82: {  	[spmem:s1] =	stream.indirect.scatter.add.f32 [tilespmem:s19], [sflag:$0x5], $0x80, s18, s25, $0xb8;
	[tilespmem:$0x1E980] =	vst v63  }
0x83: {  	_ =	swait.ge [sflag:s21], $0x4000  }
0x84: {  	[sflag:s21] =	ssyncset.done $0x0  }
0x85: {  	s6 =	sadd.s32 s2, s16;
	[sflag:s21] =	ssyncadd.s32 $0xFFFFC000  }
0x86: {  	[tilespmem:s18], [sflag:$0x1] =	stream.linear.gather [hbm4b:s6+s3], $0x80, $0x38;
	[tilespmem:$0x1E980] =	vst v63  }
0x87: {  	_ = 	snop  }
0x88: {  	[tilespmem:s19], [sflag:$0x2] =	stream.linear.gather [hbm4b:s31+s3], $0x4000, $0x38;
	[tilespmem:$0x1E980] =	vst v63  }
0x89: {  	_ =	swait.ge [sflag:s26], $0x80  }
0x8a: {  	[sflag:s26] =	ssyncset.done $0x0  }
0x8b: {  	[sflag:s26] =	ssyncadd.s32 $0xFFFFFF80  }
0x8c: {  	_ =	swait.ge [sflag:s28], $0x4000  }
0x8d: {  	[sflag:s28] =	ssyncset.done $0x0  }
0x8e: {  	[sflag:s28] =	ssyncadd.s32 $0xFFFFC000  }
0x8f: {  	[spmem:s1] =	stream.indirect.scatter.add.f32 [tilespmem:s20], [sflag:$0x5], $0x80, s22, s25, $0xb8;
	[tilespmem:$0x1E980] =	vst v63  }
0x90: {  	_ =	swait.ge [sflag:s21], $0x4000  }
0x91: {  	[sflag:s21] =	ssyncset.done $0x0  }
0x92: {  	[sflag:s21] =	ssyncadd.s32 $0xFFFFC000  }
0x93: {  	_ =	swait.ge [sflag:s23], $0x80  }
0x94: {  	[sflag:s23] =	ssyncset.done $0x0  }
0x95: {  	[sflag:s23] =	ssyncadd.s32 $0xFFFFFF80  }
0x96: {  	_ =	swait.ge [sflag:s24], $0x4000  }
0x97: {  	[sflag:s24] =	ssyncset.done $0x0  }
0x98: {  	[sflag:s24] =	ssyncadd.s32 $0xFFFFC000  }
0x99: {  	[spmem:s1] =	stream.indirect.scatter.add.f32 [tilespmem:s19], [sflag:$0x5], $0x80, s18, s25, $0xb8;
	[tilespmem:$0x1E980] =	vst v63  }
0x9a: {  	_ =	swait.ge [sflag:s21], $0x4000  }
0x9b: {  	[sflag:s21] =	ssyncset.done $0x0  }
0x9c: {  	[sflag:s21] =	ssyncadd.s32 $0xFFFFC000  }
0x9d: {  	[tilespmem:s29], [sflag:$0x3] =	stream.linear.gather [hbm4b:s11+s3], $0x50, $0x38;
	[tilespmem:$0x1E980] =	vst v63  }
0x9e: {  	_ = 	snop  }
0x9f: {  	[tilespmem:s30], [sflag:$0x4] =	stream.linear.gather [hbm4b:s12+s3], $0x2800, $0x38;
	[tilespmem:$0x1E980] =	vst v63  }
0xa0: {  	_ =	swait.ge [sflag:s26], $0x50  }
0xa1: {  	[sflag:s26] =	ssyncset.done $0x0  }
0xa2: {  	[sflag:s26] =	ssyncadd.s32 $0xFFFFFFB0  }
0xa3: {  	_ =	swait.ge [sflag:s28], $0x2800  }
0xa4: {  	[sflag:s28] =	ssyncset.done $0x0  }
0xa5: {  	s7 =	simm.s32 $0x50;
	[sflag:s28] =	ssyncadd.s32 $0xFFFFD800  }
0xa6: {  	[spmem:s1] =	stream.indirect.scatter.add.f32 [tilespmem:s30], [sflag:$0x5], $0x80, s29, s7, $0xb8;
	[tilespmem:$0x1E980] =	vst v63  }
0xa7: {  	s8 =	stileid.u32;
	_ =	swait.ge [sflag:s21], $0x2800  }
0xa8: {  	s0 =	sadd.s32 $0x1, s0;
	s2 =	sshll.u32 s8, $0x6;
	[sflag:s21] =	ssyncset.done $0x0  }
0xa9: {  	p0 =	sne.s32 s0, s14;
	s2 =	sor.u32 $0x1C05, s2;
	[sflag:s21] =	ssyncadd.s32 $0xFFFFD800  }
.Ltmp2:
0xaa: {  	s31 =	sshrl.u32 s5, $0x3;
	[bflag:$0x0] =	sbarrier.arrive $0xFFFF;
	(pc) =	sbr.rel @p0 .LBB2_1-.Ltmp2, $4  }
0xab: {  	[hbm:s13], [sflag:s2] =	dma.local [spmem:s31], $0x2800  }
0xac: {  	_ =	swait.ge [sflag:s21], $0x2800  }
0xad: {  	[sflag:s21] =	ssyncset.done $0x0  }
0xae: {  	[sflag:s21] =	ssyncadd.s32 $0xFFFFD800  }
0xaf: {  	_ =	sfence.sel $0x180000  }
0xb0: {  	[bflag:$0x0] =	sbarrier.arrive $0xFFFF  }
0xb1: {  	_ =	strace $0x90000053  }
0xb2: {  	s0 =	stileid.u32;
	[bflag:$0x2] =	sbarrier.arrive $0xFFFF  }
0xb3: {  	p0 =	sne.s32 s0, $0x0;
	s0 =	rddreg [dreg:$0x3]  }
0xb4: {  	s0 =	sadd.s32 @!p0 $0x100000, s0  }
0xb5: {  	[sflag:s0] =	ssyncadd.tile.s32 @!p0 $0x1;
	_ =	shalt  }
.Lfunc_end2:
_tile_overlayer_lowered:
.L_overlay_start_2:
0xb6: {  	(tag) =	ssettag $0x2  }
0xb7: {  	s0 =	rddreg [dreg:$0x0];
	s2 =	stileid.u32  }
0xb8: {  	s1 =	rddreg [dreg:$0x1];
	p0 =	sne.s32 s2, $0x0  }
0xb9: {  	s3 =	rddreg [dreg:$0x2];
	[bflag:$0x3] =	sbarrier.arrive $0xFFFF;
	s2 =	simm.s32 @!p0 $0x1C05  }
0xba: {  	[timem:s3], [sflag:s2] =	dma.local @!p0 [hbm:s0], s1  }
0xbb: {  	s0 =	simm.s32 @!p0 $0x5  }
0xbc: {  	_ =	swait.ge @!p0 [sflag:s0], s1  }
0xbd: {  	s1 =	ssub.s32 @!p0 $0x0, s1;
	[sflag:s0] =	ssyncset.done @!p0 $0x0  }
0xbe: {  	[sflag:s0] =	ssyncadd.s32 @!p0 s1  }
0xbf: {  	[bflag:$0x3] =	sbarrier.arrive $0xFFFF  }
0xc0: {  	_ =	shalt  }

</sc_bundles>
